<compile_context>
chip_gen: v7x
topology: tpu7x:2x2x1
jax: 0.10.2.dev20260603
libtpu: 0.0.44.dev20260713+nightly
codegen_flags: <defaults>
</compile_context>

<pallas_src>
import functools

import jax
import jax.numpy as jnp
from jax import lax
from jax.experimental import pallas as pl
from jax.experimental.pallas import tpu as pltpu
from jax.experimental.pallas import tpu_sc as plsc

NC = 2
NS = 16
NW = NC * NS
CB = 128
CBS = 64
DEGW = 128
GSEG = 64


def _sc_degree(dstflat, zero_deg, acc_n, cpw):
    rows_per_tile = acc_n // NS
    mesh = plsc.VectorSubcoreMesh(core_axis_name="c", subcore_axis_name="s")

    def body(dst_hbm, ones_hbm, zero_hbm, out_hbm,
             dst0, dst1, ones_v, acc_sh, semd0, semd1):
        c = lax.axis_index("c")
        s = lax.axis_index("s")
        w = s * NC + c
        r0 = s * rows_per_tile
        base0 = w * cpw * CB
        pltpu.sync_copy(zero_hbm.at[pl.ds(r0, rows_per_tile)],
                        acc_sh.at[pl.ds(r0, rows_per_tile)])
        pltpu.sync_copy(ones_hbm, ones_v)
        pltpu.async_copy(dst_hbm.at[pl.ds(base0, CB)], dst0, semd0)
        pltpu.async_copy(dst_hbm.at[pl.ds(base0 + CB, CB)], dst1, semd1)
        plsc.subcore_barrier()

        def half(i, dst_a, semd_a):
            pltpu.make_async_copy(dst_hbm.at[pl.ds(0, CB)], dst_a, semd_a).wait()
            pltpu.sync_copy(ones_v, acc_sh.at[dst_a], add=True)
            idd = jnp.minimum(i + 2, cpw - 1)
            pltpu.async_copy(dst_hbm.at[pl.ds(base0 + idd * CB, CB)],
                             dst_a, semd_a)

        def step(t, carry):
            half(2 * t, dst0, semd0)
            half(2 * t + 1, dst1, semd1)
            return carry

        lax.fori_loop(0, cpw // 2, step, 0)
        pltpu.make_async_copy(dst_hbm.at[pl.ds(0, CB)], dst0, semd0).wait()
        pltpu.make_async_copy(dst_hbm.at[pl.ds(0, CB)], dst1, semd1).wait()
        plsc.subcore_barrier()
        pltpu.sync_copy(acc_sh.at[pl.ds(r0, rows_per_tile)],
                        out_hbm.at[c, pl.ds(r0, rows_per_tile)])

    ones = jnp.ones((CB, DEGW), jnp.float32)
    call = pl.kernel(
        body,
        out_type=jax.ShapeDtypeStruct((NC, acc_n, DEGW), jnp.float32),
        mesh=mesh,
        scratch_types=[
            pltpu.VMEM((CB,), jnp.int32),
            pltpu.VMEM((CB,), jnp.int32),
            pltpu.VMEM((CB, DEGW), jnp.float32),
            pltpu.VMEM_SHARED((acc_n, DEGW), jnp.float32),
            pltpu.SemaphoreType.DMA,
            pltpu.SemaphoreType.DMA,
        ],
    )
    return call(dstflat, ones, zero_deg)


def _sc_scatter(ms, src3, dst3, zero, acc_n, cpw, h):
    rows_per_tile = acc_n // NS
    mesh = plsc.VectorSubcoreMesh(core_axis_name="c", subcore_axis_name="s")

    def body(ms_hbm, src_hbm, dst_hbm, zero_hbm, out_hbm,
             src_v, dst0, dst1, dst2, rows0, rows1, rows2,
             acc_sh, sem_i, semd0, semd1, semd2, sem0, sem1, sem2):
        c = lax.axis_index("c")
        s = lax.axis_index("s")
        w = s * NC + c
        r0 = s * rows_per_tile
        base0 = w * cpw * CBS
        pltpu.sync_copy(zero_hbm.at[pl.ds(r0, rows_per_tile)],
                        acc_sh.at[pl.ds(r0, rows_per_tile)])
        pltpu.async_copy(src_hbm.at[w], src_v, sem_i)
        pltpu.async_copy(dst_hbm.at[pl.ds(base0, CBS)], dst0, semd0)
        pltpu.async_copy(dst_hbm.at[pl.ds(base0 + CBS, CBS)], dst1, semd1)
        pltpu.async_copy(dst_hbm.at[pl.ds(base0 + 2 * CBS, CBS)], dst2, semd2)
        pltpu.make_async_copy(src_hbm.at[0], src_v, sem_i).wait()
        pltpu.async_copy(ms_hbm.at[src_v.at[0]], rows0, sem0)
        pltpu.async_copy(ms_hbm.at[src_v.at[1]], rows1, sem1)
        pltpu.async_copy(ms_hbm.at[src_v.at[2]], rows2, sem2)
        plsc.subcore_barrier()

        def third(i, rows_a, sem_a, dst_a, semd_a):
            pltpu.make_async_copy(ms_hbm.at[pl.ds(0, CBS)], rows_a, sem_a).wait()
            pltpu.make_async_copy(dst_hbm.at[pl.ds(0, CBS)], dst_a, semd_a).wait()
            pltpu.sync_copy(rows_a, acc_sh.at[dst_a], add=True)
            inx = jnp.minimum(i + 3, cpw - 1)
            pltpu.async_copy(ms_hbm.at[src_v.at[inx]], rows_a, sem_a)
            pltpu.async_copy(dst_hbm.at[pl.ds(base0 + inx * CBS, CBS)],
                             dst_a, semd_a)

        def step(t, carry):
            i0 = 3 * t
            third(i0, rows0, sem0, dst0, semd0)
            third(i0 + 1, rows1, sem1, dst1, semd1)
            third(i0 + 2, rows2, sem2, dst2, semd2)
            return carry

        lax.fori_loop(0, cpw // 3, step, 0)
        pltpu.make_async_copy(ms_hbm.at[pl.ds(0, CBS)], rows0, sem0).wait()
        pltpu.make_async_copy(ms_hbm.at[pl.ds(0, CBS)], rows1, sem1).wait()
        pltpu.make_async_copy(ms_hbm.at[pl.ds(0, CBS)], rows2, sem2).wait()
        pltpu.make_async_copy(dst_hbm.at[pl.ds(0, CBS)], dst0, semd0).wait()
        pltpu.make_async_copy(dst_hbm.at[pl.ds(0, CBS)], dst1, semd1).wait()
        pltpu.make_async_copy(dst_hbm.at[pl.ds(0, CBS)], dst2, semd2).wait()
        plsc.subcore_barrier()
        pltpu.sync_copy(acc_sh.at[pl.ds(r0, rows_per_tile)],
                        out_hbm.at[c, pl.ds(r0, rows_per_tile)])

    call = pl.kernel(
        body,
        out_type=jax.ShapeDtypeStruct((NC, acc_n, h), jnp.float32),
        mesh=mesh,
        scratch_types=[
            pltpu.VMEM((cpw, CBS), jnp.int32),
            pltpu.VMEM((CBS,), jnp.int32),
            pltpu.VMEM((CBS,), jnp.int32),
            pltpu.VMEM((CBS,), jnp.int32),
            pltpu.VMEM((CBS, h), jnp.float32),
            pltpu.VMEM((CBS, h), jnp.float32),
            pltpu.VMEM((CBS, h), jnp.float32),
            pltpu.VMEM_SHARED((acc_n, h), jnp.float32),
            pltpu.SemaphoreType.DMA,
            pltpu.SemaphoreType.DMA,
            pltpu.SemaphoreType.DMA,
            pltpu.SemaphoreType.DMA,
            pltpu.SemaphoreType.DMA,
            pltpu.SemaphoreType.DMA,
            pltpu.SemaphoreType.DMA,
        ],
    )
    return call(ms, src3, dst3, zero)


def _tc_init(degp, x, w0, n):

    def body(degp_ref, x_ref, w0_ref, dinv_ref, ms_ref):
        deg = degp_ref[0] + degp_ref[1]
        dinv = lax.rsqrt(deg[:n, 0:1] + 1.0)
        dinv_ref[...] = dinv
        ms_ref[...] = jnp.dot(x_ref[...] * dinv, w0_ref[...],
                              preferred_element_type=jnp.float32)

    h = x.shape[1]
    return pl.pallas_call(
        body,
        out_shape=(jax.ShapeDtypeStruct((n, 1), jnp.float32),
                   jax.ShapeDtypeStruct((n, h), jnp.float32)),
    )(degp, x, w0)


def _layer_post(p_ref, ms_ref, h_ref, dinv_ref, bc_ref, g_ref, b_ref, n):
    ms = ms_ref[...]
    dinv = dinv_ref[...]
    agg = (p_ref[0, :n] + p_ref[1, :n] + ms) * dinv + bc_ref[...]
    a = jnp.maximum(agg, 0.0)
    mu = jnp.mean(a, axis=0, keepdims=True)
    var = jnp.mean((a - mu) ** 2, axis=0, keepdims=True)
    an = (a - mu) * (g_ref[...] * lax.rsqrt(var + 1e-5)) + b_ref[...]
    return an + h_ref[...]


def _tc_layer(p, ms, hprev, dinv, bci, gi, bi, wnext, n):

    def body(p_ref, ms_ref, h_ref, dinv_ref, bc_ref, g_ref, b_ref, wn_ref,
             hout_ref, msout_ref):
        hn = _layer_post(p_ref, ms_ref, h_ref, dinv_ref, bc_ref, g_ref, b_ref, n)
        hout_ref[...] = hn
        msout_ref[...] = jnp.dot(hn * dinv_ref[...], wn_ref[...],
                                 preferred_element_type=jnp.float32)

    h = ms.shape[1]
    return pl.pallas_call(
        body,
        out_shape=(jax.ShapeDtypeStruct((n, h), jnp.float32),
                   jax.ShapeDtypeStruct((n, h), jnp.float32)),
    )(p, ms, hprev, dinv, bci, gi, bi, wnext)


def _tc_final(p, ms, hprev, dinv, bci, gi, bi, batch_row, w1p, b1p, w2p, b2p, n):

    def body(p_ref, ms_ref, h_ref, dinv_ref, bc_ref, g_ref, b_ref,
             batch_ref, w1_ref, b1_ref, w2_ref, b2_ref, out_ref):
        hn = _layer_post(p_ref, ms_ref, h_ref, dinv_ref, bc_ref, g_ref, b_ref, n)
        seg = lax.broadcasted_iota(jnp.int32, (GSEG, n), 0)
        m = (batch_ref[...] == seg).astype(jnp.float32)
        sums = jnp.dot(m, hn, preferred_element_type=jnp.float32)
        cnt = jnp.sum(m, axis=1, keepdims=True)
        pooled = sums / jnp.maximum(cnt, 1.0)
        z = jnp.maximum(
            jnp.dot(pooled, w1_ref[...], preferred_element_type=jnp.float32)
            + b1_ref[...], 0.0)
        out_ref[...] = jnp.dot(z, w2_ref[...],
                               preferred_element_type=jnp.float32) + b2_ref[...]

    return pl.pallas_call(
        body,
        out_shape=jax.ShapeDtypeStruct((GSEG, 128), jnp.float32),
    )(p, ms, hprev, dinv, bci, gi, bi, batch_row, w1p, b1p, w2p, b2p)


def kernel(x, edge_index, batch, Wc, bc, gamma, beta, W1, b1, W2, b2):
    n, h = x.shape
    e = edge_index.shape[1]
    nlayers = Wc.shape[0]
    hh = W1.shape[1]
    nout = W2.shape[1]

    acc_n = -(-(n + 1) // 128) * 128
    cpwd = -(-e // (NW * CB))
    cpwd += cpwd % 2
    padd = NW * CB * cpwd - e
    dstflat = jnp.concatenate([edge_index[1], jnp.full((padd,), n, jnp.int32)])
    cpw = -(-e // (NW * CBS))
    cpw += (-cpw) % 3
    pad = NW * CBS * cpw - e
    src3 = jnp.concatenate([edge_index[0], jnp.zeros((pad,), jnp.int32)]
                           ).reshape(NW, cpw, CBS)
    dst3 = jnp.concatenate([edge_index[1], jnp.full((pad,), n, jnp.int32)])
    zero_acc = jnp.zeros((acc_n, h), jnp.float32)
    zero_deg = jnp.zeros((acc_n, DEGW), jnp.float32)

    w1p = jnp.zeros((h, 128), jnp.float32).at[:, :hh].set(W1)
    b1p = jnp.zeros((1, 128), jnp.float32).at[0, :hh].set(b1)
    w2p = jnp.zeros((128, 128), jnp.float32).at[:hh, :nout].set(W2)
    b2p = jnp.zeros((1, 128), jnp.float32).at[0, :nout].set(b2)
    batch_row = batch.reshape(1, n)

    degp = _sc_degree(dstflat, zero_deg, acc_n, cpwd)
    dinv, ms = _tc_init(degp, x, Wc[0], n)

    hcur = x
    for i in range(nlayers - 1):
        p = _sc_scatter(ms, src3, dst3, zero_acc, acc_n, cpw, h)
        hcur, ms = _tc_layer(p, ms, hcur, dinv, bc[i].reshape(1, h),
                             gamma[i].reshape(1, h), beta[i].reshape(1, h),
                             Wc[i + 1], n)

    p = _sc_scatter(ms, src3, dst3, zero_acc, acc_n, cpw, h)
    out_full = _tc_final(p, ms, hcur, dinv, bc[-1].reshape(1, h),
                         gamma[-1].reshape(1, h), beta[-1].reshape(1, h),
                         batch_row, w1p, b1p, w2p, b2p, n)
    return out_full[:, :nout]

# --- scband reference (transcript-rebuilt; emitter-appended) ---
"""Pipeline reference for scband-simple-gcn-90013924589925 (READ-ONLY COPY).

The authoritative reference and input builder live on the scoring server;
editing this copy changes nothing except your own understanding.
"""

import jax, jax.numpy as jnp
import numpy as np

N = 10000
E = 320000
H = 128
L = 7
G = 64
OUT = 6


def setup_inputs(seed: int = 0) -> dict:
    key = jax.random.key(seed)
    ks = jax.random.split(key, 8)
    x = jax.random.normal(ks[0], (N, H), dtype=jnp.float32)
    edge_index = jax.random.randint(ks[1], (2, E), 0, N, dtype=jnp.int32)
    batch = jnp.sort(jax.random.randint(ks[2], (N,), 0, G, dtype=jnp.int32))
    Wc = jax.random.normal(ks[3], (L, H, H), dtype=jnp.float32) * 0.05
    bc = jnp.zeros((L, H), dtype=jnp.float32)
    gamma = jnp.ones((L, H), dtype=jnp.float32)
    beta = jnp.zeros((L, H), dtype=jnp.float32)
    W1 = jax.random.normal(ks[4], (H, H // 2), dtype=jnp.float32) * 0.05
    b1 = jnp.zeros((H // 2,), dtype=jnp.float32)
    W2 = jax.random.normal(ks[5], (H // 2, OUT), dtype=jnp.float32) * 0.05
    b2 = jnp.zeros((OUT,), dtype=jnp.float32)
    return {"x": x, "edge_index": edge_index, "batch": batch, "Wc": Wc, "bc": bc,
            "gamma": gamma, "beta": beta, "W1": W1, "b1": b1, "W2": W2, "b2": b2}


def reference(x, edge_index, batch, Wc, bc, gamma, beta, W1, b1, W2, b2):
    # GCN normalization with self-loops: D^{-1/2}(A+I)D^{-1/2}
    loop = jnp.arange(N, dtype=edge_index.dtype)
    src = jnp.concatenate([edge_index[0], loop])
    dst = jnp.concatenate([edge_index[1], loop])
    deg = jnp.zeros((N,), jnp.float32).at[dst].add(1.0)
    dinv = jax.lax.rsqrt(deg)
    norm = dinv[src] * dinv[dst]

    h = x  # input_proj is Identity since input_dim == hidden_dim
    for i in range(L):
        res = h
        m = h @ Wc[i]
        agg = jnp.zeros((N, H), jnp.float32).at[dst].add(m[src] * norm[:, None]) + bc[i]
        a = jax.nn.relu(agg)
        mu = a.mean(axis=0)
        var = a.var(axis=0)
        a = (a - mu) / jnp.sqrt(var + 1e-5) * gamma[i] + beta[i]
        h = a + res  # dropout is identity in eval

    # global_mean_pool over graph assignment
    sums = jax.ops.segment_sum(h, batch, num_segments=G)
    cnt = jax.ops.segment_sum(jnp.ones((N, 1), jnp.float32), batch, num_segments=G)
    pooled = sums / jnp.maximum(cnt, 1.0)

    z = jax.nn.relu(pooled @ W1 + b1)
    out = z @ W2 + b2
    return out

if __name__ == "__main__":
    import jax
    _d = setup_inputs()
    print(jax.jit(kernel)(*tuple(_d.values())))

</pallas_src>

<mosaic_0001>
#map = affine_map<(d0, d1) -> (0)>
#map1 = affine_map<(d0, d1) -> (0, 0)>
#map2 = affine_map<(d0, d1) -> (0, 0, 0)>
module attributes {stable_mosaic.version = 14 : i64} {
  func.func @body(%arg0: i32, %arg1: i32, %arg2: memref<327680xi32, #tpu.memory_space<hbm>>, %arg3: memref<128x128xf32, #tpu.memory_space<hbm>>, %arg4: memref<10112x128xf32, #tpu.memory_space<hbm>>, %arg5: memref<2x10112x128xf32, #tpu.memory_space<hbm>>, %arg6: memref<128xi32, #tpu.memory_space<vmem>>, %arg7: memref<128xi32, #tpu.memory_space<vmem>>, %arg8: memref<128x128xf32, #tpu.memory_space<vmem>>, %arg9: memref<10112x128xf32, #tpu.memory_space<vmem_shared>>, %arg10: memref<!tpu.dma_semaphore, #tpu.memory_space<semaphore_mem>>, %arg11: memref<!tpu.dma_semaphore, #tpu.memory_space<semaphore_mem>>) attributes {dimension_semantics = [#tpu.dimension_semantics<core_parallel>, #tpu.dimension_semantics<subcore_parallel>], iteration_bounds = array<i64: 2, 16>, scalar_prefetch = 0 : i64, scratch_operands = 6 : i64, tpu.core_type = #tpu.core_type<sc_vector_subcore>, window_params = [{transform_indices = #map}, {transform_indices = #map1}, {transform_indices = #map1}, {transform_indices = #map2}]} {
    %mul3A = arith.constant 2 : i32
    %mul3A_0 = arith.muli %arg1, %mul3A : i32
    %add3A = arith.addi %mul3A_0, %arg0 : i32
    %mul3A_1 = arith.constant 632 : i32
    %mul3A_2 = arith.muli %arg1, %mul3A_1 : i32
    %mul3A_3 = arith.constant 80 : i32
    %mul3A_4 = arith.muli %add3A, %mul3A_3 : i32
    %mul3A_5 = arith.constant 128 : i32
    %mul3A_6 = arith.muli %mul3A_4, %mul3A_5 : i32
    "tpu.region"() ({
      %run_scoped3A = tpu.sem_alloc : memref<!tpu.dma_semaphore, #tpu.memory_space<semaphore_mem>>
      %dma_start3A_25 = arith.constant 0 : i32
      %dma_start3A_26 = tpu.memref_slice %arg9[%mul3A_2, %dma_start3A_25] : memref<10112x128xf32, #tpu.memory_space<vmem_shared>> -> memref<632x128xf32, #tpu.memory_space<vmem_shared>>
      %dma_start3A_27 = arith.constant 0 : i32
      %dma_start3A_28 = tpu.memref_slice %arg4[%mul3A_2, %dma_start3A_27] : memref<10112x128xf32, #tpu.memory_space<hbm>> -> memref<632x128xf32, #tpu.memory_space<hbm>>
      tpu.enqueue_dma source(%dma_start3A_28 : memref<632x128xf32, #tpu.memory_space<hbm>>) target(%dma_start3A_26 : memref<632x128xf32, #tpu.memory_space<vmem_shared>>) target_semaphore(%run_scoped3A : memref<!tpu.dma_semaphore, #tpu.memory_space<semaphore_mem>>)
      %dma_wait3A_29 = arith.constant 0 : i32
      %dma_wait3A_30 = tpu.memref_slice %arg9[%mul3A_2, %dma_wait3A_29] : memref<10112x128xf32, #tpu.memory_space<vmem_shared>> -> memref<632x128xf32, #tpu.memory_space<vmem_shared>>
      %dma_wait3A_31 = arith.constant 0 : i32
      %dma_wait3A_32 = tpu.memref_slice %arg4[%mul3A_2, %dma_wait3A_31] : memref<10112x128xf32, #tpu.memory_space<hbm>> -> memref<632x128xf32, #tpu.memory_space<hbm>>
      tpu.wait_dma2 semaphore(%run_scoped3A : memref<!tpu.dma_semaphore, #tpu.memory_space<semaphore_mem>>) src(%dma_wait3A_32 : memref<632x128xf32, #tpu.memory_space<hbm>>) dst(%dma_wait3A_30 : memref<632x128xf32, #tpu.memory_space<vmem_shared>>)
      tpu.yield
    }) : () -> ()
    "tpu.region"() ({
      %run_scoped3A = tpu.sem_alloc : memref<!tpu.dma_semaphore, #tpu.memory_space<semaphore_mem>>
      tpu.enqueue_dma source(%arg3 : memref<128x128xf32, #tpu.memory_space<hbm>>) target(%arg8 : memref<128x128xf32, #tpu.memory_space<vmem>>) target_semaphore(%run_scoped3A : memref<!tpu.dma_semaphore, #tpu.memory_space<semaphore_mem>>)
      tpu.wait_dma2 semaphore(%run_scoped3A : memref<!tpu.dma_semaphore, #tpu.memory_space<semaphore_mem>>) src(%arg3 : memref<128x128xf32, #tpu.memory_space<hbm>>) dst(%arg8 : memref<128x128xf32, #tpu.memory_space<vmem>>)
      tpu.yield
    }) : () -> ()
    %dma_start3A = tpu.memref_slice %arg2[%mul3A_6] : memref<327680xi32, #tpu.memory_space<hbm>> -> memref<128xi32, #tpu.memory_space<hbm>>
    %dma_start3A_7 = tpu.memref_slice %arg2[%mul3A_6] : memref<327680xi32, #tpu.memory_space<hbm>> -> memref<128xi32, #tpu.memory_space<hbm>>
    tpu.enqueue_dma source(%dma_start3A_7 : memref<128xi32, #tpu.memory_space<hbm>>) target(%arg6 : memref<128xi32, #tpu.memory_space<vmem>>) target_semaphore(%arg10 : memref<!tpu.dma_semaphore, #tpu.memory_space<semaphore_mem>>)
    %add3A_8 = arith.constant 128 : i32
    %add3A_9 = arith.addi %mul3A_6, %add3A_8 : i32
    %dma_start3A_10 = tpu.memref_slice %arg2[%add3A_9] : memref<327680xi32, #tpu.memory_space<hbm>> -> memref<128xi32, #tpu.memory_space<hbm>>
    %dma_start3A_11 = tpu.memref_slice %arg2[%add3A_9] : memref<327680xi32, #tpu.memory_space<hbm>> -> memref<128xi32, #tpu.memory_space<hbm>>
    tpu.enqueue_dma source(%dma_start3A_11 : memref<128xi32, #tpu.memory_space<hbm>>) target(%arg7 : memref<128xi32, #tpu.memory_space<vmem>>) target_semaphore(%arg11 : memref<!tpu.dma_semaphore, #tpu.memory_space<semaphore_mem>>)
    %barrier3A = arith.constant 0 : index
    tpu.barrier barrier_id(%barrier3A)
    %scan3A = arith.constant 0 : i32
    %scan3A_12 = arith.constant 0 : i32
    %scan3A_13 = arith.constant 40 : i32
    %scan3A_14 = arith.addi %scan3A_12, %scan3A_13 : i32
    %scan3A_15 = arith.constant 1 : i32
    scf.for %scan3A_25 = %scan3A_12 to %scan3A_14 step %scan3A_15  : i32 {
      %mul3A_26 = arith.constant 2 : i32
      %mul3A_27 = arith.muli %mul3A_26, %scan3A_25 : i32
      %dma_wait3A_28 = arith.constant 0 : i32
      %dma_wait3A_29 = tpu.memref_slice %arg2[%dma_wait3A_28] : memref<327680xi32, #tpu.memory_space<hbm>> -> memref<128xi32, #tpu.memory_space<hbm>>
      %dma_wait3A_30 = arith.constant 0 : i32
      %dma_wait3A_31 = tpu.memref_slice %arg2[%dma_wait3A_30] : memref<327680xi32, #tpu.memory_space<hbm>> -> memref<128xi32, #tpu.memory_space<hbm>>
      tpu.wait_dma2 semaphore(%arg10 : memref<!tpu.dma_semaphore, #tpu.memory_space<semaphore_mem>>) src(%dma_wait3A_31 : memref<128xi32, #tpu.memory_space<hbm>>) dst(%arg6 : memref<128xi32, #tpu.memory_space<vmem>>)
      "tpu.region"() ({
        %run_scoped3A = tpu.sem_alloc : memref<!tpu.dma_semaphore, #tpu.memory_space<semaphore_mem>>
        %dma_start3A_57 = arith.constant 0 : i32
        %dma_start3A_58 = arith.constant 0 : i32
        %dma_start3A_59 = tpu.memref_slice %arg9[%dma_start3A_57, %dma_start3A_58] : memref<10112x128xf32, #tpu.memory_space<vmem_shared>> -> memref<10112x128xf32, #tpu.memory_space<vmem_shared>>
        tpu.enqueue_indirect_dma source(%arg8 : memref<128x128xf32, #tpu.memory_space<vmem>>) target(%dma_start3A_59 : memref<10112x128xf32, #tpu.memory_space<vmem_shared>>) offsets(%arg6 : memref<128xi32, #tpu.memory_space<vmem>>) semaphore(%run_scoped3A : memref<!tpu.dma_semaphore, #tpu.memory_space<semaphore_mem>>) {add = true}
        %dma_wait3A_60 = arith.constant 0 : i32
        %dma_wait3A_61 = arith.constant 0 : i32
        %dma_wait3A_62 = tpu.memref_slice %arg9[%dma_wait3A_60, %dma_wait3A_61] : memref<10112x128xf32, #tpu.memory_space<vmem_shared>> -> memref<10112x128xf32, #tpu.memory_space<vmem_shared>>
        tpu.wait_indirect_dma semaphore(%run_scoped3A : memref<!tpu.dma_semaphore, #tpu.memory_space<semaphore_mem>>) src(%arg8 : memref<128x128xf32, #tpu.memory_space<vmem>>) dst(%dma_wait3A_62 : memref<10112x128xf32, #tpu.memory_space<vmem_shared>>)
        tpu.yield
      }) : () -> ()
      %add3A_32 = arith.constant 2 : i32
      %add3A_33 = arith.addi %mul3A_27, %add3A_32 : i32
      %min3A = arith.constant 79 : i32
      %min3A_34 = arith.minsi %add3A_33, %min3A : i32
      %mul3A_35 = arith.constant 128 : i32
      %mul3A_36 = arith.muli %min3A_34, %mul3A_35 : i32
      %add3A_37 = arith.addi %mul3A_6, %mul3A_36 : i32
      %dma_start3A_38 = tpu.memref_slice %arg2[%add3A_37] : memref<327680xi32, #tpu.memory_space<hbm>> -> memref<128xi32, #tpu.memory_space<hbm>>
      %dma_start3A_39 = tpu.memref_slice %arg2[%add3A_37] : memref<327680xi32, #tpu.memory_space<hbm>> -> memref<128xi32, #tpu.memory_space<hbm>>
      tpu.enqueue_dma source(%dma_start3A_39 : memref<128xi32, #tpu.memory_space<hbm>>) target(%arg6 : memref<128xi32, #tpu.memory_space<vmem>>) target_semaphore(%arg10 : memref<!tpu.dma_semaphore, #tpu.memory_space<semaphore_mem>>)
      %mul3A_40 = arith.constant 2 : i32
      %mul3A_41 = arith.muli %mul3A_40, %scan3A_25 : i32
      %add3A_42 = arith.constant 1 : i32
      %add3A_43 = arith.addi %mul3A_41, %add3A_42 : i32
      %dma_wait3A_44 = arith.constant 0 : i32
      %dma_wait3A_45 = tpu.memref_slice %arg2[%dma_wait3A_44] : memref<327680xi32, #tpu.memory_space<hbm>> -> memref<128xi32, #tpu.memory_space<hbm>>
      %dma_wait3A_46 = arith.constant 0 : i32
      %dma_wait3A_47 = tpu.memref_slice %arg2[%dma_wait3A_46] : memref<327680xi32, #tpu.memory_space<hbm>> -> memref<128xi32, #tpu.memory_space<hbm>>
      tpu.wait_dma2 semaphore(%arg11 : memref<!tpu.dma_semaphore, #tpu.memory_space<semaphore_mem>>) src(%dma_wait3A_47 : memref<128xi32, #tpu.memory_space<hbm>>) dst(%arg7 : memref<128xi32, #tpu.memory_space<vmem>>)
      "tpu.region"() ({
        %run_scoped3A = tpu.sem_alloc : memref<!tpu.dma_semaphore, #tpu.memory_space<semaphore_mem>>
        %dma_start3A_57 = arith.constant 0 : i32
        %dma_start3A_58 = arith.constant 0 : i32
        %dma_start3A_59 = tpu.memref_slice %arg9[%dma_start3A_57, %dma_start3A_58] : memref<10112x128xf32, #tpu.memory_space<vmem_shared>> -> memref<10112x128xf32, #tpu.memory_space<vmem_shared>>
        tpu.enqueue_indirect_dma source(%arg8 : memref<128x128xf32, #tpu.memory_space<vmem>>) target(%dma_start3A_59 : memref<10112x128xf32, #tpu.memory_space<vmem_shared>>) offsets(%arg7 : memref<128xi32, #tpu.memory_space<vmem>>) semaphore(%run_scoped3A : memref<!tpu.dma_semaphore, #tpu.memory_space<semaphore_mem>>) {add = true}
        %dma_wait3A_60 = arith.constant 0 : i32
        %dma_wait3A_61 = arith.constant 0 : i32
        %dma_wait3A_62 = tpu.memref_slice %arg9[%dma_wait3A_60, %dma_wait3A_61] : memref<10112x128xf32, #tpu.memory_space<vmem_shared>> -> memref<10112x128xf32, #tpu.memory_space<vmem_shared>>
        tpu.wait_indirect_dma semaphore(%run_scoped3A : memref<!tpu.dma_semaphore, #tpu.memory_space<semaphore_mem>>) src(%arg8 : memref<128x128xf32, #tpu.memory_space<vmem>>) dst(%dma_wait3A_62 : memref<10112x128xf32, #tpu.memory_space<vmem_shared>>)
        tpu.yield
      }) : () -> ()
      %add3A_48 = arith.constant 2 : i32
      %add3A_49 = arith.addi %add3A_43, %add3A_48 : i32
      %min3A_50 = arith.constant 79 : i32
      %min3A_51 = arith.minsi %add3A_49, %min3A_50 : i32
      %mul3A_52 = arith.constant 128 : i32
      %mul3A_53 = arith.muli %min3A_51, %mul3A_52 : i32
      %add3A_54 = arith.addi %mul3A_6, %mul3A_53 : i32
      %dma_start3A_55 = tpu.memref_slice %arg2[%add3A_54] : memref<327680xi32, #tpu.memory_space<hbm>> -> memref<128xi32, #tpu.memory_space<hbm>>
      %dma_start3A_56 = tpu.memref_slice %arg2[%add3A_54] : memref<327680xi32, #tpu.memory_space<hbm>> -> memref<128xi32, #tpu.memory_space<hbm>>
      tpu.enqueue_dma source(%dma_start3A_56 : memref<128xi32, #tpu.memory_space<hbm>>) target(%arg7 : memref<128xi32, #tpu.memory_space<vmem>>) target_semaphore(%arg11 : memref<!tpu.dma_semaphore, #tpu.memory_space<semaphore_mem>>)
    }
    %scan3A_16 = arith.constant 40 : i32
    %dma_wait3A = arith.constant 0 : i32
    %dma_wait3A_17 = tpu.memref_slice %arg2[%dma_wait3A] : memref<327680xi32, #tpu.memory_space<hbm>> -> memref<128xi32, #tpu.memory_space<hbm>>
    %dma_wait3A_18 = arith.constant 0 : i32
    %dma_wait3A_19 = tpu.memref_slice %arg2[%dma_wait3A_18] : memref<327680xi32, #tpu.memory_space<hbm>> -> memref<128xi32, #tpu.memory_space<hbm>>
    tpu.wait_dma2 semaphore(%arg10 : memref<!tpu.dma_semaphore, #tpu.memory_space<semaphore_mem>>) src(%dma_wait3A_19 : memref<128xi32, #tpu.memory_space<hbm>>) dst(%arg6 : memref<128xi32, #tpu.memory_space<vmem>>)
    %dma_wait3A_20 = arith.constant 0 : i32
    %dma_wait3A_21 = tpu.memref_slice %arg2[%dma_wait3A_20] : memref<327680xi32, #tpu.memory_space<hbm>> -> memref<128xi32, #tpu.memory_space<hbm>>
    %dma_wait3A_22 = arith.constant 0 : i32
    %dma_wait3A_23 = tpu.memref_slice %arg2[%dma_wait3A_22] : memref<327680xi32, #tpu.memory_space<hbm>> -> memref<128xi32, #tpu.memory_space<hbm>>
    tpu.wait_dma2 semaphore(%arg11 : memref<!tpu.dma_semaphore, #tpu.memory_space<semaphore_mem>>) src(%dma_wait3A_23 : memref<128xi32, #tpu.memory_space<hbm>>) dst(%arg7 : memref<128xi32, #tpu.memory_space<vmem>>)
    %barrier3A_24 = arith.constant 0 : index
    tpu.barrier barrier_id(%barrier3A_24)
    "tpu.region"() ({
      %run_scoped3A = tpu.sem_alloc : memref<!tpu.dma_semaphore, #tpu.memory_space<semaphore_mem>>
      %dma_start3A_25 = arith.constant 0 : i32
      %dma_start3A_26 = tpu.memref_slice %arg5[%arg0, %mul3A_2, %dma_start3A_25] : memref<2x10112x128xf32, #tpu.memory_space<hbm>> -> memref<1x632x128xf32, #tpu.memory_space<hbm>>
      %dma_start3A_27 = tpu.memref_squeeze %dma_start3A_26 : memref<1x632x128xf32, #tpu.memory_space<hbm>> -> memref<632x128xf32, #tpu.memory_space<hbm>>
      %dma_start3A_28 = arith.constant 0 : i32
      %dma_start3A_29 = tpu.memref_slice %arg9[%mul3A_2, %dma_start3A_28] : memref<10112x128xf32, #tpu.memory_space<vmem_shared>> -> memref<632x128xf32, #tpu.memory_space<vmem_shared>>
      tpu.enqueue_dma source(%dma_start3A_29 : memref<632x128xf32, #tpu.memory_space<vmem_shared>>) target(%dma_start3A_27 : memref<632x128xf32, #tpu.memory_space<hbm>>) target_semaphore(%run_scoped3A : memref<!tpu.dma_semaphore, #tpu.memory_space<semaphore_mem>>)
      %dma_wait3A_30 = arith.constant 0 : i32
      %dma_wait3A_31 = tpu.memref_slice %arg5[%arg0, %mul3A_2, %dma_wait3A_30] : memref<2x10112x128xf32, #tpu.memory_space<hbm>> -> memref<1x632x128xf32, #tpu.memory_space<hbm>>
      %dma_wait3A_32 = tpu.memref_squeeze %dma_wait3A_31 : memref<1x632x128xf32, #tpu.memory_space<hbm>> -> memref<632x128xf32, #tpu.memory_space<hbm>>
      %dma_wait3A_33 = arith.constant 0 : i32
      %dma_wait3A_34 = tpu.memref_slice %arg9[%mul3A_2, %dma_wait3A_33] : memref<10112x128xf32, #tpu.memory_space<vmem_shared>> -> memref<632x128xf32, #tpu.memory_space<vmem_shared>>
      tpu.wait_dma2 semaphore(%run_scoped3A : memref<!tpu.dma_semaphore, #tpu.memory_space<semaphore_mem>>) src(%dma_wait3A_34 : memref<632x128xf32, #tpu.memory_space<vmem_shared>>) dst(%dma_wait3A_32 : memref<632x128xf32, #tpu.memory_space<hbm>>)
      tpu.yield
    }) : () -> ()
    return
  }
}

#map = affine_map<(d0, d1) -> (0, 0)>
#map1 = affine_map<(d0, d1) -> (0, 0, 0)>
#map2 = affine_map<(d0, d1) -> (0)>
module attributes {stable_mosaic.version = 14 : i64} {
  func.func @body(%arg0: i32, %arg1: i32, %arg2: memref<10000x128xf32, #tpu.memory_space<hbm>>, %arg3: memref<32x159x64xi32, #tpu.memory_space<hbm>>, %arg4: memref<325632xi32, #tpu.memory_space<hbm>>, %arg5: memref<10112x128xf32, #tpu.memory_space<hbm>>, %arg6: memref<2x10112x128xf32, #tpu.memory_space<hbm>>, %arg7: memref<159x64xi32, #tpu.memory_space<vmem>>, %arg8: memref<64xi32, #tpu.memory_space<vmem>>, %arg9: memref<64xi32, #tpu.memory_space<vmem>>, %arg10: memref<64xi32, #tpu.memory_space<vmem>>, %arg11: memref<64x128xf32, #tpu.memory_space<vmem>>, %arg12: memref<64x128xf32, #tpu.memory_space<vmem>>, %arg13: memref<64x128xf32, #tpu.memory_space<vmem>>, %arg14: memref<10112x128xf32, #tpu.memory_space<vmem_shared>>, %arg15: memref<!tpu.dma_semaphore, #tpu.memory_space<semaphore_mem>>, %arg16: memref<!tpu.dma_semaphore, #tpu.memory_space<semaphore_mem>>, %arg17: memref<!tpu.dma_semaphore, #tpu.memory_space<semaphore_mem>>, %arg18: memref<!tpu.dma_semaphore, #tpu.memory_space<semaphore_mem>>, %arg19: memref<!tpu.dma_semaphore, #tpu.memory_space<semaphore_mem>>, %arg20: memref<!tpu.dma_semaphore, #tpu.memory_space<semaphore_mem>>, %arg21: memref<!tpu.dma_semaphore, #tpu.memory_space<semaphore_mem>>) attributes {dimension_semantics = [#tpu.dimension_semantics<core_parallel>, #tpu.dimension_semantics<subcore_parallel>], iteration_bounds = array<i64: 2, 16>, scalar_prefetch = 0 : i64, scratch_operands = 15 : i64, tpu.core_type = #tpu.core_type<sc_vector_subcore>, window_params = [{transform_indices = #map}, {transform_indices = #map1}, {transform_indices = #map2}, {transform_indices = #map}, {transform_indices = #map1}]} {
    %mul3A = arith.constant 2 : i32
    %mul3A_0 = arith.muli %arg1, %mul3A : i32
    %add3A = arith.addi %mul3A_0, %arg0 : i32
    %mul3A_1 = arith.constant 632 : i32
    %mul3A_2 = arith.muli %arg1, %mul3A_1 : i32
    %mul3A_3 = arith.constant 159 : i32
    %mul3A_4 = arith.muli %add3A, %mul3A_3 : i32
    %mul3A_5 = arith.constant 64 : i32
    %mul3A_6 = arith.muli %mul3A_4, %mul3A_5 : i32
    "tpu.region"() ({
      %run_scoped3A = tpu.sem_alloc : memref<!tpu.dma_semaphore, #tpu.memory_space<semaphore_mem>>
      %dma_start3A_89 = arith.constant 0 : i32
      %dma_start3A_90 = tpu.memref_slice %arg14[%mul3A_2, %dma_start3A_89] : memref<10112x128xf32, #tpu.memory_space<vmem_shared>> -> memref<632x128xf32, #tpu.memory_space<vmem_shared>>
      %dma_start3A_91 = arith.constant 0 : i32
      %dma_start3A_92 = tpu.memref_slice %arg5[%mul3A_2, %dma_start3A_91] : memref<10112x128xf32, #tpu.memory_space<hbm>> -> memref<632x128xf32, #tpu.memory_space<hbm>>
      tpu.enqueue_dma source(%dma_start3A_92 : memref<632x128xf32, #tpu.memory_space<hbm>>) target(%dma_start3A_90 : memref<632x128xf32, #tpu.memory_space<vmem_shared>>) target_semaphore(%run_scoped3A : memref<!tpu.dma_semaphore, #tpu.memory_space<semaphore_mem>>)
      %dma_wait3A_93 = arith.constant 0 : i32
      %dma_wait3A_94 = tpu.memref_slice %arg14[%mul3A_2, %dma_wait3A_93] : memref<10112x128xf32, #tpu.memory_space<vmem_shared>> -> memref<632x128xf32, #tpu.memory_space<vmem_shared>>
      %dma_wait3A_95 = arith.constant 0 : i32
      %dma_wait3A_96 = tpu.memref_slice %arg5[%mul3A_2, %dma_wait3A_95] : memref<10112x128xf32, #tpu.memory_space<hbm>> -> memref<632x128xf32, #tpu.memory_space<hbm>>
      tpu.wait_dma2 semaphore(%run_scoped3A : memref<!tpu.dma_semaphore, #tpu.memory_space<semaphore_mem>>) src(%dma_wait3A_96 : memref<632x128xf32, #tpu.memory_space<hbm>>) dst(%dma_wait3A_94 : memref<632x128xf32, #tpu.memory_space<vmem_shared>>)
      tpu.yield
    }) : () -> ()
    %dma_start3A = arith.constant 0 : i32
    %dma_start3A_7 = arith.constant 0 : i32
    %dma_start3A_8 = tpu.memref_slice %arg3[%add3A, %dma_start3A, %dma_start3A_7] : memref<32x159x64xi32, #tpu.memory_space<hbm>> -> memref<1x159x64xi32, #tpu.memory_space<hbm>>
    %dma_start3A_9 = tpu.memref_squeeze %dma_start3A_8 : memref<1x159x64xi32, #tpu.memory_space<hbm>> -> memref<159x64xi32, #tpu.memory_space<hbm>>
    %dma_start3A_10 = arith.constant 0 : i32
    %dma_start3A_11 = arith.constant 0 : i32
    %dma_start3A_12 = tpu.memref_slice %arg3[%add3A, %dma_start3A_10, %dma_start3A_11] : memref<32x159x64xi32, #tpu.memory_space<hbm>> -> memref<1x159x64xi32, #tpu.memory_space<hbm>>
    %dma_start3A_13 = tpu.memref_squeeze %dma_start3A_12 : memref<1x159x64xi32, #tpu.memory_space<hbm>> -> memref<159x64xi32, #tpu.memory_space<hbm>>
    tpu.enqueue_dma source(%dma_start3A_13 : memref<159x64xi32, #tpu.memory_space<hbm>>) target(%arg7 : memref<159x64xi32, #tpu.memory_space<vmem>>) target_semaphore(%arg15 : memref<!tpu.dma_semaphore, #tpu.memory_space<semaphore_mem>>)
    %dma_start3A_14 = tpu.memref_slice %arg4[%mul3A_6] : memref<325632xi32, #tpu.memory_space<hbm>> -> memref<64xi32, #tpu.memory_space<hbm>>
    %dma_start3A_15 = tpu.memref_slice %arg4[%mul3A_6] : memref<325632xi32, #tpu.memory_space<hbm>> -> memref<64xi32, #tpu.memory_space<hbm>>
    tpu.enqueue_dma source(%dma_start3A_15 : memref<64xi32, #tpu.memory_space<hbm>>) target(%arg8 : memref<64xi32, #tpu.memory_space<vmem>>) target_semaphore(%arg16 : memref<!tpu.dma_semaphore, #tpu.memory_space<semaphore_mem>>)
    %add3A_16 = arith.constant 64 : i32
    %add3A_17 = arith.addi %mul3A_6, %add3A_16 : i32
    %dma_start3A_18 = tpu.memref_slice %arg4[%add3A_17] : memref<325632xi32, #tpu.memory_space<hbm>> -> memref<64xi32, #tpu.memory_space<hbm>>
    %dma_start3A_19 = tpu.memref_slice %arg4[%add3A_17] : memref<325632xi32, #tpu.memory_space<hbm>> -> memref<64xi32, #tpu.memory_space<hbm>>
    tpu.enqueue_dma source(%dma_start3A_19 : memref<64xi32, #tpu.memory_space<hbm>>) target(%arg9 : memref<64xi32, #tpu.memory_space<vmem>>) target_semaphore(%arg17 : memref<!tpu.dma_semaphore, #tpu.memory_space<semaphore_mem>>)
    %add3A_20 = arith.constant 128 : i32
    %add3A_21 = arith.addi %mul3A_6, %add3A_20 : i32
    %dma_start3A_22 = tpu.memref_slice %arg4[%add3A_21] : memref<325632xi32, #tpu.memory_space<hbm>> -> memref<64xi32, #tpu.memory_space<hbm>>
    %dma_start3A_23 = tpu.memref_slice %arg4[%add3A_21] : memref<325632xi32, #tpu.memory_space<hbm>> -> memref<64xi32, #tpu.memory_space<hbm>>
    tpu.enqueue_dma source(%dma_start3A_23 : memref<64xi32, #tpu.memory_space<hbm>>) target(%arg10 : memref<64xi32, #tpu.memory_space<vmem>>) target_semaphore(%arg18 : memref<!tpu.dma_semaphore, #tpu.memory_space<semaphore_mem>>)
    %dma_wait3A = arith.constant 0 : i32
    %dma_wait3A_24 = arith.constant 0 : i32
    %dma_wait3A_25 = arith.constant 0 : i32
    %dma_wait3A_26 = tpu.memref_slice %arg3[%dma_wait3A, %dma_wait3A_24, %dma_wait3A_25] : memref<32x159x64xi32, #tpu.memory_space<hbm>> -> memref<1x159x64xi32, #tpu.memory_space<hbm>>
    %dma_wait3A_27 = tpu.memref_squeeze %dma_wait3A_26 : memref<1x159x64xi32, #tpu.memory_space<hbm>> -> memref<159x64xi32, #tpu.memory_space<hbm>>
    %dma_wait3A_28 = arith.constant 0 : i32
    %dma_wait3A_29 = arith.constant 0 : i32
    %dma_wait3A_30 = tpu.memref_slice %arg3[%dma_wait3A, %dma_wait3A_28, %dma_wait3A_29] : memref<32x159x64xi32, #tpu.memory_space<hbm>> -> memref<1x159x64xi32, #tpu.memory_space<hbm>>
    %dma_wait3A_31 = tpu.memref_squeeze %dma_wait3A_30 : memref<1x159x64xi32, #tpu.memory_space<hbm>> -> memref<159x64xi32, #tpu.memory_space<hbm>>
    tpu.wait_dma2 semaphore(%arg15 : memref<!tpu.dma_semaphore, #tpu.memory_space<semaphore_mem>>) src(%dma_wait3A_31 : memref<159x64xi32, #tpu.memory_space<hbm>>) dst(%arg7 : memref<159x64xi32, #tpu.memory_space<vmem>>)
    %dma_start3A_32 = arith.constant 0 : i32
    %dma_start3A_33 = arith.constant 0 : i32
    %dma_start3A_34 = tpu.memref_slice %arg7[%dma_start3A_32, %dma_start3A_33] : memref<159x64xi32, #tpu.memory_space<vmem>> -> memref<1x64xi32, #tpu.memory_space<vmem>>
    %dma_start3A_35 = tpu.memref_squeeze %dma_start3A_34 : memref<1x64xi32, #tpu.memory_space<vmem>> -> memref<64xi32, #tpu.memory_space<vmem>>
    %dma_start3A_36 = arith.constant 0 : i32
    %dma_start3A_37 = arith.constant 0 : i32
    %dma_start3A_38 = tpu.memref_slice %arg2[%dma_start3A_36, %dma_start3A_37] : memref<10000x128xf32, #tpu.memory_space<hbm>> -> memref<10000x128xf32, #tpu.memory_space<hbm>>
    tpu.enqueue_indirect_dma source(%dma_start3A_38 : memref<10000x128xf32, #tpu.memory_space<hbm>>) target(%arg11 : memref<64x128xf32, #tpu.memory_space<vmem>>) offsets(%dma_start3A_35 : memref<64xi32, #tpu.memory_space<vmem>>) semaphore(%arg19 : memref<!tpu.dma_semaphore, #tpu.memory_space<semaphore_mem>>)
    %dma_start3A_39 = arith.constant 1 : i32
    %dma_start3A_40 = arith.constant 0 : i32
    %dma_start3A_41 = tpu.memref_slice %arg7[%dma_start3A_39, %dma_start3A_40] : memref<159x64xi32, #tpu.memory_space<vmem>> -> memref<1x64xi32, #tpu.memory_space<vmem>>
    %dma_start3A_42 = tpu.memref_squeeze %dma_start3A_41 : memref<1x64xi32, #tpu.memory_space<vmem>> -> memref<64xi32, #tpu.memory_space<vmem>>
    %dma_start3A_43 = arith.constant 0 : i32
    %dma_start3A_44 = arith.constant 0 : i32
    %dma_start3A_45 = tpu.memref_slice %arg2[%dma_start3A_43, %dma_start3A_44] : memref<10000x128xf32, #tpu.memory_space<hbm>> -> memref<10000x128xf32, #tpu.memory_space<hbm>>
    tpu.enqueue_indirect_dma source(%dma_start3A_45 : memref<10000x128xf32, #tpu.memory_space<hbm>>) target(%arg12 : memref<64x128xf32, #tpu.memory_space<vmem>>) offsets(%dma_start3A_42 : memref<64xi32, #tpu.memory_space<vmem>>) semaphore(%arg20 : memref<!tpu.dma_semaphore, #tpu.memory_space<semaphore_mem>>)
    %dma_start3A_46 = arith.constant 2 : i32
    %dma_start3A_47 = arith.constant 0 : i32
    %dma_start3A_48 = tpu.memref_slice %arg7[%dma_start3A_46, %dma_start3A_47] : memref<159x64xi32, #tpu.memory_space<vmem>> -> memref<1x64xi32, #tpu.memory_space<vmem>>
    %dma_start3A_49 = tpu.memref_squeeze %dma_start3A_48 : memref<1x64xi32, #tpu.memory_space<vmem>> -> memref<64xi32, #tpu.memory_space<vmem>>
    %dma_start3A_50 = arith.constant 0 : i32
    %dma_start3A_51 = arith.constant 0 : i32
    %dma_start3A_52 = tpu.memref_slice %arg2[%dma_start3A_50, %dma_start3A_51] : memref<10000x128xf32, #tpu.memory_space<hbm>> -> memref<10000x128xf32, #tpu.memory_space<hbm>>
    tpu.enqueue_indirect_dma source(%dma_start3A_52 : memref<10000x128xf32, #tpu.memory_space<hbm>>) target(%arg13 : memref<64x128xf32, #tpu.memory_space<vmem>>) offsets(%dma_start3A_49 : memref<64xi32, #tpu.memory_space<vmem>>) semaphore(%arg21 : memref<!tpu.dma_semaphore, #tpu.memory_space<semaphore_mem>>)
    %barrier3A = arith.constant 0 : index
    tpu.barrier barrier_id(%barrier3A)
    %scan3A = arith.constant 0 : i32
    %scan3A_53 = arith.constant 0 : i32
    %scan3A_54 = arith.constant 53 : i32
    %scan3A_55 = arith.addi %scan3A_53, %scan3A_54 : i32
    %scan3A_56 = arith.constant 1 : i32
    scf.for %scan3A_89 = %scan3A_53 to %scan3A_55 step %scan3A_56  : i32 {
      %mul3A_90 = arith.constant 3 : i32
      %mul3A_91 = arith.muli %mul3A_90, %scan3A_89 : i32
      %dma_wait3A_92 = arith.constant 0 : i32
      %dma_wait3A_93 = arith.constant 0 : i32
      %dma_wait3A_94 = tpu.memref_slice %arg2[%dma_wait3A_92, %dma_wait3A_93] : memref<10000x128xf32, #tpu.memory_space<hbm>> -> memref<64x128xf32, #tpu.memory_space<hbm>>
      %dma_wait3A_95 = arith.constant 0 : i32
      %dma_wait3A_96 = arith.constant 0 : i32
      %dma_wait3A_97 = tpu.memref_slice %arg2[%dma_wait3A_95, %dma_wait3A_96] : memref<10000x128xf32, #tpu.memory_space<hbm>> -> memref<64x128xf32, #tpu.memory_space<hbm>>
      tpu.wait_dma2 semaphore(%arg19 : memref<!tpu.dma_semaphore, #tpu.memory_space<semaphore_mem>>) src(%dma_wait3A_97 : memref<64x128xf32, #tpu.memory_space<hbm>>) dst(%arg11 : memref<64x128xf32, #tpu.memory_space<vmem>>)
      %dma_wait3A_98 = arith.constant 0 : i32
      %dma_wait3A_99 = tpu.memref_slice %arg4[%dma_wait3A_98] : memref<325632xi32, #tpu.memory_space<hbm>> -> memref<64xi32, #tpu.memory_space<hbm>>
      %dma_wait3A_100 = arith.constant 0 : i32
      %dma_wait3A_101 = tpu.memref_slice %arg4[%dma_wait3A_100] : memref<325632xi32, #tpu.memory_space<hbm>> -> memref<64xi32, #tpu.memory_space<hbm>>
      tpu.wait_dma2 semaphore(%arg16 : memref<!tpu.dma_semaphore, #tpu.memory_space<semaphore_mem>>) src(%dma_wait3A_101 : memref<64xi32, #tpu.memory_space<hbm>>) dst(%arg8 : memref<64xi32, #tpu.memory_space<vmem>>)
      "tpu.region"() ({
        %run_scoped3A = tpu.sem_alloc : memref<!tpu.dma_semaphore, #tpu.memory_space<semaphore_mem>>
        %dma_start3A_170 = arith.constant 0 : i32
        %dma_start3A_171 = arith.constant 0 : i32
        %dma_start3A_172 = tpu.memref_slice %arg14[%dma_start3A_170, %dma_start3A_171] : memref<10112x128xf32, #tpu.memory_space<vmem_shared>> -> memref<10112x128xf32, #tpu.memory_space<vmem_shared>>
        tpu.enqueue_indirect_dma source(%arg11 : memref<64x128xf32, #tpu.memory_space<vmem>>) target(%dma_start3A_172 : memref<10112x128xf32, #tpu.memory_space<vmem_shared>>) offsets(%arg8 : memref<64xi32, #tpu.memory_space<vmem>>) semaphore(%run_scoped3A : memref<!tpu.dma_semaphore, #tpu.memory_space<semaphore_mem>>) {add = true}
        %dma_wait3A_173 = arith.constant 0 : i32
        %dma_wait3A_174 = arith.constant 0 : i32
        %dma_wait3A_175 = tpu.memref_slice %arg14[%dma_wait3A_173, %dma_wait3A_174] : memref<10112x128xf32, #tpu.memory_space<vmem_shared>> -> memref<10112x128xf32, #tpu.memory_space<vmem_shared>>
        tpu.wait_indirect_dma semaphore(%run_scoped3A : memref<!tpu.dma_semaphore, #tpu.memory_space<semaphore_mem>>) src(%arg11 : memref<64x128xf32, #tpu.memory_space<vmem>>) dst(%dma_wait3A_175 : memref<10112x128xf32, #tpu.memory_space<vmem_shared>>)
        tpu.yield
      }) : () -> ()
      %add3A_102 = arith.constant 3 : i32
      %add3A_103 = arith.addi %mul3A_91, %add3A_102 : i32
      %min3A = arith.constant 158 : i32
      %min3A_104 = arith.minsi %add3A_103, %min3A : i32
      %dma_start3A_105 = arith.constant 0 : i32
      %dma_start3A_106 = tpu.memref_slice %arg7[%min3A_104, %dma_start3A_105] : memref<159x64xi32, #tpu.memory_space<vmem>> -> memref<1x64xi32, #tpu.memory_space<vmem>>
      %dma_start3A_107 = tpu.memref_squeeze %dma_start3A_106 : memref<1x64xi32, #tpu.memory_space<vmem>> -> memref<64xi32, #tpu.memory_space<vmem>>
      %dma_start3A_108 = arith.constant 0 : i32
      %dma_start3A_109 = arith.constant 0 : i32
      %dma_start3A_110 = tpu.memref_slice %arg2[%dma_start3A_108, %dma_start3A_109] : memref<10000x128xf32, #tpu.memory_space<hbm>> -> memref<10000x128xf32, #tpu.memory_space<hbm>>
      tpu.enqueue_indirect_dma source(%dma_start3A_110 : memref<10000x128xf32, #tpu.memory_space<hbm>>) target(%arg11 : memref<64x128xf32, #tpu.memory_space<vmem>>) offsets(%dma_start3A_107 : memref<64xi32, #tpu.memory_space<vmem>>) semaphore(%arg19 : memref<!tpu.dma_semaphore, #tpu.memory_space<semaphore_mem>>)
      %mul3A_111 = arith.constant 64 : i32
      %mul3A_112 = arith.muli %min3A_104, %mul3A_111 : i32
      %add3A_113 = arith.addi %mul3A_6, %mul3A_112 : i32
      %dma_start3A_114 = tpu.memref_slice %arg4[%add3A_113] : memref<325632xi32, #tpu.memory_space<hbm>> -> memref<64xi32, #tpu.memory_space<hbm>>
      %dma_start3A_115 = tpu.memref_slice %arg4[%add3A_113] : memref<325632xi32, #tpu.memory_space<hbm>> -> memref<64xi32, #tpu.memory_space<hbm>>
      tpu.enqueue_dma source(%dma_start3A_115 : memref<64xi32, #tpu.memory_space<hbm>>) target(%arg8 : memref<64xi32, #tpu.memory_space<vmem>>) target_semaphore(%arg16 : memref<!tpu.dma_semaphore, #tpu.memory_space<semaphore_mem>>)
      %add3A_116 = arith.constant 1 : i32
      %add3A_117 = arith.addi %mul3A_91, %add3A_116 : i32
      %dma_wait3A_118 = arith.constant 0 : i32
      %dma_wait3A_119 = arith.constant 0 : i32
      %dma_wait3A_120 = tpu.memref_slice %arg2[%dma_wait3A_118, %dma_wait3A_119] : memref<10000x128xf32, #tpu.memory_space<hbm>> -> memref<64x128xf32, #tpu.memory_space<hbm>>
      %dma_wait3A_121 = arith.constant 0 : i32
      %dma_wait3A_122 = arith.constant 0 : i32
      %dma_wait3A_123 = tpu.memref_slice %arg2[%dma_wait3A_121, %dma_wait3A_122] : memref<10000x128xf32, #tpu.memory_space<hbm>> -> memref<64x128xf32, #tpu.memory_space<hbm>>
      tpu.wait_dma2 semaphore(%arg20 : memref<!tpu.dma_semaphore, #tpu.memory_space<semaphore_mem>>) src(%dma_wait3A_123 : memref<64x128xf32, #tpu.memory_space<hbm>>) dst(%arg12 : memref<64x128xf32, #tpu.memory_space<vmem>>)
      %dma_wait3A_124 = arith.constant 0 : i32
      %dma_wait3A_125 = tpu.memref_slice %arg4[%dma_wait3A_124] : memref<325632xi32, #tpu.memory_space<hbm>> -> memref<64xi32, #tpu.memory_space<hbm>>
      %dma_wait3A_126 = arith.constant 0 : i32
      %dma_wait3A_127 = tpu.memref_slice %arg4[%dma_wait3A_126] : memref<325632xi32, #tpu.memory_space<hbm>> -> memref<64xi32, #tpu.memory_space<hbm>>
      tpu.wait_dma2 semaphore(%arg17 : memref<!tpu.dma_semaphore, #tpu.memory_space<semaphore_mem>>) src(%dma_wait3A_127 : memref<64xi32, #tpu.memory_space<hbm>>) dst(%arg9 : memref<64xi32, #tpu.memory_space<vmem>>)
      "tpu.region"() ({
        %run_scoped3A = tpu.sem_alloc : memref<!tpu.dma_semaphore, #tpu.memory_space<semaphore_mem>>
        %dma_start3A_170 = arith.constant 0 : i32
        %dma_start3A_171 = arith.constant 0 : i32
        %dma_start3A_172 = tpu.memref_slice %arg14[%dma_start3A_170, %dma_start3A_171] : memref<10112x128xf32, #tpu.memory_space<vmem_shared>> -> memref<10112x128xf32, #tpu.memory_space<vmem_shared>>
        tpu.enqueue_indirect_dma source(%arg12 : memref<64x128xf32, #tpu.memory_space<vmem>>) target(%dma_start3A_172 : memref<10112x128xf32, #tpu.memory_space<vmem_shared>>) offsets(%arg9 : memref<64xi32, #tpu.memory_space<vmem>>) semaphore(%run_scoped3A : memref<!tpu.dma_semaphore, #tpu.memory_space<semaphore_mem>>) {add = true}
        %dma_wait3A_173 = arith.constant 0 : i32
        %dma_wait3A_174 = arith.constant 0 : i32
        %dma_wait3A_175 = tpu.memref_slice %arg14[%dma_wait3A_173, %dma_wait3A_174] : memref<10112x128xf32, #tpu.memory_space<vmem_shared>> -> memref<10112x128xf32, #tpu.memory_space<vmem_shared>>
        tpu.wait_indirect_dma semaphore(%run_scoped3A : memref<!tpu.dma_semaphore, #tpu.memory_space<semaphore_mem>>) src(%arg12 : memref<64x128xf32, #tpu.memory_space<vmem>>) dst(%dma_wait3A_175 : memref<10112x128xf32, #tpu.memory_space<vmem_shared>>)
        tpu.yield
      }) : () -> ()
      %add3A_128 = arith.constant 3 : i32
      %add3A_129 = arith.addi %add3A_117, %add3A_128 : i32
      %min3A_130 = arith.constant 158 : i32
      %min3A_131 = arith.minsi %add3A_129, %min3A_130 : i32
      %dma_start3A_132 = arith.constant 0 : i32
      %dma_start3A_133 = tpu.memref_slice %arg7[%min3A_131, %dma_start3A_132] : memref<159x64xi32, #tpu.memory_space<vmem>> -> memref<1x64xi32, #tpu.memory_space<vmem>>
      %dma_start3A_134 = tpu.memref_squeeze %dma_start3A_133 : memref<1x64xi32, #tpu.memory_space<vmem>> -> memref<64xi32, #tpu.memory_space<vmem>>
      %dma_start3A_135 = arith.constant 0 : i32
      %dma_start3A_136 = arith.constant 0 : i32
      %dma_start3A_137 = tpu.memref_slice %arg2[%dma_start3A_135, %dma_start3A_136] : memref<10000x128xf32, #tpu.memory_space<hbm>> -> memref<10000x128xf32, #tpu.memory_space<hbm>>
      tpu.enqueue_indirect_dma source(%dma_start3A_137 : memref<10000x128xf32, #tpu.memory_space<hbm>>) target(%arg12 : memref<64x128xf32, #tpu.memory_space<vmem>>) offsets(%dma_start3A_134 : memref<64xi32, #tpu.memory_space<vmem>>) semaphore(%arg20 : memref<!tpu.dma_semaphore, #tpu.memory_space<semaphore_mem>>)
      %mul3A_138 = arith.constant 64 : i32
      %mul3A_139 = arith.muli %min3A_131, %mul3A_138 : i32
      %add3A_140 = arith.addi %mul3A_6, %mul3A_139 : i32
      %dma_start3A_141 = tpu.memref_slice %arg4[%add3A_140] : memref<325632xi32, #tpu.memory_space<hbm>> -> memref<64xi32, #tpu.memory_space<hbm>>
      %dma_start3A_142 = tpu.memref_slice %arg4[%add3A_140] : memref<325632xi32, #tpu.memory_space<hbm>> -> memref<64xi32, #tpu.memory_space<hbm>>
      tpu.enqueue_dma source(%dma_start3A_142 : memref<64xi32, #tpu.memory_space<hbm>>) target(%arg9 : memref<64xi32, #tpu.memory_space<vmem>>) target_semaphore(%arg17 : memref<!tpu.dma_semaphore, #tpu.memory_space<semaphore_mem>>)
      %add3A_143 = arith.constant 2 : i32
      %add3A_144 = arith.addi %mul3A_91, %add3A_143 : i32
      %dma_wait3A_145 = arith.constant 0 : i32
      %dma_wait3A_146 = arith.constant 0 : i32
      %dma_wait3A_147 = tpu.memref_slice %arg2[%dma_wait3A_145, %dma_wait3A_146] : memref<10000x128xf32, #tpu.memory_space<hbm>> -> memref<64x128xf32, #tpu.memory_space<hbm>>
      %dma_wait3A_148 = arith.constant 0 : i32
      %dma_wait3A_149 = arith.constant 0 : i32
      %dma_wait3A_150 = tpu.memref_slice %arg2[%dma_wait3A_148, %dma_wait3A_149] : memref<10000x128xf32, #tpu.memory_space<hbm>> -> memref<64x128xf32, #tpu.memory_space<hbm>>
      tpu.wait_dma2 semaphore(%arg21 : memref<!tpu.dma_semaphore, #tpu.memory_space<semaphore_mem>>) src(%dma_wait3A_150 : memref<64x128xf32, #tpu.memory_space<hbm>>) dst(%arg13 : memref<64x128xf32, #tpu.memory_space<vmem>>)
      %dma_wait3A_151 = arith.constant 0 : i32
      %dma_wait3A_152 = tpu.memref_slice %arg4[%dma_wait3A_151] : memref<325632xi32, #tpu.memory_space<hbm>> -> memref<64xi32, #tpu.memory_space<hbm>>
      %dma_wait3A_153 = arith.constant 0 : i32
      %dma_wait3A_154 = tpu.memref_slice %arg4[%dma_wait3A_153] : memref<325632xi32, #tpu.memory_space<hbm>> -> memref<64xi32, #tpu.memory_space<hbm>>
      tpu.wait_dma2 semaphore(%arg18 : memref<!tpu.dma_semaphore, #tpu.memory_space<semaphore_mem>>) src(%dma_wait3A_154 : memref<64xi32, #tpu.memory_space<hbm>>) dst(%arg10 : memref<64xi32, #tpu.memory_space<vmem>>)
      "tpu.region"() ({
        %run_scoped3A = tpu.sem_alloc : memref<!tpu.dma_semaphore, #tpu.memory_space<semaphore_mem>>
        %dma_start3A_170 = arith.constant 0 : i32
        %dma_start3A_171 = arith.constant 0 : i32
        %dma_start3A_172 = tpu.memref_slice %arg14[%dma_start3A_170, %dma_start3A_171] : memref<10112x128xf32, #tpu.memory_space<vmem_shared>> -> memref<10112x128xf32, #tpu.memory_space<vmem_shared>>
        tpu.enqueue_indirect_dma source(%arg13 : memref<64x128xf32, #tpu.memory_space<vmem>>) target(%dma_start3A_172 : memref<10112x128xf32, #tpu.memory_space<vmem_shared>>) offsets(%arg10 : memref<64xi32, #tpu.memory_space<vmem>>) semaphore(%run_scoped3A : memref<!tpu.dma_semaphore, #tpu.memory_space<semaphore_mem>>) {add = true}
        %dma_wait3A_173 = arith.constant 0 : i32
        %dma_wait3A_174 = arith.constant 0 : i32
        %dma_wait3A_175 = tpu.memref_slice %arg14[%dma_wait3A_173, %dma_wait3A_174] : memref<10112x128xf32, #tpu.memory_space<vmem_shared>> -> memref<10112x128xf32, #tpu.memory_space<vmem_shared>>
        tpu.wait_indirect_dma semaphore(%run_scoped3A : memref<!tpu.dma_semaphore, #tpu.memory_space<semaphore_mem>>) src(%arg13 : memref<64x128xf32, #tpu.memory_space<vmem>>) dst(%dma_wait3A_175 : memref<10112x128xf32, #tpu.memory_space<vmem_shared>>)
        tpu.yield
      }) : () -> ()
      %add3A_155 = arith.constant 3 : i32
      %add3A_156 = arith.addi %add3A_144, %add3A_155 : i32
      %min3A_157 = arith.constant 158 : i32
      %min3A_158 = arith.minsi %add3A_156, %min3A_157 : i32
      %dma_start3A_159 = arith.constant 0 : i32
      %dma_start3A_160 = tpu.memref_slice %arg7[%min3A_158, %dma_start3A_159] : memref<159x64xi32, #tpu.memory_space<vmem>> -> memref<1x64xi32, #tpu.memory_space<vmem>>
      %dma_start3A_161 = tpu.memref_squeeze %dma_start3A_160 : memref<1x64xi32, #tpu.memory_space<vmem>> -> memref<64xi32, #tpu.memory_space<vmem>>
      %dma_start3A_162 = arith.constant 0 : i32
      %dma_start3A_163 = arith.constant 0 : i32
      %dma_start3A_164 = tpu.memref_slice %arg2[%dma_start3A_162, %dma_start3A_163] : memref<10000x128xf32, #tpu.memory_space<hbm>> -> memref<10000x128xf32, #tpu.memory_space<hbm>>
      tpu.enqueue_indirect_dma source(%dma_start3A_164 : memref<10000x128xf32, #tpu.memory_space<hbm>>) target(%arg13 : memref<64x128xf32, #tpu.memory_space<vmem>>) offsets(%dma_start3A_161 : memref<64xi32, #tpu.memory_space<vmem>>) semaphore(%arg21 : memref<!tpu.dma_semaphore, #tpu.memory_space<semaphore_mem>>)
      %mul3A_165 = arith.constant 64 : i32
      %mul3A_166 = arith.muli %min3A_158, %mul3A_165 : i32
      %add3A_167 = arith.addi %mul3A_6, %mul3A_166 : i32
      %dma_start3A_168 = tpu.memref_slice %arg4[%add3A_167] : memref<325632xi32, #tpu.memory_space<hbm>> -> memref<64xi32, #tpu.memory_space<hbm>>
      %dma_start3A_169 = tpu.memref_slice %arg4[%add3A_167] : memref<325632xi32, #tpu.memory_space<hbm>> -> memref<64xi32, #tpu.memory_space<hbm>>
      tpu.enqueue_dma source(%dma_start3A_169 : memref<64xi32, #tpu.memory_space<hbm>>) target(%arg10 : memref<64xi32, #tpu.memory_space<vmem>>) target_semaphore(%arg18 : memref<!tpu.dma_semaphore, #tpu.memory_space<semaphore_mem>>)
    }
    %scan3A_57 = arith.constant 53 : i32
    %dma_wait3A_58 = arith.constant 0 : i32
    %dma_wait3A_59 = arith.constant 0 : i32
    %dma_wait3A_60 = tpu.memref_slice %arg2[%dma_wait3A_58, %dma_wait3A_59] : memref<10000x128xf32, #tpu.memory_space<hbm>> -> memref<64x128xf32, #tpu.memory_space<hbm>>
    %dma_wait3A_61 = arith.constant 0 : i32
    %dma_wait3A_62 = arith.constant 0 : i32
    %dma_wait3A_63 = tpu.memref_slice %arg2[%dma_wait3A_61, %dma_wait3A_62] : memref<10000x128xf32, #tpu.memory_space<hbm>> -> memref<64x128xf32, #tpu.memory_space<hbm>>
    tpu.wait_dma2 semaphore(%arg19 : memref<!tpu.dma_semaphore, #tpu.memory_space<semaphore_mem>>) src(%dma_wait3A_63 : memref<64x128xf32, #tpu.memory_space<hbm>>) dst(%arg11 : memref<64x128xf32, #tpu.memory_space<vmem>>)
    %dma_wait3A_64 = arith.constant 0 : i32
    %dma_wait3A_65 = arith.constant 0 : i32
    %dma_wait3A_66 = tpu.memref_slice %arg2[%dma_wait3A_64, %dma_wait3A_65] : memref<10000x128xf32, #tpu.memory_space<hbm>> -> memref<64x128xf32, #tpu.memory_space<hbm>>
    %dma_wait3A_67 = arith.constant 0 : i32
    %dma_wait3A_68 = arith.constant 0 : i32
    %dma_wait3A_69 = tpu.memref_slice %arg2[%dma_wait3A_67, %dma_wait3A_68] : memref<10000x128xf32, #tpu.memory_space<hbm>> -> memref<64x128xf32, #tpu.memory_space<hbm>>
    tpu.wait_dma2 semaphore(%arg20 : memref<!tpu.dma_semaphore, #tpu.memory_space<semaphore_mem>>) src(%dma_wait3A_69 : memref<64x128xf32, #tpu.memory_space<hbm>>) dst(%arg12 : memref<64x128xf32, #tpu.memory_space<vmem>>)
    %dma_wait3A_70 = arith.constant 0 : i32
    %dma_wait3A_71 = arith.constant 0 : i32
    %dma_wait3A_72 = tpu.memref_slice %arg2[%dma_wait3A_70, %dma_wait3A_71] : memref<10000x128xf32, #tpu.memory_space<hbm>> -> memref<64x128xf32, #tpu.memory_space<hbm>>
    %dma_wait3A_73 = arith.constant 0 : i32
    %dma_wait3A_74 = arith.constant 0 : i32
    %dma_wait3A_75 = tpu.memref_slice %arg2[%dma_wait3A_73, %dma_wait3A_74] : memref<10000x128xf32, #tpu.memory_space<hbm>> -> memref<64x128xf32, #tpu.memory_space<hbm>>
    tpu.wait_dma2 semaphore(%arg21 : memref<!tpu.dma_semaphore, #tpu.memory_space<semaphore_mem>>) src(%dma_wait3A_75 : memref<64x128xf32, #tpu.memory_space<hbm>>) dst(%arg13 : memref<64x128xf32, #tpu.memory_space<vmem>>)
    %dma_wait3A_76 = arith.constant 0 : i32
    %dma_wait3A_77 = tpu.memref_slice %arg4[%dma_wait3A_76] : memref<325632xi32, #tpu.memory_space<hbm>> -> memref<64xi32, #tpu.memory_space<hbm>>
    %dma_wait3A_78 = arith.constant 0 : i32
    %dma_wait3A_79 = tpu.memref_slice %arg4[%dma_wait3A_78] : memref<325632xi32, #tpu.memory_space<hbm>> -> memref<64xi32, #tpu.memory_space<hbm>>
    tpu.wait_dma2 semaphore(%arg16 : memref<!tpu.dma_semaphore, #tpu.memory_space<semaphore_mem>>) src(%dma_wait3A_79 : memref<64xi32, #tpu.memory_space<hbm>>) dst(%arg8 : memref<64xi32, #tpu.memory_space<vmem>>)
    %dma_wait3A_80 = arith.constant 0 : i32
    %dma_wait3A_81 = tpu.memref_slice %arg4[%dma_wait3A_80] : memref<325632xi32, #tpu.memory_space<hbm>> -> memref<64xi32, #tpu.memory_space<hbm>>
    %dma_wait3A_82 = arith.constant 0 : i32
    %dma_wait3A_83 = tpu.memref_slice %arg4[%dma_wait3A_82] : memref<325632xi32, #tpu.memory_space<hbm>> -> memref<64xi32, #tpu.memory_space<hbm>>
    tpu.wait_dma2 semaphore(%arg17 : memref<!tpu.dma_semaphore, #tpu.memory_space<semaphore_mem>>) src(%dma_wait3A_83 : memref<64xi32, #tpu.memory_space<hbm>>) dst(%arg9 : memref<64xi32, #tpu.memory_space<vmem>>)
    %dma_wait3A_84 = arith.constant 0 : i32
    %dma_wait3A_85 = tpu.memref_slice %arg4[%dma_wait3A_84] : memref<325632xi32, #tpu.memory_space<hbm>> -> memref<64xi32, #tpu.memory_space<hbm>>
    %dma_wait3A_86 = arith.constant 0 : i32
    %dma_wait3A_87 = tpu.memref_slice %arg4[%dma_wait3A_86] : memref<325632xi32, #tpu.memory_space<hbm>> -> memref<64xi32, #tpu.memory_space<hbm>>
    tpu.wait_dma2 semaphore(%arg18 : memref<!tpu.dma_semaphore, #tpu.memory_space<semaphore_mem>>) src(%dma_wait3A_87 : memref<64xi32, #tpu.memory_space<hbm>>) dst(%arg10 : memref<64xi32, #tpu.memory_space<vmem>>)
    %barrier3A_88 = arith.constant 0 : index
    tpu.barrier barrier_id(%barrier3A_88)
    "tpu.region"() ({
      %run_scoped3A = tpu.sem_alloc : memref<!tpu.dma_semaphore, #tpu.memory_space<semaphore_mem>>
      %dma_start3A_89 = arith.constant 0 : i32
      %dma_start3A_90 = tpu.memref_slice %arg6[%arg0, %mul3A_2, %dma_start3A_89] : memref<2x10112x128xf32, #tpu.memory_space<hbm>> -> memref<1x632x128xf32, #tpu.memory_space<hbm>>
      %dma_start3A_91 = tpu.memref_squeeze %dma_start3A_90 : memref<1x632x128xf32, #tpu.memory_space<hbm>> -> memref<632x128xf32, #tpu.memory_space<hbm>>
      %dma_start3A_92 = arith.constant 0 : i32
      %dma_start3A_93 = tpu.memref_slice %arg14[%mul3A_2, %dma_start3A_92] : memref<10112x128xf32, #tpu.memory_space<vmem_shared>> -> memref<632x128xf32, #tpu.memory_space<vmem_shared>>
      tpu.enqueue_dma source(%dma_start3A_93 : memref<632x128xf32, #tpu.memory_space<vmem_shared>>) target(%dma_start3A_91 : memref<632x128xf32, #tpu.memory_space<hbm>>) target_semaphore(%run_scoped3A : memref<!tpu.dma_semaphore, #tpu.memory_space<semaphore_mem>>)
      %dma_wait3A_94 = arith.constant 0 : i32
      %dma_wait3A_95 = tpu.memref_slice %arg6[%arg0, %mul3A_2, %dma_wait3A_94] : memref<2x10112x128xf32, #tpu.memory_space<hbm>> -> memref<1x632x128xf32, #tpu.memory_space<hbm>>
      %dma_wait3A_96 = tpu.memref_squeeze %dma_wait3A_95 : memref<1x632x128xf32, #tpu.memory_space<hbm>> -> memref<632x128xf32, #tpu.memory_space<hbm>>
      %dma_wait3A_97 = arith.constant 0 : i32
      %dma_wait3A_98 = tpu.memref_slice %arg14[%mul3A_2, %dma_wait3A_97] : memref<10112x128xf32, #tpu.memory_space<vmem_shared>> -> memref<632x128xf32, #tpu.memory_space<vmem_shared>>
      tpu.wait_dma2 semaphore(%run_scoped3A : memref<!tpu.dma_semaphore, #tpu.memory_space<semaphore_mem>>) src(%dma_wait3A_98 : memref<632x128xf32, #tpu.memory_space<vmem_shared>>) dst(%dma_wait3A_96 : memref<632x128xf32, #tpu.memory_space<hbm>>)
      tpu.yield
    }) : () -> ()
    return
  }
}

#map = affine_map<(d0, d1) -> (0, 0)>
#map1 = affine_map<(d0, d1) -> (0, 0, 0)>
#map2 = affine_map<(d0, d1) -> (0)>
module attributes {stable_mosaic.version = 14 : i64} {
  func.func @body(%arg0: i32, %arg1: i32, %arg2: memref<10000x128xf32, #tpu.memory_space<hbm>>, %arg3: memref<32x159x64xi32, #tpu.memory_space<hbm>>, %arg4: memref<325632xi32, #tpu.memory_space<hbm>>, %arg5: memref<10112x128xf32, #tpu.memory_space<hbm>>, %arg6: memref<2x10112x128xf32, #tpu.memory_space<hbm>>, %arg7: memref<159x64xi32, #tpu.memory_space<vmem>>, %arg8: memref<64xi32, #tpu.memory_space<vmem>>, %arg9: memref<64xi32, #tpu.memory_space<vmem>>, %arg10: memref<64xi32, #tpu.memory_space<vmem>>, %arg11: memref<64x128xf32, #tpu.memory_space<vmem>>, %arg12: memref<64x128xf32, #tpu.memory_space<vmem>>, %arg13: memref<64x128xf32, #tpu.memory_space<vmem>>, %arg14: memref<10112x128xf32, #tpu.memory_space<vmem_shared>>, %arg15: memref<!tpu.dma_semaphore, #tpu.memory_space<semaphore_mem>>, %arg16: memref<!tpu.dma_semaphore, #tpu.memory_space<semaphore_mem>>, %arg17: memref<!tpu.dma_semaphore, #tpu.memory_space<semaphore_mem>>, %arg18: memref<!tpu.dma_semaphore, #tpu.memory_space<semaphore_mem>>, %arg19: memref<!tpu.dma_semaphore, #tpu.memory_space<semaphore_mem>>, %arg20: memref<!tpu.dma_semaphore, #tpu.memory_space<semaphore_mem>>, %arg21: memref<!tpu.dma_semaphore, #tpu.memory_space<semaphore_mem>>) attributes {dimension_semantics = [#tpu.dimension_semantics<core_parallel>, #tpu.dimension_semantics<subcore_parallel>], iteration_bounds = array<i64: 2, 16>, scalar_prefetch = 0 : i64, scratch_operands = 15 : i64, tpu.core_type = #tpu.core_type<sc_vector_subcore>, window_params = [{transform_indices = #map}, {transform_indices = #map1}, {transform_indices = #map2}, {transform_indices = #map}, {transform_indices = #map1}]} {
    %mul3A = arith.constant 2 : i32
    %mul3A_0 = arith.muli %arg1, %mul3A : i32
    %add3A = arith.addi %mul3A_0, %arg0 : i32
    %mul3A_1 = arith.constant 632 : i32
    %mul3A_2 = arith.muli %arg1, %mul3A_1 : i32
    %mul3A_3 = arith.constant 159 : i32
    %mul3A_4 = arith.muli %add3A, %mul3A_3 : i32
    %mul3A_5 = arith.constant 64 : i32
    %mul3A_6 = arith.muli %mul3A_4, %mul3A_5 : i32
    "tpu.region"() ({
      %run_scoped3A = tpu.sem_alloc : memref<!tpu.dma_semaphore, #tpu.memory_space<semaphore_mem>>
      %dma_start3A_89 = arith.constant 0 : i32
      %dma_start3A_90 = tpu.memref_slice %arg14[%mul3A_2, %dma_start3A_89] : memref<10112x128xf32, #tpu.memory_space<vmem_shared>> -> memref<632x128xf32, #tpu.memory_space<vmem_shared>>
      %dma_start3A_91 = arith.constant 0 : i32
      %dma_start3A_92 = tpu.memref_slice %arg5[%mul3A_2, %dma_start3A_91] : memref<10112x128xf32, #tpu.memory_space<hbm>> -> memref<632x128xf32, #tpu.memory_space<hbm>>
      tpu.enqueue_dma source(%dma_start3A_92 : memref<632x128xf32, #tpu.memory_space<hbm>>) target(%dma_start3A_90 : memref<632x128xf32, #tpu.memory_space<vmem_shared>>) target_semaphore(%run_scoped3A : memref<!tpu.dma_semaphore, #tpu.memory_space<semaphore_mem>>)
      %dma_wait3A_93 = arith.constant 0 : i32
      %dma_wait3A_94 = tpu.memref_slice %arg14[%mul3A_2, %dma_wait3A_93] : memref<10112x128xf32, #tpu.memory_space<vmem_shared>> -> memref<632x128xf32, #tpu.memory_space<vmem_shared>>
      %dma_wait3A_95 = arith.constant 0 : i32
      %dma_wait3A_96 = tpu.memref_slice %arg5[%mul3A_2, %dma_wait3A_95] : memref<10112x128xf32, #tpu.memory_space<hbm>> -> memref<632x128xf32, #tpu.memory_space<hbm>>
      tpu.wait_dma2 semaphore(%run_scoped3A : memref<!tpu.dma_semaphore, #tpu.memory_space<semaphore_mem>>) src(%dma_wait3A_96 : memref<632x128xf32, #tpu.memory_space<hbm>>) dst(%dma_wait3A_94 : memref<632x128xf32, #tpu.memory_space<vmem_shared>>)
      tpu.yield
    }) : () -> ()
    %dma_start3A = arith.constant 0 : i32
    %dma_start3A_7 = arith.constant 0 : i32
    %dma_start3A_8 = tpu.memref_slice %arg3[%add3A, %dma_start3A, %dma_start3A_7] : memref<32x159x64xi32, #tpu.memory_space<hbm>> -> memref<1x159x64xi32, #tpu.memory_space<hbm>>
    %dma_start3A_9 = tpu.memref_squeeze %dma_start3A_8 : memref<1x159x64xi32, #tpu.memory_space<hbm>> -> memref<159x64xi32, #tpu.memory_space<hbm>>
    %dma_start3A_10 = arith.constant 0 : i32
    %dma_start3A_11 = arith.constant 0 : i32
    %dma_start3A_12 = tpu.memref_slice %arg3[%add3A, %dma_start3A_10, %dma_start3A_11] : memref<32x159x64xi32, #tpu.memory_space<hbm>> -> memref<1x159x64xi32, #tpu.memory_space<hbm>>
    %dma_start3A_13 = tpu.memref_squeeze %dma_start3A_12 : memref<1x159x64xi32, #tpu.memory_space<hbm>> -> memref<159x64xi32, #tpu.memory_space<hbm>>
    tpu.enqueue_dma source(%dma_start3A_13 : memref<159x64xi32, #tpu.memory_space<hbm>>) target(%arg7 : memref<159x64xi32, #tpu.memory_space<vmem>>) target_semaphore(%arg15 : memref<!tpu.dma_semaphore, #tpu.memory_space<semaphore_mem>>)
    %dma_start3A_14 = tpu.memref_slice %arg4[%mul3A_6] : memref<325632xi32, #tpu.memory_space<hbm>> -> memref<64xi32, #tpu.memory_space<hbm>>
    %dma_start3A_15 = tpu.memref_slice %arg4[%mul3A_6] : memref<325632xi32, #tpu.memory_space<hbm>> -> memref<64xi32, #tpu.memory_space<hbm>>
    tpu.enqueue_dma source(%dma_start3A_15 : memref<64xi32, #tpu.memory_space<hbm>>) target(%arg8 : memref<64xi32, #tpu.memory_space<vmem>>) target_semaphore(%arg16 : memref<!tpu.dma_semaphore, #tpu.memory_space<semaphore_mem>>)
    %add3A_16 = arith.constant 64 : i32
    %add3A_17 = arith.addi %mul3A_6, %add3A_16 : i32
    %dma_start3A_18 = tpu.memref_slice %arg4[%add3A_17] : memref<325632xi32, #tpu.memory_space<hbm>> -> memref<64xi32, #tpu.memory_space<hbm>>
    %dma_start3A_19 = tpu.memref_slice %arg4[%add3A_17] : memref<325632xi32, #tpu.memory_space<hbm>> -> memref<64xi32, #tpu.memory_space<hbm>>
    tpu.enqueue_dma source(%dma_start3A_19 : memref<64xi32, #tpu.memory_space<hbm>>) target(%arg9 : memref<64xi32, #tpu.memory_space<vmem>>) target_semaphore(%arg17 : memref<!tpu.dma_semaphore, #tpu.memory_space<semaphore_mem>>)
    %add3A_20 = arith.constant 128 : i32
    %add3A_21 = arith.addi %mul3A_6, %add3A_20 : i32
    %dma_start3A_22 = tpu.memref_slice %arg4[%add3A_21] : memref<325632xi32, #tpu.memory_space<hbm>> -> memref<64xi32, #tpu.memory_space<hbm>>
    %dma_start3A_23 = tpu.memref_slice %arg4[%add3A_21] : memref<325632xi32, #tpu.memory_space<hbm>> -> memref<64xi32, #tpu.memory_space<hbm>>
    tpu.enqueue_dma source(%dma_start3A_23 : memref<64xi32, #tpu.memory_space<hbm>>) target(%arg10 : memref<64xi32, #tpu.memory_space<vmem>>) target_semaphore(%arg18 : memref<!tpu.dma_semaphore, #tpu.memory_space<semaphore_mem>>)
    %dma_wait3A = arith.constant 0 : i32
    %dma_wait3A_24 = arith.constant 0 : i32
    %dma_wait3A_25 = arith.constant 0 : i32
    %dma_wait3A_26 = tpu.memref_slice %arg3[%dma_wait3A, %dma_wait3A_24, %dma_wait3A_25] : memref<32x159x64xi32, #tpu.memory_space<hbm>> -> memref<1x159x64xi32, #tpu.memory_space<hbm>>
    %dma_wait3A_27 = tpu.memref_squeeze %dma_wait3A_26 : memref<1x159x64xi32, #tpu.memory_space<hbm>> -> memref<159x64xi32, #tpu.memory_space<hbm>>
    %dma_wait3A_28 = arith.constant 0 : i32
    %dma_wait3A_29 = arith.constant 0 : i32
    %dma_wait3A_30 = tpu.memref_slice %arg3[%dma_wait3A, %dma_wait3A_28, %dma_wait3A_29] : memref<32x159x64xi32, #tpu.memory_space<hbm>> -> memref<1x159x64xi32, #tpu.memory_space<hbm>>
    %dma_wait3A_31 = tpu.memref_squeeze %dma_wait3A_30 : memref<1x159x64xi32, #tpu.memory_space<hbm>> -> memref<159x64xi32, #tpu.memory_space<hbm>>
    tpu.wait_dma2 semaphore(%arg15 : memref<!tpu.dma_semaphore, #tpu.memory_space<semaphore_mem>>) src(%dma_wait3A_31 : memref<159x64xi32, #tpu.memory_space<hbm>>) dst(%arg7 : memref<159x64xi32, #tpu.memory_space<vmem>>)
    %dma_start3A_32 = arith.constant 0 : i32
    %dma_start3A_33 = arith.constant 0 : i32
    %dma_start3A_34 = tpu.memref_slice %arg7[%dma_start3A_32, %dma_start3A_33] : memref<159x64xi32, #tpu.memory_space<vmem>> -> memref<1x64xi32, #tpu.memory_space<vmem>>
    %dma_start3A_35 = tpu.memref_squeeze %dma_start3A_34 : memref<1x64xi32, #tpu.memory_space<vmem>> -> memref<64xi32, #tpu.memory_space<vmem>>
    %dma_start3A_36 = arith.constant 0 : i32
    %dma_start3A_37 = arith.constant 0 : i32
    %dma_start3A_38 = tpu.memref_slice %arg2[%dma_start3A_36, %dma_start3A_37] : memref<10000x128xf32, #tpu.memory_space<hbm>> -> memref<10000x128xf32, #tpu.memory_space<hbm>>
    tpu.enqueue_indirect_dma source(%dma_start3A_38 : memref<10000x128xf32, #tpu.memory_space<hbm>>) target(%arg11 : memref<64x128xf32, #tpu.memory_space<vmem>>) offsets(%dma_start3A_35 : memref<64xi32, #tpu.memory_space<vmem>>) semaphore(%arg19 : memref<!tpu.dma_semaphore, #tpu.memory_space<semaphore_mem>>)
    %dma_start3A_39 = arith.constant 1 : i32
    %dma_start3A_40 = arith.constant 0 : i32
    %dma_start3A_41 = tpu.memref_slice %arg7[%dma_start3A_39, %dma_start3A_40] : memref<159x64xi32, #tpu.memory_space<vmem>> -> memref<1x64xi32, #tpu.memory_space<vmem>>
    %dma_start3A_42 = tpu.memref_squeeze %dma_start3A_41 : memref<1x64xi32, #tpu.memory_space<vmem>> -> memref<64xi32, #tpu.memory_space<vmem>>
    %dma_start3A_43 = arith.constant 0 : i32
    %dma_start3A_44 = arith.constant 0 : i32
    %dma_start3A_45 = tpu.memref_slice %arg2[%dma_start3A_43, %dma_start3A_44] : memref<10000x128xf32, #tpu.memory_space<hbm>> -> memref<10000x128xf32, #tpu.memory_space<hbm>>
    tpu.enqueue_indirect_dma source(%dma_start3A_45 : memref<10000x128xf32, #tpu.memory_space<hbm>>) target(%arg12 : memref<64x128xf32, #tpu.memory_space<vmem>>) offsets(%dma_start3A_42 : memref<64xi32, #tpu.memory_space<vmem>>) semaphore(%arg20 : memref<!tpu.dma_semaphore, #tpu.memory_space<semaphore_mem>>)
    %dma_start3A_46 = arith.constant 2 : i32
    %dma_start3A_47 = arith.constant 0 : i32
    %dma_start3A_48 = tpu.memref_slice %arg7[%dma_start3A_46, %dma_start3A_47] : memref<159x64xi32, #tpu.memory_space<vmem>> -> memref<1x64xi32, #tpu.memory_space<vmem>>
    %dma_start3A_49 = tpu.memref_squeeze %dma_start3A_48 : memref<1x64xi32, #tpu.memory_space<vmem>> -> memref<64xi32, #tpu.memory_space<vmem>>
    %dma_start3A_50 = arith.constant 0 : i32
    %dma_start3A_51 = arith.constant 0 : i32
    %dma_start3A_52 = tpu.memref_slice %arg2[%dma_start3A_50, %dma_start3A_51] : memref<10000x128xf32, #tpu.memory_space<hbm>> -> memref<10000x128xf32, #tpu.memory_space<hbm>>
    tpu.enqueue_indirect_dma source(%dma_start3A_52 : memref<10000x128xf32, #tpu.memory_space<hbm>>) target(%arg13 : memref<64x128xf32, #tpu.memory_space<vmem>>) offsets(%dma_start3A_49 : memref<64xi32, #tpu.memory_space<vmem>>) semaphore(%arg21 : memref<!tpu.dma_semaphore, #tpu.memory_space<semaphore_mem>>)
    %barrier3A = arith.constant 0 : index
    tpu.barrier barrier_id(%barrier3A)
    %scan3A = arith.constant 0 : i32
    %scan3A_53 = arith.constant 0 : i32
    %scan3A_54 = arith.constant 53 : i32
    %scan3A_55 = arith.addi %scan3A_53, %scan3A_54 : i32
    %scan3A_56 = arith.constant 1 : i32
    scf.for %scan3A_89 = %scan3A_53 to %scan3A_55 step %scan3A_56  : i32 {
      %mul3A_90 = arith.constant 3 : i32
      %mul3A_91 = arith.muli %mul3A_90, %scan3A_89 : i32
      %dma_wait3A_92 = arith.constant 0 : i32
      %dma_wait3A_93 = arith.constant 0 : i32
      %dma_wait3A_94 = tpu.memref_slice %arg2[%dma_wait3A_92, %dma_wait3A_93] : memref<10000x128xf32, #tpu.memory_space<hbm>> -> memref<64x128xf32, #tpu.memory_space<hbm>>
      %dma_wait3A_95 = arith.constant 0 : i32
      %dma_wait3A_96 = arith.constant 0 : i32
      %dma_wait3A_97 = tpu.memref_slice %arg2[%dma_wait3A_95, %dma_wait3A_96] : memref<10000x128xf32, #tpu.memory_space<hbm>> -> memref<64x128xf32, #tpu.memory_space<hbm>>
      tpu.wait_dma2 semaphore(%arg19 : memref<!tpu.dma_semaphore, #tpu.memory_space<semaphore_mem>>) src(%dma_wait3A_97 : memref<64x128xf32, #tpu.memory_space<hbm>>) dst(%arg11 : memref<64x128xf32, #tpu.memory_space<vmem>>)
      %dma_wait3A_98 = arith.constant 0 : i32
      %dma_wait3A_99 = tpu.memref_slice %arg4[%dma_wait3A_98] : memref<325632xi32, #tpu.memory_space<hbm>> -> memref<64xi32, #tpu.memory_space<hbm>>
      %dma_wait3A_100 = arith.constant 0 : i32
      %dma_wait3A_101 = tpu.memref_slice %arg4[%dma_wait3A_100] : memref<325632xi32, #tpu.memory_space<hbm>> -> memref<64xi32, #tpu.memory_space<hbm>>
      tpu.wait_dma2 semaphore(%arg16 : memref<!tpu.dma_semaphore, #tpu.memory_space<semaphore_mem>>) src(%dma_wait3A_101 : memref<64xi32, #tpu.memory_space<hbm>>) dst(%arg8 : memref<64xi32, #tpu.memory_space<vmem>>)
      "tpu.region"() ({
        %run_scoped3A = tpu.sem_alloc : memref<!tpu.dma_semaphore, #tpu.memory_space<semaphore_mem>>
        %dma_start3A_170 = arith.constant 0 : i32
        %dma_start3A_171 = arith.constant 0 : i32
        %dma_start3A_172 = tpu.memref_slice %arg14[%dma_start3A_170, %dma_start3A_171] : memref<10112x128xf32, #tpu.memory_space<vmem_shared>> -> memref<10112x128xf32, #tpu.memory_space<vmem_shared>>
        tpu.enqueue_indirect_dma source(%arg11 : memref<64x128xf32, #tpu.memory_space<vmem>>) target(%dma_start3A_172 : memref<10112x128xf32, #tpu.memory_space<vmem_shared>>) offsets(%arg8 : memref<64xi32, #tpu.memory_space<vmem>>) semaphore(%run_scoped3A : memref<!tpu.dma_semaphore, #tpu.memory_space<semaphore_mem>>) {add = true}
        %dma_wait3A_173 = arith.constant 0 : i32
        %dma_wait3A_174 = arith.constant 0 : i32
        %dma_wait3A_175 = tpu.memref_slice %arg14[%dma_wait3A_173, %dma_wait3A_174] : memref<10112x128xf32, #tpu.memory_space<vmem_shared>> -> memref<10112x128xf32, #tpu.memory_space<vmem_shared>>
        tpu.wait_indirect_dma semaphore(%run_scoped3A : memref<!tpu.dma_semaphore, #tpu.memory_space<semaphore_mem>>) src(%arg11 : memref<64x128xf32, #tpu.memory_space<vmem>>) dst(%dma_wait3A_175 : memref<10112x128xf32, #tpu.memory_space<vmem_shared>>)
        tpu.yield
      }) : () -> ()
      %add3A_102 = arith.constant 3 : i32
      %add3A_103 = arith.addi %mul3A_91, %add3A_102 : i32
      %min3A = arith.constant 158 : i32
      %min3A_104 = arith.minsi %add3A_103, %min3A : i32
      %dma_start3A_105 = arith.constant 0 : i32
      %dma_start3A_106 = tpu.memref_slice %arg7[%min3A_104, %dma_start3A_105] : memref<159x64xi32, #tpu.memory_space<vmem>> -> memref<1x64xi32, #tpu.memory_space<vmem>>
      %dma_start3A_107 = tpu.memref_squeeze %dma_start3A_106 : memref<1x64xi32, #tpu.memory_space<vmem>> -> memref<64xi32, #tpu.memory_space<vmem>>
      %dma_start3A_108 = arith.constant 0 : i32
      %dma_start3A_109 = arith.constant 0 : i32
      %dma_start3A_110 = tpu.memref_slice %arg2[%dma_start3A_108, %dma_start3A_109] : memref<10000x128xf32, #tpu.memory_space<hbm>> -> memref<10000x128xf32, #tpu.memory_space<hbm>>
      tpu.enqueue_indirect_dma source(%dma_start3A_110 : memref<10000x128xf32, #tpu.memory_space<hbm>>) target(%arg11 : memref<64x128xf32, #tpu.memory_space<vmem>>) offsets(%dma_start3A_107 : memref<64xi32, #tpu.memory_space<vmem>>) semaphore(%arg19 : memref<!tpu.dma_semaphore, #tpu.memory_space<semaphore_mem>>)
      %mul3A_111 = arith.constant 64 : i32
      %mul3A_112 = arith.muli %min3A_104, %mul3A_111 : i32
      %add3A_113 = arith.addi %mul3A_6, %mul3A_112 : i32
      %dma_start3A_114 = tpu.memref_slice %arg4[%add3A_113] : memref<325632xi32, #tpu.memory_space<hbm>> -> memref<64xi32, #tpu.memory_space<hbm>>
      %dma_start3A_115 = tpu.memref_slice %arg4[%add3A_113] : memref<325632xi32, #tpu.memory_space<hbm>> -> memref<64xi32, #tpu.memory_space<hbm>>
      tpu.enqueue_dma source(%dma_start3A_115 : memref<64xi32, #tpu.memory_space<hbm>>) target(%arg8 : memref<64xi32, #tpu.memory_space<vmem>>) target_semaphore(%arg16 : memref<!tpu.dma_semaphore, #tpu.memory_space<semaphore_mem>>)
      %add3A_116 = arith.constant 1 : i32
      %add3A_117 = arith.addi %mul3A_91, %add3A_116 : i32
      %dma_wait3A_118 = arith.constant 0 : i32
      %dma_wait3A_119 = arith.constant 0 : i32
      %dma_wait3A_120 = tpu.memref_slice %arg2[%dma_wait3A_118, %dma_wait3A_119] : memref<10000x128xf32, #tpu.memory_space<hbm>> -> memref<64x128xf32, #tpu.memory_space<hbm>>
      %dma_wait3A_121 = arith.constant 0 : i32
      %dma_wait3A_122 = arith.constant 0 : i32
      %dma_wait3A_123 = tpu.memref_slice %arg2[%dma_wait3A_121, %dma_wait3A_122] : memref<10000x128xf32, #tpu.memory_space<hbm>> -> memref<64x128xf32, #tpu.memory_space<hbm>>
      tpu.wait_dma2 semaphore(%arg20 : memref<!tpu.dma_semaphore, #tpu.memory_space<semaphore_mem>>) src(%dma_wait3A_123 : memref<64x128xf32, #tpu.memory_space<hbm>>) dst(%arg12 : memref<64x128xf32, #tpu.memory_space<vmem>>)
      %dma_wait3A_124 = arith.constant 0 : i32
      %dma_wait3A_125 = tpu.memref_slice %arg4[%dma_wait3A_124] : memref<325632xi32, #tpu.memory_space<hbm>> -> memref<64xi32, #tpu.memory_space<hbm>>
      %dma_wait3A_126 = arith.constant 0 : i32
      %dma_wait3A_127 = tpu.memref_slice %arg4[%dma_wait3A_126] : memref<325632xi32, #tpu.memory_space<hbm>> -> memref<64xi32, #tpu.memory_space<hbm>>
      tpu.wait_dma2 semaphore(%arg17 : memref<!tpu.dma_semaphore, #tpu.memory_space<semaphore_mem>>) src(%dma_wait3A_127 : memref<64xi32, #tpu.memory_space<hbm>>) dst(%arg9 : memref<64xi32, #tpu.memory_space<vmem>>)
      "tpu.region"() ({
        %run_scoped3A = tpu.sem_alloc : memref<!tpu.dma_semaphore, #tpu.memory_space<semaphore_mem>>
        %dma_start3A_170 = arith.constant 0 : i32
        %dma_start3A_171 = arith.constant 0 : i32
        %dma_start3A_172 = tpu.memref_slice %arg14[%dma_start3A_170, %dma_start3A_171] : memref<10112x128xf32, #tpu.memory_space<vmem_shared>> -> memref<10112x128xf32, #tpu.memory_space<vmem_shared>>
        tpu.enqueue_indirect_dma source(%arg12 : memref<64x128xf32, #tpu.memory_space<vmem>>) target(%dma_start3A_172 : memref<10112x128xf32, #tpu.memory_space<vmem_shared>>) offsets(%arg9 : memref<64xi32, #tpu.memory_space<vmem>>) semaphore(%run_scoped3A : memref<!tpu.dma_semaphore, #tpu.memory_space<semaphore_mem>>) {add = true}
        %dma_wait3A_173 = arith.constant 0 : i32
        %dma_wait3A_174 = arith.constant 0 : i32
        %dma_wait3A_175 = tpu.memref_slice %arg14[%dma_wait3A_173, %dma_wait3A_174] : memref<10112x128xf32, #tpu.memory_space<vmem_shared>> -> memref<10112x128xf32, #tpu.memory_space<vmem_shared>>
        tpu.wait_indirect_dma semaphore(%run_scoped3A : memref<!tpu.dma_semaphore, #tpu.memory_space<semaphore_mem>>) src(%arg12 : memref<64x128xf32, #tpu.memory_space<vmem>>) dst(%dma_wait3A_175 : memref<10112x128xf32, #tpu.memory_space<vmem_shared>>)
        tpu.yield
      }) : () -> ()
      %add3A_128 = arith.constant 3 : i32
      %add3A_129 = arith.addi %add3A_117, %add3A_128 : i32
      %min3A_130 = arith.constant 158 : i32
      %min3A_131 = arith.minsi %add3A_129, %min3A_130 : i32
      %dma_start3A_132 = arith.constant 0 : i32
      %dma_start3A_133 = tpu.memref_slice %arg7[%min3A_131, %dma_start3A_132] : memref<159x64xi32, #tpu.memory_space<vmem>> -> memref<1x64xi32, #tpu.memory_space<vmem>>
      %dma_start3A_134 = tpu.memref_squeeze %dma_start3A_133 : memref<1x64xi32, #tpu.memory_space<vmem>> -> memref<64xi32, #tpu.memory_space<vmem>>
      %dma_start3A_135 = arith.constant 0 : i32
      %dma_start3A_136 = arith.constant 0 : i32
      %dma_start3A_137 = tpu.memref_slice %arg2[%dma_start3A_135, %dma_start3A_136] : memref<10000x128xf32, #tpu.memory_space<hbm>> -> memref<10000x128xf32, #tpu.memory_space<hbm>>
      tpu.enqueue_indirect_dma source(%dma_start3A_137 : memref<10000x128xf32, #tpu.memory_space<hbm>>) target(%arg12 : memref<64x128xf32, #tpu.memory_space<vmem>>) offsets(%dma_start3A_134 : memref<64xi32, #tpu.memory_space<vmem>>) semaphore(%arg20 : memref<!tpu.dma_semaphore, #tpu.memory_space<semaphore_mem>>)
      %mul3A_138 = arith.constant 64 : i32
      %mul3A_139 = arith.muli %min3A_131, %mul3A_138 : i32
      %add3A_140 = arith.addi %mul3A_6, %mul3A_139 : i32
      %dma_start3A_141 = tpu.memref_slice %arg4[%add3A_140] : memref<325632xi32, #tpu.memory_space<hbm>> -> memref<64xi32, #tpu.memory_space<hbm>>
      %dma_start3A_142 = tpu.memref_slice %arg4[%add3A_140] : memref<325632xi32, #tpu.memory_space<hbm>> -> memref<64xi32, #tpu.memory_space<hbm>>
      tpu.enqueue_dma source(%dma_start3A_142 : memref<64xi32, #tpu.memory_space<hbm>>) target(%arg9 : memref<64xi32, #tpu.memory_space<vmem>>) target_semaphore(%arg17 : memref<!tpu.dma_semaphore, #tpu.memory_space<semaphore_mem>>)
      %add3A_143 = arith.constant 2 : i32
      %add3A_144 = arith.addi %mul3A_91, %add3A_143 : i32
      %dma_wait3A_145 = arith.constant 0 : i32
      %dma_wait3A_146 = arith.constant 0 : i32
      %dma_wait3A_147 = tpu.memref_slice %arg2[%dma_wait3A_145, %dma_wait3A_146] : memref<10000x128xf32, #tpu.memory_space<hbm>> -> memref<64x128xf32, #tpu.memory_space<hbm>>
      %dma_wait3A_148 = arith.constant 0 : i32
      %dma_wait3A_149 = arith.constant 0 : i32
      %dma_wait3A_150 = tpu.memref_slice %arg2[%dma_wait3A_148, %dma_wait3A_149] : memref<10000x128xf32, #tpu.memory_space<hbm>> -> memref<64x128xf32, #tpu.memory_space<hbm>>
      tpu.wait_dma2 semaphore(%arg21 : memref<!tpu.dma_semaphore, #tpu.memory_space<semaphore_mem>>) src(%dma_wait3A_150 : memref<64x128xf32, #tpu.memory_space<hbm>>) dst(%arg13 : memref<64x128xf32, #tpu.memory_space<vmem>>)
      %dma_wait3A_151 = arith.constant 0 : i32
      %dma_wait3A_152 = tpu.memref_slice %arg4[%dma_wait3A_151] : memref<325632xi32, #tpu.memory_space<hbm>> -> memref<64xi32, #tpu.memory_space<hbm>>
      %dma_wait3A_153 = arith.constant 0 : i32
      %dma_wait3A_154 = tpu.memref_slice %arg4[%dma_wait3A_153] : memref<325632xi32, #tpu.memory_space<hbm>> -> memref<64xi32, #tpu.memory_space<hbm>>
      tpu.wait_dma2 semaphore(%arg18 : memref<!tpu.dma_semaphore, #tpu.memory_space<semaphore_mem>>) src(%dma_wait3A_154 : memref<64xi32, #tpu.memory_space<hbm>>) dst(%arg10 : memref<64xi32, #tpu.memory_space<vmem>>)
      "tpu.region"() ({
        %run_scoped3A = tpu.sem_alloc : memref<!tpu.dma_semaphore, #tpu.memory_space<semaphore_mem>>
        %dma_start3A_170 = arith.constant 0 : i32
        %dma_start3A_171 = arith.constant 0 : i32
        %dma_start3A_172 = tpu.memref_slice %arg14[%dma_start3A_170, %dma_start3A_171] : memref<10112x128xf32, #tpu.memory_space<vmem_shared>> -> memref<10112x128xf32, #tpu.memory_space<vmem_shared>>
        tpu.enqueue_indirect_dma source(%arg13 : memref<64x128xf32, #tpu.memory_space<vmem>>) target(%dma_start3A_172 : memref<10112x128xf32, #tpu.memory_space<vmem_shared>>) offsets(%arg10 : memref<64xi32, #tpu.memory_space<vmem>>) semaphore(%run_scoped3A : memref<!tpu.dma_semaphore, #tpu.memory_space<semaphore_mem>>) {add = true}
        %dma_wait3A_173 = arith.constant 0 : i32
        %dma_wait3A_174 = arith.constant 0 : i32
        %dma_wait3A_175 = tpu.memref_slice %arg14[%dma_wait3A_173, %dma_wait3A_174] : memref<10112x128xf32, #tpu.memory_space<vmem_shared>> -> memref<10112x128xf32, #tpu.memory_space<vmem_shared>>
        tpu.wait_indirect_dma semaphore(%run_scoped3A : memref<!tpu.dma_semaphore, #tpu.memory_space<semaphore_mem>>) src(%arg13 : memref<64x128xf32, #tpu.memory_space<vmem>>) dst(%dma_wait3A_175 : memref<10112x128xf32, #tpu.memory_space<vmem_shared>>)
        tpu.yield
      }) : () -> ()
      %add3A_155 = arith.constant 3 : i32
      %add3A_156 = arith.addi %add3A_144, %add3A_155 : i32
      %min3A_157 = arith.constant 158 : i32
      %min3A_158 = arith.minsi %add3A_156, %min3A_157 : i32
      %dma_start3A_159 = arith.constant 0 : i32
      %dma_start3A_160 = tpu.memref_slice %arg7[%min3A_158, %dma_start3A_159] : memref<159x64xi32, #tpu.memory_space<vmem>> -> memref<1x64xi32, #tpu.memory_space<vmem>>
      %dma_start3A_161 = tpu.memref_squeeze %dma_start3A_160 : memref<1x64xi32, #tpu.memory_space<vmem>> -> memref<64xi32, #tpu.memory_space<vmem>>
      %dma_start3A_162 = arith.constant 0 : i32
      %dma_start3A_163 = arith.constant 0 : i32
      %dma_start3A_164 = tpu.memref_slice %arg2[%dma_start3A_162, %dma_start3A_163] : memref<10000x128xf32, #tpu.memory_space<hbm>> -> memref<10000x128xf32, #tpu.memory_space<hbm>>
      tpu.enqueue_indirect_dma source(%dma_start3A_164 : memref<10000x128xf32, #tpu.memory_space<hbm>>) target(%arg13 : memref<64x128xf32, #tpu.memory_space<vmem>>) offsets(%dma_start3A_161 : memref<64xi32, #tpu.memory_space<vmem>>) semaphore(%arg21 : memref<!tpu.dma_semaphore, #tpu.memory_space<semaphore_mem>>)
      %mul3A_165 = arith.constant 64 : i32
      %mul3A_166 = arith.muli %min3A_158, %mul3A_165 : i32
      %add3A_167 = arith.addi %mul3A_6, %mul3A_166 : i32
      %dma_start3A_168 = tpu.memref_slice %arg4[%add3A_167] : memref<325632xi32, #tpu.memory_space<hbm>> -> memref<64xi32, #tpu.memory_space<hbm>>
      %dma_start3A_169 = tpu.memref_slice %arg4[%add3A_167] : memref<325632xi32, #tpu.memory_space<hbm>> -> memref<64xi32, #tpu.memory_space<hbm>>
      tpu.enqueue_dma source(%dma_start3A_169 : memref<64xi32, #tpu.memory_space<hbm>>) target(%arg10 : memref<64xi32, #tpu.memory_space<vmem>>) target_semaphore(%arg18 : memref<!tpu.dma_semaphore, #tpu.memory_space<semaphore_mem>>)
    }
    %scan3A_57 = arith.constant 53 : i32
    %dma_wait3A_58 = arith.constant 0 : i32
    %dma_wait3A_59 = arith.constant 0 : i32
    %dma_wait3A_60 = tpu.memref_slice %arg2[%dma_wait3A_58, %dma_wait3A_59] : memref<10000x128xf32, #tpu.memory_space<hbm>> -> memref<64x128xf32, #tpu.memory_space<hbm>>
    %dma_wait3A_61 = arith.constant 0 : i32
    %dma_wait3A_62 = arith.constant 0 : i32
    %dma_wait3A_63 = tpu.memref_slice %arg2[%dma_wait3A_61, %dma_wait3A_62] : memref<10000x128xf32, #tpu.memory_space<hbm>> -> memref<64x128xf32, #tpu.memory_space<hbm>>
    tpu.wait_dma2 semaphore(%arg19 : memref<!tpu.dma_semaphore, #tpu.memory_space<semaphore_mem>>) src(%dma_wait3A_63 : memref<64x128xf32, #tpu.memory_space<hbm>>) dst(%arg11 : memref<64x128xf32, #tpu.memory_space<vmem>>)
    %dma_wait3A_64 = arith.constant 0 : i32
    %dma_wait3A_65 = arith.constant 0 : i32
    %dma_wait3A_66 = tpu.memref_slice %arg2[%dma_wait3A_64, %dma_wait3A_65] : memref<10000x128xf32, #tpu.memory_space<hbm>> -> memref<64x128xf32, #tpu.memory_space<hbm>>
    %dma_wait3A_67 = arith.constant 0 : i32
    %dma_wait3A_68 = arith.constant 0 : i32
    %dma_wait3A_69 = tpu.memref_slice %arg2[%dma_wait3A_67, %dma_wait3A_68] : memref<10000x128xf32, #tpu.memory_space<hbm>> -> memref<64x128xf32, #tpu.memory_space<hbm>>
    tpu.wait_dma2 semaphore(%arg20 : memref<!tpu.dma_semaphore, #tpu.memory_space<semaphore_mem>>) src(%dma_wait3A_69 : memref<64x128xf32, #tpu.memory_space<hbm>>) dst(%arg12 : memref<64x128xf32, #tpu.memory_space<vmem>>)
    %dma_wait3A_70 = arith.constant 0 : i32
    %dma_wait3A_71 = arith.constant 0 : i32
    %dma_wait3A_72 = tpu.memref_slice %arg2[%dma_wait3A_70, %dma_wait3A_71] : memref<10000x128xf32, #tpu.memory_space<hbm>> -> memref<64x128xf32, #tpu.memory_space<hbm>>
    %dma_wait3A_73 = arith.constant 0 : i32
    %dma_wait3A_74 = arith.constant 0 : i32
    %dma_wait3A_75 = tpu.memref_slice %arg2[%dma_wait3A_73, %dma_wait3A_74] : memref<10000x128xf32, #tpu.memory_space<hbm>> -> memref<64x128xf32, #tpu.memory_space<hbm>>
    tpu.wait_dma2 semaphore(%arg21 : memref<!tpu.dma_semaphore, #tpu.memory_space<semaphore_mem>>) src(%dma_wait3A_75 : memref<64x128xf32, #tpu.memory_space<hbm>>) dst(%arg13 : memref<64x128xf32, #tpu.memory_space<vmem>>)
    %dma_wait3A_76 = arith.constant 0 : i32
    %dma_wait3A_77 = tpu.memref_slice %arg4[%dma_wait3A_76] : memref<325632xi32, #tpu.memory_space<hbm>> -> memref<64xi32, #tpu.memory_space<hbm>>
    %dma_wait3A_78 = arith.constant 0 : i32
    %dma_wait3A_79 = tpu.memref_slice %arg4[%dma_wait3A_78] : memref<325632xi32, #tpu.memory_space<hbm>> -> memref<64xi32, #tpu.memory_space<hbm>>
    tpu.wait_dma2 semaphore(%arg16 : memref<!tpu.dma_semaphore, #tpu.memory_space<semaphore_mem>>) src(%dma_wait3A_79 : memref<64xi32, #tpu.memory_space<hbm>>) dst(%arg8 : memref<64xi32, #tpu.memory_space<vmem>>)
    %dma_wait3A_80 = arith.constant 0 : i32
    %dma_wait3A_81 = tpu.memref_slice %arg4[%dma_wait3A_80] : memref<325632xi32, #tpu.memory_space<hbm>> -> memref<64xi32, #tpu.memory_space<hbm>>
    %dma_wait3A_82 = arith.constant 0 : i32
    %dma_wait3A_83 = tpu.memref_slice %arg4[%dma_wait3A_82] : memref<325632xi32, #tpu.memory_space<hbm>> -> memref<64xi32, #tpu.memory_space<hbm>>
    tpu.wait_dma2 semaphore(%arg17 : memref<!tpu.dma_semaphore, #tpu.memory_space<semaphore_mem>>) src(%dma_wait3A_83 : memref<64xi32, #tpu.memory_space<hbm>>) dst(%arg9 : memref<64xi32, #tpu.memory_space<vmem>>)
    %dma_wait3A_84 = arith.constant 0 : i32
    %dma_wait3A_85 = tpu.memref_slice %arg4[%dma_wait3A_84] : memref<325632xi32, #tpu.memory_space<hbm>> -> memref<64xi32, #tpu.memory_space<hbm>>
    %dma_wait3A_86 = arith.constant 0 : i32
    %dma_wait3A_87 = tpu.memref_slice %arg4[%dma_wait3A_86] : memref<325632xi32, #tpu.memory_space<hbm>> -> memref<64xi32, #tpu.memory_space<hbm>>
    tpu.wait_dma2 semaphore(%arg18 : memref<!tpu.dma_semaphore, #tpu.memory_space<semaphore_mem>>) src(%dma_wait3A_87 : memref<64xi32, #tpu.memory_space<hbm>>) dst(%arg10 : memref<64xi32, #tpu.memory_space<vmem>>)
    %barrier3A_88 = arith.constant 0 : index
    tpu.barrier barrier_id(%barrier3A_88)
    "tpu.region"() ({
      %run_scoped3A = tpu.sem_alloc : memref<!tpu.dma_semaphore, #tpu.memory_space<semaphore_mem>>
      %dma_start3A_89 = arith.constant 0 : i32
      %dma_start3A_90 = tpu.memref_slice %arg6[%arg0, %mul3A_2, %dma_start3A_89] : memref<2x10112x128xf32, #tpu.memory_space<hbm>> -> memref<1x632x128xf32, #tpu.memory_space<hbm>>
      %dma_start3A_91 = tpu.memref_squeeze %dma_start3A_90 : memref<1x632x128xf32, #tpu.memory_space<hbm>> -> memref<632x128xf32, #tpu.memory_space<hbm>>
      %dma_start3A_92 = arith.constant 0 : i32
      %dma_start3A_93 = tpu.memref_slice %arg14[%mul3A_2, %dma_start3A_92] : memref<10112x128xf32, #tpu.memory_space<vmem_shared>> -> memref<632x128xf32, #tpu.memory_space<vmem_shared>>
      tpu.enqueue_dma source(%dma_start3A_93 : memref<632x128xf32, #tpu.memory_space<vmem_shared>>) target(%dma_start3A_91 : memref<632x128xf32, #tpu.memory_space<hbm>>) target_semaphore(%run_scoped3A : memref<!tpu.dma_semaphore, #tpu.memory_space<semaphore_mem>>)
      %dma_wait3A_94 = arith.constant 0 : i32
      %dma_wait3A_95 = tpu.memref_slice %arg6[%arg0, %mul3A_2, %dma_wait3A_94] : memref<2x10112x128xf32, #tpu.memory_space<hbm>> -> memref<1x632x128xf32, #tpu.memory_space<hbm>>
      %dma_wait3A_96 = tpu.memref_squeeze %dma_wait3A_95 : memref<1x632x128xf32, #tpu.memory_space<hbm>> -> memref<632x128xf32, #tpu.memory_space<hbm>>
      %dma_wait3A_97 = arith.constant 0 : i32
      %dma_wait3A_98 = tpu.memref_slice %arg14[%mul3A_2, %dma_wait3A_97] : memref<10112x128xf32, #tpu.memory_space<vmem_shared>> -> memref<632x128xf32, #tpu.memory_space<vmem_shared>>
      tpu.wait_dma2 semaphore(%run_scoped3A : memref<!tpu.dma_semaphore, #tpu.memory_space<semaphore_mem>>) src(%dma_wait3A_98 : memref<632x128xf32, #tpu.memory_space<vmem_shared>>) dst(%dma_wait3A_96 : memref<632x128xf32, #tpu.memory_space<hbm>>)
      tpu.yield
    }) : () -> ()
    return
  }
}

#map = affine_map<(d0, d1) -> (0, 0)>
#map1 = affine_map<(d0, d1) -> (0, 0, 0)>
#map2 = affine_map<(d0, d1) -> (0)>
module attributes {stable_mosaic.version = 14 : i64} {
  func.func @body(%arg0: i32, %arg1: i32, %arg2: memref<10000x128xf32, #tpu.memory_space<hbm>>, %arg3: memref<32x159x64xi32, #tpu.memory_space<hbm>>, %arg4: memref<325632xi32, #tpu.memory_space<hbm>>, %arg5: memref<10112x128xf32, #tpu.memory_space<hbm>>, %arg6: memref<2x10112x128xf32, #tpu.memory_space<hbm>>, %arg7: memref<159x64xi32, #tpu.memory_space<vmem>>, %arg8: memref<64xi32, #tpu.memory_space<vmem>>, %arg9: memref<64xi32, #tpu.memory_space<vmem>>, %arg10: memref<64xi32, #tpu.memory_space<vmem>>, %arg11: memref<64x128xf32, #tpu.memory_space<vmem>>, %arg12: memref<64x128xf32, #tpu.memory_space<vmem>>, %arg13: memref<64x128xf32, #tpu.memory_space<vmem>>, %arg14: memref<10112x128xf32, #tpu.memory_space<vmem_shared>>, %arg15: memref<!tpu.dma_semaphore, #tpu.memory_space<semaphore_mem>>, %arg16: memref<!tpu.dma_semaphore, #tpu.memory_space<semaphore_mem>>, %arg17: memref<!tpu.dma_semaphore, #tpu.memory_space<semaphore_mem>>, %arg18: memref<!tpu.dma_semaphore, #tpu.memory_space<semaphore_mem>>, %arg19: memref<!tpu.dma_semaphore, #tpu.memory_space<semaphore_mem>>, %arg20: memref<!tpu.dma_semaphore, #tpu.memory_space<semaphore_mem>>, %arg21: memref<!tpu.dma_semaphore, #tpu.memory_space<semaphore_mem>>) attributes {dimension_semantics = [#tpu.dimension_semantics<core_parallel>, #tpu.dimension_semantics<subcore_parallel>], iteration_bounds = array<i64: 2, 16>, scalar_prefetch = 0 : i64, scratch_operands = 15 : i64, tpu.core_type = #tpu.core_type<sc_vector_subcore>, window_params = [{transform_indices = #map}, {transform_indices = #map1}, {transform_indices = #map2}, {transform_indices = #map}, {transform_indices = #map1}]} {
    %mul3A = arith.constant 2 : i32
    %mul3A_0 = arith.muli %arg1, %mul3A : i32
    %add3A = arith.addi %mul3A_0, %arg0 : i32
    %mul3A_1 = arith.constant 632 : i32
    %mul3A_2 = arith.muli %arg1, %mul3A_1 : i32
    %mul3A_3 = arith.constant 159 : i32
    %mul3A_4 = arith.muli %add3A, %mul3A_3 : i32
    %mul3A_5 = arith.constant 64 : i32
    %mul3A_6 = arith.muli %mul3A_4, %mul3A_5 : i32
    "tpu.region"() ({
      %run_scoped3A = tpu.sem_alloc : memref<!tpu.dma_semaphore, #tpu.memory_space<semaphore_mem>>
      %dma_start3A_89 = arith.constant 0 : i32
      %dma_start3A_90 = tpu.memref_slice %arg14[%mul3A_2, %dma_start3A_89] : memref<10112x128xf32, #tpu.memory_space<vmem_shared>> -> memref<632x128xf32, #tpu.memory_space<vmem_shared>>
      %dma_start3A_91 = arith.constant 0 : i32
      %dma_start3A_92 = tpu.memref_slice %arg5[%mul3A_2, %dma_start3A_91] : memref<10112x128xf32, #tpu.memory_space<hbm>> -> memref<632x128xf32, #tpu.memory_space<hbm>>
      tpu.enqueue_dma source(%dma_start3A_92 : memref<632x128xf32, #tpu.memory_space<hbm>>) target(%dma_start3A_90 : memref<632x128xf32, #tpu.memory_space<vmem_shared>>) target_semaphore(%run_scoped3A : memref<!tpu.dma_semaphore, #tpu.memory_space<semaphore_mem>>)
      %dma_wait3A_93 = arith.constant 0 : i32
      %dma_wait3A_94 = tpu.memref_slice %arg14[%mul3A_2, %dma_wait3A_93] : memref<10112x128xf32, #tpu.memory_space<vmem_shared>> -> memref<632x128xf32, #tpu.memory_space<vmem_shared>>
      %dma_wait3A_95 = arith.constant 0 : i32
      %dma_wait3A_96 = tpu.memref_slice %arg5[%mul3A_2, %dma_wait3A_95] : memref<10112x128xf32, #tpu.memory_space<hbm>> -> memref<632x128xf32, #tpu.memory_space<hbm>>
      tpu.wait_dma2 semaphore(%run_scoped3A : memref<!tpu.dma_semaphore, #tpu.memory_space<semaphore_mem>>) src(%dma_wait3A_96 : memref<632x128xf32, #tpu.memory_space<hbm>>) dst(%dma_wait3A_94 : memref<632x128xf32, #tpu.memory_space<vmem_shared>>)
      tpu.yield
    }) : () -> ()
    %dma_start3A = arith.constant 0 : i32
    %dma_start3A_7 = arith.constant 0 : i32
    %dma_start3A_8 = tpu.memref_slice %arg3[%add3A, %dma_start3A, %dma_start3A_7] : memref<32x159x64xi32, #tpu.memory_space<hbm>> -> memref<1x159x64xi32, #tpu.memory_space<hbm>>
    %dma_start3A_9 = tpu.memref_squeeze %dma_start3A_8 : memref<1x159x64xi32, #tpu.memory_space<hbm>> -> memref<159x64xi32, #tpu.memory_space<hbm>>
    %dma_start3A_10 = arith.constant 0 : i32
    %dma_start3A_11 = arith.constant 0 : i32
    %dma_start3A_12 = tpu.memref_slice %arg3[%add3A, %dma_start3A_10, %dma_start3A_11] : memref<32x159x64xi32, #tpu.memory_space<hbm>> -> memref<1x159x64xi32, #tpu.memory_space<hbm>>
    %dma_start3A_13 = tpu.memref_squeeze %dma_start3A_12 : memref<1x159x64xi32, #tpu.memory_space<hbm>> -> memref<159x64xi32, #tpu.memory_space<hbm>>
    tpu.enqueue_dma source(%dma_start3A_13 : memref<159x64xi32, #tpu.memory_space<hbm>>) target(%arg7 : memref<159x64xi32, #tpu.memory_space<vmem>>) target_semaphore(%arg15 : memref<!tpu.dma_semaphore, #tpu.memory_space<semaphore_mem>>)
    %dma_start3A_14 = tpu.memref_slice %arg4[%mul3A_6] : memref<325632xi32, #tpu.memory_space<hbm>> -> memref<64xi32, #tpu.memory_space<hbm>>
    %dma_start3A_15 = tpu.memref_slice %arg4[%mul3A_6] : memref<325632xi32, #tpu.memory_space<hbm>> -> memref<64xi32, #tpu.memory_space<hbm>>
    tpu.enqueue_dma source(%dma_start3A_15 : memref<64xi32, #tpu.memory_space<hbm>>) target(%arg8 : memref<64xi32, #tpu.memory_space<vmem>>) target_semaphore(%arg16 : memref<!tpu.dma_semaphore, #tpu.memory_space<semaphore_mem>>)
    %add3A_16 = arith.constant 64 : i32
    %add3A_17 = arith.addi %mul3A_6, %add3A_16 : i32
    %dma_start3A_18 = tpu.memref_slice %arg4[%add3A_17] : memref<325632xi32, #tpu.memory_space<hbm>> -> memref<64xi32, #tpu.memory_space<hbm>>
    %dma_start3A_19 = tpu.memref_slice %arg4[%add3A_17] : memref<325632xi32, #tpu.memory_space<hbm>> -> memref<64xi32, #tpu.memory_space<hbm>>
    tpu.enqueue_dma source(%dma_start3A_19 : memref<64xi32, #tpu.memory_space<hbm>>) target(%arg9 : memref<64xi32, #tpu.memory_space<vmem>>) target_semaphore(%arg17 : memref<!tpu.dma_semaphore, #tpu.memory_space<semaphore_mem>>)
    %add3A_20 = arith.constant 128 : i32
    %add3A_21 = arith.addi %mul3A_6, %add3A_20 : i32
    %dma_start3A_22 = tpu.memref_slice %arg4[%add3A_21] : memref<325632xi32, #tpu.memory_space<hbm>> -> memref<64xi32, #tpu.memory_space<hbm>>
    %dma_start3A_23 = tpu.memref_slice %arg4[%add3A_21] : memref<325632xi32, #tpu.memory_space<hbm>> -> memref<64xi32, #tpu.memory_space<hbm>>
    tpu.enqueue_dma source(%dma_start3A_23 : memref<64xi32, #tpu.memory_space<hbm>>) target(%arg10 : memref<64xi32, #tpu.memory_space<vmem>>) target_semaphore(%arg18 : memref<!tpu.dma_semaphore, #tpu.memory_space<semaphore_mem>>)
    %dma_wait3A = arith.constant 0 : i32
    %dma_wait3A_24 = arith.constant 0 : i32
    %dma_wait3A_25 = arith.constant 0 : i32
    %dma_wait3A_26 = tpu.memref_slice %arg3[%dma_wait3A, %dma_wait3A_24, %dma_wait3A_25] : memref<32x159x64xi32, #tpu.memory_space<hbm>> -> memref<1x159x64xi32, #tpu.memory_space<hbm>>
    %dma_wait3A_27 = tpu.memref_squeeze %dma_wait3A_26 : memref<1x159x64xi32, #tpu.memory_space<hbm>> -> memref<159x64xi32, #tpu.memory_space<hbm>>
    %dma_wait3A_28 = arith.constant 0 : i32
    %dma_wait3A_29 = arith.constant 0 : i32
    %dma_wait3A_30 = tpu.memref_slice %arg3[%dma_wait3A, %dma_wait3A_28, %dma_wait3A_29] : memref<32x159x64xi32, #tpu.memory_space<hbm>> -> memref<1x159x64xi32, #tpu.memory_space<hbm>>
    %dma_wait3A_31 = tpu.memref_squeeze %dma_wait3A_30 : memref<1x159x64xi32, #tpu.memory_space<hbm>> -> memref<159x64xi32, #tpu.memory_space<hbm>>
    tpu.wait_dma2 semaphore(%arg15 : memref<!tpu.dma_semaphore, #tpu.memory_space<semaphore_mem>>) src(%dma_wait3A_31 : memref<159x64xi32, #tpu.memory_space<hbm>>) dst(%arg7 : memref<159x64xi32, #tpu.memory_space<vmem>>)
    %dma_start3A_32 = arith.constant 0 : i32
    %dma_start3A_33 = arith.constant 0 : i32
    %dma_start3A_34 = tpu.memref_slice %arg7[%dma_start3A_32, %dma_start3A_33] : memref<159x64xi32, #tpu.memory_space<vmem>> -> memref<1x64xi32, #tpu.memory_space<vmem>>
    %dma_start3A_35 = tpu.memref_squeeze %dma_start3A_34 : memref<1x64xi32, #tpu.memory_space<vmem>> -> memref<64xi32, #tpu.memory_space<vmem>>
    %dma_start3A_36 = arith.constant 0 : i32
    %dma_start3A_37 = arith.constant 0 : i32
    %dma_start3A_38 = tpu.memref_slice %arg2[%dma_start3A_36, %dma_start3A_37] : memref<10000x128xf32, #tpu.memory_space<hbm>> -> memref<10000x128xf32, #tpu.memory_space<hbm>>
    tpu.enqueue_indirect_dma source(%dma_start3A_38 : memref<10000x128xf32, #tpu.memory_space<hbm>>) target(%arg11 : memref<64x128xf32, #tpu.memory_space<vmem>>) offsets(%dma_start3A_35 : memref<64xi32, #tpu.memory_space<vmem>>) semaphore(%arg19 : memref<!tpu.dma_semaphore, #tpu.memory_space<semaphore_mem>>)
    %dma_start3A_39 = arith.constant 1 : i32
    %dma_start3A_40 = arith.constant 0 : i32
    %dma_start3A_41 = tpu.memref_slice %arg7[%dma_start3A_39, %dma_start3A_40] : memref<159x64xi32, #tpu.memory_space<vmem>> -> memref<1x64xi32, #tpu.memory_space<vmem>>
    %dma_start3A_42 = tpu.memref_squeeze %dma_start3A_41 : memref<1x64xi32, #tpu.memory_space<vmem>> -> memref<64xi32, #tpu.memory_space<vmem>>
    %dma_start3A_43 = arith.constant 0 : i32
    %dma_start3A_44 = arith.constant 0 : i32
    %dma_start3A_45 = tpu.memref_slice %arg2[%dma_start3A_43, %dma_start3A_44] : memref<10000x128xf32, #tpu.memory_space<hbm>> -> memref<10000x128xf32, #tpu.memory_space<hbm>>
    tpu.enqueue_indirect_dma source(%dma_start3A_45 : memref<10000x128xf32, #tpu.memory_space<hbm>>) target(%arg12 : memref<64x128xf32, #tpu.memory_space<vmem>>) offsets(%dma_start3A_42 : memref<64xi32, #tpu.memory_space<vmem>>) semaphore(%arg20 : memref<!tpu.dma_semaphore, #tpu.memory_space<semaphore_mem>>)
    %dma_start3A_46 = arith.constant 2 : i32
    %dma_start3A_47 = arith.constant 0 : i32
    %dma_start3A_48 = tpu.memref_slice %arg7[%dma_start3A_46, %dma_start3A_47] : memref<159x64xi32, #tpu.memory_space<vmem>> -> memref<1x64xi32, #tpu.memory_space<vmem>>
    %dma_start3A_49 = tpu.memref_squeeze %dma_start3A_48 : memref<1x64xi32, #tpu.memory_space<vmem>> -> memref<64xi32, #tpu.memory_space<vmem>>
    %dma_start3A_50 = arith.constant 0 : i32
    %dma_start3A_51 = arith.constant 0 : i32
    %dma_start3A_52 = tpu.memref_slice %arg2[%dma_start3A_50, %dma_start3A_51] : memref<10000x128xf32, #tpu.memory_space<hbm>> -> memref<10000x128xf32, #tpu.memory_space<hbm>>
    tpu.enqueue_indirect_dma source(%dma_start3A_52 : memref<10000x128xf32, #tpu.memory_space<hbm>>) target(%arg13 : memref<64x128xf32, #tpu.memory_space<vmem>>) offsets(%dma_start3A_49 : memref<64xi32, #tpu.memory_space<vmem>>) semaphore(%arg21 : memref<!tpu.dma_semaphore, #tpu.memory_space<semaphore_mem>>)
    %barrier3A = arith.constant 0 : index
    tpu.barrier barrier_id(%barrier3A)
    %scan3A = arith.constant 0 : i32
    %scan3A_53 = arith.constant 0 : i32
    %scan3A_54 = arith.constant 53 : i32
    %scan3A_55 = arith.addi %scan3A_53, %scan3A_54 : i32
    %scan3A_56 = arith.constant 1 : i32
    scf.for %scan3A_89 = %scan3A_53 to %scan3A_55 step %scan3A_56  : i32 {
      %mul3A_90 = arith.constant 3 : i32
      %mul3A_91 = arith.muli %mul3A_90, %scan3A_89 : i32
      %dma_wait3A_92 = arith.constant 0 : i32
      %dma_wait3A_93 = arith.constant 0 : i32
      %dma_wait3A_94 = tpu.memref_slice %arg2[%dma_wait3A_92, %dma_wait3A_93] : memref<10000x128xf32, #tpu.memory_space<hbm>> -> memref<64x128xf32, #tpu.memory_space<hbm>>
      %dma_wait3A_95 = arith.constant 0 : i32
      %dma_wait3A_96 = arith.constant 0 : i32
      %dma_wait3A_97 = tpu.memref_slice %arg2[%dma_wait3A_95, %dma_wait3A_96] : memref<10000x128xf32, #tpu.memory_space<hbm>> -> memref<64x128xf32, #tpu.memory_space<hbm>>
      tpu.wait_dma2 semaphore(%arg19 : memref<!tpu.dma_semaphore, #tpu.memory_space<semaphore_mem>>) src(%dma_wait3A_97 : memref<64x128xf32, #tpu.memory_space<hbm>>) dst(%arg11 : memref<64x128xf32, #tpu.memory_space<vmem>>)
      %dma_wait3A_98 = arith.constant 0 : i32
      %dma_wait3A_99 = tpu.memref_slice %arg4[%dma_wait3A_98] : memref<325632xi32, #tpu.memory_space<hbm>> -> memref<64xi32, #tpu.memory_space<hbm>>
      %dma_wait3A_100 = arith.constant 0 : i32
      %dma_wait3A_101 = tpu.memref_slice %arg4[%dma_wait3A_100] : memref<325632xi32, #tpu.memory_space<hbm>> -> memref<64xi32, #tpu.memory_space<hbm>>
      tpu.wait_dma2 semaphore(%arg16 : memref<!tpu.dma_semaphore, #tpu.memory_space<semaphore_mem>>) src(%dma_wait3A_101 : memref<64xi32, #tpu.memory_space<hbm>>) dst(%arg8 : memref<64xi32, #tpu.memory_space<vmem>>)
      "tpu.region"() ({
        %run_scoped3A = tpu.sem_alloc : memref<!tpu.dma_semaphore, #tpu.memory_space<semaphore_mem>>
        %dma_start3A_170 = arith.constant 0 : i32
        %dma_start3A_171 = arith.constant 0 : i32
        %dma_start3A_172 = tpu.memref_slice %arg14[%dma_start3A_170, %dma_start3A_171] : memref<10112x128xf32, #tpu.memory_space<vmem_shared>> -> memref<10112x128xf32, #tpu.memory_space<vmem_shared>>
        tpu.enqueue_indirect_dma source(%arg11 : memref<64x128xf32, #tpu.memory_space<vmem>>) target(%dma_start3A_172 : memref<10112x128xf32, #tpu.memory_space<vmem_shared>>) offsets(%arg8 : memref<64xi32, #tpu.memory_space<vmem>>) semaphore(%run_scoped3A : memref<!tpu.dma_semaphore, #tpu.memory_space<semaphore_mem>>) {add = true}
        %dma_wait3A_173 = arith.constant 0 : i32
        %dma_wait3A_174 = arith.constant 0 : i32
        %dma_wait3A_175 = tpu.memref_slice %arg14[%dma_wait3A_173, %dma_wait3A_174] : memref<10112x128xf32, #tpu.memory_space<vmem_shared>> -> memref<10112x128xf32, #tpu.memory_space<vmem_shared>>
        tpu.wait_indirect_dma semaphore(%run_scoped3A : memref<!tpu.dma_semaphore, #tpu.memory_space<semaphore_mem>>) src(%arg11 : memref<64x128xf32, #tpu.memory_space<vmem>>) dst(%dma_wait3A_175 : memref<10112x128xf32, #tpu.memory_space<vmem_shared>>)
        tpu.yield
      }) : () -> ()
      %add3A_102 = arith.constant 3 : i32
      %add3A_103 = arith.addi %mul3A_91, %add3A_102 : i32
      %min3A = arith.constant 158 : i32
      %min3A_104 = arith.minsi %add3A_103, %min3A : i32
      %dma_start3A_105 = arith.constant 0 : i32
      %dma_start3A_106 = tpu.memref_slice %arg7[%min3A_104, %dma_start3A_105] : memref<159x64xi32, #tpu.memory_space<vmem>> -> memref<1x64xi32, #tpu.memory_space<vmem>>
      %dma_start3A_107 = tpu.memref_squeeze %dma_start3A_106 : memref<1x64xi32, #tpu.memory_space<vmem>> -> memref<64xi32, #tpu.memory_space<vmem>>
      %dma_start3A_108 = arith.constant 0 : i32
      %dma_start3A_109 = arith.constant 0 : i32
      %dma_start3A_110 = tpu.memref_slice %arg2[%dma_start3A_108, %dma_start3A_109] : memref<10000x128xf32, #tpu.memory_space<hbm>> -> memref<10000x128xf32, #tpu.memory_space<hbm>>
      tpu.enqueue_indirect_dma source(%dma_start3A_110 : memref<10000x128xf32, #tpu.memory_space<hbm>>) target(%arg11 : memref<64x128xf32, #tpu.memory_space<vmem>>) offsets(%dma_start3A_107 : memref<64xi32, #tpu.memory_space<vmem>>) semaphore(%arg19 : memref<!tpu.dma_semaphore, #tpu.memory_space<semaphore_mem>>)
      %mul3A_111 = arith.constant 64 : i32
      %mul3A_112 = arith.muli %min3A_104, %mul3A_111 : i32
      %add3A_113 = arith.addi %mul3A_6, %mul3A_112 : i32
      %dma_start3A_114 = tpu.memref_slice %arg4[%add3A_113] : memref<325632xi32, #tpu.memory_space<hbm>> -> memref<64xi32, #tpu.memory_space<hbm>>
      %dma_start3A_115 = tpu.memref_slice %arg4[%add3A_113] : memref<325632xi32, #tpu.memory_space<hbm>> -> memref<64xi32, #tpu.memory_space<hbm>>
      tpu.enqueue_dma source(%dma_start3A_115 : memref<64xi32, #tpu.memory_space<hbm>>) target(%arg8 : memref<64xi32, #tpu.memory_space<vmem>>) target_semaphore(%arg16 : memref<!tpu.dma_semaphore, #tpu.memory_space<semaphore_mem>>)
      %add3A_116 = arith.constant 1 : i32
      %add3A_117 = arith.addi %mul3A_91, %add3A_116 : i32
      %dma_wait3A_118 = arith.constant 0 : i32
      %dma_wait3A_119 = arith.constant 0 : i32
      %dma_wait3A_120 = tpu.memref_slice %arg2[%dma_wait3A_118, %dma_wait3A_119] : memref<10000x128xf32, #tpu.memory_space<hbm>> -> memref<64x128xf32, #tpu.memory_space<hbm>>
      %dma_wait3A_121 = arith.constant 0 : i32
      %dma_wait3A_122 = arith.constant 0 : i32
      %dma_wait3A_123 = tpu.memref_slice %arg2[%dma_wait3A_121, %dma_wait3A_122] : memref<10000x128xf32, #tpu.memory_space<hbm>> -> memref<64x128xf32, #tpu.memory_space<hbm>>
      tpu.wait_dma2 semaphore(%arg20 : memref<!tpu.dma_semaphore, #tpu.memory_space<semaphore_mem>>) src(%dma_wait3A_123 : memref<64x128xf32, #tpu.memory_space<hbm>>) dst(%arg12 : memref<64x128xf32, #tpu.memory_space<vmem>>)
      %dma_wait3A_124 = arith.constant 0 : i32
      %dma_wait3A_125 = tpu.memref_slice %arg4[%dma_wait3A_124] : memref<325632xi32, #tpu.memory_space<hbm>> -> memref<64xi32, #tpu.memory_space<hbm>>
      %dma_wait3A_126 = arith.constant 0 : i32
      %dma_wait3A_127 = tpu.memref_slice %arg4[%dma_wait3A_126] : memref<325632xi32, #tpu.memory_space<hbm>> -> memref<64xi32, #tpu.memory_space<hbm>>
      tpu.wait_dma2 semaphore(%arg17 : memref<!tpu.dma_semaphore, #tpu.memory_space<semaphore_mem>>) src(%dma_wait3A_127 : memref<64xi32, #tpu.memory_space<hbm>>) dst(%arg9 : memref<64xi32, #tpu.memory_space<vmem>>)
      "tpu.region"() ({
        %run_scoped3A = tpu.sem_alloc : memref<!tpu.dma_semaphore, #tpu.memory_space<semaphore_mem>>
        %dma_start3A_170 = arith.constant 0 : i32
        %dma_start3A_171 = arith.constant 0 : i32
        %dma_start3A_172 = tpu.memref_slice %arg14[%dma_start3A_170, %dma_start3A_171] : memref<10112x128xf32, #tpu.memory_space<vmem_shared>> -> memref<10112x128xf32, #tpu.memory_space<vmem_shared>>
        tpu.enqueue_indirect_dma source(%arg12 : memref<64x128xf32, #tpu.memory_space<vmem>>) target(%dma_start3A_172 : memref<10112x128xf32, #tpu.memory_space<vmem_shared>>) offsets(%arg9 : memref<64xi32, #tpu.memory_space<vmem>>) semaphore(%run_scoped3A : memref<!tpu.dma_semaphore, #tpu.memory_space<semaphore_mem>>) {add = true}
        %dma_wait3A_173 = arith.constant 0 : i32
        %dma_wait3A_174 = arith.constant 0 : i32
        %dma_wait3A_175 = tpu.memref_slice %arg14[%dma_wait3A_173, %dma_wait3A_174] : memref<10112x128xf32, #tpu.memory_space<vmem_shared>> -> memref<10112x128xf32, #tpu.memory_space<vmem_shared>>
        tpu.wait_indirect_dma semaphore(%run_scoped3A : memref<!tpu.dma_semaphore, #tpu.memory_space<semaphore_mem>>) src(%arg12 : memref<64x128xf32, #tpu.memory_space<vmem>>) dst(%dma_wait3A_175 : memref<10112x128xf32, #tpu.memory_space<vmem_shared>>)
        tpu.yield
      }) : () -> ()
      %add3A_128 = arith.constant 3 : i32
      %add3A_129 = arith.addi %add3A_117, %add3A_128 : i32
      %min3A_130 = arith.constant 158 : i32
      %min3A_131 = arith.minsi %add3A_129, %min3A_130 : i32
      %dma_start3A_132 = arith.constant 0 : i32
      %dma_start3A_133 = tpu.memref_slice %arg7[%min3A_131, %dma_start3A_132] : memref<159x64xi32, #tpu.memory_space<vmem>> -> memref<1x64xi32, #tpu.memory_space<vmem>>
      %dma_start3A_134 = tpu.memref_squeeze %dma_start3A_133 : memref<1x64xi32, #tpu.memory_space<vmem>> -> memref<64xi32, #tpu.memory_space<vmem>>
      %dma_start3A_135 = arith.constant 0 : i32
      %dma_start3A_136 = arith.constant 0 : i32
      %dma_start3A_137 = tpu.memref_slice %arg2[%dma_start3A_135, %dma_start3A_136] : memref<10000x128xf32, #tpu.memory_space<hbm>> -> memref<10000x128xf32, #tpu.memory_space<hbm>>
      tpu.enqueue_indirect_dma source(%dma_start3A_137 : memref<10000x128xf32, #tpu.memory_space<hbm>>) target(%arg12 : memref<64x128xf32, #tpu.memory_space<vmem>>) offsets(%dma_start3A_134 : memref<64xi32, #tpu.memory_space<vmem>>) semaphore(%arg20 : memref<!tpu.dma_semaphore, #tpu.memory_space<semaphore_mem>>)
      %mul3A_138 = arith.constant 64 : i32
      %mul3A_139 = arith.muli %min3A_131, %mul3A_138 : i32
      %add3A_140 = arith.addi %mul3A_6, %mul3A_139 : i32
      %dma_start3A_141 = tpu.memref_slice %arg4[%add3A_140] : memref<325632xi32, #tpu.memory_space<hbm>> -> memref<64xi32, #tpu.memory_space<hbm>>
      %dma_start3A_142 = tpu.memref_slice %arg4[%add3A_140] : memref<325632xi32, #tpu.memory_space<hbm>> -> memref<64xi32, #tpu.memory_space<hbm>>
      tpu.enqueue_dma source(%dma_start3A_142 : memref<64xi32, #tpu.memory_space<hbm>>) target(%arg9 : memref<64xi32, #tpu.memory_space<vmem>>) target_semaphore(%arg17 : memref<!tpu.dma_semaphore, #tpu.memory_space<semaphore_mem>>)
      %add3A_143 = arith.constant 2 : i32
      %add3A_144 = arith.addi %mul3A_91, %add3A_143 : i32
      %dma_wait3A_145 = arith.constant 0 : i32
      %dma_wait3A_146 = arith.constant 0 : i32
      %dma_wait3A_147 = tpu.memref_slice %arg2[%dma_wait3A_145, %dma_wait3A_146] : memref<10000x128xf32, #tpu.memory_space<hbm>> -> memref<64x128xf32, #tpu.memory_space<hbm>>
      %dma_wait3A_148 = arith.constant 0 : i32
      %dma_wait3A_149 = arith.constant 0 : i32
      %dma_wait3A_150 = tpu.memref_slice %arg2[%dma_wait3A_148, %dma_wait3A_149] : memref<10000x128xf32, #tpu.memory_space<hbm>> -> memref<64x128xf32, #tpu.memory_space<hbm>>
      tpu.wait_dma2 semaphore(%arg21 : memref<!tpu.dma_semaphore, #tpu.memory_space<semaphore_mem>>) src(%dma_wait3A_150 : memref<64x128xf32, #tpu.memory_space<hbm>>) dst(%arg13 : memref<64x128xf32, #tpu.memory_space<vmem>>)
      %dma_wait3A_151 = arith.constant 0 : i32
      %dma_wait3A_152 = tpu.memref_slice %arg4[%dma_wait3A_151] : memref<325632xi32, #tpu.memory_space<hbm>> -> memref<64xi32, #tpu.memory_space<hbm>>
      %dma_wait3A_153 = arith.constant 0 : i32
      %dma_wait3A_154 = tpu.memref_slice %arg4[%dma_wait3A_153] : memref<325632xi32, #tpu.memory_space<hbm>> -> memref<64xi32, #tpu.memory_space<hbm>>
      tpu.wait_dma2 semaphore(%arg18 : memref<!tpu.dma_semaphore, #tpu.memory_space<semaphore_mem>>) src(%dma_wait3A_154 : memref<64xi32, #tpu.memory_space<hbm>>) dst(%arg10 : memref<64xi32, #tpu.memory_space<vmem>>)
      "tpu.region"() ({
        %run_scoped3A = tpu.sem_alloc : memref<!tpu.dma_semaphore, #tpu.memory_space<semaphore_mem>>
        %dma_start3A_170 = arith.constant 0 : i32
        %dma_start3A_171 = arith.constant 0 : i32
        %dma_start3A_172 = tpu.memref_slice %arg14[%dma_start3A_170, %dma_start3A_171] : memref<10112x128xf32, #tpu.memory_space<vmem_shared>> -> memref<10112x128xf32, #tpu.memory_space<vmem_shared>>
        tpu.enqueue_indirect_dma source(%arg13 : memref<64x128xf32, #tpu.memory_space<vmem>>) target(%dma_start3A_172 : memref<10112x128xf32, #tpu.memory_space<vmem_shared>>) offsets(%arg10 : memref<64xi32, #tpu.memory_space<vmem>>) semaphore(%run_scoped3A : memref<!tpu.dma_semaphore, #tpu.memory_space<semaphore_mem>>) {add = true}
        %dma_wait3A_173 = arith.constant 0 : i32
        %dma_wait3A_174 = arith.constant 0 : i32
        %dma_wait3A_175 = tpu.memref_slice %arg14[%dma_wait3A_173, %dma_wait3A_174] : memref<10112x128xf32, #tpu.memory_space<vmem_shared>> -> memref<10112x128xf32, #tpu.memory_space<vmem_shared>>
        tpu.wait_indirect_dma semaphore(%run_scoped3A : memref<!tpu.dma_semaphore, #tpu.memory_space<semaphore_mem>>) src(%arg13 : memref<64x128xf32, #tpu.memory_space<vmem>>) dst(%dma_wait3A_175 : memref<10112x128xf32, #tpu.memory_space<vmem_shared>>)
        tpu.yield
      }) : () -> ()
      %add3A_155 = arith.constant 3 : i32
      %add3A_156 = arith.addi %add3A_144, %add3A_155 : i32
      %min3A_157 = arith.constant 158 : i32
      %min3A_158 = arith.minsi %add3A_156, %min3A_157 : i32
      %dma_start3A_159 = arith.constant 0 : i32
      %dma_start3A_160 = tpu.memref_slice %arg7[%min3A_158, %dma_start3A_159] : memref<159x64xi32, #tpu.memory_space<vmem>> -> memref<1x64xi32, #tpu.memory_space<vmem>>
      %dma_start3A_161 = tpu.memref_squeeze %dma_start3A_160 : memref<1x64xi32, #tpu.memory_space<vmem>> -> memref<64xi32, #tpu.memory_space<vmem>>
      %dma_start3A_162 = arith.constant 0 : i32
      %dma_start3A_163 = arith.constant 0 : i32
      %dma_start3A_164 = tpu.memref_slice %arg2[%dma_start3A_162, %dma_start3A_163] : memref<10000x128xf32, #tpu.memory_space<hbm>> -> memref<10000x128xf32, #tpu.memory_space<hbm>>
      tpu.enqueue_indirect_dma source(%dma_start3A_164 : memref<10000x128xf32, #tpu.memory_space<hbm>>) target(%arg13 : memref<64x128xf32, #tpu.memory_space<vmem>>) offsets(%dma_start3A_161 : memref<64xi32, #tpu.memory_space<vmem>>) semaphore(%arg21 : memref<!tpu.dma_semaphore, #tpu.memory_space<semaphore_mem>>)
      %mul3A_165 = arith.constant 64 : i32
      %mul3A_166 = arith.muli %min3A_158, %mul3A_165 : i32
      %add3A_167 = arith.addi %mul3A_6, %mul3A_166 : i32
      %dma_start3A_168 = tpu.memref_slice %arg4[%add3A_167] : memref<325632xi32, #tpu.memory_space<hbm>> -> memref<64xi32, #tpu.memory_space<hbm>>
      %dma_start3A_169 = tpu.memref_slice %arg4[%add3A_167] : memref<325632xi32, #tpu.memory_space<hbm>> -> memref<64xi32, #tpu.memory_space<hbm>>
      tpu.enqueue_dma source(%dma_start3A_169 : memref<64xi32, #tpu.memory_space<hbm>>) target(%arg10 : memref<64xi32, #tpu.memory_space<vmem>>) target_semaphore(%arg18 : memref<!tpu.dma_semaphore, #tpu.memory_space<semaphore_mem>>)
    }
    %scan3A_57 = arith.constant 53 : i32
    %dma_wait3A_58 = arith.constant 0 : i32
    %dma_wait3A_59 = arith.constant 0 : i32
    %dma_wait3A_60 = tpu.memref_slice %arg2[%dma_wait3A_58, %dma_wait3A_59] : memref<10000x128xf32, #tpu.memory_space<hbm>> -> memref<64x128xf32, #tpu.memory_space<hbm>>
    %dma_wait3A_61 = arith.constant 0 : i32
    %dma_wait3A_62 = arith.constant 0 : i32
    %dma_wait3A_63 = tpu.memref_slice %arg2[%dma_wait3A_61, %dma_wait3A_62] : memref<10000x128xf32, #tpu.memory_space<hbm>> -> memref<64x128xf32, #tpu.memory_space<hbm>>
    tpu.wait_dma2 semaphore(%arg19 : memref<!tpu.dma_semaphore, #tpu.memory_space<semaphore_mem>>) src(%dma_wait3A_63 : memref<64x128xf32, #tpu.memory_space<hbm>>) dst(%arg11 : memref<64x128xf32, #tpu.memory_space<vmem>>)
    %dma_wait3A_64 = arith.constant 0 : i32
    %dma_wait3A_65 = arith.constant 0 : i32
    %dma_wait3A_66 = tpu.memref_slice %arg2[%dma_wait3A_64, %dma_wait3A_65] : memref<10000x128xf32, #tpu.memory_space<hbm>> -> memref<64x128xf32, #tpu.memory_space<hbm>>
    %dma_wait3A_67 = arith.constant 0 : i32
    %dma_wait3A_68 = arith.constant 0 : i32
    %dma_wait3A_69 = tpu.memref_slice %arg2[%dma_wait3A_67, %dma_wait3A_68] : memref<10000x128xf32, #tpu.memory_space<hbm>> -> memref<64x128xf32, #tpu.memory_space<hbm>>
    tpu.wait_dma2 semaphore(%arg20 : memref<!tpu.dma_semaphore, #tpu.memory_space<semaphore_mem>>) src(%dma_wait3A_69 : memref<64x128xf32, #tpu.memory_space<hbm>>) dst(%arg12 : memref<64x128xf32, #tpu.memory_space<vmem>>)
    %dma_wait3A_70 = arith.constant 0 : i32
    %dma_wait3A_71 = arith.constant 0 : i32
    %dma_wait3A_72 = tpu.memref_slice %arg2[%dma_wait3A_70, %dma_wait3A_71] : memref<10000x128xf32, #tpu.memory_space<hbm>> -> memref<64x128xf32, #tpu.memory_space<hbm>>
    %dma_wait3A_73 = arith.constant 0 : i32
    %dma_wait3A_74 = arith.constant 0 : i32
    %dma_wait3A_75 = tpu.memref_slice %arg2[%dma_wait3A_73, %dma_wait3A_74] : memref<10000x128xf32, #tpu.memory_space<hbm>> -> memref<64x128xf32, #tpu.memory_space<hbm>>
    tpu.wait_dma2 semaphore(%arg21 : memref<!tpu.dma_semaphore, #tpu.memory_space<semaphore_mem>>) src(%dma_wait3A_75 : memref<64x128xf32, #tpu.memory_space<hbm>>) dst(%arg13 : memref<64x128xf32, #tpu.memory_space<vmem>>)
    %dma_wait3A_76 = arith.constant 0 : i32
    %dma_wait3A_77 = tpu.memref_slice %arg4[%dma_wait3A_76] : memref<325632xi32, #tpu.memory_space<hbm>> -> memref<64xi32, #tpu.memory_space<hbm>>
    %dma_wait3A_78 = arith.constant 0 : i32
    %dma_wait3A_79 = tpu.memref_slice %arg4[%dma_wait3A_78] : memref<325632xi32, #tpu.memory_space<hbm>> -> memref<64xi32, #tpu.memory_space<hbm>>
    tpu.wait_dma2 semaphore(%arg16 : memref<!tpu.dma_semaphore, #tpu.memory_space<semaphore_mem>>) src(%dma_wait3A_79 : memref<64xi32, #tpu.memory_space<hbm>>) dst(%arg8 : memref<64xi32, #tpu.memory_space<vmem>>)
    %dma_wait3A_80 = arith.constant 0 : i32
    %dma_wait3A_81 = tpu.memref_slice %arg4[%dma_wait3A_80] : memref<325632xi32, #tpu.memory_space<hbm>> -> memref<64xi32, #tpu.memory_space<hbm>>
    %dma_wait3A_82 = arith.constant 0 : i32
    %dma_wait3A_83 = tpu.memref_slice %arg4[%dma_wait3A_82] : memref<325632xi32, #tpu.memory_space<hbm>> -> memref<64xi32, #tpu.memory_space<hbm>>
    tpu.wait_dma2 semaphore(%arg17 : memref<!tpu.dma_semaphore, #tpu.memory_space<semaphore_mem>>) src(%dma_wait3A_83 : memref<64xi32, #tpu.memory_space<hbm>>) dst(%arg9 : memref<64xi32, #tpu.memory_space<vmem>>)
    %dma_wait3A_84 = arith.constant 0 : i32
    %dma_wait3A_85 = tpu.memref_slice %arg4[%dma_wait3A_84] : memref<325632xi32, #tpu.memory_space<hbm>> -> memref<64xi32, #tpu.memory_space<hbm>>
    %dma_wait3A_86 = arith.constant 0 : i32
    %dma_wait3A_87 = tpu.memref_slice %arg4[%dma_wait3A_86] : memref<325632xi32, #tpu.memory_space<hbm>> -> memref<64xi32, #tpu.memory_space<hbm>>
    tpu.wait_dma2 semaphore(%arg18 : memref<!tpu.dma_semaphore, #tpu.memory_space<semaphore_mem>>) src(%dma_wait3A_87 : memref<64xi32, #tpu.memory_space<hbm>>) dst(%arg10 : memref<64xi32, #tpu.memory_space<vmem>>)
    %barrier3A_88 = arith.constant 0 : index
    tpu.barrier barrier_id(%barrier3A_88)
    "tpu.region"() ({
      %run_scoped3A = tpu.sem_alloc : memref<!tpu.dma_semaphore, #tpu.memory_space<semaphore_mem>>
      %dma_start3A_89 = arith.constant 0 : i32
      %dma_start3A_90 = tpu.memref_slice %arg6[%arg0, %mul3A_2, %dma_start3A_89] : memref<2x10112x128xf32, #tpu.memory_space<hbm>> -> memref<1x632x128xf32, #tpu.memory_space<hbm>>
      %dma_start3A_91 = tpu.memref_squeeze %dma_start3A_90 : memref<1x632x128xf32, #tpu.memory_space<hbm>> -> memref<632x128xf32, #tpu.memory_space<hbm>>
      %dma_start3A_92 = arith.constant 0 : i32
      %dma_start3A_93 = tpu.memref_slice %arg14[%mul3A_2, %dma_start3A_92] : memref<10112x128xf32, #tpu.memory_space<vmem_shared>> -> memref<632x128xf32, #tpu.memory_space<vmem_shared>>
      tpu.enqueue_dma source(%dma_start3A_93 : memref<632x128xf32, #tpu.memory_space<vmem_shared>>) target(%dma_start3A_91 : memref<632x128xf32, #tpu.memory_space<hbm>>) target_semaphore(%run_scoped3A : memref<!tpu.dma_semaphore, #tpu.memory_space<semaphore_mem>>)
      %dma_wait3A_94 = arith.constant 0 : i32
      %dma_wait3A_95 = tpu.memref_slice %arg6[%arg0, %mul3A_2, %dma_wait3A_94] : memref<2x10112x128xf32, #tpu.memory_space<hbm>> -> memref<1x632x128xf32, #tpu.memory_space<hbm>>
      %dma_wait3A_96 = tpu.memref_squeeze %dma_wait3A_95 : memref<1x632x128xf32, #tpu.memory_space<hbm>> -> memref<632x128xf32, #tpu.memory_space<hbm>>
      %dma_wait3A_97 = arith.constant 0 : i32
      %dma_wait3A_98 = tpu.memref_slice %arg14[%mul3A_2, %dma_wait3A_97] : memref<10112x128xf32, #tpu.memory_space<vmem_shared>> -> memref<632x128xf32, #tpu.memory_space<vmem_shared>>
      tpu.wait_dma2 semaphore(%run_scoped3A : memref<!tpu.dma_semaphore, #tpu.memory_space<semaphore_mem>>) src(%dma_wait3A_98 : memref<632x128xf32, #tpu.memory_space<vmem_shared>>) dst(%dma_wait3A_96 : memref<632x128xf32, #tpu.memory_space<hbm>>)
      tpu.yield
    }) : () -> ()
    return
  }
}

#map = affine_map<(d0, d1) -> (0, 0)>
#map1 = affine_map<(d0, d1) -> (0, 0, 0)>
#map2 = affine_map<(d0, d1) -> (0)>
module attributes {stable_mosaic.version = 14 : i64} {
  func.func @body(%arg0: i32, %arg1: i32, %arg2: memref<10000x128xf32, #tpu.memory_space<hbm>>, %arg3: memref<32x159x64xi32, #tpu.memory_space<hbm>>, %arg4: memref<325632xi32, #tpu.memory_space<hbm>>, %arg5: memref<10112x128xf32, #tpu.memory_space<hbm>>, %arg6: memref<2x10112x128xf32, #tpu.memory_space<hbm>>, %arg7: memref<159x64xi32, #tpu.memory_space<vmem>>, %arg8: memref<64xi32, #tpu.memory_space<vmem>>, %arg9: memref<64xi32, #tpu.memory_space<vmem>>, %arg10: memref<64xi32, #tpu.memory_space<vmem>>, %arg11: memref<64x128xf32, #tpu.memory_space<vmem>>, %arg12: memref<64x128xf32, #tpu.memory_space<vmem>>, %arg13: memref<64x128xf32, #tpu.memory_space<vmem>>, %arg14: memref<10112x128xf32, #tpu.memory_space<vmem_shared>>, %arg15: memref<!tpu.dma_semaphore, #tpu.memory_space<semaphore_mem>>, %arg16: memref<!tpu.dma_semaphore, #tpu.memory_space<semaphore_mem>>, %arg17: memref<!tpu.dma_semaphore, #tpu.memory_space<semaphore_mem>>, %arg18: memref<!tpu.dma_semaphore, #tpu.memory_space<semaphore_mem>>, %arg19: memref<!tpu.dma_semaphore, #tpu.memory_space<semaphore_mem>>, %arg20: memref<!tpu.dma_semaphore, #tpu.memory_space<semaphore_mem>>, %arg21: memref<!tpu.dma_semaphore, #tpu.memory_space<semaphore_mem>>) attributes {dimension_semantics = [#tpu.dimension_semantics<core_parallel>, #tpu.dimension_semantics<subcore_parallel>], iteration_bounds = array<i64: 2, 16>, scalar_prefetch = 0 : i64, scratch_operands = 15 : i64, tpu.core_type = #tpu.core_type<sc_vector_subcore>, window_params = [{transform_indices = #map}, {transform_indices = #map1}, {transform_indices = #map2}, {transform_indices = #map}, {transform_indices = #map1}]} {
    %mul3A = arith.constant 2 : i32
    %mul3A_0 = arith.muli %arg1, %mul3A : i32
    %add3A = arith.addi %mul3A_0, %arg0 : i32
    %mul3A_1 = arith.constant 632 : i32
    %mul3A_2 = arith.muli %arg1, %mul3A_1 : i32
    %mul3A_3 = arith.constant 159 : i32
    %mul3A_4 = arith.muli %add3A, %mul3A_3 : i32
    %mul3A_5 = arith.constant 64 : i32
    %mul3A_6 = arith.muli %mul3A_4, %mul3A_5 : i32
    "tpu.region"() ({
      %run_scoped3A = tpu.sem_alloc : memref<!tpu.dma_semaphore, #tpu.memory_space<semaphore_mem>>
      %dma_start3A_89 = arith.constant 0 : i32
      %dma_start3A_90 = tpu.memref_slice %arg14[%mul3A_2, %dma_start3A_89] : memref<10112x128xf32, #tpu.memory_space<vmem_shared>> -> memref<632x128xf32, #tpu.memory_space<vmem_shared>>
      %dma_start3A_91 = arith.constant 0 : i32
      %dma_start3A_92 = tpu.memref_slice %arg5[%mul3A_2, %dma_start3A_91] : memref<10112x128xf32, #tpu.memory_space<hbm>> -> memref<632x128xf32, #tpu.memory_space<hbm>>
      tpu.enqueue_dma source(%dma_start3A_92 : memref<632x128xf32, #tpu.memory_space<hbm>>) target(%dma_start3A_90 : memref<632x128xf32, #tpu.memory_space<vmem_shared>>) target_semaphore(%run_scoped3A : memref<!tpu.dma_semaphore, #tpu.memory_space<semaphore_mem>>)
      %dma_wait3A_93 = arith.constant 0 : i32
      %dma_wait3A_94 = tpu.memref_slice %arg14[%mul3A_2, %dma_wait3A_93] : memref<10112x128xf32, #tpu.memory_space<vmem_shared>> -> memref<632x128xf32, #tpu.memory_space<vmem_shared>>
      %dma_wait3A_95 = arith.constant 0 : i32
      %dma_wait3A_96 = tpu.memref_slice %arg5[%mul3A_2, %dma_wait3A_95] : memref<10112x128xf32, #tpu.memory_space<hbm>> -> memref<632x128xf32, #tpu.memory_space<hbm>>
      tpu.wait_dma2 semaphore(%run_scoped3A : memref<!tpu.dma_semaphore, #tpu.memory_space<semaphore_mem>>) src(%dma_wait3A_96 : memref<632x128xf32, #tpu.memory_space<hbm>>) dst(%dma_wait3A_94 : memref<632x128xf32, #tpu.memory_space<vmem_shared>>)
      tpu.yield
    }) : () -> ()
    %dma_start3A = arith.constant 0 : i32
    %dma_start3A_7 = arith.constant 0 : i32
    %dma_start3A_8 = tpu.memref_slice %arg3[%add3A, %dma_start3A, %dma_start3A_7] : memref<32x159x64xi32, #tpu.memory_space<hbm>> -> memref<1x159x64xi32, #tpu.memory_space<hbm>>
    %dma_start3A_9 = tpu.memref_squeeze %dma_start3A_8 : memref<1x159x64xi32, #tpu.memory_space<hbm>> -> memref<159x64xi32, #tpu.memory_space<hbm>>
    %dma_start3A_10 = arith.constant 0 : i32
    %dma_start3A_11 = arith.constant 0 : i32
    %dma_start3A_12 = tpu.memref_slice %arg3[%add3A, %dma_start3A_10, %dma_start3A_11] : memref<32x159x64xi32, #tpu.memory_space<hbm>> -> memref<1x159x64xi32, #tpu.memory_space<hbm>>
    %dma_start3A_13 = tpu.memref_squeeze %dma_start3A_12 : memref<1x159x64xi32, #tpu.memory_space<hbm>> -> memref<159x64xi32, #tpu.memory_space<hbm>>
    tpu.enqueue_dma source(%dma_start3A_13 : memref<159x64xi32, #tpu.memory_space<hbm>>) target(%arg7 : memref<159x64xi32, #tpu.memory_space<vmem>>) target_semaphore(%arg15 : memref<!tpu.dma_semaphore, #tpu.memory_space<semaphore_mem>>)
    %dma_start3A_14 = tpu.memref_slice %arg4[%mul3A_6] : memref<325632xi32, #tpu.memory_space<hbm>> -> memref<64xi32, #tpu.memory_space<hbm>>
    %dma_start3A_15 = tpu.memref_slice %arg4[%mul3A_6] : memref<325632xi32, #tpu.memory_space<hbm>> -> memref<64xi32, #tpu.memory_space<hbm>>
    tpu.enqueue_dma source(%dma_start3A_15 : memref<64xi32, #tpu.memory_space<hbm>>) target(%arg8 : memref<64xi32, #tpu.memory_space<vmem>>) target_semaphore(%arg16 : memref<!tpu.dma_semaphore, #tpu.memory_space<semaphore_mem>>)
    %add3A_16 = arith.constant 64 : i32
    %add3A_17 = arith.addi %mul3A_6, %add3A_16 : i32
    %dma_start3A_18 = tpu.memref_slice %arg4[%add3A_17] : memref<325632xi32, #tpu.memory_space<hbm>> -> memref<64xi32, #tpu.memory_space<hbm>>
    %dma_start3A_19 = tpu.memref_slice %arg4[%add3A_17] : memref<325632xi32, #tpu.memory_space<hbm>> -> memref<64xi32, #tpu.memory_space<hbm>>
    tpu.enqueue_dma source(%dma_start3A_19 : memref<64xi32, #tpu.memory_space<hbm>>) target(%arg9 : memref<64xi32, #tpu.memory_space<vmem>>) target_semaphore(%arg17 : memref<!tpu.dma_semaphore, #tpu.memory_space<semaphore_mem>>)
    %add3A_20 = arith.constant 128 : i32
    %add3A_21 = arith.addi %mul3A_6, %add3A_20 : i32
    %dma_start3A_22 = tpu.memref_slice %arg4[%add3A_21] : memref<325632xi32, #tpu.memory_space<hbm>> -> memref<64xi32, #tpu.memory_space<hbm>>
    %dma_start3A_23 = tpu.memref_slice %arg4[%add3A_21] : memref<325632xi32, #tpu.memory_space<hbm>> -> memref<64xi32, #tpu.memory_space<hbm>>
    tpu.enqueue_dma source(%dma_start3A_23 : memref<64xi32, #tpu.memory_space<hbm>>) target(%arg10 : memref<64xi32, #tpu.memory_space<vmem>>) target_semaphore(%arg18 : memref<!tpu.dma_semaphore, #tpu.memory_space<semaphore_mem>>)
    %dma_wait3A = arith.constant 0 : i32
    %dma_wait3A_24 = arith.constant 0 : i32
    %dma_wait3A_25 = arith.constant 0 : i32
    %dma_wait3A_26 = tpu.memref_slice %arg3[%dma_wait3A, %dma_wait3A_24, %dma_wait3A_25] : memref<32x159x64xi32, #tpu.memory_space<hbm>> -> memref<1x159x64xi32, #tpu.memory_space<hbm>>
    %dma_wait3A_27 = tpu.memref_squeeze %dma_wait3A_26 : memref<1x159x64xi32, #tpu.memory_space<hbm>> -> memref<159x64xi32, #tpu.memory_space<hbm>>
    %dma_wait3A_28 = arith.constant 0 : i32
    %dma_wait3A_29 = arith.constant 0 : i32
    %dma_wait3A_30 = tpu.memref_slice %arg3[%dma_wait3A, %dma_wait3A_28, %dma_wait3A_29] : memref<32x159x64xi32, #tpu.memory_space<hbm>> -> memref<1x159x64xi32, #tpu.memory_space<hbm>>
    %dma_wait3A_31 = tpu.memref_squeeze %dma_wait3A_30 : memref<1x159x64xi32, #tpu.memory_space<hbm>> -> memref<159x64xi32, #tpu.memory_space<hbm>>
    tpu.wait_dma2 semaphore(%arg15 : memref<!tpu.dma_semaphore, #tpu.memory_space<semaphore_mem>>) src(%dma_wait3A_31 : memref<159x64xi32, #tpu.memory_space<hbm>>) dst(%arg7 : memref<159x64xi32, #tpu.memory_space<vmem>>)
    %dma_start3A_32 = arith.constant 0 : i32
    %dma_start3A_33 = arith.constant 0 : i32
    %dma_start3A_34 = tpu.memref_slice %arg7[%dma_start3A_32, %dma_start3A_33] : memref<159x64xi32, #tpu.memory_space<vmem>> -> memref<1x64xi32, #tpu.memory_space<vmem>>
    %dma_start3A_35 = tpu.memref_squeeze %dma_start3A_34 : memref<1x64xi32, #tpu.memory_space<vmem>> -> memref<64xi32, #tpu.memory_space<vmem>>
    %dma_start3A_36 = arith.constant 0 : i32
    %dma_start3A_37 = arith.constant 0 : i32
    %dma_start3A_38 = tpu.memref_slice %arg2[%dma_start3A_36, %dma_start3A_37] : memref<10000x128xf32, #tpu.memory_space<hbm>> -> memref<10000x128xf32, #tpu.memory_space<hbm>>
    tpu.enqueue_indirect_dma source(%dma_start3A_38 : memref<10000x128xf32, #tpu.memory_space<hbm>>) target(%arg11 : memref<64x128xf32, #tpu.memory_space<vmem>>) offsets(%dma_start3A_35 : memref<64xi32, #tpu.memory_space<vmem>>) semaphore(%arg19 : memref<!tpu.dma_semaphore, #tpu.memory_space<semaphore_mem>>)
    %dma_start3A_39 = arith.constant 1 : i32
    %dma_start3A_40 = arith.constant 0 : i32
    %dma_start3A_41 = tpu.memref_slice %arg7[%dma_start3A_39, %dma_start3A_40] : memref<159x64xi32, #tpu.memory_space<vmem>> -> memref<1x64xi32, #tpu.memory_space<vmem>>
    %dma_start3A_42 = tpu.memref_squeeze %dma_start3A_41 : memref<1x64xi32, #tpu.memory_space<vmem>> -> memref<64xi32, #tpu.memory_space<vmem>>
    %dma_start3A_43 = arith.constant 0 : i32
    %dma_start3A_44 = arith.constant 0 : i32
    %dma_start3A_45 = tpu.memref_slice %arg2[%dma_start3A_43, %dma_start3A_44] : memref<10000x128xf32, #tpu.memory_space<hbm>> -> memref<10000x128xf32, #tpu.memory_space<hbm>>
    tpu.enqueue_indirect_dma source(%dma_start3A_45 : memref<10000x128xf32, #tpu.memory_space<hbm>>) target(%arg12 : memref<64x128xf32, #tpu.memory_space<vmem>>) offsets(%dma_start3A_42 : memref<64xi32, #tpu.memory_space<vmem>>) semaphore(%arg20 : memref<!tpu.dma_semaphore, #tpu.memory_space<semaphore_mem>>)
    %dma_start3A_46 = arith.constant 2 : i32
    %dma_start3A_47 = arith.constant 0 : i32
    %dma_start3A_48 = tpu.memref_slice %arg7[%dma_start3A_46, %dma_start3A_47] : memref<159x64xi32, #tpu.memory_space<vmem>> -> memref<1x64xi32, #tpu.memory_space<vmem>>
    %dma_start3A_49 = tpu.memref_squeeze %dma_start3A_48 : memref<1x64xi32, #tpu.memory_space<vmem>> -> memref<64xi32, #tpu.memory_space<vmem>>
    %dma_start3A_50 = arith.constant 0 : i32
    %dma_start3A_51 = arith.constant 0 : i32
    %dma_start3A_52 = tpu.memref_slice %arg2[%dma_start3A_50, %dma_start3A_51] : memref<10000x128xf32, #tpu.memory_space<hbm>> -> memref<10000x128xf32, #tpu.memory_space<hbm>>
    tpu.enqueue_indirect_dma source(%dma_start3A_52 : memref<10000x128xf32, #tpu.memory_space<hbm>>) target(%arg13 : memref<64x128xf32, #tpu.memory_space<vmem>>) offsets(%dma_start3A_49 : memref<64xi32, #tpu.memory_space<vmem>>) semaphore(%arg21 : memref<!tpu.dma_semaphore, #tpu.memory_space<semaphore_mem>>)
    %barrier3A = arith.constant 0 : index
    tpu.barrier barrier_id(%barrier3A)
    %scan3A = arith.constant 0 : i32
    %scan3A_53 = arith.constant 0 : i32
    %scan3A_54 = arith.constant 53 : i32
    %scan3A_55 = arith.addi %scan3A_53, %scan3A_54 : i32
    %scan3A_56 = arith.constant 1 : i32
    scf.for %scan3A_89 = %scan3A_53 to %scan3A_55 step %scan3A_56  : i32 {
      %mul3A_90 = arith.constant 3 : i32
      %mul3A_91 = arith.muli %mul3A_90, %scan3A_89 : i32
      %dma_wait3A_92 = arith.constant 0 : i32
      %dma_wait3A_93 = arith.constant 0 : i32
      %dma_wait3A_94 = tpu.memref_slice %arg2[%dma_wait3A_92, %dma_wait3A_93] : memref<10000x128xf32, #tpu.memory_space<hbm>> -> memref<64x128xf32, #tpu.memory_space<hbm>>
      %dma_wait3A_95 = arith.constant 0 : i32
      %dma_wait3A_96 = arith.constant 0 : i32
      %dma_wait3A_97 = tpu.memref_slice %arg2[%dma_wait3A_95, %dma_wait3A_96] : memref<10000x128xf32, #tpu.memory_space<hbm>> -> memref<64x128xf32, #tpu.memory_space<hbm>>
      tpu.wait_dma2 semaphore(%arg19 : memref<!tpu.dma_semaphore, #tpu.memory_space<semaphore_mem>>) src(%dma_wait3A_97 : memref<64x128xf32, #tpu.memory_space<hbm>>) dst(%arg11 : memref<64x128xf32, #tpu.memory_space<vmem>>)
      %dma_wait3A_98 = arith.constant 0 : i32
      %dma_wait3A_99 = tpu.memref_slice %arg4[%dma_wait3A_98] : memref<325632xi32, #tpu.memory_space<hbm>> -> memref<64xi32, #tpu.memory_space<hbm>>
      %dma_wait3A_100 = arith.constant 0 : i32
      %dma_wait3A_101 = tpu.memref_slice %arg4[%dma_wait3A_100] : memref<325632xi32, #tpu.memory_space<hbm>> -> memref<64xi32, #tpu.memory_space<hbm>>
      tpu.wait_dma2 semaphore(%arg16 : memref<!tpu.dma_semaphore, #tpu.memory_space<semaphore_mem>>) src(%dma_wait3A_101 : memref<64xi32, #tpu.memory_space<hbm>>) dst(%arg8 : memref<64xi32, #tpu.memory_space<vmem>>)
      "tpu.region"() ({
        %run_scoped3A = tpu.sem_alloc : memref<!tpu.dma_semaphore, #tpu.memory_space<semaphore_mem>>
        %dma_start3A_170 = arith.constant 0 : i32
        %dma_start3A_171 = arith.constant 0 : i32
        %dma_start3A_172 = tpu.memref_slice %arg14[%dma_start3A_170, %dma_start3A_171] : memref<10112x128xf32, #tpu.memory_space<vmem_shared>> -> memref<10112x128xf32, #tpu.memory_space<vmem_shared>>
        tpu.enqueue_indirect_dma source(%arg11 : memref<64x128xf32, #tpu.memory_space<vmem>>) target(%dma_start3A_172 : memref<10112x128xf32, #tpu.memory_space<vmem_shared>>) offsets(%arg8 : memref<64xi32, #tpu.memory_space<vmem>>) semaphore(%run_scoped3A : memref<!tpu.dma_semaphore, #tpu.memory_space<semaphore_mem>>) {add = true}
        %dma_wait3A_173 = arith.constant 0 : i32
        %dma_wait3A_174 = arith.constant 0 : i32
        %dma_wait3A_175 = tpu.memref_slice %arg14[%dma_wait3A_173, %dma_wait3A_174] : memref<10112x128xf32, #tpu.memory_space<vmem_shared>> -> memref<10112x128xf32, #tpu.memory_space<vmem_shared>>
        tpu.wait_indirect_dma semaphore(%run_scoped3A : memref<!tpu.dma_semaphore, #tpu.memory_space<semaphore_mem>>) src(%arg11 : memref<64x128xf32, #tpu.memory_space<vmem>>) dst(%dma_wait3A_175 : memref<10112x128xf32, #tpu.memory_space<vmem_shared>>)
        tpu.yield
      }) : () -> ()
      %add3A_102 = arith.constant 3 : i32
      %add3A_103 = arith.addi %mul3A_91, %add3A_102 : i32
      %min3A = arith.constant 158 : i32
      %min3A_104 = arith.minsi %add3A_103, %min3A : i32
      %dma_start3A_105 = arith.constant 0 : i32
      %dma_start3A_106 = tpu.memref_slice %arg7[%min3A_104, %dma_start3A_105] : memref<159x64xi32, #tpu.memory_space<vmem>> -> memref<1x64xi32, #tpu.memory_space<vmem>>
      %dma_start3A_107 = tpu.memref_squeeze %dma_start3A_106 : memref<1x64xi32, #tpu.memory_space<vmem>> -> memref<64xi32, #tpu.memory_space<vmem>>
      %dma_start3A_108 = arith.constant 0 : i32
      %dma_start3A_109 = arith.constant 0 : i32
      %dma_start3A_110 = tpu.memref_slice %arg2[%dma_start3A_108, %dma_start3A_109] : memref<10000x128xf32, #tpu.memory_space<hbm>> -> memref<10000x128xf32, #tpu.memory_space<hbm>>
      tpu.enqueue_indirect_dma source(%dma_start3A_110 : memref<10000x128xf32, #tpu.memory_space<hbm>>) target(%arg11 : memref<64x128xf32, #tpu.memory_space<vmem>>) offsets(%dma_start3A_107 : memref<64xi32, #tpu.memory_space<vmem>>) semaphore(%arg19 : memref<!tpu.dma_semaphore, #tpu.memory_space<semaphore_mem>>)
      %mul3A_111 = arith.constant 64 : i32
      %mul3A_112 = arith.muli %min3A_104, %mul3A_111 : i32
      %add3A_113 = arith.addi %mul3A_6, %mul3A_112 : i32
      %dma_start3A_114 = tpu.memref_slice %arg4[%add3A_113] : memref<325632xi32, #tpu.memory_space<hbm>> -> memref<64xi32, #tpu.memory_space<hbm>>
      %dma_start3A_115 = tpu.memref_slice %arg4[%add3A_113] : memref<325632xi32, #tpu.memory_space<hbm>> -> memref<64xi32, #tpu.memory_space<hbm>>
      tpu.enqueue_dma source(%dma_start3A_115 : memref<64xi32, #tpu.memory_space<hbm>>) target(%arg8 : memref<64xi32, #tpu.memory_space<vmem>>) target_semaphore(%arg16 : memref<!tpu.dma_semaphore, #tpu.memory_space<semaphore_mem>>)
      %add3A_116 = arith.constant 1 : i32
      %add3A_117 = arith.addi %mul3A_91, %add3A_116 : i32
      %dma_wait3A_118 = arith.constant 0 : i32
      %dma_wait3A_119 = arith.constant 0 : i32
      %dma_wait3A_120 = tpu.memref_slice %arg2[%dma_wait3A_118, %dma_wait3A_119] : memref<10000x128xf32, #tpu.memory_space<hbm>> -> memref<64x128xf32, #tpu.memory_space<hbm>>
      %dma_wait3A_121 = arith.constant 0 : i32
      %dma_wait3A_122 = arith.constant 0 : i32
      %dma_wait3A_123 = tpu.memref_slice %arg2[%dma_wait3A_121, %dma_wait3A_122] : memref<10000x128xf32, #tpu.memory_space<hbm>> -> memref<64x128xf32, #tpu.memory_space<hbm>>
      tpu.wait_dma2 semaphore(%arg20 : memref<!tpu.dma_semaphore, #tpu.memory_space<semaphore_mem>>) src(%dma_wait3A_123 : memref<64x128xf32, #tpu.memory_space<hbm>>) dst(%arg12 : memref<64x128xf32, #tpu.memory_space<vmem>>)
      %dma_wait3A_124 = arith.constant 0 : i32
      %dma_wait3A_125 = tpu.memref_slice %arg4[%dma_wait3A_124] : memref<325632xi32, #tpu.memory_space<hbm>> -> memref<64xi32, #tpu.memory_space<hbm>>
      %dma_wait3A_126 = arith.constant 0 : i32
      %dma_wait3A_127 = tpu.memref_slice %arg4[%dma_wait3A_126] : memref<325632xi32, #tpu.memory_space<hbm>> -> memref<64xi32, #tpu.memory_space<hbm>>
      tpu.wait_dma2 semaphore(%arg17 : memref<!tpu.dma_semaphore, #tpu.memory_space<semaphore_mem>>) src(%dma_wait3A_127 : memref<64xi32, #tpu.memory_space<hbm>>) dst(%arg9 : memref<64xi32, #tpu.memory_space<vmem>>)
      "tpu.region"() ({
        %run_scoped3A = tpu.sem_alloc : memref<!tpu.dma_semaphore, #tpu.memory_space<semaphore_mem>>
        %dma_start3A_170 = arith.constant 0 : i32
        %dma_start3A_171 = arith.constant 0 : i32
        %dma_start3A_172 = tpu.memref_slice %arg14[%dma_start3A_170, %dma_start3A_171] : memref<10112x128xf32, #tpu.memory_space<vmem_shared>> -> memref<10112x128xf32, #tpu.memory_space<vmem_shared>>
        tpu.enqueue_indirect_dma source(%arg12 : memref<64x128xf32, #tpu.memory_space<vmem>>) target(%dma_start3A_172 : memref<10112x128xf32, #tpu.memory_space<vmem_shared>>) offsets(%arg9 : memref<64xi32, #tpu.memory_space<vmem>>) semaphore(%run_scoped3A : memref<!tpu.dma_semaphore, #tpu.memory_space<semaphore_mem>>) {add = true}
        %dma_wait3A_173 = arith.constant 0 : i32
        %dma_wait3A_174 = arith.constant 0 : i32
        %dma_wait3A_175 = tpu.memref_slice %arg14[%dma_wait3A_173, %dma_wait3A_174] : memref<10112x128xf32, #tpu.memory_space<vmem_shared>> -> memref<10112x128xf32, #tpu.memory_space<vmem_shared>>
        tpu.wait_indirect_dma semaphore(%run_scoped3A : memref<!tpu.dma_semaphore, #tpu.memory_space<semaphore_mem>>) src(%arg12 : memref<64x128xf32, #tpu.memory_space<vmem>>) dst(%dma_wait3A_175 : memref<10112x128xf32, #tpu.memory_space<vmem_shared>>)
        tpu.yield
      }) : () -> ()
      %add3A_128 = arith.constant 3 : i32
      %add3A_129 = arith.addi %add3A_117, %add3A_128 : i32
      %min3A_130 = arith.constant 158 : i32
      %min3A_131 = arith.minsi %add3A_129, %min3A_130 : i32
      %dma_start3A_132 = arith.constant 0 : i32
      %dma_start3A_133 = tpu.memref_slice %arg7[%min3A_131, %dma_start3A_132] : memref<159x64xi32, #tpu.memory_space<vmem>> -> memref<1x64xi32, #tpu.memory_space<vmem>>
      %dma_start3A_134 = tpu.memref_squeeze %dma_start3A_133 : memref<1x64xi32, #tpu.memory_space<vmem>> -> memref<64xi32, #tpu.memory_space<vmem>>
      %dma_start3A_135 = arith.constant 0 : i32
      %dma_start3A_136 = arith.constant 0 : i32
      %dma_start3A_137 = tpu.memref_slice %arg2[%dma_start3A_135, %dma_start3A_136] : memref<10000x128xf32, #tpu.memory_space<hbm>> -> memref<10000x128xf32, #tpu.memory_space<hbm>>
      tpu.enqueue_indirect_dma source(%dma_start3A_137 : memref<10000x128xf32, #tpu.memory_space<hbm>>) target(%arg12 : memref<64x128xf32, #tpu.memory_space<vmem>>) offsets(%dma_start3A_134 : memref<64xi32, #tpu.memory_space<vmem>>) semaphore(%arg20 : memref<!tpu.dma_semaphore, #tpu.memory_space<semaphore_mem>>)
      %mul3A_138 = arith.constant 64 : i32
      %mul3A_139 = arith.muli %min3A_131, %mul3A_138 : i32
      %add3A_140 = arith.addi %mul3A_6, %mul3A_139 : i32
      %dma_start3A_141 = tpu.memref_slice %arg4[%add3A_140] : memref<325632xi32, #tpu.memory_space<hbm>> -> memref<64xi32, #tpu.memory_space<hbm>>
      %dma_start3A_142 = tpu.memref_slice %arg4[%add3A_140] : memref<325632xi32, #tpu.memory_space<hbm>> -> memref<64xi32, #tpu.memory_space<hbm>>
      tpu.enqueue_dma source(%dma_start3A_142 : memref<64xi32, #tpu.memory_space<hbm>>) target(%arg9 : memref<64xi32, #tpu.memory_space<vmem>>) target_semaphore(%arg17 : memref<!tpu.dma_semaphore, #tpu.memory_space<semaphore_mem>>)
      %add3A_143 = arith.constant 2 : i32
      %add3A_144 = arith.addi %mul3A_91, %add3A_143 : i32
      %dma_wait3A_145 = arith.constant 0 : i32
      %dma_wait3A_146 = arith.constant 0 : i32
      %dma_wait3A_147 = tpu.memref_slice %arg2[%dma_wait3A_145, %dma_wait3A_146] : memref<10000x128xf32, #tpu.memory_space<hbm>> -> memref<64x128xf32, #tpu.memory_space<hbm>>
      %dma_wait3A_148 = arith.constant 0 : i32
      %dma_wait3A_149 = arith.constant 0 : i32
      %dma_wait3A_150 = tpu.memref_slice %arg2[%dma_wait3A_148, %dma_wait3A_149] : memref<10000x128xf32, #tpu.memory_space<hbm>> -> memref<64x128xf32, #tpu.memory_space<hbm>>
      tpu.wait_dma2 semaphore(%arg21 : memref<!tpu.dma_semaphore, #tpu.memory_space<semaphore_mem>>) src(%dma_wait3A_150 : memref<64x128xf32, #tpu.memory_space<hbm>>) dst(%arg13 : memref<64x128xf32, #tpu.memory_space<vmem>>)
      %dma_wait3A_151 = arith.constant 0 : i32
      %dma_wait3A_152 = tpu.memref_slice %arg4[%dma_wait3A_151] : memref<325632xi32, #tpu.memory_space<hbm>> -> memref<64xi32, #tpu.memory_space<hbm>>
      %dma_wait3A_153 = arith.constant 0 : i32
      %dma_wait3A_154 = tpu.memref_slice %arg4[%dma_wait3A_153] : memref<325632xi32, #tpu.memory_space<hbm>> -> memref<64xi32, #tpu.memory_space<hbm>>
      tpu.wait_dma2 semaphore(%arg18 : memref<!tpu.dma_semaphore, #tpu.memory_space<semaphore_mem>>) src(%dma_wait3A_154 : memref<64xi32, #tpu.memory_space<hbm>>) dst(%arg10 : memref<64xi32, #tpu.memory_space<vmem>>)
      "tpu.region"() ({
        %run_scoped3A = tpu.sem_alloc : memref<!tpu.dma_semaphore, #tpu.memory_space<semaphore_mem>>
        %dma_start3A_170 = arith.constant 0 : i32
        %dma_start3A_171 = arith.constant 0 : i32
        %dma_start3A_172 = tpu.memref_slice %arg14[%dma_start3A_170, %dma_start3A_171] : memref<10112x128xf32, #tpu.memory_space<vmem_shared>> -> memref<10112x128xf32, #tpu.memory_space<vmem_shared>>
        tpu.enqueue_indirect_dma source(%arg13 : memref<64x128xf32, #tpu.memory_space<vmem>>) target(%dma_start3A_172 : memref<10112x128xf32, #tpu.memory_space<vmem_shared>>) offsets(%arg10 : memref<64xi32, #tpu.memory_space<vmem>>) semaphore(%run_scoped3A : memref<!tpu.dma_semaphore, #tpu.memory_space<semaphore_mem>>) {add = true}
        %dma_wait3A_173 = arith.constant 0 : i32
        %dma_wait3A_174 = arith.constant 0 : i32
        %dma_wait3A_175 = tpu.memref_slice %arg14[%dma_wait3A_173, %dma_wait3A_174] : memref<10112x128xf32, #tpu.memory_space<vmem_shared>> -> memref<10112x128xf32, #tpu.memory_space<vmem_shared>>
        tpu.wait_indirect_dma semaphore(%run_scoped3A : memref<!tpu.dma_semaphore, #tpu.memory_space<semaphore_mem>>) src(%arg13 : memref<64x128xf32, #tpu.memory_space<vmem>>) dst(%dma_wait3A_175 : memref<10112x128xf32, #tpu.memory_space<vmem_shared>>)
        tpu.yield
      }) : () -> ()
      %add3A_155 = arith.constant 3 : i32
      %add3A_156 = arith.addi %add3A_144, %add3A_155 : i32
      %min3A_157 = arith.constant 158 : i32
      %min3A_158 = arith.minsi %add3A_156, %min3A_157 : i32
      %dma_start3A_159 = arith.constant 0 : i32
      %dma_start3A_160 = tpu.memref_slice %arg7[%min3A_158, %dma_start3A_159] : memref<159x64xi32, #tpu.memory_space<vmem>> -> memref<1x64xi32, #tpu.memory_space<vmem>>
      %dma_start3A_161 = tpu.memref_squeeze %dma_start3A_160 : memref<1x64xi32, #tpu.memory_space<vmem>> -> memref<64xi32, #tpu.memory_space<vmem>>
      %dma_start3A_162 = arith.constant 0 : i32
      %dma_start3A_163 = arith.constant 0 : i32
      %dma_start3A_164 = tpu.memref_slice %arg2[%dma_start3A_162, %dma_start3A_163] : memref<10000x128xf32, #tpu.memory_space<hbm>> -> memref<10000x128xf32, #tpu.memory_space<hbm>>
      tpu.enqueue_indirect_dma source(%dma_start3A_164 : memref<10000x128xf32, #tpu.memory_space<hbm>>) target(%arg13 : memref<64x128xf32, #tpu.memory_space<vmem>>) offsets(%dma_start3A_161 : memref<64xi32, #tpu.memory_space<vmem>>) semaphore(%arg21 : memref<!tpu.dma_semaphore, #tpu.memory_space<semaphore_mem>>)
      %mul3A_165 = arith.constant 64 : i32
      %mul3A_166 = arith.muli %min3A_158, %mul3A_165 : i32
      %add3A_167 = arith.addi %mul3A_6, %mul3A_166 : i32
      %dma_start3A_168 = tpu.memref_slice %arg4[%add3A_167] : memref<325632xi32, #tpu.memory_space<hbm>> -> memref<64xi32, #tpu.memory_space<hbm>>
      %dma_start3A_169 = tpu.memref_slice %arg4[%add3A_167] : memref<325632xi32, #tpu.memory_space<hbm>> -> memref<64xi32, #tpu.memory_space<hbm>>
      tpu.enqueue_dma source(%dma_start3A_169 : memref<64xi32, #tpu.memory_space<hbm>>) target(%arg10 : memref<64xi32, #tpu.memory_space<vmem>>) target_semaphore(%arg18 : memref<!tpu.dma_semaphore, #tpu.memory_space<semaphore_mem>>)
    }
    %scan3A_57 = arith.constant 53 : i32
    %dma_wait3A_58 = arith.constant 0 : i32
    %dma_wait3A_59 = arith.constant 0 : i32
    %dma_wait3A_60 = tpu.memref_slice %arg2[%dma_wait3A_58, %dma_wait3A_59] : memref<10000x128xf32, #tpu.memory_space<hbm>> -> memref<64x128xf32, #tpu.memory_space<hbm>>
    %dma_wait3A_61 = arith.constant 0 : i32
    %dma_wait3A_62 = arith.constant 0 : i32
    %dma_wait3A_63 = tpu.memref_slice %arg2[%dma_wait3A_61, %dma_wait3A_62] : memref<10000x128xf32, #tpu.memory_space<hbm>> -> memref<64x128xf32, #tpu.memory_space<hbm>>
    tpu.wait_dma2 semaphore(%arg19 : memref<!tpu.dma_semaphore, #tpu.memory_space<semaphore_mem>>) src(%dma_wait3A_63 : memref<64x128xf32, #tpu.memory_space<hbm>>) dst(%arg11 : memref<64x128xf32, #tpu.memory_space<vmem>>)
    %dma_wait3A_64 = arith.constant 0 : i32
    %dma_wait3A_65 = arith.constant 0 : i32
    %dma_wait3A_66 = tpu.memref_slice %arg2[%dma_wait3A_64, %dma_wait3A_65] : memref<10000x128xf32, #tpu.memory_space<hbm>> -> memref<64x128xf32, #tpu.memory_space<hbm>>
    %dma_wait3A_67 = arith.constant 0 : i32
    %dma_wait3A_68 = arith.constant 0 : i32
    %dma_wait3A_69 = tpu.memref_slice %arg2[%dma_wait3A_67, %dma_wait3A_68] : memref<10000x128xf32, #tpu.memory_space<hbm>> -> memref<64x128xf32, #tpu.memory_space<hbm>>
    tpu.wait_dma2 semaphore(%arg20 : memref<!tpu.dma_semaphore, #tpu.memory_space<semaphore_mem>>) src(%dma_wait3A_69 : memref<64x128xf32, #tpu.memory_space<hbm>>) dst(%arg12 : memref<64x128xf32, #tpu.memory_space<vmem>>)
    %dma_wait3A_70 = arith.constant 0 : i32
    %dma_wait3A_71 = arith.constant 0 : i32
    %dma_wait3A_72 = tpu.memref_slice %arg2[%dma_wait3A_70, %dma_wait3A_71] : memref<10000x128xf32, #tpu.memory_space<hbm>> -> memref<64x128xf32, #tpu.memory_space<hbm>>
    %dma_wait3A_73 = arith.constant 0 : i32
    %dma_wait3A_74 = arith.constant 0 : i32
    %dma_wait3A_75 = tpu.memref_slice %arg2[%dma_wait3A_73, %dma_wait3A_74] : memref<10000x128xf32, #tpu.memory_space<hbm>> -> memref<64x128xf32, #tpu.memory_space<hbm>>
    tpu.wait_dma2 semaphore(%arg21 : memref<!tpu.dma_semaphore, #tpu.memory_space<semaphore_mem>>) src(%dma_wait3A_75 : memref<64x128xf32, #tpu.memory_space<hbm>>) dst(%arg13 : memref<64x128xf32, #tpu.memory_space<vmem>>)
    %dma_wait3A_76 = arith.constant 0 : i32
    %dma_wait3A_77 = tpu.memref_slice %arg4[%dma_wait3A_76] : memref<325632xi32, #tpu.memory_space<hbm>> -> memref<64xi32, #tpu.memory_space<hbm>>
    %dma_wait3A_78 = arith.constant 0 : i32
    %dma_wait3A_79 = tpu.memref_slice %arg4[%dma_wait3A_78] : memref<325632xi32, #tpu.memory_space<hbm>> -> memref<64xi32, #tpu.memory_space<hbm>>
    tpu.wait_dma2 semaphore(%arg16 : memref<!tpu.dma_semaphore, #tpu.memory_space<semaphore_mem>>) src(%dma_wait3A_79 : memref<64xi32, #tpu.memory_space<hbm>>) dst(%arg8 : memref<64xi32, #tpu.memory_space<vmem>>)
    %dma_wait3A_80 = arith.constant 0 : i32
    %dma_wait3A_81 = tpu.memref_slice %arg4[%dma_wait3A_80] : memref<325632xi32, #tpu.memory_space<hbm>> -> memref<64xi32, #tpu.memory_space<hbm>>
    %dma_wait3A_82 = arith.constant 0 : i32
    %dma_wait3A_83 = tpu.memref_slice %arg4[%dma_wait3A_82] : memref<325632xi32, #tpu.memory_space<hbm>> -> memref<64xi32, #tpu.memory_space<hbm>>
    tpu.wait_dma2 semaphore(%arg17 : memref<!tpu.dma_semaphore, #tpu.memory_space<semaphore_mem>>) src(%dma_wait3A_83 : memref<64xi32, #tpu.memory_space<hbm>>) dst(%arg9 : memref<64xi32, #tpu.memory_space<vmem>>)
    %dma_wait3A_84 = arith.constant 0 : i32
    %dma_wait3A_85 = tpu.memref_slice %arg4[%dma_wait3A_84] : memref<325632xi32, #tpu.memory_space<hbm>> -> memref<64xi32, #tpu.memory_space<hbm>>
    %dma_wait3A_86 = arith.constant 0 : i32
    %dma_wait3A_87 = tpu.memref_slice %arg4[%dma_wait3A_86] : memref<325632xi32, #tpu.memory_space<hbm>> -> memref<64xi32, #tpu.memory_space<hbm>>
    tpu.wait_dma2 semaphore(%arg18 : memref<!tpu.dma_semaphore, #tpu.memory_space<semaphore_mem>>) src(%dma_wait3A_87 : memref<64xi32, #tpu.memory_space<hbm>>) dst(%arg10 : memref<64xi32, #tpu.memory_space<vmem>>)
    %barrier3A_88 = arith.constant 0 : index
    tpu.barrier barrier_id(%barrier3A_88)
    "tpu.region"() ({
      %run_scoped3A = tpu.sem_alloc : memref<!tpu.dma_semaphore, #tpu.memory_space<semaphore_mem>>
      %dma_start3A_89 = arith.constant 0 : i32
      %dma_start3A_90 = tpu.memref_slice %arg6[%arg0, %mul3A_2, %dma_start3A_89] : memref<2x10112x128xf32, #tpu.memory_space<hbm>> -> memref<1x632x128xf32, #tpu.memory_space<hbm>>
      %dma_start3A_91 = tpu.memref_squeeze %dma_start3A_90 : memref<1x632x128xf32, #tpu.memory_space<hbm>> -> memref<632x128xf32, #tpu.memory_space<hbm>>
      %dma_start3A_92 = arith.constant 0 : i32
      %dma_start3A_93 = tpu.memref_slice %arg14[%mul3A_2, %dma_start3A_92] : memref<10112x128xf32, #tpu.memory_space<vmem_shared>> -> memref<632x128xf32, #tpu.memory_space<vmem_shared>>
      tpu.enqueue_dma source(%dma_start3A_93 : memref<632x128xf32, #tpu.memory_space<vmem_shared>>) target(%dma_start3A_91 : memref<632x128xf32, #tpu.memory_space<hbm>>) target_semaphore(%run_scoped3A : memref<!tpu.dma_semaphore, #tpu.memory_space<semaphore_mem>>)
      %dma_wait3A_94 = arith.constant 0 : i32
      %dma_wait3A_95 = tpu.memref_slice %arg6[%arg0, %mul3A_2, %dma_wait3A_94] : memref<2x10112x128xf32, #tpu.memory_space<hbm>> -> memref<1x632x128xf32, #tpu.memory_space<hbm>>
      %dma_wait3A_96 = tpu.memref_squeeze %dma_wait3A_95 : memref<1x632x128xf32, #tpu.memory_space<hbm>> -> memref<632x128xf32, #tpu.memory_space<hbm>>
      %dma_wait3A_97 = arith.constant 0 : i32
      %dma_wait3A_98 = tpu.memref_slice %arg14[%mul3A_2, %dma_wait3A_97] : memref<10112x128xf32, #tpu.memory_space<vmem_shared>> -> memref<632x128xf32, #tpu.memory_space<vmem_shared>>
      tpu.wait_dma2 semaphore(%run_scoped3A : memref<!tpu.dma_semaphore, #tpu.memory_space<semaphore_mem>>) src(%dma_wait3A_98 : memref<632x128xf32, #tpu.memory_space<vmem_shared>>) dst(%dma_wait3A_96 : memref<632x128xf32, #tpu.memory_space<hbm>>)
      tpu.yield
    }) : () -> ()
    return
  }
}

#map = affine_map<(d0, d1) -> (0, 0)>
#map1 = affine_map<(d0, d1) -> (0, 0, 0)>
#map2 = affine_map<(d0, d1) -> (0)>
module attributes {stable_mosaic.version = 14 : i64} {
  func.func @body(%arg0: i32, %arg1: i32, %arg2: memref<10000x128xf32, #tpu.memory_space<hbm>>, %arg3: memref<32x159x64xi32, #tpu.memory_space<hbm>>, %arg4: memref<325632xi32, #tpu.memory_space<hbm>>, %arg5: memref<10112x128xf32, #tpu.memory_space<hbm>>, %arg6: memref<2x10112x128xf32, #tpu.memory_space<hbm>>, %arg7: memref<159x64xi32, #tpu.memory_space<vmem>>, %arg8: memref<64xi32, #tpu.memory_space<vmem>>, %arg9: memref<64xi32, #tpu.memory_space<vmem>>, %arg10: memref<64xi32, #tpu.memory_space<vmem>>, %arg11: memref<64x128xf32, #tpu.memory_space<vmem>>, %arg12: memref<64x128xf32, #tpu.memory_space<vmem>>, %arg13: memref<64x128xf32, #tpu.memory_space<vmem>>, %arg14: memref<10112x128xf32, #tpu.memory_space<vmem_shared>>, %arg15: memref<!tpu.dma_semaphore, #tpu.memory_space<semaphore_mem>>, %arg16: memref<!tpu.dma_semaphore, #tpu.memory_space<semaphore_mem>>, %arg17: memref<!tpu.dma_semaphore, #tpu.memory_space<semaphore_mem>>, %arg18: memref<!tpu.dma_semaphore, #tpu.memory_space<semaphore_mem>>, %arg19: memref<!tpu.dma_semaphore, #tpu.memory_space<semaphore_mem>>, %arg20: memref<!tpu.dma_semaphore, #tpu.memory_space<semaphore_mem>>, %arg21: memref<!tpu.dma_semaphore, #tpu.memory_space<semaphore_mem>>) attributes {dimension_semantics = [#tpu.dimension_semantics<core_parallel>, #tpu.dimension_semantics<subcore_parallel>], iteration_bounds = array<i64: 2, 16>, scalar_prefetch = 0 : i64, scratch_operands = 15 : i64, tpu.core_type = #tpu.core_type<sc_vector_subcore>, window_params = [{transform_indices = #map}, {transform_indices = #map1}, {transform_indices = #map2}, {transform_indices = #map}, {transform_indices = #map1}]} {
    %mul3A = arith.constant 2 : i32
    %mul3A_0 = arith.muli %arg1, %mul3A : i32
    %add3A = arith.addi %mul3A_0, %arg0 : i32
    %mul3A_1 = arith.constant 632 : i32
    %mul3A_2 = arith.muli %arg1, %mul3A_1 : i32
    %mul3A_3 = arith.constant 159 : i32
    %mul3A_4 = arith.muli %add3A, %mul3A_3 : i32
    %mul3A_5 = arith.constant 64 : i32
    %mul3A_6 = arith.muli %mul3A_4, %mul3A_5 : i32
    "tpu.region"() ({
      %run_scoped3A = tpu.sem_alloc : memref<!tpu.dma_semaphore, #tpu.memory_space<semaphore_mem>>
      %dma_start3A_89 = arith.constant 0 : i32
      %dma_start3A_90 = tpu.memref_slice %arg14[%mul3A_2, %dma_start3A_89] : memref<10112x128xf32, #tpu.memory_space<vmem_shared>> -> memref<632x128xf32, #tpu.memory_space<vmem_shared>>
      %dma_start3A_91 = arith.constant 0 : i32
      %dma_start3A_92 = tpu.memref_slice %arg5[%mul3A_2, %dma_start3A_91] : memref<10112x128xf32, #tpu.memory_space<hbm>> -> memref<632x128xf32, #tpu.memory_space<hbm>>
      tpu.enqueue_dma source(%dma_start3A_92 : memref<632x128xf32, #tpu.memory_space<hbm>>) target(%dma_start3A_90 : memref<632x128xf32, #tpu.memory_space<vmem_shared>>) target_semaphore(%run_scoped3A : memref<!tpu.dma_semaphore, #tpu.memory_space<semaphore_mem>>)
      %dma_wait3A_93 = arith.constant 0 : i32
      %dma_wait3A_94 = tpu.memref_slice %arg14[%mul3A_2, %dma_wait3A_93] : memref<10112x128xf32, #tpu.memory_space<vmem_shared>> -> memref<632x128xf32, #tpu.memory_space<vmem_shared>>
      %dma_wait3A_95 = arith.constant 0 : i32
      %dma_wait3A_96 = tpu.memref_slice %arg5[%mul3A_2, %dma_wait3A_95] : memref<10112x128xf32, #tpu.memory_space<hbm>> -> memref<632x128xf32, #tpu.memory_space<hbm>>
      tpu.wait_dma2 semaphore(%run_scoped3A : memref<!tpu.dma_semaphore, #tpu.memory_space<semaphore_mem>>) src(%dma_wait3A_96 : memref<632x128xf32, #tpu.memory_space<hbm>>) dst(%dma_wait3A_94 : memref<632x128xf32, #tpu.memory_space<vmem_shared>>)
      tpu.yield
    }) : () -> ()
    %dma_start3A = arith.constant 0 : i32
    %dma_start3A_7 = arith.constant 0 : i32
    %dma_start3A_8 = tpu.memref_slice %arg3[%add3A, %dma_start3A, %dma_start3A_7] : memref<32x159x64xi32, #tpu.memory_space<hbm>> -> memref<1x159x64xi32, #tpu.memory_space<hbm>>
    %dma_start3A_9 = tpu.memref_squeeze %dma_start3A_8 : memref<1x159x64xi32, #tpu.memory_space<hbm>> -> memref<159x64xi32, #tpu.memory_space<hbm>>
    %dma_start3A_10 = arith.constant 0 : i32
    %dma_start3A_11 = arith.constant 0 : i32
    %dma_start3A_12 = tpu.memref_slice %arg3[%add3A, %dma_start3A_10, %dma_start3A_11] : memref<32x159x64xi32, #tpu.memory_space<hbm>> -> memref<1x159x64xi32, #tpu.memory_space<hbm>>
    %dma_start3A_13 = tpu.memref_squeeze %dma_start3A_12 : memref<1x159x64xi32, #tpu.memory_space<hbm>> -> memref<159x64xi32, #tpu.memory_space<hbm>>
    tpu.enqueue_dma source(%dma_start3A_13 : memref<159x64xi32, #tpu.memory_space<hbm>>) target(%arg7 : memref<159x64xi32, #tpu.memory_space<vmem>>) target_semaphore(%arg15 : memref<!tpu.dma_semaphore, #tpu.memory_space<semaphore_mem>>)
    %dma_start3A_14 = tpu.memref_slice %arg4[%mul3A_6] : memref<325632xi32, #tpu.memory_space<hbm>> -> memref<64xi32, #tpu.memory_space<hbm>>
    %dma_start3A_15 = tpu.memref_slice %arg4[%mul3A_6] : memref<325632xi32, #tpu.memory_space<hbm>> -> memref<64xi32, #tpu.memory_space<hbm>>
    tpu.enqueue_dma source(%dma_start3A_15 : memref<64xi32, #tpu.memory_space<hbm>>) target(%arg8 : memref<64xi32, #tpu.memory_space<vmem>>) target_semaphore(%arg16 : memref<!tpu.dma_semaphore, #tpu.memory_space<semaphore_mem>>)
    %add3A_16 = arith.constant 64 : i32
    %add3A_17 = arith.addi %mul3A_6, %add3A_16 : i32
    %dma_start3A_18 = tpu.memref_slice %arg4[%add3A_17] : memref<325632xi32, #tpu.memory_space<hbm>> -> memref<64xi32, #tpu.memory_space<hbm>>
    %dma_start3A_19 = tpu.memref_slice %arg4[%add3A_17] : memref<325632xi32, #tpu.memory_space<hbm>> -> memref<64xi32, #tpu.memory_space<hbm>>
    tpu.enqueue_dma source(%dma_start3A_19 : memref<64xi32, #tpu.memory_space<hbm>>) target(%arg9 : memref<64xi32, #tpu.memory_space<vmem>>) target_semaphore(%arg17 : memref<!tpu.dma_semaphore, #tpu.memory_space<semaphore_mem>>)
    %add3A_20 = arith.constant 128 : i32
    %add3A_21 = arith.addi %mul3A_6, %add3A_20 : i32
    %dma_start3A_22 = tpu.memref_slice %arg4[%add3A_21] : memref<325632xi32, #tpu.memory_space<hbm>> -> memref<64xi32, #tpu.memory_space<hbm>>
    %dma_start3A_23 = tpu.memref_slice %arg4[%add3A_21] : memref<325632xi32, #tpu.memory_space<hbm>> -> memref<64xi32, #tpu.memory_space<hbm>>
    tpu.enqueue_dma source(%dma_start3A_23 : memref<64xi32, #tpu.memory_space<hbm>>) target(%arg10 : memref<64xi32, #tpu.memory_space<vmem>>) target_semaphore(%arg18 : memref<!tpu.dma_semaphore, #tpu.memory_space<semaphore_mem>>)
    %dma_wait3A = arith.constant 0 : i32
    %dma_wait3A_24 = arith.constant 0 : i32
    %dma_wait3A_25 = arith.constant 0 : i32
    %dma_wait3A_26 = tpu.memref_slice %arg3[%dma_wait3A, %dma_wait3A_24, %dma_wait3A_25] : memref<32x159x64xi32, #tpu.memory_space<hbm>> -> memref<1x159x64xi32, #tpu.memory_space<hbm>>
    %dma_wait3A_27 = tpu.memref_squeeze %dma_wait3A_26 : memref<1x159x64xi32, #tpu.memory_space<hbm>> -> memref<159x64xi32, #tpu.memory_space<hbm>>
    %dma_wait3A_28 = arith.constant 0 : i32
    %dma_wait3A_29 = arith.constant 0 : i32
    %dma_wait3A_30 = tpu.memref_slice %arg3[%dma_wait3A, %dma_wait3A_28, %dma_wait3A_29] : memref<32x159x64xi32, #tpu.memory_space<hbm>> -> memref<1x159x64xi32, #tpu.memory_space<hbm>>
    %dma_wait3A_31 = tpu.memref_squeeze %dma_wait3A_30 : memref<1x159x64xi32, #tpu.memory_space<hbm>> -> memref<159x64xi32, #tpu.memory_space<hbm>>
    tpu.wait_dma2 semaphore(%arg15 : memref<!tpu.dma_semaphore, #tpu.memory_space<semaphore_mem>>) src(%dma_wait3A_31 : memref<159x64xi32, #tpu.memory_space<hbm>>) dst(%arg7 : memref<159x64xi32, #tpu.memory_space<vmem>>)
    %dma_start3A_32 = arith.constant 0 : i32
    %dma_start3A_33 = arith.constant 0 : i32
    %dma_start3A_34 = tpu.memref_slice %arg7[%dma_start3A_32, %dma_start3A_33] : memref<159x64xi32, #tpu.memory_space<vmem>> -> memref<1x64xi32, #tpu.memory_space<vmem>>
    %dma_start3A_35 = tpu.memref_squeeze %dma_start3A_34 : memref<1x64xi32, #tpu.memory_space<vmem>> -> memref<64xi32, #tpu.memory_space<vmem>>
    %dma_start3A_36 = arith.constant 0 : i32
    %dma_start3A_37 = arith.constant 0 : i32
    %dma_start3A_38 = tpu.memref_slice %arg2[%dma_start3A_36, %dma_start3A_37] : memref<10000x128xf32, #tpu.memory_space<hbm>> -> memref<10000x128xf32, #tpu.memory_space<hbm>>
    tpu.enqueue_indirect_dma source(%dma_start3A_38 : memref<10000x128xf32, #tpu.memory_space<hbm>>) target(%arg11 : memref<64x128xf32, #tpu.memory_space<vmem>>) offsets(%dma_start3A_35 : memref<64xi32, #tpu.memory_space<vmem>>) semaphore(%arg19 : memref<!tpu.dma_semaphore, #tpu.memory_space<semaphore_mem>>)
    %dma_start3A_39 = arith.constant 1 : i32
    %dma_start3A_40 = arith.constant 0 : i32
    %dma_start3A_41 = tpu.memref_slice %arg7[%dma_start3A_39, %dma_start3A_40] : memref<159x64xi32, #tpu.memory_space<vmem>> -> memref<1x64xi32, #tpu.memory_space<vmem>>
    %dma_start3A_42 = tpu.memref_squeeze %dma_start3A_41 : memref<1x64xi32, #tpu.memory_space<vmem>> -> memref<64xi32, #tpu.memory_space<vmem>>
    %dma_start3A_43 = arith.constant 0 : i32
    %dma_start3A_44 = arith.constant 0 : i32
    %dma_start3A_45 = tpu.memref_slice %arg2[%dma_start3A_43, %dma_start3A_44] : memref<10000x128xf32, #tpu.memory_space<hbm>> -> memref<10000x128xf32, #tpu.memory_space<hbm>>
    tpu.enqueue_indirect_dma source(%dma_start3A_45 : memref<10000x128xf32, #tpu.memory_space<hbm>>) target(%arg12 : memref<64x128xf32, #tpu.memory_space<vmem>>) offsets(%dma_start3A_42 : memref<64xi32, #tpu.memory_space<vmem>>) semaphore(%arg20 : memref<!tpu.dma_semaphore, #tpu.memory_space<semaphore_mem>>)
    %dma_start3A_46 = arith.constant 2 : i32
    %dma_start3A_47 = arith.constant 0 : i32
    %dma_start3A_48 = tpu.memref_slice %arg7[%dma_start3A_46, %dma_start3A_47] : memref<159x64xi32, #tpu.memory_space<vmem>> -> memref<1x64xi32, #tpu.memory_space<vmem>>
    %dma_start3A_49 = tpu.memref_squeeze %dma_start3A_48 : memref<1x64xi32, #tpu.memory_space<vmem>> -> memref<64xi32, #tpu.memory_space<vmem>>
    %dma_start3A_50 = arith.constant 0 : i32
    %dma_start3A_51 = arith.constant 0 : i32
    %dma_start3A_52 = tpu.memref_slice %arg2[%dma_start3A_50, %dma_start3A_51] : memref<10000x128xf32, #tpu.memory_space<hbm>> -> memref<10000x128xf32, #tpu.memory_space<hbm>>
    tpu.enqueue_indirect_dma source(%dma_start3A_52 : memref<10000x128xf32, #tpu.memory_space<hbm>>) target(%arg13 : memref<64x128xf32, #tpu.memory_space<vmem>>) offsets(%dma_start3A_49 : memref<64xi32, #tpu.memory_space<vmem>>) semaphore(%arg21 : memref<!tpu.dma_semaphore, #tpu.memory_space<semaphore_mem>>)
    %barrier3A = arith.constant 0 : index
    tpu.barrier barrier_id(%barrier3A)
    %scan3A = arith.constant 0 : i32
    %scan3A_53 = arith.constant 0 : i32
    %scan3A_54 = arith.constant 53 : i32
    %scan3A_55 = arith.addi %scan3A_53, %scan3A_54 : i32
    %scan3A_56 = arith.constant 1 : i32
    scf.for %scan3A_89 = %scan3A_53 to %scan3A_55 step %scan3A_56  : i32 {
      %mul3A_90 = arith.constant 3 : i32
      %mul3A_91 = arith.muli %mul3A_90, %scan3A_89 : i32
      %dma_wait3A_92 = arith.constant 0 : i32
      %dma_wait3A_93 = arith.constant 0 : i32
      %dma_wait3A_94 = tpu.memref_slice %arg2[%dma_wait3A_92, %dma_wait3A_93] : memref<10000x128xf32, #tpu.memory_space<hbm>> -> memref<64x128xf32, #tpu.memory_space<hbm>>
      %dma_wait3A_95 = arith.constant 0 : i32
      %dma_wait3A_96 = arith.constant 0 : i32
      %dma_wait3A_97 = tpu.memref_slice %arg2[%dma_wait3A_95, %dma_wait3A_96] : memref<10000x128xf32, #tpu.memory_space<hbm>> -> memref<64x128xf32, #tpu.memory_space<hbm>>
      tpu.wait_dma2 semaphore(%arg19 : memref<!tpu.dma_semaphore, #tpu.memory_space<semaphore_mem>>) src(%dma_wait3A_97 : memref<64x128xf32, #tpu.memory_space<hbm>>) dst(%arg11 : memref<64x128xf32, #tpu.memory_space<vmem>>)
      %dma_wait3A_98 = arith.constant 0 : i32
      %dma_wait3A_99 = tpu.memref_slice %arg4[%dma_wait3A_98] : memref<325632xi32, #tpu.memory_space<hbm>> -> memref<64xi32, #tpu.memory_space<hbm>>
      %dma_wait3A_100 = arith.constant 0 : i32
      %dma_wait3A_101 = tpu.memref_slice %arg4[%dma_wait3A_100] : memref<325632xi32, #tpu.memory_space<hbm>> -> memref<64xi32, #tpu.memory_space<hbm>>
      tpu.wait_dma2 semaphore(%arg16 : memref<!tpu.dma_semaphore, #tpu.memory_space<semaphore_mem>>) src(%dma_wait3A_101 : memref<64xi32, #tpu.memory_space<hbm>>) dst(%arg8 : memref<64xi32, #tpu.memory_space<vmem>>)
      "tpu.region"() ({
        %run_scoped3A = tpu.sem_alloc : memref<!tpu.dma_semaphore, #tpu.memory_space<semaphore_mem>>
        %dma_start3A_170 = arith.constant 0 : i32
        %dma_start3A_171 = arith.constant 0 : i32
        %dma_start3A_172 = tpu.memref_slice %arg14[%dma_start3A_170, %dma_start3A_171] : memref<10112x128xf32, #tpu.memory_space<vmem_shared>> -> memref<10112x128xf32, #tpu.memory_space<vmem_shared>>
        tpu.enqueue_indirect_dma source(%arg11 : memref<64x128xf32, #tpu.memory_space<vmem>>) target(%dma_start3A_172 : memref<10112x128xf32, #tpu.memory_space<vmem_shared>>) offsets(%arg8 : memref<64xi32, #tpu.memory_space<vmem>>) semaphore(%run_scoped3A : memref<!tpu.dma_semaphore, #tpu.memory_space<semaphore_mem>>) {add = true}
        %dma_wait3A_173 = arith.constant 0 : i32
        %dma_wait3A_174 = arith.constant 0 : i32
        %dma_wait3A_175 = tpu.memref_slice %arg14[%dma_wait3A_173, %dma_wait3A_174] : memref<10112x128xf32, #tpu.memory_space<vmem_shared>> -> memref<10112x128xf32, #tpu.memory_space<vmem_shared>>
        tpu.wait_indirect_dma semaphore(%run_scoped3A : memref<!tpu.dma_semaphore, #tpu.memory_space<semaphore_mem>>) src(%arg11 : memref<64x128xf32, #tpu.memory_space<vmem>>) dst(%dma_wait3A_175 : memref<10112x128xf32, #tpu.memory_space<vmem_shared>>)
        tpu.yield
      }) : () -> ()
      %add3A_102 = arith.constant 3 : i32
      %add3A_103 = arith.addi %mul3A_91, %add3A_102 : i32
      %min3A = arith.constant 158 : i32
      %min3A_104 = arith.minsi %add3A_103, %min3A : i32
      %dma_start3A_105 = arith.constant 0 : i32
      %dma_start3A_106 = tpu.memref_slice %arg7[%min3A_104, %dma_start3A_105] : memref<159x64xi32, #tpu.memory_space<vmem>> -> memref<1x64xi32, #tpu.memory_space<vmem>>
      %dma_start3A_107 = tpu.memref_squeeze %dma_start3A_106 : memref<1x64xi32, #tpu.memory_space<vmem>> -> memref<64xi32, #tpu.memory_space<vmem>>
      %dma_start3A_108 = arith.constant 0 : i32
      %dma_start3A_109 = arith.constant 0 : i32
      %dma_start3A_110 = tpu.memref_slice %arg2[%dma_start3A_108, %dma_start3A_109] : memref<10000x128xf32, #tpu.memory_space<hbm>> -> memref<10000x128xf32, #tpu.memory_space<hbm>>
      tpu.enqueue_indirect_dma source(%dma_start3A_110 : memref<10000x128xf32, #tpu.memory_space<hbm>>) target(%arg11 : memref<64x128xf32, #tpu.memory_space<vmem>>) offsets(%dma_start3A_107 : memref<64xi32, #tpu.memory_space<vmem>>) semaphore(%arg19 : memref<!tpu.dma_semaphore, #tpu.memory_space<semaphore_mem>>)
      %mul3A_111 = arith.constant 64 : i32
      %mul3A_112 = arith.muli %min3A_104, %mul3A_111 : i32
      %add3A_113 = arith.addi %mul3A_6, %mul3A_112 : i32
      %dma_start3A_114 = tpu.memref_slice %arg4[%add3A_113] : memref<325632xi32, #tpu.memory_space<hbm>> -> memref<64xi32, #tpu.memory_space<hbm>>
      %dma_start3A_115 = tpu.memref_slice %arg4[%add3A_113] : memref<325632xi32, #tpu.memory_space<hbm>> -> memref<64xi32, #tpu.memory_space<hbm>>
      tpu.enqueue_dma source(%dma_start3A_115 : memref<64xi32, #tpu.memory_space<hbm>>) target(%arg8 : memref<64xi32, #tpu.memory_space<vmem>>) target_semaphore(%arg16 : memref<!tpu.dma_semaphore, #tpu.memory_space<semaphore_mem>>)
      %add3A_116 = arith.constant 1 : i32
      %add3A_117 = arith.addi %mul3A_91, %add3A_116 : i32
      %dma_wait3A_118 = arith.constant 0 : i32
      %dma_wait3A_119 = arith.constant 0 : i32
      %dma_wait3A_120 = tpu.memref_slice %arg2[%dma_wait3A_118, %dma_wait3A_119] : memref<10000x128xf32, #tpu.memory_space<hbm>> -> memref<64x128xf32, #tpu.memory_space<hbm>>
      %dma_wait3A_121 = arith.constant 0 : i32
      %dma_wait3A_122 = arith.constant 0 : i32
      %dma_wait3A_123 = tpu.memref_slice %arg2[%dma_wait3A_121, %dma_wait3A_122] : memref<10000x128xf32, #tpu.memory_space<hbm>> -> memref<64x128xf32, #tpu.memory_space<hbm>>
      tpu.wait_dma2 semaphore(%arg20 : memref<!tpu.dma_semaphore, #tpu.memory_space<semaphore_mem>>) src(%dma_wait3A_123 : memref<64x128xf32, #tpu.memory_space<hbm>>) dst(%arg12 : memref<64x128xf32, #tpu.memory_space<vmem>>)
      %dma_wait3A_124 = arith.constant 0 : i32
      %dma_wait3A_125 = tpu.memref_slice %arg4[%dma_wait3A_124] : memref<325632xi32, #tpu.memory_space<hbm>> -> memref<64xi32, #tpu.memory_space<hbm>>
      %dma_wait3A_126 = arith.constant 0 : i32
      %dma_wait3A_127 = tpu.memref_slice %arg4[%dma_wait3A_126] : memref<325632xi32, #tpu.memory_space<hbm>> -> memref<64xi32, #tpu.memory_space<hbm>>
      tpu.wait_dma2 semaphore(%arg17 : memref<!tpu.dma_semaphore, #tpu.memory_space<semaphore_mem>>) src(%dma_wait3A_127 : memref<64xi32, #tpu.memory_space<hbm>>) dst(%arg9 : memref<64xi32, #tpu.memory_space<vmem>>)
      "tpu.region"() ({
        %run_scoped3A = tpu.sem_alloc : memref<!tpu.dma_semaphore, #tpu.memory_space<semaphore_mem>>
        %dma_start3A_170 = arith.constant 0 : i32
        %dma_start3A_171 = arith.constant 0 : i32
        %dma_start3A_172 = tpu.memref_slice %arg14[%dma_start3A_170, %dma_start3A_171] : memref<10112x128xf32, #tpu.memory_space<vmem_shared>> -> memref<10112x128xf32, #tpu.memory_space<vmem_shared>>
        tpu.enqueue_indirect_dma source(%arg12 : memref<64x128xf32, #tpu.memory_space<vmem>>) target(%dma_start3A_172 : memref<10112x128xf32, #tpu.memory_space<vmem_shared>>) offsets(%arg9 : memref<64xi32, #tpu.memory_space<vmem>>) semaphore(%run_scoped3A : memref<!tpu.dma_semaphore, #tpu.memory_space<semaphore_mem>>) {add = true}
        %dma_wait3A_173 = arith.constant 0 : i32
        %dma_wait3A_174 = arith.constant 0 : i32
        %dma_wait3A_175 = tpu.memref_slice %arg14[%dma_wait3A_173, %dma_wait3A_174] : memref<10112x128xf32, #tpu.memory_space<vmem_shared>> -> memref<10112x128xf32, #tpu.memory_space<vmem_shared>>
        tpu.wait_indirect_dma semaphore(%run_scoped3A : memref<!tpu.dma_semaphore, #tpu.memory_space<semaphore_mem>>) src(%arg12 : memref<64x128xf32, #tpu.memory_space<vmem>>) dst(%dma_wait3A_175 : memref<10112x128xf32, #tpu.memory_space<vmem_shared>>)
        tpu.yield
      }) : () -> ()
      %add3A_128 = arith.constant 3 : i32
      %add3A_129 = arith.addi %add3A_117, %add3A_128 : i32
      %min3A_130 = arith.constant 158 : i32
      %min3A_131 = arith.minsi %add3A_129, %min3A_130 : i32
      %dma_start3A_132 = arith.constant 0 : i32
      %dma_start3A_133 = tpu.memref_slice %arg7[%min3A_131, %dma_start3A_132] : memref<159x64xi32, #tpu.memory_space<vmem>> -> memref<1x64xi32, #tpu.memory_space<vmem>>
      %dma_start3A_134 = tpu.memref_squeeze %dma_start3A_133 : memref<1x64xi32, #tpu.memory_space<vmem>> -> memref<64xi32, #tpu.memory_space<vmem>>
      %dma_start3A_135 = arith.constant 0 : i32
      %dma_start3A_136 = arith.constant 0 : i32
      %dma_start3A_137 = tpu.memref_slice %arg2[%dma_start3A_135, %dma_start3A_136] : memref<10000x128xf32, #tpu.memory_space<hbm>> -> memref<10000x128xf32, #tpu.memory_space<hbm>>
      tpu.enqueue_indirect_dma source(%dma_start3A_137 : memref<10000x128xf32, #tpu.memory_space<hbm>>) target(%arg12 : memref<64x128xf32, #tpu.memory_space<vmem>>) offsets(%dma_start3A_134 : memref<64xi32, #tpu.memory_space<vmem>>) semaphore(%arg20 : memref<!tpu.dma_semaphore, #tpu.memory_space<semaphore_mem>>)
      %mul3A_138 = arith.constant 64 : i32
      %mul3A_139 = arith.muli %min3A_131, %mul3A_138 : i32
      %add3A_140 = arith.addi %mul3A_6, %mul3A_139 : i32
      %dma_start3A_141 = tpu.memref_slice %arg4[%add3A_140] : memref<325632xi32, #tpu.memory_space<hbm>> -> memref<64xi32, #tpu.memory_space<hbm>>
      %dma_start3A_142 = tpu.memref_slice %arg4[%add3A_140] : memref<325632xi32, #tpu.memory_space<hbm>> -> memref<64xi32, #tpu.memory_space<hbm>>
      tpu.enqueue_dma source(%dma_start3A_142 : memref<64xi32, #tpu.memory_space<hbm>>) target(%arg9 : memref<64xi32, #tpu.memory_space<vmem>>) target_semaphore(%arg17 : memref<!tpu.dma_semaphore, #tpu.memory_space<semaphore_mem>>)
      %add3A_143 = arith.constant 2 : i32
      %add3A_144 = arith.addi %mul3A_91, %add3A_143 : i32
      %dma_wait3A_145 = arith.constant 0 : i32
      %dma_wait3A_146 = arith.constant 0 : i32
      %dma_wait3A_147 = tpu.memref_slice %arg2[%dma_wait3A_145, %dma_wait3A_146] : memref<10000x128xf32, #tpu.memory_space<hbm>> -> memref<64x128xf32, #tpu.memory_space<hbm>>
      %dma_wait3A_148 = arith.constant 0 : i32
      %dma_wait3A_149 = arith.constant 0 : i32
      %dma_wait3A_150 = tpu.memref_slice %arg2[%dma_wait3A_148, %dma_wait3A_149] : memref<10000x128xf32, #tpu.memory_space<hbm>> -> memref<64x128xf32, #tpu.memory_space<hbm>>
      tpu.wait_dma2 semaphore(%arg21 : memref<!tpu.dma_semaphore, #tpu.memory_space<semaphore_mem>>) src(%dma_wait3A_150 : memref<64x128xf32, #tpu.memory_space<hbm>>) dst(%arg13 : memref<64x128xf32, #tpu.memory_space<vmem>>)
      %dma_wait3A_151 = arith.constant 0 : i32
      %dma_wait3A_152 = tpu.memref_slice %arg4[%dma_wait3A_151] : memref<325632xi32, #tpu.memory_space<hbm>> -> memref<64xi32, #tpu.memory_space<hbm>>
      %dma_wait3A_153 = arith.constant 0 : i32
      %dma_wait3A_154 = tpu.memref_slice %arg4[%dma_wait3A_153] : memref<325632xi32, #tpu.memory_space<hbm>> -> memref<64xi32, #tpu.memory_space<hbm>>
      tpu.wait_dma2 semaphore(%arg18 : memref<!tpu.dma_semaphore, #tpu.memory_space<semaphore_mem>>) src(%dma_wait3A_154 : memref<64xi32, #tpu.memory_space<hbm>>) dst(%arg10 : memref<64xi32, #tpu.memory_space<vmem>>)
      "tpu.region"() ({
        %run_scoped3A = tpu.sem_alloc : memref<!tpu.dma_semaphore, #tpu.memory_space<semaphore_mem>>
        %dma_start3A_170 = arith.constant 0 : i32
        %dma_start3A_171 = arith.constant 0 : i32
        %dma_start3A_172 = tpu.memref_slice %arg14[%dma_start3A_170, %dma_start3A_171] : memref<10112x128xf32, #tpu.memory_space<vmem_shared>> -> memref<10112x128xf32, #tpu.memory_space<vmem_shared>>
        tpu.enqueue_indirect_dma source(%arg13 : memref<64x128xf32, #tpu.memory_space<vmem>>) target(%dma_start3A_172 : memref<10112x128xf32, #tpu.memory_space<vmem_shared>>) offsets(%arg10 : memref<64xi32, #tpu.memory_space<vmem>>) semaphore(%run_scoped3A : memref<!tpu.dma_semaphore, #tpu.memory_space<semaphore_mem>>) {add = true}
        %dma_wait3A_173 = arith.constant 0 : i32
        %dma_wait3A_174 = arith.constant 0 : i32
        %dma_wait3A_175 = tpu.memref_slice %arg14[%dma_wait3A_173, %dma_wait3A_174] : memref<10112x128xf32, #tpu.memory_space<vmem_shared>> -> memref<10112x128xf32, #tpu.memory_space<vmem_shared>>
        tpu.wait_indirect_dma semaphore(%run_scoped3A : memref<!tpu.dma_semaphore, #tpu.memory_space<semaphore_mem>>) src(%arg13 : memref<64x128xf32, #tpu.memory_space<vmem>>) dst(%dma_wait3A_175 : memref<10112x128xf32, #tpu.memory_space<vmem_shared>>)
        tpu.yield
      }) : () -> ()
      %add3A_155 = arith.constant 3 : i32
      %add3A_156 = arith.addi %add3A_144, %add3A_155 : i32
      %min3A_157 = arith.constant 158 : i32
      %min3A_158 = arith.minsi %add3A_156, %min3A_157 : i32
      %dma_start3A_159 = arith.constant 0 : i32
      %dma_start3A_160 = tpu.memref_slice %arg7[%min3A_158, %dma_start3A_159] : memref<159x64xi32, #tpu.memory_space<vmem>> -> memref<1x64xi32, #tpu.memory_space<vmem>>
      %dma_start3A_161 = tpu.memref_squeeze %dma_start3A_160 : memref<1x64xi32, #tpu.memory_space<vmem>> -> memref<64xi32, #tpu.memory_space<vmem>>
      %dma_start3A_162 = arith.constant 0 : i32
      %dma_start3A_163 = arith.constant 0 : i32
      %dma_start3A_164 = tpu.memref_slice %arg2[%dma_start3A_162, %dma_start3A_163] : memref<10000x128xf32, #tpu.memory_space<hbm>> -> memref<10000x128xf32, #tpu.memory_space<hbm>>
      tpu.enqueue_indirect_dma source(%dma_start3A_164 : memref<10000x128xf32, #tpu.memory_space<hbm>>) target(%arg13 : memref<64x128xf32, #tpu.memory_space<vmem>>) offsets(%dma_start3A_161 : memref<64xi32, #tpu.memory_space<vmem>>) semaphore(%arg21 : memref<!tpu.dma_semaphore, #tpu.memory_space<semaphore_mem>>)
      %mul3A_165 = arith.constant 64 : i32
      %mul3A_166 = arith.muli %min3A_158, %mul3A_165 : i32
      %add3A_167 = arith.addi %mul3A_6, %mul3A_166 : i32
      %dma_start3A_168 = tpu.memref_slice %arg4[%add3A_167] : memref<325632xi32, #tpu.memory_space<hbm>> -> memref<64xi32, #tpu.memory_space<hbm>>
      %dma_start3A_169 = tpu.memref_slice %arg4[%add3A_167] : memref<325632xi32, #tpu.memory_space<hbm>> -> memref<64xi32, #tpu.memory_space<hbm>>
      tpu.enqueue_dma source(%dma_start3A_169 : memref<64xi32, #tpu.memory_space<hbm>>) target(%arg10 : memref<64xi32, #tpu.memory_space<vmem>>) target_semaphore(%arg18 : memref<!tpu.dma_semaphore, #tpu.memory_space<semaphore_mem>>)
    }
    %scan3A_57 = arith.constant 53 : i32
    %dma_wait3A_58 = arith.constant 0 : i32
    %dma_wait3A_59 = arith.constant 0 : i32
    %dma_wait3A_60 = tpu.memref_slice %arg2[%dma_wait3A_58, %dma_wait3A_59] : memref<10000x128xf32, #tpu.memory_space<hbm>> -> memref<64x128xf32, #tpu.memory_space<hbm>>
    %dma_wait3A_61 = arith.constant 0 : i32
    %dma_wait3A_62 = arith.constant 0 : i32
    %dma_wait3A_63 = tpu.memref_slice %arg2[%dma_wait3A_61, %dma_wait3A_62] : memref<10000x128xf32, #tpu.memory_space<hbm>> -> memref<64x128xf32, #tpu.memory_space<hbm>>
    tpu.wait_dma2 semaphore(%arg19 : memref<!tpu.dma_semaphore, #tpu.memory_space<semaphore_mem>>) src(%dma_wait3A_63 : memref<64x128xf32, #tpu.memory_space<hbm>>) dst(%arg11 : memref<64x128xf32, #tpu.memory_space<vmem>>)
    %dma_wait3A_64 = arith.constant 0 : i32
    %dma_wait3A_65 = arith.constant 0 : i32
    %dma_wait3A_66 = tpu.memref_slice %arg2[%dma_wait3A_64, %dma_wait3A_65] : memref<10000x128xf32, #tpu.memory_space<hbm>> -> memref<64x128xf32, #tpu.memory_space<hbm>>
    %dma_wait3A_67 = arith.constant 0 : i32
    %dma_wait3A_68 = arith.constant 0 : i32
    %dma_wait3A_69 = tpu.memref_slice %arg2[%dma_wait3A_67, %dma_wait3A_68] : memref<10000x128xf32, #tpu.memory_space<hbm>> -> memref<64x128xf32, #tpu.memory_space<hbm>>
    tpu.wait_dma2 semaphore(%arg20 : memref<!tpu.dma_semaphore, #tpu.memory_space<semaphore_mem>>) src(%dma_wait3A_69 : memref<64x128xf32, #tpu.memory_space<hbm>>) dst(%arg12 : memref<64x128xf32, #tpu.memory_space<vmem>>)
    %dma_wait3A_70 = arith.constant 0 : i32
    %dma_wait3A_71 = arith.constant 0 : i32
    %dma_wait3A_72 = tpu.memref_slice %arg2[%dma_wait3A_70, %dma_wait3A_71] : memref<10000x128xf32, #tpu.memory_space<hbm>> -> memref<64x128xf32, #tpu.memory_space<hbm>>
    %dma_wait3A_73 = arith.constant 0 : i32
    %dma_wait3A_74 = arith.constant 0 : i32
    %dma_wait3A_75 = tpu.memref_slice %arg2[%dma_wait3A_73, %dma_wait3A_74] : memref<10000x128xf32, #tpu.memory_space<hbm>> -> memref<64x128xf32, #tpu.memory_space<hbm>>
    tpu.wait_dma2 semaphore(%arg21 : memref<!tpu.dma_semaphore, #tpu.memory_space<semaphore_mem>>) src(%dma_wait3A_75 : memref<64x128xf32, #tpu.memory_space<hbm>>) dst(%arg13 : memref<64x128xf32, #tpu.memory_space<vmem>>)
    %dma_wait3A_76 = arith.constant 0 : i32
    %dma_wait3A_77 = tpu.memref_slice %arg4[%dma_wait3A_76] : memref<325632xi32, #tpu.memory_space<hbm>> -> memref<64xi32, #tpu.memory_space<hbm>>
    %dma_wait3A_78 = arith.constant 0 : i32
    %dma_wait3A_79 = tpu.memref_slice %arg4[%dma_wait3A_78] : memref<325632xi32, #tpu.memory_space<hbm>> -> memref<64xi32, #tpu.memory_space<hbm>>
    tpu.wait_dma2 semaphore(%arg16 : memref<!tpu.dma_semaphore, #tpu.memory_space<semaphore_mem>>) src(%dma_wait3A_79 : memref<64xi32, #tpu.memory_space<hbm>>) dst(%arg8 : memref<64xi32, #tpu.memory_space<vmem>>)
    %dma_wait3A_80 = arith.constant 0 : i32
    %dma_wait3A_81 = tpu.memref_slice %arg4[%dma_wait3A_80] : memref<325632xi32, #tpu.memory_space<hbm>> -> memref<64xi32, #tpu.memory_space<hbm>>
    %dma_wait3A_82 = arith.constant 0 : i32
    %dma_wait3A_83 = tpu.memref_slice %arg4[%dma_wait3A_82] : memref<325632xi32, #tpu.memory_space<hbm>> -> memref<64xi32, #tpu.memory_space<hbm>>
    tpu.wait_dma2 semaphore(%arg17 : memref<!tpu.dma_semaphore, #tpu.memory_space<semaphore_mem>>) src(%dma_wait3A_83 : memref<64xi32, #tpu.memory_space<hbm>>) dst(%arg9 : memref<64xi32, #tpu.memory_space<vmem>>)
    %dma_wait3A_84 = arith.constant 0 : i32
    %dma_wait3A_85 = tpu.memref_slice %arg4[%dma_wait3A_84] : memref<325632xi32, #tpu.memory_space<hbm>> -> memref<64xi32, #tpu.memory_space<hbm>>
    %dma_wait3A_86 = arith.constant 0 : i32
    %dma_wait3A_87 = tpu.memref_slice %arg4[%dma_wait3A_86] : memref<325632xi32, #tpu.memory_space<hbm>> -> memref<64xi32, #tpu.memory_space<hbm>>
    tpu.wait_dma2 semaphore(%arg18 : memref<!tpu.dma_semaphore, #tpu.memory_space<semaphore_mem>>) src(%dma_wait3A_87 : memref<64xi32, #tpu.memory_space<hbm>>) dst(%arg10 : memref<64xi32, #tpu.memory_space<vmem>>)
    %barrier3A_88 = arith.constant 0 : index
    tpu.barrier barrier_id(%barrier3A_88)
    "tpu.region"() ({
      %run_scoped3A = tpu.sem_alloc : memref<!tpu.dma_semaphore, #tpu.memory_space<semaphore_mem>>
      %dma_start3A_89 = arith.constant 0 : i32
      %dma_start3A_90 = tpu.memref_slice %arg6[%arg0, %mul3A_2, %dma_start3A_89] : memref<2x10112x128xf32, #tpu.memory_space<hbm>> -> memref<1x632x128xf32, #tpu.memory_space<hbm>>
      %dma_start3A_91 = tpu.memref_squeeze %dma_start3A_90 : memref<1x632x128xf32, #tpu.memory_space<hbm>> -> memref<632x128xf32, #tpu.memory_space<hbm>>
      %dma_start3A_92 = arith.constant 0 : i32
      %dma_start3A_93 = tpu.memref_slice %arg14[%mul3A_2, %dma_start3A_92] : memref<10112x128xf32, #tpu.memory_space<vmem_shared>> -> memref<632x128xf32, #tpu.memory_space<vmem_shared>>
      tpu.enqueue_dma source(%dma_start3A_93 : memref<632x128xf32, #tpu.memory_space<vmem_shared>>) target(%dma_start3A_91 : memref<632x128xf32, #tpu.memory_space<hbm>>) target_semaphore(%run_scoped3A : memref<!tpu.dma_semaphore, #tpu.memory_space<semaphore_mem>>)
      %dma_wait3A_94 = arith.constant 0 : i32
      %dma_wait3A_95 = tpu.memref_slice %arg6[%arg0, %mul3A_2, %dma_wait3A_94] : memref<2x10112x128xf32, #tpu.memory_space<hbm>> -> memref<1x632x128xf32, #tpu.memory_space<hbm>>
      %dma_wait3A_96 = tpu.memref_squeeze %dma_wait3A_95 : memref<1x632x128xf32, #tpu.memory_space<hbm>> -> memref<632x128xf32, #tpu.memory_space<hbm>>
      %dma_wait3A_97 = arith.constant 0 : i32
      %dma_wait3A_98 = tpu.memref_slice %arg14[%mul3A_2, %dma_wait3A_97] : memref<10112x128xf32, #tpu.memory_space<vmem_shared>> -> memref<632x128xf32, #tpu.memory_space<vmem_shared>>
      tpu.wait_dma2 semaphore(%run_scoped3A : memref<!tpu.dma_semaphore, #tpu.memory_space<semaphore_mem>>) src(%dma_wait3A_98 : memref<632x128xf32, #tpu.memory_space<vmem_shared>>) dst(%dma_wait3A_96 : memref<632x128xf32, #tpu.memory_space<hbm>>)
      tpu.yield
    }) : () -> ()
    return
  }
}

#map = affine_map<(d0, d1) -> (0, 0)>
#map1 = affine_map<(d0, d1) -> (0, 0, 0)>
#map2 = affine_map<(d0, d1) -> (0)>
module attributes {stable_mosaic.version = 14 : i64} {
  func.func @body(%arg0: i32, %arg1: i32, %arg2: memref<10000x128xf32, #tpu.memory_space<hbm>>, %arg3: memref<32x159x64xi32, #tpu.memory_space<hbm>>, %arg4: memref<325632xi32, #tpu.memory_space<hbm>>, %arg5: memref<10112x128xf32, #tpu.memory_space<hbm>>, %arg6: memref<2x10112x128xf32, #tpu.memory_space<hbm>>, %arg7: memref<159x64xi32, #tpu.memory_space<vmem>>, %arg8: memref<64xi32, #tpu.memory_space<vmem>>, %arg9: memref<64xi32, #tpu.memory_space<vmem>>, %arg10: memref<64xi32, #tpu.memory_space<vmem>>, %arg11: memref<64x128xf32, #tpu.memory_space<vmem>>, %arg12: memref<64x128xf32, #tpu.memory_space<vmem>>, %arg13: memref<64x128xf32, #tpu.memory_space<vmem>>, %arg14: memref<10112x128xf32, #tpu.memory_space<vmem_shared>>, %arg15: memref<!tpu.dma_semaphore, #tpu.memory_space<semaphore_mem>>, %arg16: memref<!tpu.dma_semaphore, #tpu.memory_space<semaphore_mem>>, %arg17: memref<!tpu.dma_semaphore, #tpu.memory_space<semaphore_mem>>, %arg18: memref<!tpu.dma_semaphore, #tpu.memory_space<semaphore_mem>>, %arg19: memref<!tpu.dma_semaphore, #tpu.memory_space<semaphore_mem>>, %arg20: memref<!tpu.dma_semaphore, #tpu.memory_space<semaphore_mem>>, %arg21: memref<!tpu.dma_semaphore, #tpu.memory_space<semaphore_mem>>) attributes {dimension_semantics = [#tpu.dimension_semantics<core_parallel>, #tpu.dimension_semantics<subcore_parallel>], iteration_bounds = array<i64: 2, 16>, scalar_prefetch = 0 : i64, scratch_operands = 15 : i64, tpu.core_type = #tpu.core_type<sc_vector_subcore>, window_params = [{transform_indices = #map}, {transform_indices = #map1}, {transform_indices = #map2}, {transform_indices = #map}, {transform_indices = #map1}]} {
    %mul3A = arith.constant 2 : i32
    %mul3A_0 = arith.muli %arg1, %mul3A : i32
    %add3A = arith.addi %mul3A_0, %arg0 : i32
    %mul3A_1 = arith.constant 632 : i32
    %mul3A_2 = arith.muli %arg1, %mul3A_1 : i32
    %mul3A_3 = arith.constant 159 : i32
    %mul3A_4 = arith.muli %add3A, %mul3A_3 : i32
    %mul3A_5 = arith.constant 64 : i32
    %mul3A_6 = arith.muli %mul3A_4, %mul3A_5 : i32
    "tpu.region"() ({
      %run_scoped3A = tpu.sem_alloc : memref<!tpu.dma_semaphore, #tpu.memory_space<semaphore_mem>>
      %dma_start3A_89 = arith.constant 0 : i32
      %dma_start3A_90 = tpu.memref_slice %arg14[%mul3A_2, %dma_start3A_89] : memref<10112x128xf32, #tpu.memory_space<vmem_shared>> -> memref<632x128xf32, #tpu.memory_space<vmem_shared>>
      %dma_start3A_91 = arith.constant 0 : i32
      %dma_start3A_92 = tpu.memref_slice %arg5[%mul3A_2, %dma_start3A_91] : memref<10112x128xf32, #tpu.memory_space<hbm>> -> memref<632x128xf32, #tpu.memory_space<hbm>>
      tpu.enqueue_dma source(%dma_start3A_92 : memref<632x128xf32, #tpu.memory_space<hbm>>) target(%dma_start3A_90 : memref<632x128xf32, #tpu.memory_space<vmem_shared>>) target_semaphore(%run_scoped3A : memref<!tpu.dma_semaphore, #tpu.memory_space<semaphore_mem>>)
      %dma_wait3A_93 = arith.constant 0 : i32
      %dma_wait3A_94 = tpu.memref_slice %arg14[%mul3A_2, %dma_wait3A_93] : memref<10112x128xf32, #tpu.memory_space<vmem_shared>> -> memref<632x128xf32, #tpu.memory_space<vmem_shared>>
      %dma_wait3A_95 = arith.constant 0 : i32
      %dma_wait3A_96 = tpu.memref_slice %arg5[%mul3A_2, %dma_wait3A_95] : memref<10112x128xf32, #tpu.memory_space<hbm>> -> memref<632x128xf32, #tpu.memory_space<hbm>>
      tpu.wait_dma2 semaphore(%run_scoped3A : memref<!tpu.dma_semaphore, #tpu.memory_space<semaphore_mem>>) src(%dma_wait3A_96 : memref<632x128xf32, #tpu.memory_space<hbm>>) dst(%dma_wait3A_94 : memref<632x128xf32, #tpu.memory_space<vmem_shared>>)
      tpu.yield
    }) : () -> ()
    %dma_start3A = arith.constant 0 : i32
    %dma_start3A_7 = arith.constant 0 : i32
    %dma_start3A_8 = tpu.memref_slice %arg3[%add3A, %dma_start3A, %dma_start3A_7] : memref<32x159x64xi32, #tpu.memory_space<hbm>> -> memref<1x159x64xi32, #tpu.memory_space<hbm>>
    %dma_start3A_9 = tpu.memref_squeeze %dma_start3A_8 : memref<1x159x64xi32, #tpu.memory_space<hbm>> -> memref<159x64xi32, #tpu.memory_space<hbm>>
    %dma_start3A_10 = arith.constant 0 : i32
    %dma_start3A_11 = arith.constant 0 : i32
    %dma_start3A_12 = tpu.memref_slice %arg3[%add3A, %dma_start3A_10, %dma_start3A_11] : memref<32x159x64xi32, #tpu.memory_space<hbm>> -> memref<1x159x64xi32, #tpu.memory_space<hbm>>
    %dma_start3A_13 = tpu.memref_squeeze %dma_start3A_12 : memref<1x159x64xi32, #tpu.memory_space<hbm>> -> memref<159x64xi32, #tpu.memory_space<hbm>>
    tpu.enqueue_dma source(%dma_start3A_13 : memref<159x64xi32, #tpu.memory_space<hbm>>) target(%arg7 : memref<159x64xi32, #tpu.memory_space<vmem>>) target_semaphore(%arg15 : memref<!tpu.dma_semaphore, #tpu.memory_space<semaphore_mem>>)
    %dma_start3A_14 = tpu.memref_slice %arg4[%mul3A_6] : memref<325632xi32, #tpu.memory_space<hbm>> -> memref<64xi32, #tpu.memory_space<hbm>>
    %dma_start3A_15 = tpu.memref_slice %arg4[%mul3A_6] : memref<325632xi32, #tpu.memory_space<hbm>> -> memref<64xi32, #tpu.memory_space<hbm>>
    tpu.enqueue_dma source(%dma_start3A_15 : memref<64xi32, #tpu.memory_space<hbm>>) target(%arg8 : memref<64xi32, #tpu.memory_space<vmem>>) target_semaphore(%arg16 : memref<!tpu.dma_semaphore, #tpu.memory_space<semaphore_mem>>)
    %add3A_16 = arith.constant 64 : i32
    %add3A_17 = arith.addi %mul3A_6, %add3A_16 : i32
    %dma_start3A_18 = tpu.memref_slice %arg4[%add3A_17] : memref<325632xi32, #tpu.memory_space<hbm>> -> memref<64xi32, #tpu.memory_space<hbm>>
    %dma_start3A_19 = tpu.memref_slice %arg4[%add3A_17] : memref<325632xi32, #tpu.memory_space<hbm>> -> memref<64xi32, #tpu.memory_space<hbm>>
    tpu.enqueue_dma source(%dma_start3A_19 : memref<64xi32, #tpu.memory_space<hbm>>) target(%arg9 : memref<64xi32, #tpu.memory_space<vmem>>) target_semaphore(%arg17 : memref<!tpu.dma_semaphore, #tpu.memory_space<semaphore_mem>>)
    %add3A_20 = arith.constant 128 : i32
    %add3A_21 = arith.addi %mul3A_6, %add3A_20 : i32
    %dma_start3A_22 = tpu.memref_slice %arg4[%add3A_21] : memref<325632xi32, #tpu.memory_space<hbm>> -> memref<64xi32, #tpu.memory_space<hbm>>
    %dma_start3A_23 = tpu.memref_slice %arg4[%add3A_21] : memref<325632xi32, #tpu.memory_space<hbm>> -> memref<64xi32, #tpu.memory_space<hbm>>
    tpu.enqueue_dma source(%dma_start3A_23 : memref<64xi32, #tpu.memory_space<hbm>>) target(%arg10 : memref<64xi32, #tpu.memory_space<vmem>>) target_semaphore(%arg18 : memref<!tpu.dma_semaphore, #tpu.memory_space<semaphore_mem>>)
    %dma_wait3A = arith.constant 0 : i32
    %dma_wait3A_24 = arith.constant 0 : i32
    %dma_wait3A_25 = arith.constant 0 : i32
    %dma_wait3A_26 = tpu.memref_slice %arg3[%dma_wait3A, %dma_wait3A_24, %dma_wait3A_25] : memref<32x159x64xi32, #tpu.memory_space<hbm>> -> memref<1x159x64xi32, #tpu.memory_space<hbm>>
    %dma_wait3A_27 = tpu.memref_squeeze %dma_wait3A_26 : memref<1x159x64xi32, #tpu.memory_space<hbm>> -> memref<159x64xi32, #tpu.memory_space<hbm>>
    %dma_wait3A_28 = arith.constant 0 : i32
    %dma_wait3A_29 = arith.constant 0 : i32
    %dma_wait3A_30 = tpu.memref_slice %arg3[%dma_wait3A, %dma_wait3A_28, %dma_wait3A_29] : memref<32x159x64xi32, #tpu.memory_space<hbm>> -> memref<1x159x64xi32, #tpu.memory_space<hbm>>
    %dma_wait3A_31 = tpu.memref_squeeze %dma_wait3A_30 : memref<1x159x64xi32, #tpu.memory_space<hbm>> -> memref<159x64xi32, #tpu.memory_space<hbm>>
    tpu.wait_dma2 semaphore(%arg15 : memref<!tpu.dma_semaphore, #tpu.memory_space<semaphore_mem>>) src(%dma_wait3A_31 : memref<159x64xi32, #tpu.memory_space<hbm>>) dst(%arg7 : memref<159x64xi32, #tpu.memory_space<vmem>>)
    %dma_start3A_32 = arith.constant 0 : i32
    %dma_start3A_33 = arith.constant 0 : i32
    %dma_start3A_34 = tpu.memref_slice %arg7[%dma_start3A_32, %dma_start3A_33] : memref<159x64xi32, #tpu.memory_space<vmem>> -> memref<1x64xi32, #tpu.memory_space<vmem>>
    %dma_start3A_35 = tpu.memref_squeeze %dma_start3A_34 : memref<1x64xi32, #tpu.memory_space<vmem>> -> memref<64xi32, #tpu.memory_space<vmem>>
    %dma_start3A_36 = arith.constant 0 : i32
    %dma_start3A_37 = arith.constant 0 : i32
    %dma_start3A_38 = tpu.memref_slice %arg2[%dma_start3A_36, %dma_start3A_37] : memref<10000x128xf32, #tpu.memory_space<hbm>> -> memref<10000x128xf32, #tpu.memory_space<hbm>>
    tpu.enqueue_indirect_dma source(%dma_start3A_38 : memref<10000x128xf32, #tpu.memory_space<hbm>>) target(%arg11 : memref<64x128xf32, #tpu.memory_space<vmem>>) offsets(%dma_start3A_35 : memref<64xi32, #tpu.memory_space<vmem>>) semaphore(%arg19 : memref<!tpu.dma_semaphore, #tpu.memory_space<semaphore_mem>>)
    %dma_start3A_39 = arith.constant 1 : i32
    %dma_start3A_40 = arith.constant 0 : i32
    %dma_start3A_41 = tpu.memref_slice %arg7[%dma_start3A_39, %dma_start3A_40] : memref<159x64xi32, #tpu.memory_space<vmem>> -> memref<1x64xi32, #tpu.memory_space<vmem>>
    %dma_start3A_42 = tpu.memref_squeeze %dma_start3A_41 : memref<1x64xi32, #tpu.memory_space<vmem>> -> memref<64xi32, #tpu.memory_space<vmem>>
    %dma_start3A_43 = arith.constant 0 : i32
    %dma_start3A_44 = arith.constant 0 : i32
    %dma_start3A_45 = tpu.memref_slice %arg2[%dma_start3A_43, %dma_start3A_44] : memref<10000x128xf32, #tpu.memory_space<hbm>> -> memref<10000x128xf32, #tpu.memory_space<hbm>>
    tpu.enqueue_indirect_dma source(%dma_start3A_45 : memref<10000x128xf32, #tpu.memory_space<hbm>>) target(%arg12 : memref<64x128xf32, #tpu.memory_space<vmem>>) offsets(%dma_start3A_42 : memref<64xi32, #tpu.memory_space<vmem>>) semaphore(%arg20 : memref<!tpu.dma_semaphore, #tpu.memory_space<semaphore_mem>>)
    %dma_start3A_46 = arith.constant 2 : i32
    %dma_start3A_47 = arith.constant 0 : i32
    %dma_start3A_48 = tpu.memref_slice %arg7[%dma_start3A_46, %dma_start3A_47] : memref<159x64xi32, #tpu.memory_space<vmem>> -> memref<1x64xi32, #tpu.memory_space<vmem>>
    %dma_start3A_49 = tpu.memref_squeeze %dma_start3A_48 : memref<1x64xi32, #tpu.memory_space<vmem>> -> memref<64xi32, #tpu.memory_space<vmem>>
    %dma_start3A_50 = arith.constant 0 : i32
    %dma_start3A_51 = arith.constant 0 : i32
    %dma_start3A_52 = tpu.memref_slice %arg2[%dma_start3A_50, %dma_start3A_51] : memref<10000x128xf32, #tpu.memory_space<hbm>> -> memref<10000x128xf32, #tpu.memory_space<hbm>>
    tpu.enqueue_indirect_dma source(%dma_start3A_52 : memref<10000x128xf32, #tpu.memory_space<hbm>>) target(%arg13 : memref<64x128xf32, #tpu.memory_space<vmem>>) offsets(%dma_start3A_49 : memref<64xi32, #tpu.memory_space<vmem>>) semaphore(%arg21 : memref<!tpu.dma_semaphore, #tpu.memory_space<semaphore_mem>>)
    %barrier3A = arith.constant 0 : index
    tpu.barrier barrier_id(%barrier3A)
    %scan3A = arith.constant 0 : i32
    %scan3A_53 = arith.constant 0 : i32
    %scan3A_54 = arith.constant 53 : i32
    %scan3A_55 = arith.addi %scan3A_53, %scan3A_54 : i32
    %scan3A_56 = arith.constant 1 : i32
    scf.for %scan3A_89 = %scan3A_53 to %scan3A_55 step %scan3A_56  : i32 {
      %mul3A_90 = arith.constant 3 : i32
      %mul3A_91 = arith.muli %mul3A_90, %scan3A_89 : i32
      %dma_wait3A_92 = arith.constant 0 : i32
      %dma_wait3A_93 = arith.constant 0 : i32
      %dma_wait3A_94 = tpu.memref_slice %arg2[%dma_wait3A_92, %dma_wait3A_93] : memref<10000x128xf32, #tpu.memory_space<hbm>> -> memref<64x128xf32, #tpu.memory_space<hbm>>
      %dma_wait3A_95 = arith.constant 0 : i32
      %dma_wait3A_96 = arith.constant 0 : i32
      %dma_wait3A_97 = tpu.memref_slice %arg2[%dma_wait3A_95, %dma_wait3A_96] : memref<10000x128xf32, #tpu.memory_space<hbm>> -> memref<64x128xf32, #tpu.memory_space<hbm>>
      tpu.wait_dma2 semaphore(%arg19 : memref<!tpu.dma_semaphore, #tpu.memory_space<semaphore_mem>>) src(%dma_wait3A_97 : memref<64x128xf32, #tpu.memory_space<hbm>>) dst(%arg11 : memref<64x128xf32, #tpu.memory_space<vmem>>)
      %dma_wait3A_98 = arith.constant 0 : i32
      %dma_wait3A_99 = tpu.memref_slice %arg4[%dma_wait3A_98] : memref<325632xi32, #tpu.memory_space<hbm>> -> memref<64xi32, #tpu.memory_space<hbm>>
      %dma_wait3A_100 = arith.constant 0 : i32
      %dma_wait3A_101 = tpu.memref_slice %arg4[%dma_wait3A_100] : memref<325632xi32, #tpu.memory_space<hbm>> -> memref<64xi32, #tpu.memory_space<hbm>>
      tpu.wait_dma2 semaphore(%arg16 : memref<!tpu.dma_semaphore, #tpu.memory_space<semaphore_mem>>) src(%dma_wait3A_101 : memref<64xi32, #tpu.memory_space<hbm>>) dst(%arg8 : memref<64xi32, #tpu.memory_space<vmem>>)
      "tpu.region"() ({
        %run_scoped3A = tpu.sem_alloc : memref<!tpu.dma_semaphore, #tpu.memory_space<semaphore_mem>>
        %dma_start3A_170 = arith.constant 0 : i32
        %dma_start3A_171 = arith.constant 0 : i32
        %dma_start3A_172 = tpu.memref_slice %arg14[%dma_start3A_170, %dma_start3A_171] : memref<10112x128xf32, #tpu.memory_space<vmem_shared>> -> memref<10112x128xf32, #tpu.memory_space<vmem_shared>>
        tpu.enqueue_indirect_dma source(%arg11 : memref<64x128xf32, #tpu.memory_space<vmem>>) target(%dma_start3A_172 : memref<10112x128xf32, #tpu.memory_space<vmem_shared>>) offsets(%arg8 : memref<64xi32, #tpu.memory_space<vmem>>) semaphore(%run_scoped3A : memref<!tpu.dma_semaphore, #tpu.memory_space<semaphore_mem>>) {add = true}
        %dma_wait3A_173 = arith.constant 0 : i32
        %dma_wait3A_174 = arith.constant 0 : i32
        %dma_wait3A_175 = tpu.memref_slice %arg14[%dma_wait3A_173, %dma_wait3A_174] : memref<10112x128xf32, #tpu.memory_space<vmem_shared>> -> memref<10112x128xf32, #tpu.memory_space<vmem_shared>>
        tpu.wait_indirect_dma semaphore(%run_scoped3A : memref<!tpu.dma_semaphore, #tpu.memory_space<semaphore_mem>>) src(%arg11 : memref<64x128xf32, #tpu.memory_space<vmem>>) dst(%dma_wait3A_175 : memref<10112x128xf32, #tpu.memory_space<vmem_shared>>)
        tpu.yield
      }) : () -> ()
      %add3A_102 = arith.constant 3 : i32
      %add3A_103 = arith.addi %mul3A_91, %add3A_102 : i32
      %min3A = arith.constant 158 : i32
      %min3A_104 = arith.minsi %add3A_103, %min3A : i32
      %dma_start3A_105 = arith.constant 0 : i32
      %dma_start3A_106 = tpu.memref_slice %arg7[%min3A_104, %dma_start3A_105] : memref<159x64xi32, #tpu.memory_space<vmem>> -> memref<1x64xi32, #tpu.memory_space<vmem>>
      %dma_start3A_107 = tpu.memref_squeeze %dma_start3A_106 : memref<1x64xi32, #tpu.memory_space<vmem>> -> memref<64xi32, #tpu.memory_space<vmem>>
      %dma_start3A_108 = arith.constant 0 : i32
      %dma_start3A_109 = arith.constant 0 : i32
      %dma_start3A_110 = tpu.memref_slice %arg2[%dma_start3A_108, %dma_start3A_109] : memref<10000x128xf32, #tpu.memory_space<hbm>> -> memref<10000x128xf32, #tpu.memory_space<hbm>>
      tpu.enqueue_indirect_dma source(%dma_start3A_110 : memref<10000x128xf32, #tpu.memory_space<hbm>>) target(%arg11 : memref<64x128xf32, #tpu.memory_space<vmem>>) offsets(%dma_start3A_107 : memref<64xi32, #tpu.memory_space<vmem>>) semaphore(%arg19 : memref<!tpu.dma_semaphore, #tpu.memory_space<semaphore_mem>>)
      %mul3A_111 = arith.constant 64 : i32
      %mul3A_112 = arith.muli %min3A_104, %mul3A_111 : i32
      %add3A_113 = arith.addi %mul3A_6, %mul3A_112 : i32
      %dma_start3A_114 = tpu.memref_slice %arg4[%add3A_113] : memref<325632xi32, #tpu.memory_space<hbm>> -> memref<64xi32, #tpu.memory_space<hbm>>
      %dma_start3A_115 = tpu.memref_slice %arg4[%add3A_113] : memref<325632xi32, #tpu.memory_space<hbm>> -> memref<64xi32, #tpu.memory_space<hbm>>
      tpu.enqueue_dma source(%dma_start3A_115 : memref<64xi32, #tpu.memory_space<hbm>>) target(%arg8 : memref<64xi32, #tpu.memory_space<vmem>>) target_semaphore(%arg16 : memref<!tpu.dma_semaphore, #tpu.memory_space<semaphore_mem>>)
      %add3A_116 = arith.constant 1 : i32
      %add3A_117 = arith.addi %mul3A_91, %add3A_116 : i32
      %dma_wait3A_118 = arith.constant 0 : i32
      %dma_wait3A_119 = arith.constant 0 : i32
      %dma_wait3A_120 = tpu.memref_slice %arg2[%dma_wait3A_118, %dma_wait3A_119] : memref<10000x128xf32, #tpu.memory_space<hbm>> -> memref<64x128xf32, #tpu.memory_space<hbm>>
      %dma_wait3A_121 = arith.constant 0 : i32
      %dma_wait3A_122 = arith.constant 0 : i32
      %dma_wait3A_123 = tpu.memref_slice %arg2[%dma_wait3A_121, %dma_wait3A_122] : memref<10000x128xf32, #tpu.memory_space<hbm>> -> memref<64x128xf32, #tpu.memory_space<hbm>>
      tpu.wait_dma2 semaphore(%arg20 : memref<!tpu.dma_semaphore, #tpu.memory_space<semaphore_mem>>) src(%dma_wait3A_123 : memref<64x128xf32, #tpu.memory_space<hbm>>) dst(%arg12 : memref<64x128xf32, #tpu.memory_space<vmem>>)
      %dma_wait3A_124 = arith.constant 0 : i32
      %dma_wait3A_125 = tpu.memref_slice %arg4[%dma_wait3A_124] : memref<325632xi32, #tpu.memory_space<hbm>> -> memref<64xi32, #tpu.memory_space<hbm>>
      %dma_wait3A_126 = arith.constant 0 : i32
      %dma_wait3A_127 = tpu.memref_slice %arg4[%dma_wait3A_126] : memref<325632xi32, #tpu.memory_space<hbm>> -> memref<64xi32, #tpu.memory_space<hbm>>
      tpu.wait_dma2 semaphore(%arg17 : memref<!tpu.dma_semaphore, #tpu.memory_space<semaphore_mem>>) src(%dma_wait3A_127 : memref<64xi32, #tpu.memory_space<hbm>>) dst(%arg9 : memref<64xi32, #tpu.memory_space<vmem>>)
      "tpu.region"() ({
        %run_scoped3A = tpu.sem_alloc : memref<!tpu.dma_semaphore, #tpu.memory_space<semaphore_mem>>
        %dma_start3A_170 = arith.constant 0 : i32
        %dma_start3A_171 = arith.constant 0 : i32
        %dma_start3A_172 = tpu.memref_slice %arg14[%dma_start3A_170, %dma_start3A_171] : memref<10112x128xf32, #tpu.memory_space<vmem_shared>> -> memref<10112x128xf32, #tpu.memory_space<vmem_shared>>
        tpu.enqueue_indirect_dma source(%arg12 : memref<64x128xf32, #tpu.memory_space<vmem>>) target(%dma_start3A_172 : memref<10112x128xf32, #tpu.memory_space<vmem_shared>>) offsets(%arg9 : memref<64xi32, #tpu.memory_space<vmem>>) semaphore(%run_scoped3A : memref<!tpu.dma_semaphore, #tpu.memory_space<semaphore_mem>>) {add = true}
        %dma_wait3A_173 = arith.constant 0 : i32
        %dma_wait3A_174 = arith.constant 0 : i32
        %dma_wait3A_175 = tpu.memref_slice %arg14[%dma_wait3A_173, %dma_wait3A_174] : memref<10112x128xf32, #tpu.memory_space<vmem_shared>> -> memref<10112x128xf32, #tpu.memory_space<vmem_shared>>
        tpu.wait_indirect_dma semaphore(%run_scoped3A : memref<!tpu.dma_semaphore, #tpu.memory_space<semaphore_mem>>) src(%arg12 : memref<64x128xf32, #tpu.memory_space<vmem>>) dst(%dma_wait3A_175 : memref<10112x128xf32, #tpu.memory_space<vmem_shared>>)
        tpu.yield
      }) : () -> ()
      %add3A_128 = arith.constant 3 : i32
      %add3A_129 = arith.addi %add3A_117, %add3A_128 : i32
      %min3A_130 = arith.constant 158 : i32
      %min3A_131 = arith.minsi %add3A_129, %min3A_130 : i32
      %dma_start3A_132 = arith.constant 0 : i32
      %dma_start3A_133 = tpu.memref_slice %arg7[%min3A_131, %dma_start3A_132] : memref<159x64xi32, #tpu.memory_space<vmem>> -> memref<1x64xi32, #tpu.memory_space<vmem>>
      %dma_start3A_134 = tpu.memref_squeeze %dma_start3A_133 : memref<1x64xi32, #tpu.memory_space<vmem>> -> memref<64xi32, #tpu.memory_space<vmem>>
      %dma_start3A_135 = arith.constant 0 : i32
      %dma_start3A_136 = arith.constant 0 : i32
      %dma_start3A_137 = tpu.memref_slice %arg2[%dma_start3A_135, %dma_start3A_136] : memref<10000x128xf32, #tpu.memory_space<hbm>> -> memref<10000x128xf32, #tpu.memory_space<hbm>>
      tpu.enqueue_indirect_dma source(%dma_start3A_137 : memref<10000x128xf32, #tpu.memory_space<hbm>>) target(%arg12 : memref<64x128xf32, #tpu.memory_space<vmem>>) offsets(%dma_start3A_134 : memref<64xi32, #tpu.memory_space<vmem>>) semaphore(%arg20 : memref<!tpu.dma_semaphore, #tpu.memory_space<semaphore_mem>>)
      %mul3A_138 = arith.constant 64 : i32
      %mul3A_139 = arith.muli %min3A_131, %mul3A_138 : i32
      %add3A_140 = arith.addi %mul3A_6, %mul3A_139 : i32
      %dma_start3A_141 = tpu.memref_slice %arg4[%add3A_140] : memref<325632xi32, #tpu.memory_space<hbm>> -> memref<64xi32, #tpu.memory_space<hbm>>
      %dma_start3A_142 = tpu.memref_slice %arg4[%add3A_140] : memref<325632xi32, #tpu.memory_space<hbm>> -> memref<64xi32, #tpu.memory_space<hbm>>
      tpu.enqueue_dma source(%dma_start3A_142 : memref<64xi32, #tpu.memory_space<hbm>>) target(%arg9 : memref<64xi32, #tpu.memory_space<vmem>>) target_semaphore(%arg17 : memref<!tpu.dma_semaphore, #tpu.memory_space<semaphore_mem>>)
      %add3A_143 = arith.constant 2 : i32
      %add3A_144 = arith.addi %mul3A_91, %add3A_143 : i32
      %dma_wait3A_145 = arith.constant 0 : i32
      %dma_wait3A_146 = arith.constant 0 : i32
      %dma_wait3A_147 = tpu.memref_slice %arg2[%dma_wait3A_145, %dma_wait3A_146] : memref<10000x128xf32, #tpu.memory_space<hbm>> -> memref<64x128xf32, #tpu.memory_space<hbm>>
      %dma_wait3A_148 = arith.constant 0 : i32
      %dma_wait3A_149 = arith.constant 0 : i32
      %dma_wait3A_150 = tpu.memref_slice %arg2[%dma_wait3A_148, %dma_wait3A_149] : memref<10000x128xf32, #tpu.memory_space<hbm>> -> memref<64x128xf32, #tpu.memory_space<hbm>>
      tpu.wait_dma2 semaphore(%arg21 : memref<!tpu.dma_semaphore, #tpu.memory_space<semaphore_mem>>) src(%dma_wait3A_150 : memref<64x128xf32, #tpu.memory_space<hbm>>) dst(%arg13 : memref<64x128xf32, #tpu.memory_space<vmem>>)
      %dma_wait3A_151 = arith.constant 0 : i32
      %dma_wait3A_152 = tpu.memref_slice %arg4[%dma_wait3A_151] : memref<325632xi32, #tpu.memory_space<hbm>> -> memref<64xi32, #tpu.memory_space<hbm>>
      %dma_wait3A_153 = arith.constant 0 : i32
      %dma_wait3A_154 = tpu.memref_slice %arg4[%dma_wait3A_153] : memref<325632xi32, #tpu.memory_space<hbm>> -> memref<64xi32, #tpu.memory_space<hbm>>
      tpu.wait_dma2 semaphore(%arg18 : memref<!tpu.dma_semaphore, #tpu.memory_space<semaphore_mem>>) src(%dma_wait3A_154 : memref<64xi32, #tpu.memory_space<hbm>>) dst(%arg10 : memref<64xi32, #tpu.memory_space<vmem>>)
      "tpu.region"() ({
        %run_scoped3A = tpu.sem_alloc : memref<!tpu.dma_semaphore, #tpu.memory_space<semaphore_mem>>
        %dma_start3A_170 = arith.constant 0 : i32
        %dma_start3A_171 = arith.constant 0 : i32
        %dma_start3A_172 = tpu.memref_slice %arg14[%dma_start3A_170, %dma_start3A_171] : memref<10112x128xf32, #tpu.memory_space<vmem_shared>> -> memref<10112x128xf32, #tpu.memory_space<vmem_shared>>
        tpu.enqueue_indirect_dma source(%arg13 : memref<64x128xf32, #tpu.memory_space<vmem>>) target(%dma_start3A_172 : memref<10112x128xf32, #tpu.memory_space<vmem_shared>>) offsets(%arg10 : memref<64xi32, #tpu.memory_space<vmem>>) semaphore(%run_scoped3A : memref<!tpu.dma_semaphore, #tpu.memory_space<semaphore_mem>>) {add = true}
        %dma_wait3A_173 = arith.constant 0 : i32
        %dma_wait3A_174 = arith.constant 0 : i32
        %dma_wait3A_175 = tpu.memref_slice %arg14[%dma_wait3A_173, %dma_wait3A_174] : memref<10112x128xf32, #tpu.memory_space<vmem_shared>> -> memref<10112x128xf32, #tpu.memory_space<vmem_shared>>
        tpu.wait_indirect_dma semaphore(%run_scoped3A : memref<!tpu.dma_semaphore, #tpu.memory_space<semaphore_mem>>) src(%arg13 : memref<64x128xf32, #tpu.memory_space<vmem>>) dst(%dma_wait3A_175 : memref<10112x128xf32, #tpu.memory_space<vmem_shared>>)
        tpu.yield
      }) : () -> ()
      %add3A_155 = arith.constant 3 : i32
      %add3A_156 = arith.addi %add3A_144, %add3A_155 : i32
      %min3A_157 = arith.constant 158 : i32
      %min3A_158 = arith.minsi %add3A_156, %min3A_157 : i32
      %dma_start3A_159 = arith.constant 0 : i32
      %dma_start3A_160 = tpu.memref_slice %arg7[%min3A_158, %dma_start3A_159] : memref<159x64xi32, #tpu.memory_space<vmem>> -> memref<1x64xi32, #tpu.memory_space<vmem>>
      %dma_start3A_161 = tpu.memref_squeeze %dma_start3A_160 : memref<1x64xi32, #tpu.memory_space<vmem>> -> memref<64xi32, #tpu.memory_space<vmem>>
      %dma_start3A_162 = arith.constant 0 : i32
      %dma_start3A_163 = arith.constant 0 : i32
      %dma_start3A_164 = tpu.memref_slice %arg2[%dma_start3A_162, %dma_start3A_163] : memref<10000x128xf32, #tpu.memory_space<hbm>> -> memref<10000x128xf32, #tpu.memory_space<hbm>>
      tpu.enqueue_indirect_dma source(%dma_start3A_164 : memref<10000x128xf32, #tpu.memory_space<hbm>>) target(%arg13 : memref<64x128xf32, #tpu.memory_space<vmem>>) offsets(%dma_start3A_161 : memref<64xi32, #tpu.memory_space<vmem>>) semaphore(%arg21 : memref<!tpu.dma_semaphore, #tpu.memory_space<semaphore_mem>>)
      %mul3A_165 = arith.constant 64 : i32
      %mul3A_166 = arith.muli %min3A_158, %mul3A_165 : i32
      %add3A_167 = arith.addi %mul3A_6, %mul3A_166 : i32
      %dma_start3A_168 = tpu.memref_slice %arg4[%add3A_167] : memref<325632xi32, #tpu.memory_space<hbm>> -> memref<64xi32, #tpu.memory_space<hbm>>
      %dma_start3A_169 = tpu.memref_slice %arg4[%add3A_167] : memref<325632xi32, #tpu.memory_space<hbm>> -> memref<64xi32, #tpu.memory_space<hbm>>
      tpu.enqueue_dma source(%dma_start3A_169 : memref<64xi32, #tpu.memory_space<hbm>>) target(%arg10 : memref<64xi32, #tpu.memory_space<vmem>>) target_semaphore(%arg18 : memref<!tpu.dma_semaphore, #tpu.memory_space<semaphore_mem>>)
    }
    %scan3A_57 = arith.constant 53 : i32
    %dma_wait3A_58 = arith.constant 0 : i32
    %dma_wait3A_59 = arith.constant 0 : i32
    %dma_wait3A_60 = tpu.memref_slice %arg2[%dma_wait3A_58, %dma_wait3A_59] : memref<10000x128xf32, #tpu.memory_space<hbm>> -> memref<64x128xf32, #tpu.memory_space<hbm>>
    %dma_wait3A_61 = arith.constant 0 : i32
    %dma_wait3A_62 = arith.constant 0 : i32
    %dma_wait3A_63 = tpu.memref_slice %arg2[%dma_wait3A_61, %dma_wait3A_62] : memref<10000x128xf32, #tpu.memory_space<hbm>> -> memref<64x128xf32, #tpu.memory_space<hbm>>
    tpu.wait_dma2 semaphore(%arg19 : memref<!tpu.dma_semaphore, #tpu.memory_space<semaphore_mem>>) src(%dma_wait3A_63 : memref<64x128xf32, #tpu.memory_space<hbm>>) dst(%arg11 : memref<64x128xf32, #tpu.memory_space<vmem>>)
    %dma_wait3A_64 = arith.constant 0 : i32
    %dma_wait3A_65 = arith.constant 0 : i32
    %dma_wait3A_66 = tpu.memref_slice %arg2[%dma_wait3A_64, %dma_wait3A_65] : memref<10000x128xf32, #tpu.memory_space<hbm>> -> memref<64x128xf32, #tpu.memory_space<hbm>>
    %dma_wait3A_67 = arith.constant 0 : i32
    %dma_wait3A_68 = arith.constant 0 : i32
    %dma_wait3A_69 = tpu.memref_slice %arg2[%dma_wait3A_67, %dma_wait3A_68] : memref<10000x128xf32, #tpu.memory_space<hbm>> -> memref<64x128xf32, #tpu.memory_space<hbm>>
    tpu.wait_dma2 semaphore(%arg20 : memref<!tpu.dma_semaphore, #tpu.memory_space<semaphore_mem>>) src(%dma_wait3A_69 : memref<64x128xf32, #tpu.memory_space<hbm>>) dst(%arg12 : memref<64x128xf32, #tpu.memory_space<vmem>>)
    %dma_wait3A_70 = arith.constant 0 : i32
    %dma_wait3A_71 = arith.constant 0 : i32
    %dma_wait3A_72 = tpu.memref_slice %arg2[%dma_wait3A_70, %dma_wait3A_71] : memref<10000x128xf32, #tpu.memory_space<hbm>> -> memref<64x128xf32, #tpu.memory_space<hbm>>
    %dma_wait3A_73 = arith.constant 0 : i32
    %dma_wait3A_74 = arith.constant 0 : i32
    %dma_wait3A_75 = tpu.memref_slice %arg2[%dma_wait3A_73, %dma_wait3A_74] : memref<10000x128xf32, #tpu.memory_space<hbm>> -> memref<64x128xf32, #tpu.memory_space<hbm>>
    tpu.wait_dma2 semaphore(%arg21 : memref<!tpu.dma_semaphore, #tpu.memory_space<semaphore_mem>>) src(%dma_wait3A_75 : memref<64x128xf32, #tpu.memory_space<hbm>>) dst(%arg13 : memref<64x128xf32, #tpu.memory_space<vmem>>)
    %dma_wait3A_76 = arith.constant 0 : i32
    %dma_wait3A_77 = tpu.memref_slice %arg4[%dma_wait3A_76] : memref<325632xi32, #tpu.memory_space<hbm>> -> memref<64xi32, #tpu.memory_space<hbm>>
    %dma_wait3A_78 = arith.constant 0 : i32
    %dma_wait3A_79 = tpu.memref_slice %arg4[%dma_wait3A_78] : memref<325632xi32, #tpu.memory_space<hbm>> -> memref<64xi32, #tpu.memory_space<hbm>>
    tpu.wait_dma2 semaphore(%arg16 : memref<!tpu.dma_semaphore, #tpu.memory_space<semaphore_mem>>) src(%dma_wait3A_79 : memref<64xi32, #tpu.memory_space<hbm>>) dst(%arg8 : memref<64xi32, #tpu.memory_space<vmem>>)
    %dma_wait3A_80 = arith.constant 0 : i32
    %dma_wait3A_81 = tpu.memref_slice %arg4[%dma_wait3A_80] : memref<325632xi32, #tpu.memory_space<hbm>> -> memref<64xi32, #tpu.memory_space<hbm>>
    %dma_wait3A_82 = arith.constant 0 : i32
    %dma_wait3A_83 = tpu.memref_slice %arg4[%dma_wait3A_82] : memref<325632xi32, #tpu.memory_space<hbm>> -> memref<64xi32, #tpu.memory_space<hbm>>
    tpu.wait_dma2 semaphore(%arg17 : memref<!tpu.dma_semaphore, #tpu.memory_space<semaphore_mem>>) src(%dma_wait3A_83 : memref<64xi32, #tpu.memory_space<hbm>>) dst(%arg9 : memref<64xi32, #tpu.memory_space<vmem>>)
    %dma_wait3A_84 = arith.constant 0 : i32
    %dma_wait3A_85 = tpu.memref_slice %arg4[%dma_wait3A_84] : memref<325632xi32, #tpu.memory_space<hbm>> -> memref<64xi32, #tpu.memory_space<hbm>>
    %dma_wait3A_86 = arith.constant 0 : i32
    %dma_wait3A_87 = tpu.memref_slice %arg4[%dma_wait3A_86] : memref<325632xi32, #tpu.memory_space<hbm>> -> memref<64xi32, #tpu.memory_space<hbm>>
    tpu.wait_dma2 semaphore(%arg18 : memref<!tpu.dma_semaphore, #tpu.memory_space<semaphore_mem>>) src(%dma_wait3A_87 : memref<64xi32, #tpu.memory_space<hbm>>) dst(%arg10 : memref<64xi32, #tpu.memory_space<vmem>>)
    %barrier3A_88 = arith.constant 0 : index
    tpu.barrier barrier_id(%barrier3A_88)
    "tpu.region"() ({
      %run_scoped3A = tpu.sem_alloc : memref<!tpu.dma_semaphore, #tpu.memory_space<semaphore_mem>>
      %dma_start3A_89 = arith.constant 0 : i32
      %dma_start3A_90 = tpu.memref_slice %arg6[%arg0, %mul3A_2, %dma_start3A_89] : memref<2x10112x128xf32, #tpu.memory_space<hbm>> -> memref<1x632x128xf32, #tpu.memory_space<hbm>>
      %dma_start3A_91 = tpu.memref_squeeze %dma_start3A_90 : memref<1x632x128xf32, #tpu.memory_space<hbm>> -> memref<632x128xf32, #tpu.memory_space<hbm>>
      %dma_start3A_92 = arith.constant 0 : i32
      %dma_start3A_93 = tpu.memref_slice %arg14[%mul3A_2, %dma_start3A_92] : memref<10112x128xf32, #tpu.memory_space<vmem_shared>> -> memref<632x128xf32, #tpu.memory_space<vmem_shared>>
      tpu.enqueue_dma source(%dma_start3A_93 : memref<632x128xf32, #tpu.memory_space<vmem_shared>>) target(%dma_start3A_91 : memref<632x128xf32, #tpu.memory_space<hbm>>) target_semaphore(%run_scoped3A : memref<!tpu.dma_semaphore, #tpu.memory_space<semaphore_mem>>)
      %dma_wait3A_94 = arith.constant 0 : i32
      %dma_wait3A_95 = tpu.memref_slice %arg6[%arg0, %mul3A_2, %dma_wait3A_94] : memref<2x10112x128xf32, #tpu.memory_space<hbm>> -> memref<1x632x128xf32, #tpu.memory_space<hbm>>
      %dma_wait3A_96 = tpu.memref_squeeze %dma_wait3A_95 : memref<1x632x128xf32, #tpu.memory_space<hbm>> -> memref<632x128xf32, #tpu.memory_space<hbm>>
      %dma_wait3A_97 = arith.constant 0 : i32
      %dma_wait3A_98 = tpu.memref_slice %arg14[%mul3A_2, %dma_wait3A_97] : memref<10112x128xf32, #tpu.memory_space<vmem_shared>> -> memref<632x128xf32, #tpu.memory_space<vmem_shared>>
      tpu.wait_dma2 semaphore(%run_scoped3A : memref<!tpu.dma_semaphore, #tpu.memory_space<semaphore_mem>>) src(%dma_wait3A_98 : memref<632x128xf32, #tpu.memory_space<vmem_shared>>) dst(%dma_wait3A_96 : memref<632x128xf32, #tpu.memory_space<hbm>>)
      tpu.yield
    }) : () -> ()
    return
  }
}

#map = affine_map<(d0, d1) -> (0, 0)>
#map1 = affine_map<(d0, d1) -> (0, 0, 0)>
#map2 = affine_map<(d0, d1) -> (0)>
module attributes {stable_mosaic.version = 14 : i64} {
  func.func @body(%arg0: i32, %arg1: i32, %arg2: memref<10000x128xf32, #tpu.memory_space<hbm>>, %arg3: memref<32x159x64xi32, #tpu.memory_space<hbm>>, %arg4: memref<325632xi32, #tpu.memory_space<hbm>>, %arg5: memref<10112x128xf32, #tpu.memory_space<hbm>>, %arg6: memref<2x10112x128xf32, #tpu.memory_space<hbm>>, %arg7: memref<159x64xi32, #tpu.memory_space<vmem>>, %arg8: memref<64xi32, #tpu.memory_space<vmem>>, %arg9: memref<64xi32, #tpu.memory_space<vmem>>, %arg10: memref<64xi32, #tpu.memory_space<vmem>>, %arg11: memref<64x128xf32, #tpu.memory_space<vmem>>, %arg12: memref<64x128xf32, #tpu.memory_space<vmem>>, %arg13: memref<64x128xf32, #tpu.memory_space<vmem>>, %arg14: memref<10112x128xf32, #tpu.memory_space<vmem_shared>>, %arg15: memref<!tpu.dma_semaphore, #tpu.memory_space<semaphore_mem>>, %arg16: memref<!tpu.dma_semaphore, #tpu.memory_space<semaphore_mem>>, %arg17: memref<!tpu.dma_semaphore, #tpu.memory_space<semaphore_mem>>, %arg18: memref<!tpu.dma_semaphore, #tpu.memory_space<semaphore_mem>>, %arg19: memref<!tpu.dma_semaphore, #tpu.memory_space<semaphore_mem>>, %arg20: memref<!tpu.dma_semaphore, #tpu.memory_space<semaphore_mem>>, %arg21: memref<!tpu.dma_semaphore, #tpu.memory_space<semaphore_mem>>) attributes {dimension_semantics = [#tpu.dimension_semantics<core_parallel>, #tpu.dimension_semantics<subcore_parallel>], iteration_bounds = array<i64: 2, 16>, scalar_prefetch = 0 : i64, scratch_operands = 15 : i64, tpu.core_type = #tpu.core_type<sc_vector_subcore>, window_params = [{transform_indices = #map}, {transform_indices = #map1}, {transform_indices = #map2}, {transform_indices = #map}, {transform_indices = #map1}]} {
    %mul3A = arith.constant 2 : i32
    %mul3A_0 = arith.muli %arg1, %mul3A : i32
    %add3A = arith.addi %mul3A_0, %arg0 : i32
    %mul3A_1 = arith.constant 632 : i32
    %mul3A_2 = arith.muli %arg1, %mul3A_1 : i32
    %mul3A_3 = arith.constant 159 : i32
    %mul3A_4 = arith.muli %add3A, %mul3A_3 : i32
    %mul3A_5 = arith.constant 64 : i32
    %mul3A_6 = arith.muli %mul3A_4, %mul3A_5 : i32
    "tpu.region"() ({
      %run_scoped3A = tpu.sem_alloc : memref<!tpu.dma_semaphore, #tpu.memory_space<semaphore_mem>>
      %dma_start3A_89 = arith.constant 0 : i32
      %dma_start3A_90 = tpu.memref_slice %arg14[%mul3A_2, %dma_start3A_89] : memref<10112x128xf32, #tpu.memory_space<vmem_shared>> -> memref<632x128xf32, #tpu.memory_space<vmem_shared>>
      %dma_start3A_91 = arith.constant 0 : i32
      %dma_start3A_92 = tpu.memref_slice %arg5[%mul3A_2, %dma_start3A_91] : memref<10112x128xf32, #tpu.memory_space<hbm>> -> memref<632x128xf32, #tpu.memory_space<hbm>>
      tpu.enqueue_dma source(%dma_start3A_92 : memref<632x128xf32, #tpu.memory_space<hbm>>) target(%dma_start3A_90 : memref<632x128xf32, #tpu.memory_space<vmem_shared>>) target_semaphore(%run_scoped3A : memref<!tpu.dma_semaphore, #tpu.memory_space<semaphore_mem>>)
      %dma_wait3A_93 = arith.constant 0 : i32
      %dma_wait3A_94 = tpu.memref_slice %arg14[%mul3A_2, %dma_wait3A_93] : memref<10112x128xf32, #tpu.memory_space<vmem_shared>> -> memref<632x128xf32, #tpu.memory_space<vmem_shared>>
      %dma_wait3A_95 = arith.constant 0 : i32
      %dma_wait3A_96 = tpu.memref_slice %arg5[%mul3A_2, %dma_wait3A_95] : memref<10112x128xf32, #tpu.memory_space<hbm>> -> memref<632x128xf32, #tpu.memory_space<hbm>>
      tpu.wait_dma2 semaphore(%run_scoped3A : memref<!tpu.dma_semaphore, #tpu.memory_space<semaphore_mem>>) src(%dma_wait3A_96 : memref<632x128xf32, #tpu.memory_space<hbm>>) dst(%dma_wait3A_94 : memref<632x128xf32, #tpu.memory_space<vmem_shared>>)
      tpu.yield
    }) : () -> ()
    %dma_start3A = arith.constant 0 : i32
    %dma_start3A_7 = arith.constant 0 : i32
    %dma_start3A_8 = tpu.memref_slice %arg3[%add3A, %dma_start3A, %dma_start3A_7] : memref<32x159x64xi32, #tpu.memory_space<hbm>> -> memref<1x159x64xi32, #tpu.memory_space<hbm>>
    %dma_start3A_9 = tpu.memref_squeeze %dma_start3A_8 : memref<1x159x64xi32, #tpu.memory_space<hbm>> -> memref<159x64xi32, #tpu.memory_space<hbm>>
    %dma_start3A_10 = arith.constant 0 : i32
    %dma_start3A_11 = arith.constant 0 : i32
    %dma_start3A_12 = tpu.memref_slice %arg3[%add3A, %dma_start3A_10, %dma_start3A_11] : memref<32x159x64xi32, #tpu.memory_space<hbm>> -> memref<1x159x64xi32, #tpu.memory_space<hbm>>
    %dma_start3A_13 = tpu.memref_squeeze %dma_start3A_12 : memref<1x159x64xi32, #tpu.memory_space<hbm>> -> memref<159x64xi32, #tpu.memory_space<hbm>>
    tpu.enqueue_dma source(%dma_start3A_13 : memref<159x64xi32, #tpu.memory_space<hbm>>) target(%arg7 : memref<159x64xi32, #tpu.memory_space<vmem>>) target_semaphore(%arg15 : memref<!tpu.dma_semaphore, #tpu.memory_space<semaphore_mem>>)
    %dma_start3A_14 = tpu.memref_slice %arg4[%mul3A_6] : memref<325632xi32, #tpu.memory_space<hbm>> -> memref<64xi32, #tpu.memory_space<hbm>>
    %dma_start3A_15 = tpu.memref_slice %arg4[%mul3A_6] : memref<325632xi32, #tpu.memory_space<hbm>> -> memref<64xi32, #tpu.memory_space<hbm>>
    tpu.enqueue_dma source(%dma_start3A_15 : memref<64xi32, #tpu.memory_space<hbm>>) target(%arg8 : memref<64xi32, #tpu.memory_space<vmem>>) target_semaphore(%arg16 : memref<!tpu.dma_semaphore, #tpu.memory_space<semaphore_mem>>)
    %add3A_16 = arith.constant 64 : i32
    %add3A_17 = arith.addi %mul3A_6, %add3A_16 : i32
    %dma_start3A_18 = tpu.memref_slice %arg4[%add3A_17] : memref<325632xi32, #tpu.memory_space<hbm>> -> memref<64xi32, #tpu.memory_space<hbm>>
    %dma_start3A_19 = tpu.memref_slice %arg4[%add3A_17] : memref<325632xi32, #tpu.memory_space<hbm>> -> memref<64xi32, #tpu.memory_space<hbm>>
    tpu.enqueue_dma source(%dma_start3A_19 : memref<64xi32, #tpu.memory_space<hbm>>) target(%arg9 : memref<64xi32, #tpu.memory_space<vmem>>) target_semaphore(%arg17 : memref<!tpu.dma_semaphore, #tpu.memory_space<semaphore_mem>>)
    %add3A_20 = arith.constant 128 : i32
    %add3A_21 = arith.addi %mul3A_6, %add3A_20 : i32
    %dma_start3A_22 = tpu.memref_slice %arg4[%add3A_21] : memref<325632xi32, #tpu.memory_space<hbm>> -> memref<64xi32, #tpu.memory_space<hbm>>
    %dma_start3A_23 = tpu.memref_slice %arg4[%add3A_21] : memref<325632xi32, #tpu.memory_space<hbm>> -> memref<64xi32, #tpu.memory_space<hbm>>
    tpu.enqueue_dma source(%dma_start3A_23 : memref<64xi32, #tpu.memory_space<hbm>>) target(%arg10 : memref<64xi32, #tpu.memory_space<vmem>>) target_semaphore(%arg18 : memref<!tpu.dma_semaphore, #tpu.memory_space<semaphore_mem>>)
    %dma_wait3A = arith.constant 0 : i32
    %dma_wait3A_24 = arith.constant 0 : i32
    %dma_wait3A_25 = arith.constant 0 : i32
    %dma_wait3A_26 = tpu.memref_slice %arg3[%dma_wait3A, %dma_wait3A_24, %dma_wait3A_25] : memref<32x159x64xi32, #tpu.memory_space<hbm>> -> memref<1x159x64xi32, #tpu.memory_space<hbm>>
    %dma_wait3A_27 = tpu.memref_squeeze %dma_wait3A_26 : memref<1x159x64xi32, #tpu.memory_space<hbm>> -> memref<159x64xi32, #tpu.memory_space<hbm>>
    %dma_wait3A_28 = arith.constant 0 : i32
    %dma_wait3A_29 = arith.constant 0 : i32
    %dma_wait3A_30 = tpu.memref_slice %arg3[%dma_wait3A, %dma_wait3A_28, %dma_wait3A_29] : memref<32x159x64xi32, #tpu.memory_space<hbm>> -> memref<1x159x64xi32, #tpu.memory_space<hbm>>
    %dma_wait3A_31 = tpu.memref_squeeze %dma_wait3A_30 : memref<1x159x64xi32, #tpu.memory_space<hbm>> -> memref<159x64xi32, #tpu.memory_space<hbm>>
    tpu.wait_dma2 semaphore(%arg15 : memref<!tpu.dma_semaphore, #tpu.memory_space<semaphore_mem>>) src(%dma_wait3A_31 : memref<159x64xi32, #tpu.memory_space<hbm>>) dst(%arg7 : memref<159x64xi32, #tpu.memory_space<vmem>>)
    %dma_start3A_32 = arith.constant 0 : i32
    %dma_start3A_33 = arith.constant 0 : i32
    %dma_start3A_34 = tpu.memref_slice %arg7[%dma_start3A_32, %dma_start3A_33] : memref<159x64xi32, #tpu.memory_space<vmem>> -> memref<1x64xi32, #tpu.memory_space<vmem>>
    %dma_start3A_35 = tpu.memref_squeeze %dma_start3A_34 : memref<1x64xi32, #tpu.memory_space<vmem>> -> memref<64xi32, #tpu.memory_space<vmem>>
    %dma_start3A_36 = arith.constant 0 : i32
    %dma_start3A_37 = arith.constant 0 : i32
    %dma_start3A_38 = tpu.memref_slice %arg2[%dma_start3A_36, %dma_start3A_37] : memref<10000x128xf32, #tpu.memory_space<hbm>> -> memref<10000x128xf32, #tpu.memory_space<hbm>>
    tpu.enqueue_indirect_dma source(%dma_start3A_38 : memref<10000x128xf32, #tpu.memory_space<hbm>>) target(%arg11 : memref<64x128xf32, #tpu.memory_space<vmem>>) offsets(%dma_start3A_35 : memref<64xi32, #tpu.memory_space<vmem>>) semaphore(%arg19 : memref<!tpu.dma_semaphore, #tpu.memory_space<semaphore_mem>>)
    %dma_start3A_39 = arith.constant 1 : i32
    %dma_start3A_40 = arith.constant 0 : i32
    %dma_start3A_41 = tpu.memref_slice %arg7[%dma_start3A_39, %dma_start3A_40] : memref<159x64xi32, #tpu.memory_space<vmem>> -> memref<1x64xi32, #tpu.memory_space<vmem>>
    %dma_start3A_42 = tpu.memref_squeeze %dma_start3A_41 : memref<1x64xi32, #tpu.memory_space<vmem>> -> memref<64xi32, #tpu.memory_space<vmem>>
    %dma_start3A_43 = arith.constant 0 : i32
    %dma_start3A_44 = arith.constant 0 : i32
    %dma_start3A_45 = tpu.memref_slice %arg2[%dma_start3A_43, %dma_start3A_44] : memref<10000x128xf32, #tpu.memory_space<hbm>> -> memref<10000x128xf32, #tpu.memory_space<hbm>>
    tpu.enqueue_indirect_dma source(%dma_start3A_45 : memref<10000x128xf32, #tpu.memory_space<hbm>>) target(%arg12 : memref<64x128xf32, #tpu.memory_space<vmem>>) offsets(%dma_start3A_42 : memref<64xi32, #tpu.memory_space<vmem>>) semaphore(%arg20 : memref<!tpu.dma_semaphore, #tpu.memory_space<semaphore_mem>>)
    %dma_start3A_46 = arith.constant 2 : i32
    %dma_start3A_47 = arith.constant 0 : i32
    %dma_start3A_48 = tpu.memref_slice %arg7[%dma_start3A_46, %dma_start3A_47] : memref<159x64xi32, #tpu.memory_space<vmem>> -> memref<1x64xi32, #tpu.memory_space<vmem>>
    %dma_start3A_49 = tpu.memref_squeeze %dma_start3A_48 : memref<1x64xi32, #tpu.memory_space<vmem>> -> memref<64xi32, #tpu.memory_space<vmem>>
    %dma_start3A_50 = arith.constant 0 : i32
    %dma_start3A_51 = arith.constant 0 : i32
    %dma_start3A_52 = tpu.memref_slice %arg2[%dma_start3A_50, %dma_start3A_51] : memref<10000x128xf32, #tpu.memory_space<hbm>> -> memref<10000x128xf32, #tpu.memory_space<hbm>>
    tpu.enqueue_indirect_dma source(%dma_start3A_52 : memref<10000x128xf32, #tpu.memory_space<hbm>>) target(%arg13 : memref<64x128xf32, #tpu.memory_space<vmem>>) offsets(%dma_start3A_49 : memref<64xi32, #tpu.memory_space<vmem>>) semaphore(%arg21 : memref<!tpu.dma_semaphore, #tpu.memory_space<semaphore_mem>>)
    %barrier3A = arith.constant 0 : index
    tpu.barrier barrier_id(%barrier3A)
    %scan3A = arith.constant 0 : i32
    %scan3A_53 = arith.constant 0 : i32
    %scan3A_54 = arith.constant 53 : i32
    %scan3A_55 = arith.addi %scan3A_53, %scan3A_54 : i32
    %scan3A_56 = arith.constant 1 : i32
    scf.for %scan3A_89 = %scan3A_53 to %scan3A_55 step %scan3A_56  : i32 {
      %mul3A_90 = arith.constant 3 : i32
      %mul3A_91 = arith.muli %mul3A_90, %scan3A_89 : i32
      %dma_wait3A_92 = arith.constant 0 : i32
      %dma_wait3A_93 = arith.constant 0 : i32
      %dma_wait3A_94 = tpu.memref_slice %arg2[%dma_wait3A_92, %dma_wait3A_93] : memref<10000x128xf32, #tpu.memory_space<hbm>> -> memref<64x128xf32, #tpu.memory_space<hbm>>
      %dma_wait3A_95 = arith.constant 0 : i32
      %dma_wait3A_96 = arith.constant 0 : i32
      %dma_wait3A_97 = tpu.memref_slice %arg2[%dma_wait3A_95, %dma_wait3A_96] : memref<10000x128xf32, #tpu.memory_space<hbm>> -> memref<64x128xf32, #tpu.memory_space<hbm>>
      tpu.wait_dma2 semaphore(%arg19 : memref<!tpu.dma_semaphore, #tpu.memory_space<semaphore_mem>>) src(%dma_wait3A_97 : memref<64x128xf32, #tpu.memory_space<hbm>>) dst(%arg11 : memref<64x128xf32, #tpu.memory_space<vmem>>)
      %dma_wait3A_98 = arith.constant 0 : i32
      %dma_wait3A_99 = tpu.memref_slice %arg4[%dma_wait3A_98] : memref<325632xi32, #tpu.memory_space<hbm>> -> memref<64xi32, #tpu.memory_space<hbm>>
      %dma_wait3A_100 = arith.constant 0 : i32
      %dma_wait3A_101 = tpu.memref_slice %arg4[%dma_wait3A_100] : memref<325632xi32, #tpu.memory_space<hbm>> -> memref<64xi32, #tpu.memory_space<hbm>>
      tpu.wait_dma2 semaphore(%arg16 : memref<!tpu.dma_semaphore, #tpu.memory_space<semaphore_mem>>) src(%dma_wait3A_101 : memref<64xi32, #tpu.memory_space<hbm>>) dst(%arg8 : memref<64xi32, #tpu.memory_space<vmem>>)
      "tpu.region"() ({
        %run_scoped3A = tpu.sem_alloc : memref<!tpu.dma_semaphore, #tpu.memory_space<semaphore_mem>>
        %dma_start3A_170 = arith.constant 0 : i32
        %dma_start3A_171 = arith.constant 0 : i32
        %dma_start3A_172 = tpu.memref_slice %arg14[%dma_start3A_170, %dma_start3A_171] : memref<10112x128xf32, #tpu.memory_space<vmem_shared>> -> memref<10112x128xf32, #tpu.memory_space<vmem_shared>>
        tpu.enqueue_indirect_dma source(%arg11 : memref<64x128xf32, #tpu.memory_space<vmem>>) target(%dma_start3A_172 : memref<10112x128xf32, #tpu.memory_space<vmem_shared>>) offsets(%arg8 : memref<64xi32, #tpu.memory_space<vmem>>) semaphore(%run_scoped3A : memref<!tpu.dma_semaphore, #tpu.memory_space<semaphore_mem>>) {add = true}
        %dma_wait3A_173 = arith.constant 0 : i32
        %dma_wait3A_174 = arith.constant 0 : i32
        %dma_wait3A_175 = tpu.memref_slice %arg14[%dma_wait3A_173, %dma_wait3A_174] : memref<10112x128xf32, #tpu.memory_space<vmem_shared>> -> memref<10112x128xf32, #tpu.memory_space<vmem_shared>>
        tpu.wait_indirect_dma semaphore(%run_scoped3A : memref<!tpu.dma_semaphore, #tpu.memory_space<semaphore_mem>>) src(%arg11 : memref<64x128xf32, #tpu.memory_space<vmem>>) dst(%dma_wait3A_175 : memref<10112x128xf32, #tpu.memory_space<vmem_shared>>)
        tpu.yield
      }) : () -> ()
      %add3A_102 = arith.constant 3 : i32
      %add3A_103 = arith.addi %mul3A_91, %add3A_102 : i32
      %min3A = arith.constant 158 : i32
      %min3A_104 = arith.minsi %add3A_103, %min3A : i32
      %dma_start3A_105 = arith.constant 0 : i32
      %dma_start3A_106 = tpu.memref_slice %arg7[%min3A_104, %dma_start3A_105] : memref<159x64xi32, #tpu.memory_space<vmem>> -> memref<1x64xi32, #tpu.memory_space<vmem>>
      %dma_start3A_107 = tpu.memref_squeeze %dma_start3A_106 : memref<1x64xi32, #tpu.memory_space<vmem>> -> memref<64xi32, #tpu.memory_space<vmem>>
      %dma_start3A_108 = arith.constant 0 : i32
      %dma_start3A_109 = arith.constant 0 : i32
      %dma_start3A_110 = tpu.memref_slice %arg2[%dma_start3A_108, %dma_start3A_109] : memref<10000x128xf32, #tpu.memory_space<hbm>> -> memref<10000x128xf32, #tpu.memory_space<hbm>>
      tpu.enqueue_indirect_dma source(%dma_start3A_110 : memref<10000x128xf32, #tpu.memory_space<hbm>>) target(%arg11 : memref<64x128xf32, #tpu.memory_space<vmem>>) offsets(%dma_start3A_107 : memref<64xi32, #tpu.memory_space<vmem>>) semaphore(%arg19 : memref<!tpu.dma_semaphore, #tpu.memory_space<semaphore_mem>>)
      %mul3A_111 = arith.constant 64 : i32
      %mul3A_112 = arith.muli %min3A_104, %mul3A_111 : i32
      %add3A_113 = arith.addi %mul3A_6, %mul3A_112 : i32
      %dma_start3A_114 = tpu.memref_slice %arg4[%add3A_113] : memref<325632xi32, #tpu.memory_space<hbm>> -> memref<64xi32, #tpu.memory_space<hbm>>
      %dma_start3A_115 = tpu.memref_slice %arg4[%add3A_113] : memref<325632xi32, #tpu.memory_space<hbm>> -> memref<64xi32, #tpu.memory_space<hbm>>
      tpu.enqueue_dma source(%dma_start3A_115 : memref<64xi32, #tpu.memory_space<hbm>>) target(%arg8 : memref<64xi32, #tpu.memory_space<vmem>>) target_semaphore(%arg16 : memref<!tpu.dma_semaphore, #tpu.memory_space<semaphore_mem>>)
      %add3A_116 = arith.constant 1 : i32
      %add3A_117 = arith.addi %mul3A_91, %add3A_116 : i32
      %dma_wait3A_118 = arith.constant 0 : i32
      %dma_wait3A_119 = arith.constant 0 : i32
      %dma_wait3A_120 = tpu.memref_slice %arg2[%dma_wait3A_118, %dma_wait3A_119] : memref<10000x128xf32, #tpu.memory_space<hbm>> -> memref<64x128xf32, #tpu.memory_space<hbm>>
      %dma_wait3A_121 = arith.constant 0 : i32
      %dma_wait3A_122 = arith.constant 0 : i32
      %dma_wait3A_123 = tpu.memref_slice %arg2[%dma_wait3A_121, %dma_wait3A_122] : memref<10000x128xf32, #tpu.memory_space<hbm>> -> memref<64x128xf32, #tpu.memory_space<hbm>>
      tpu.wait_dma2 semaphore(%arg20 : memref<!tpu.dma_semaphore, #tpu.memory_space<semaphore_mem>>) src(%dma_wait3A_123 : memref<64x128xf32, #tpu.memory_space<hbm>>) dst(%arg12 : memref<64x128xf32, #tpu.memory_space<vmem>>)
      %dma_wait3A_124 = arith.constant 0 : i32
      %dma_wait3A_125 = tpu.memref_slice %arg4[%dma_wait3A_124] : memref<325632xi32, #tpu.memory_space<hbm>> -> memref<64xi32, #tpu.memory_space<hbm>>
      %dma_wait3A_126 = arith.constant 0 : i32
      %dma_wait3A_127 = tpu.memref_slice %arg4[%dma_wait3A_126] : memref<325632xi32, #tpu.memory_space<hbm>> -> memref<64xi32, #tpu.memory_space<hbm>>
      tpu.wait_dma2 semaphore(%arg17 : memref<!tpu.dma_semaphore, #tpu.memory_space<semaphore_mem>>) src(%dma_wait3A_127 : memref<64xi32, #tpu.memory_space<hbm>>) dst(%arg9 : memref<64xi32, #tpu.memory_space<vmem>>)
      "tpu.region"() ({
        %run_scoped3A = tpu.sem_alloc : memref<!tpu.dma_semaphore, #tpu.memory_space<semaphore_mem>>
        %dma_start3A_170 = arith.constant 0 : i32
        %dma_start3A_171 = arith.constant 0 : i32
        %dma_start3A_172 = tpu.memref_slice %arg14[%dma_start3A_170, %dma_start3A_171] : memref<10112x128xf32, #tpu.memory_space<vmem_shared>> -> memref<10112x128xf32, #tpu.memory_space<vmem_shared>>
        tpu.enqueue_indirect_dma source(%arg12 : memref<64x128xf32, #tpu.memory_space<vmem>>) target(%dma_start3A_172 : memref<10112x128xf32, #tpu.memory_space<vmem_shared>>) offsets(%arg9 : memref<64xi32, #tpu.memory_space<vmem>>) semaphore(%run_scoped3A : memref<!tpu.dma_semaphore, #tpu.memory_space<semaphore_mem>>) {add = true}
        %dma_wait3A_173 = arith.constant 0 : i32
        %dma_wait3A_174 = arith.constant 0 : i32
        %dma_wait3A_175 = tpu.memref_slice %arg14[%dma_wait3A_173, %dma_wait3A_174] : memref<10112x128xf32, #tpu.memory_space<vmem_shared>> -> memref<10112x128xf32, #tpu.memory_space<vmem_shared>>
        tpu.wait_indirect_dma semaphore(%run_scoped3A : memref<!tpu.dma_semaphore, #tpu.memory_space<semaphore_mem>>) src(%arg12 : memref<64x128xf32, #tpu.memory_space<vmem>>) dst(%dma_wait3A_175 : memref<10112x128xf32, #tpu.memory_space<vmem_shared>>)
        tpu.yield
      }) : () -> ()
      %add3A_128 = arith.constant 3 : i32
      %add3A_129 = arith.addi %add3A_117, %add3A_128 : i32
      %min3A_130 = arith.constant 158 : i32
      %min3A_131 = arith.minsi %add3A_129, %min3A_130 : i32
      %dma_start3A_132 = arith.constant 0 : i32
      %dma_start3A_133 = tpu.memref_slice %arg7[%min3A_131, %dma_start3A_132] : memref<159x64xi32, #tpu.memory_space<vmem>> -> memref<1x64xi32, #tpu.memory_space<vmem>>
      %dma_start3A_134 = tpu.memref_squeeze %dma_start3A_133 : memref<1x64xi32, #tpu.memory_space<vmem>> -> memref<64xi32, #tpu.memory_space<vmem>>
      %dma_start3A_135 = arith.constant 0 : i32
      %dma_start3A_136 = arith.constant 0 : i32
      %dma_start3A_137 = tpu.memref_slice %arg2[%dma_start3A_135, %dma_start3A_136] : memref<10000x128xf32, #tpu.memory_space<hbm>> -> memref<10000x128xf32, #tpu.memory_space<hbm>>
      tpu.enqueue_indirect_dma source(%dma_start3A_137 : memref<10000x128xf32, #tpu.memory_space<hbm>>) target(%arg12 : memref<64x128xf32, #tpu.memory_space<vmem>>) offsets(%dma_start3A_134 : memref<64xi32, #tpu.memory_space<vmem>>) semaphore(%arg20 : memref<!tpu.dma_semaphore, #tpu.memory_space<semaphore_mem>>)
      %mul3A_138 = arith.constant 64 : i32
      %mul3A_139 = arith.muli %min3A_131, %mul3A_138 : i32
      %add3A_140 = arith.addi %mul3A_6, %mul3A_139 : i32
      %dma_start3A_141 = tpu.memref_slice %arg4[%add3A_140] : memref<325632xi32, #tpu.memory_space<hbm>> -> memref<64xi32, #tpu.memory_space<hbm>>
      %dma_start3A_142 = tpu.memref_slice %arg4[%add3A_140] : memref<325632xi32, #tpu.memory_space<hbm>> -> memref<64xi32, #tpu.memory_space<hbm>>
      tpu.enqueue_dma source(%dma_start3A_142 : memref<64xi32, #tpu.memory_space<hbm>>) target(%arg9 : memref<64xi32, #tpu.memory_space<vmem>>) target_semaphore(%arg17 : memref<!tpu.dma_semaphore, #tpu.memory_space<semaphore_mem>>)
      %add3A_143 = arith.constant 2 : i32
      %add3A_144 = arith.addi %mul3A_91, %add3A_143 : i32
      %dma_wait3A_145 = arith.constant 0 : i32
      %dma_wait3A_146 = arith.constant 0 : i32
      %dma_wait3A_147 = tpu.memref_slice %arg2[%dma_wait3A_145, %dma_wait3A_146] : memref<10000x128xf32, #tpu.memory_space<hbm>> -> memref<64x128xf32, #tpu.memory_space<hbm>>
      %dma_wait3A_148 = arith.constant 0 : i32
      %dma_wait3A_149 = arith.constant 0 : i32
      %dma_wait3A_150 = tpu.memref_slice %arg2[%dma_wait3A_148, %dma_wait3A_149] : memref<10000x128xf32, #tpu.memory_space<hbm>> -> memref<64x128xf32, #tpu.memory_space<hbm>>
      tpu.wait_dma2 semaphore(%arg21 : memref<!tpu.dma_semaphore, #tpu.memory_space<semaphore_mem>>) src(%dma_wait3A_150 : memref<64x128xf32, #tpu.memory_space<hbm>>) dst(%arg13 : memref<64x128xf32, #tpu.memory_space<vmem>>)
      %dma_wait3A_151 = arith.constant 0 : i32
      %dma_wait3A_152 = tpu.memref_slice %arg4[%dma_wait3A_151] : memref<325632xi32, #tpu.memory_space<hbm>> -> memref<64xi32, #tpu.memory_space<hbm>>
      %dma_wait3A_153 = arith.constant 0 : i32
      %dma_wait3A_154 = tpu.memref_slice %arg4[%dma_wait3A_153] : memref<325632xi32, #tpu.memory_space<hbm>> -> memref<64xi32, #tpu.memory_space<hbm>>
      tpu.wait_dma2 semaphore(%arg18 : memref<!tpu.dma_semaphore, #tpu.memory_space<semaphore_mem>>) src(%dma_wait3A_154 : memref<64xi32, #tpu.memory_space<hbm>>) dst(%arg10 : memref<64xi32, #tpu.memory_space<vmem>>)
      "tpu.region"() ({
        %run_scoped3A = tpu.sem_alloc : memref<!tpu.dma_semaphore, #tpu.memory_space<semaphore_mem>>
        %dma_start3A_170 = arith.constant 0 : i32
        %dma_start3A_171 = arith.constant 0 : i32
        %dma_start3A_172 = tpu.memref_slice %arg14[%dma_start3A_170, %dma_start3A_171] : memref<10112x128xf32, #tpu.memory_space<vmem_shared>> -> memref<10112x128xf32, #tpu.memory_space<vmem_shared>>
        tpu.enqueue_indirect_dma source(%arg13 : memref<64x128xf32, #tpu.memory_space<vmem>>) target(%dma_start3A_172 : memref<10112x128xf32, #tpu.memory_space<vmem_shared>>) offsets(%arg10 : memref<64xi32, #tpu.memory_space<vmem>>) semaphore(%run_scoped3A : memref<!tpu.dma_semaphore, #tpu.memory_space<semaphore_mem>>) {add = true}
        %dma_wait3A_173 = arith.constant 0 : i32
        %dma_wait3A_174 = arith.constant 0 : i32
        %dma_wait3A_175 = tpu.memref_slice %arg14[%dma_wait3A_173, %dma_wait3A_174] : memref<10112x128xf32, #tpu.memory_space<vmem_shared>> -> memref<10112x128xf32, #tpu.memory_space<vmem_shared>>
        tpu.wait_indirect_dma semaphore(%run_scoped3A : memref<!tpu.dma_semaphore, #tpu.memory_space<semaphore_mem>>) src(%arg13 : memref<64x128xf32, #tpu.memory_space<vmem>>) dst(%dma_wait3A_175 : memref<10112x128xf32, #tpu.memory_space<vmem_shared>>)
        tpu.yield
      }) : () -> ()
      %add3A_155 = arith.constant 3 : i32
      %add3A_156 = arith.addi %add3A_144, %add3A_155 : i32
      %min3A_157 = arith.constant 158 : i32
      %min3A_158 = arith.minsi %add3A_156, %min3A_157 : i32
      %dma_start3A_159 = arith.constant 0 : i32
      %dma_start3A_160 = tpu.memref_slice %arg7[%min3A_158, %dma_start3A_159] : memref<159x64xi32, #tpu.memory_space<vmem>> -> memref<1x64xi32, #tpu.memory_space<vmem>>
      %dma_start3A_161 = tpu.memref_squeeze %dma_start3A_160 : memref<1x64xi32, #tpu.memory_space<vmem>> -> memref<64xi32, #tpu.memory_space<vmem>>
      %dma_start3A_162 = arith.constant 0 : i32
      %dma_start3A_163 = arith.constant 0 : i32
      %dma_start3A_164 = tpu.memref_slice %arg2[%dma_start3A_162, %dma_start3A_163] : memref<10000x128xf32, #tpu.memory_space<hbm>> -> memref<10000x128xf32, #tpu.memory_space<hbm>>
      tpu.enqueue_indirect_dma source(%dma_start3A_164 : memref<10000x128xf32, #tpu.memory_space<hbm>>) target(%arg13 : memref<64x128xf32, #tpu.memory_space<vmem>>) offsets(%dma_start3A_161 : memref<64xi32, #tpu.memory_space<vmem>>) semaphore(%arg21 : memref<!tpu.dma_semaphore, #tpu.memory_space<semaphore_mem>>)
      %mul3A_165 = arith.constant 64 : i32
      %mul3A_166 = arith.muli %min3A_158, %mul3A_165 : i32
      %add3A_167 = arith.addi %mul3A_6, %mul3A_166 : i32
      %dma_start3A_168 = tpu.memref_slice %arg4[%add3A_167] : memref<325632xi32, #tpu.memory_space<hbm>> -> memref<64xi32, #tpu.memory_space<hbm>>
      %dma_start3A_169 = tpu.memref_slice %arg4[%add3A_167] : memref<325632xi32, #tpu.memory_space<hbm>> -> memref<64xi32, #tpu.memory_space<hbm>>
      tpu.enqueue_dma source(%dma_start3A_169 : memref<64xi32, #tpu.memory_space<hbm>>) target(%arg10 : memref<64xi32, #tpu.memory_space<vmem>>) target_semaphore(%arg18 : memref<!tpu.dma_semaphore, #tpu.memory_space<semaphore_mem>>)
    }
    %scan3A_57 = arith.constant 53 : i32
    %dma_wait3A_58 = arith.constant 0 : i32
    %dma_wait3A_59 = arith.constant 0 : i32
    %dma_wait3A_60 = tpu.memref_slice %arg2[%dma_wait3A_58, %dma_wait3A_59] : memref<10000x128xf32, #tpu.memory_space<hbm>> -> memref<64x128xf32, #tpu.memory_space<hbm>>
    %dma_wait3A_61 = arith.constant 0 : i32
    %dma_wait3A_62 = arith.constant 0 : i32
    %dma_wait3A_63 = tpu.memref_slice %arg2[%dma_wait3A_61, %dma_wait3A_62] : memref<10000x128xf32, #tpu.memory_space<hbm>> -> memref<64x128xf32, #tpu.memory_space<hbm>>
    tpu.wait_dma2 semaphore(%arg19 : memref<!tpu.dma_semaphore, #tpu.memory_space<semaphore_mem>>) src(%dma_wait3A_63 : memref<64x128xf32, #tpu.memory_space<hbm>>) dst(%arg11 : memref<64x128xf32, #tpu.memory_space<vmem>>)
    %dma_wait3A_64 = arith.constant 0 : i32
    %dma_wait3A_65 = arith.constant 0 : i32
    %dma_wait3A_66 = tpu.memref_slice %arg2[%dma_wait3A_64, %dma_wait3A_65] : memref<10000x128xf32, #tpu.memory_space<hbm>> -> memref<64x128xf32, #tpu.memory_space<hbm>>
    %dma_wait3A_67 = arith.constant 0 : i32
    %dma_wait3A_68 = arith.constant 0 : i32
    %dma_wait3A_69 = tpu.memref_slice %arg2[%dma_wait3A_67, %dma_wait3A_68] : memref<10000x128xf32, #tpu.memory_space<hbm>> -> memref<64x128xf32, #tpu.memory_space<hbm>>
    tpu.wait_dma2 semaphore(%arg20 : memref<!tpu.dma_semaphore, #tpu.memory_space<semaphore_mem>>) src(%dma_wait3A_69 : memref<64x128xf32, #tpu.memory_space<hbm>>) dst(%arg12 : memref<64x128xf32, #tpu.memory_space<vmem>>)
    %dma_wait3A_70 = arith.constant 0 : i32
    %dma_wait3A_71 = arith.constant 0 : i32
    %dma_wait3A_72 = tpu.memref_slice %arg2[%dma_wait3A_70, %dma_wait3A_71] : memref<10000x128xf32, #tpu.memory_space<hbm>> -> memref<64x128xf32, #tpu.memory_space<hbm>>
    %dma_wait3A_73 = arith.constant 0 : i32
    %dma_wait3A_74 = arith.constant 0 : i32
    %dma_wait3A_75 = tpu.memref_slice %arg2[%dma_wait3A_73, %dma_wait3A_74] : memref<10000x128xf32, #tpu.memory_space<hbm>> -> memref<64x128xf32, #tpu.memory_space<hbm>>
    tpu.wait_dma2 semaphore(%arg21 : memref<!tpu.dma_semaphore, #tpu.memory_space<semaphore_mem>>) src(%dma_wait3A_75 : memref<64x128xf32, #tpu.memory_space<hbm>>) dst(%arg13 : memref<64x128xf32, #tpu.memory_space<vmem>>)
    %dma_wait3A_76 = arith.constant 0 : i32
    %dma_wait3A_77 = tpu.memref_slice %arg4[%dma_wait3A_76] : memref<325632xi32, #tpu.memory_space<hbm>> -> memref<64xi32, #tpu.memory_space<hbm>>
    %dma_wait3A_78 = arith.constant 0 : i32
    %dma_wait3A_79 = tpu.memref_slice %arg4[%dma_wait3A_78] : memref<325632xi32, #tpu.memory_space<hbm>> -> memref<64xi32, #tpu.memory_space<hbm>>
    tpu.wait_dma2 semaphore(%arg16 : memref<!tpu.dma_semaphore, #tpu.memory_space<semaphore_mem>>) src(%dma_wait3A_79 : memref<64xi32, #tpu.memory_space<hbm>>) dst(%arg8 : memref<64xi32, #tpu.memory_space<vmem>>)
    %dma_wait3A_80 = arith.constant 0 : i32
    %dma_wait3A_81 = tpu.memref_slice %arg4[%dma_wait3A_80] : memref<325632xi32, #tpu.memory_space<hbm>> -> memref<64xi32, #tpu.memory_space<hbm>>
    %dma_wait3A_82 = arith.constant 0 : i32
    %dma_wait3A_83 = tpu.memref_slice %arg4[%dma_wait3A_82] : memref<325632xi32, #tpu.memory_space<hbm>> -> memref<64xi32, #tpu.memory_space<hbm>>
    tpu.wait_dma2 semaphore(%arg17 : memref<!tpu.dma_semaphore, #tpu.memory_space<semaphore_mem>>) src(%dma_wait3A_83 : memref<64xi32, #tpu.memory_space<hbm>>) dst(%arg9 : memref<64xi32, #tpu.memory_space<vmem>>)
    %dma_wait3A_84 = arith.constant 0 : i32
    %dma_wait3A_85 = tpu.memref_slice %arg4[%dma_wait3A_84] : memref<325632xi32, #tpu.memory_space<hbm>> -> memref<64xi32, #tpu.memory_space<hbm>>
    %dma_wait3A_86 = arith.constant 0 : i32
    %dma_wait3A_87 = tpu.memref_slice %arg4[%dma_wait3A_86] : memref<325632xi32, #tpu.memory_space<hbm>> -> memref<64xi32, #tpu.memory_space<hbm>>
    tpu.wait_dma2 semaphore(%arg18 : memref<!tpu.dma_semaphore, #tpu.memory_space<semaphore_mem>>) src(%dma_wait3A_87 : memref<64xi32, #tpu.memory_space<hbm>>) dst(%arg10 : memref<64xi32, #tpu.memory_space<vmem>>)
    %barrier3A_88 = arith.constant 0 : index
    tpu.barrier barrier_id(%barrier3A_88)
    "tpu.region"() ({
      %run_scoped3A = tpu.sem_alloc : memref<!tpu.dma_semaphore, #tpu.memory_space<semaphore_mem>>
      %dma_start3A_89 = arith.constant 0 : i32
      %dma_start3A_90 = tpu.memref_slice %arg6[%arg0, %mul3A_2, %dma_start3A_89] : memref<2x10112x128xf32, #tpu.memory_space<hbm>> -> memref<1x632x128xf32, #tpu.memory_space<hbm>>
      %dma_start3A_91 = tpu.memref_squeeze %dma_start3A_90 : memref<1x632x128xf32, #tpu.memory_space<hbm>> -> memref<632x128xf32, #tpu.memory_space<hbm>>
      %dma_start3A_92 = arith.constant 0 : i32
      %dma_start3A_93 = tpu.memref_slice %arg14[%mul3A_2, %dma_start3A_92] : memref<10112x128xf32, #tpu.memory_space<vmem_shared>> -> memref<632x128xf32, #tpu.memory_space<vmem_shared>>
      tpu.enqueue_dma source(%dma_start3A_93 : memref<632x128xf32, #tpu.memory_space<vmem_shared>>) target(%dma_start3A_91 : memref<632x128xf32, #tpu.memory_space<hbm>>) target_semaphore(%run_scoped3A : memref<!tpu.dma_semaphore, #tpu.memory_space<semaphore_mem>>)
      %dma_wait3A_94 = arith.constant 0 : i32
      %dma_wait3A_95 = tpu.memref_slice %arg6[%arg0, %mul3A_2, %dma_wait3A_94] : memref<2x10112x128xf32, #tpu.memory_space<hbm>> -> memref<1x632x128xf32, #tpu.memory_space<hbm>>
      %dma_wait3A_96 = tpu.memref_squeeze %dma_wait3A_95 : memref<1x632x128xf32, #tpu.memory_space<hbm>> -> memref<632x128xf32, #tpu.memory_space<hbm>>
      %dma_wait3A_97 = arith.constant 0 : i32
      %dma_wait3A_98 = tpu.memref_slice %arg14[%mul3A_2, %dma_wait3A_97] : memref<10112x128xf32, #tpu.memory_space<vmem_shared>> -> memref<632x128xf32, #tpu.memory_space<vmem_shared>>
      tpu.wait_dma2 semaphore(%run_scoped3A : memref<!tpu.dma_semaphore, #tpu.memory_space<semaphore_mem>>) src(%dma_wait3A_98 : memref<632x128xf32, #tpu.memory_space<vmem_shared>>) dst(%dma_wait3A_96 : memref<632x128xf32, #tpu.memory_space<hbm>>)
      tpu.yield
    }) : () -> ()
    return
  }
}

module attributes {stable_mosaic.version = 14 : i64} {
  func.func @body(%arg0: memref<2x10112x128xf32, #tpu.memory_space<vmem>>, %arg1: memref<10000x128xf32, #tpu.memory_space<vmem>>, %arg2: memref<128x128xf32, #tpu.memory_space<vmem>>, %arg3: memref<10000x1xf32, #tpu.memory_space<vmem>>, %arg4: memref<10000x128xf32, #tpu.memory_space<vmem>>) attributes {dimension_semantics = [], scalar_prefetch = 0 : i64, scratch_operands = 0 : i64, tpu.core_type = #tpu.core_type<tc>} {
    %get3A = arith.constant 0 : index
    %get3A_0 = arith.constant 0 : index
    %get3A_1 = arith.constant 0 : index
    %get3A_2 = vector.load %arg0[%get3A, %get3A_0, %get3A_1] : memref<2x10112x128xf32, #tpu.memory_space<vmem>>, vector<1x10112x128xf32>
    %get3A_3 = vector.shape_cast %get3A_2 : vector<1x10112x128xf32> to vector<10112x128xf32>
    %get3A_4 = arith.constant 1 : index
    %get3A_5 = arith.constant 0 : index
    %get3A_6 = arith.constant 0 : index
    %get3A_7 = vector.load %arg0[%get3A_4, %get3A_5, %get3A_6] : memref<2x10112x128xf32, #tpu.memory_space<vmem>>, vector<1x10112x128xf32>
    %get3A_8 = vector.shape_cast %get3A_7 : vector<1x10112x128xf32> to vector<10112x128xf32>
    %add3A = arith.addf %get3A_3, %get3A_8 : vector<10112x128xf32>
    %slice3A = vector.extract_strided_slice %add3A {offsets = [0, 0], sizes = [10000, 1], strides = [1, 1]} : vector<10112x128xf32> to vector<10000x1xf32>
    %add3A_9 = arith.constant 1.000000e+00 : f32
    %add3A_10 = vector.broadcast %add3A_9 : f32 to vector<10000x1xf32>
    %add3A_11 = arith.addf %slice3A, %add3A_10 : vector<10000x1xf32>
    %rsqrt3A = math.rsqrt %add3A_11 : vector<10000x1xf32>
    %swap3A = arith.constant 0 : index
    %swap3A_12 = arith.constant 0 : index
    %swap3A_13 = vector.load %arg3[%swap3A, %swap3A_12] : memref<10000x1xf32, #tpu.memory_space<vmem>>, vector<10000x1xf32>
    tpu.vector_store %arg3[%swap3A, %swap3A_12], %rsqrt3A {strides = array<i32>} : memref<10000x1xf32, #tpu.memory_space<vmem>>, vector<10000x1xf32>,
    %get3A_14 = arith.constant 0 : index
    %get3A_15 = arith.constant 0 : index
    %get3A_16 = vector.load %arg1[%get3A_14, %get3A_15] : memref<10000x128xf32, #tpu.memory_space<vmem>>, vector<10000x128xf32>
    %mul3A = vector.broadcast %rsqrt3A : vector<10000x1xf32> to vector<10000x128xf32>
    %mul3A_17 = arith.mulf %get3A_16, %mul3A : vector<10000x128xf32>
    %get3A_18 = arith.constant 0 : index
    %get3A_19 = arith.constant 0 : index
    %get3A_20 = vector.load %arg2[%get3A_18, %get3A_19] : memref<128x128xf32, #tpu.memory_space<vmem>>, vector<128x128xf32>
    %dot_general3A = arith.constant dense<0.000000e+00> : vector<10000x128xf32>
    %dot_general3A_21 = tpu.matmul %mul3A_17, %get3A_20, %dot_general3A {dimension_numbers = #tpu.dot_dimension_numbers<[1], [0], [0], [1], [0, 0, 1, 1], [], []>, transpose_lhs_hint = false} : vector<10000x128xf32>, vector<128x128xf32>, vector<10000x128xf32> -> vector<10000x128xf32>
    %swap3A_22 = arith.constant 0 : index
    %swap3A_23 = arith.constant 0 : index
    %swap3A_24 = vector.load %arg4[%swap3A_22, %swap3A_23] : memref<10000x128xf32, #tpu.memory_space<vmem>>, vector<10000x128xf32>
    tpu.vector_store %arg4[%swap3A_22, %swap3A_23], %dot_general3A_21 {strides = array<i32>} : memref<10000x128xf32, #tpu.memory_space<vmem>>, vector<10000x128xf32>,
    return
  }
}

module attributes {stable_mosaic.version = 14 : i64} {
  func.func @body(%arg0: memref<2x10112x128xf32, #tpu.memory_space<vmem>>, %arg1: memref<10000x128xf32, #tpu.memory_space<vmem>>, %arg2: memref<10000x128xf32, #tpu.memory_space<vmem>>, %arg3: memref<10000x1xf32, #tpu.memory_space<vmem>>, %arg4: memref<1x128xf32, #tpu.memory_space<vmem>>, %arg5: memref<1x128xf32, #tpu.memory_space<vmem>>, %arg6: memref<1x128xf32, #tpu.memory_space<vmem>>, %arg7: memref<128x128xf32, #tpu.memory_space<vmem>>, %arg8: memref<10000x128xf32, #tpu.memory_space<vmem>>, %arg9: memref<10000x128xf32, #tpu.memory_space<vmem>>) attributes {dimension_semantics = [], scalar_prefetch = 0 : i64, scratch_operands = 0 : i64, tpu.core_type = #tpu.core_type<tc>} {
    %get3A = arith.constant 0 : index
    %get3A_0 = arith.constant 0 : index
    %get3A_1 = vector.load %arg1[%get3A, %get3A_0] : memref<10000x128xf32, #tpu.memory_space<vmem>>, vector<10000x128xf32>
    %get3A_2 = arith.constant 0 : index
    %get3A_3 = arith.constant 0 : index
    %get3A_4 = vector.load %arg3[%get3A_2, %get3A_3] : memref<10000x1xf32, #tpu.memory_space<vmem>>, vector<10000x1xf32>
    %get3A_5 = arith.constant 0 : index
    %get3A_6 = arith.constant 0 : index
    %get3A_7 = arith.constant 0 : index
    %get3A_8 = vector.load %arg0[%get3A_5, %get3A_6, %get3A_7] : memref<2x10112x128xf32, #tpu.memory_space<vmem>>, vector<1x10000x128xf32>
    %get3A_9 = vector.shape_cast %get3A_8 : vector<1x10000x128xf32> to vector<10000x128xf32>
    %get3A_10 = arith.constant 1 : index
    %get3A_11 = arith.constant 0 : index
    %get3A_12 = arith.constant 0 : index
    %get3A_13 = vector.load %arg0[%get3A_10, %get3A_11, %get3A_12] : memref<2x10112x128xf32, #tpu.memory_space<vmem>>, vector<1x10000x128xf32>
    %get3A_14 = vector.shape_cast %get3A_13 : vector<1x10000x128xf32> to vector<10000x128xf32>
    %add3A = arith.addf %get3A_9, %get3A_14 : vector<10000x128xf32>
    %add3A_15 = arith.addf %add3A, %get3A_1 : vector<10000x128xf32>
    %mul3A = vector.broadcast %get3A_4 : vector<10000x1xf32> to vector<10000x128xf32>
    %mul3A_16 = arith.mulf %add3A_15, %mul3A : vector<10000x128xf32>
    %get3A_17 = arith.constant 0 : index
    %get3A_18 = arith.constant 0 : index
    %get3A_19 = vector.load %arg4[%get3A_17, %get3A_18] : memref<1x128xf32, #tpu.memory_space<vmem>>, vector<1x128xf32>
    %add3A_20 = vector.broadcast %get3A_19 : vector<1x128xf32> to vector<10000x128xf32>
    %add3A_21 = arith.addf %mul3A_16, %add3A_20 : vector<10000x128xf32>
    %max3A = arith.constant 0.000000e+00 : f32
    %max3A_22 = vector.broadcast %max3A : f32 to vector<10000x128xf32>
    %max3A_23 = arith.maximumf %add3A_21, %max3A_22 : vector<10000x128xf32>
    %reduce_sum3A = arith.constant dense<0.000000e+00> : vector<128xf32>
    %reduce_sum3A_24 = vector.multi_reduction <add>, %max3A_23, %reduce_sum3A [0] : vector<10000x128xf32> to vector<128xf32>
    %broadcast_in_dim3A = vector.shape_cast %reduce_sum3A_24 : vector<128xf32> to vector<1x128xf32>
    %div3A = arith.constant 1.000000e+04 : f32
    %div3A_25 = vector.broadcast %div3A : f32 to vector<1x128xf32>
    %div3A_26 = arith.divf %broadcast_in_dim3A, %div3A_25 : vector<1x128xf32>
    %sub3A = vector.broadcast %div3A_26 : vector<1x128xf32> to vector<10000x128xf32>
    %sub3A_27 = arith.subf %max3A_23, %sub3A : vector<10000x128xf32>
    %integer_pow3A = arith.mulf %sub3A_27, %sub3A_27 : vector<10000x128xf32>
    %reduce_sum3A_28 = arith.constant dense<0.000000e+00> : vector<128xf32>
    %reduce_sum3A_29 = vector.multi_reduction <add>, %integer_pow3A, %reduce_sum3A_28 [0] : vector<10000x128xf32> to vector<128xf32>
    %broadcast_in_dim3A_30 = vector.shape_cast %reduce_sum3A_29 : vector<128xf32> to vector<1x128xf32>
    %div3A_31 = arith.constant 1.000000e+04 : f32
    %div3A_32 = vector.broadcast %div3A_31 : f32 to vector<1x128xf32>
    %div3A_33 = arith.divf %broadcast_in_dim3A_30, %div3A_32 : vector<1x128xf32>
    %sub3A_34 = vector.broadcast %div3A_26 : vector<1x128xf32> to vector<10000x128xf32>
    %sub3A_35 = arith.subf %max3A_23, %sub3A_34 : vector<10000x128xf32>
    %get3A_36 = arith.constant 0 : index
    %get3A_37 = arith.constant 0 : index
    %get3A_38 = vector.load %arg5[%get3A_36, %get3A_37] : memref<1x128xf32, #tpu.memory_space<vmem>>, vector<1x128xf32>
    %add3A_39 = arith.constant 9.99999974E-6 : f32
    %add3A_40 = vector.broadcast %add3A_39 : f32 to vector<1x128xf32>
    %add3A_41 = arith.addf %div3A_33, %add3A_40 : vector<1x128xf32>
    %rsqrt3A = math.rsqrt %add3A_41 : vector<1x128xf32>
    %mul3A_42 = arith.mulf %get3A_38, %rsqrt3A : vector<1x128xf32>
    %mul3A_43 = vector.broadcast %mul3A_42 : vector<1x128xf32> to vector<10000x128xf32>
    %mul3A_44 = arith.mulf %sub3A_35, %mul3A_43 : vector<10000x128xf32>
    %get3A_45 = arith.constant 0 : index
    %get3A_46 = arith.constant 0 : index
    %get3A_47 = vector.load %arg6[%get3A_45, %get3A_46] : memref<1x128xf32, #tpu.memory_space<vmem>>, vector<1x128xf32>
    %add3A_48 = vector.broadcast %get3A_47 : vector<1x128xf32> to vector<10000x128xf32>
    %add3A_49 = arith.addf %mul3A_44, %add3A_48 : vector<10000x128xf32>
    %get3A_50 = arith.constant 0 : index
    %get3A_51 = arith.constant 0 : index
    %get3A_52 = vector.load %arg2[%get3A_50, %get3A_51] : memref<10000x128xf32, #tpu.memory_space<vmem>>, vector<10000x128xf32>
    %add3A_53 = arith.addf %add3A_49, %get3A_52 : vector<10000x128xf32>
    %swap3A = arith.constant 0 : index
    %swap3A_54 = arith.constant 0 : index
    %swap3A_55 = vector.load %arg8[%swap3A, %swap3A_54] : memref<10000x128xf32, #tpu.memory_space<vmem>>, vector<10000x128xf32>
    tpu.vector_store %arg8[%swap3A, %swap3A_54], %add3A_53 {strides = array<i32>} : memref<10000x128xf32, #tpu.memory_space<vmem>>, vector<10000x128xf32>,
    %get3A_56 = arith.constant 0 : index
    %get3A_57 = arith.constant 0 : index
    %get3A_58 = vector.load %arg3[%get3A_56, %get3A_57] : memref<10000x1xf32, #tpu.memory_space<vmem>>, vector<10000x1xf32>
    %mul3A_59 = vector.broadcast %get3A_58 : vector<10000x1xf32> to vector<10000x128xf32>
    %mul3A_60 = arith.mulf %add3A_53, %mul3A_59 : vector<10000x128xf32>
    %get3A_61 = arith.constant 0 : index
    %get3A_62 = arith.constant 0 : index
    %get3A_63 = vector.load %arg7[%get3A_61, %get3A_62] : memref<128x128xf32, #tpu.memory_space<vmem>>, vector<128x128xf32>
    %dot_general3A = arith.constant dense<0.000000e+00> : vector<10000x128xf32>
    %dot_general3A_64 = tpu.matmul %mul3A_60, %get3A_63, %dot_general3A {dimension_numbers = #tpu.dot_dimension_numbers<[1], [0], [0], [1], [0, 0, 1, 1], [], []>, transpose_lhs_hint = false} : vector<10000x128xf32>, vector<128x128xf32>, vector<10000x128xf32> -> vector<10000x128xf32>
    %swap3A_65 = arith.constant 0 : index
    %swap3A_66 = arith.constant 0 : index
    %swap3A_67 = vector.load %arg9[%swap3A_65, %swap3A_66] : memref<10000x128xf32, #tpu.memory_space<vmem>>, vector<10000x128xf32>
    tpu.vector_store %arg9[%swap3A_65, %swap3A_66], %dot_general3A_64 {strides = array<i32>} : memref<10000x128xf32, #tpu.memory_space<vmem>>, vector<10000x128xf32>,
    return
  }
}

module attributes {stable_mosaic.version = 14 : i64} {
  func.func @body(%arg0: memref<2x10112x128xf32, #tpu.memory_space<vmem>>, %arg1: memref<10000x128xf32, #tpu.memory_space<vmem>>, %arg2: memref<10000x128xf32, #tpu.memory_space<vmem>>, %arg3: memref<10000x1xf32, #tpu.memory_space<vmem>>, %arg4: memref<1x128xf32, #tpu.memory_space<vmem>>, %arg5: memref<1x128xf32, #tpu.memory_space<vmem>>, %arg6: memref<1x128xf32, #tpu.memory_space<vmem>>, %arg7: memref<1x10000xi32, #tpu.memory_space<vmem>>, %arg8: memref<128x128xf32, #tpu.memory_space<vmem>>, %arg9: memref<1x128xf32, #tpu.memory_space<vmem>>, %arg10: memref<128x128xf32, #tpu.memory_space<vmem>>, %arg11: memref<1x128xf32, #tpu.memory_space<vmem>>, %arg12: memref<64x128xf32, #tpu.memory_space<vmem>>) attributes {dimension_semantics = [], scalar_prefetch = 0 : i64, scratch_operands = 0 : i64, tpu.core_type = #tpu.core_type<tc>} {
    %get3A = arith.constant 0 : index
    %get3A_0 = arith.constant 0 : index
    %get3A_1 = vector.load %arg1[%get3A, %get3A_0] : memref<10000x128xf32, #tpu.memory_space<vmem>>, vector<10000x128xf32>
    %get3A_2 = arith.constant 0 : index
    %get3A_3 = arith.constant 0 : index
    %get3A_4 = vector.load %arg3[%get3A_2, %get3A_3] : memref<10000x1xf32, #tpu.memory_space<vmem>>, vector<10000x1xf32>
    %get3A_5 = arith.constant 0 : index
    %get3A_6 = arith.constant 0 : index
    %get3A_7 = arith.constant 0 : index
    %get3A_8 = vector.load %arg0[%get3A_5, %get3A_6, %get3A_7] : memref<2x10112x128xf32, #tpu.memory_space<vmem>>, vector<1x10000x128xf32>
    %get3A_9 = vector.shape_cast %get3A_8 : vector<1x10000x128xf32> to vector<10000x128xf32>
    %get3A_10 = arith.constant 1 : index
    %get3A_11 = arith.constant 0 : index
    %get3A_12 = arith.constant 0 : index
    %get3A_13 = vector.load %arg0[%get3A_10, %get3A_11, %get3A_12] : memref<2x10112x128xf32, #tpu.memory_space<vmem>>, vector<1x10000x128xf32>
    %get3A_14 = vector.shape_cast %get3A_13 : vector<1x10000x128xf32> to vector<10000x128xf32>
    %add3A = arith.addf %get3A_9, %get3A_14 : vector<10000x128xf32>
    %add3A_15 = arith.addf %add3A, %get3A_1 : vector<10000x128xf32>
    %mul3A = vector.broadcast %get3A_4 : vector<10000x1xf32> to vector<10000x128xf32>
    %mul3A_16 = arith.mulf %add3A_15, %mul3A : vector<10000x128xf32>
    %get3A_17 = arith.constant 0 : index
    %get3A_18 = arith.constant 0 : index
    %get3A_19 = vector.load %arg4[%get3A_17, %get3A_18] : memref<1x128xf32, #tpu.memory_space<vmem>>, vector<1x128xf32>
    %add3A_20 = vector.broadcast %get3A_19 : vector<1x128xf32> to vector<10000x128xf32>
    %add3A_21 = arith.addf %mul3A_16, %add3A_20 : vector<10000x128xf32>
    %max3A = arith.constant 0.000000e+00 : f32
    %max3A_22 = vector.broadcast %max3A : f32 to vector<10000x128xf32>
    %max3A_23 = arith.maximumf %add3A_21, %max3A_22 : vector<10000x128xf32>
    %reduce_sum3A = arith.constant dense<0.000000e+00> : vector<128xf32>
    %reduce_sum3A_24 = vector.multi_reduction <add>, %max3A_23, %reduce_sum3A [0] : vector<10000x128xf32> to vector<128xf32>
    %broadcast_in_dim3A = vector.shape_cast %reduce_sum3A_24 : vector<128xf32> to vector<1x128xf32>
    %div3A = arith.constant 1.000000e+04 : f32
    %div3A_25 = vector.broadcast %div3A : f32 to vector<1x128xf32>
    %div3A_26 = arith.divf %broadcast_in_dim3A, %div3A_25 : vector<1x128xf32>
    %sub3A = vector.broadcast %div3A_26 : vector<1x128xf32> to vector<10000x128xf32>
    %sub3A_27 = arith.subf %max3A_23, %sub3A : vector<10000x128xf32>
    %integer_pow3A = arith.mulf %sub3A_27, %sub3A_27 : vector<10000x128xf32>
    %reduce_sum3A_28 = arith.constant dense<0.000000e+00> : vector<128xf32>
    %reduce_sum3A_29 = vector.multi_reduction <add>, %integer_pow3A, %reduce_sum3A_28 [0] : vector<10000x128xf32> to vector<128xf32>
    %broadcast_in_dim3A_30 = vector.shape_cast %reduce_sum3A_29 : vector<128xf32> to vector<1x128xf32>
    %div3A_31 = arith.constant 1.000000e+04 : f32
    %div3A_32 = vector.broadcast %div3A_31 : f32 to vector<1x128xf32>
    %div3A_33 = arith.divf %broadcast_in_dim3A_30, %div3A_32 : vector<1x128xf32>
    %sub3A_34 = vector.broadcast %div3A_26 : vector<1x128xf32> to vector<10000x128xf32>
    %sub3A_35 = arith.subf %max3A_23, %sub3A_34 : vector<10000x128xf32>
    %get3A_36 = arith.constant 0 : index
    %get3A_37 = arith.constant 0 : index
    %get3A_38 = vector.load %arg5[%get3A_36, %get3A_37] : memref<1x128xf32, #tpu.memory_space<vmem>>, vector<1x128xf32>
    %add3A_39 = arith.constant 9.99999974E-6 : f32
    %add3A_40 = vector.broadcast %add3A_39 : f32 to vector<1x128xf32>
    %add3A_41 = arith.addf %div3A_33, %add3A_40 : vector<1x128xf32>
    %rsqrt3A = math.rsqrt %add3A_41 : vector<1x128xf32>
    %mul3A_42 = arith.mulf %get3A_38, %rsqrt3A : vector<1x128xf32>
    %mul3A_43 = vector.broadcast %mul3A_42 : vector<1x128xf32> to vector<10000x128xf32>
    %mul3A_44 = arith.mulf %sub3A_35, %mul3A_43 : vector<10000x128xf32>
    %get3A_45 = arith.constant 0 : index
    %get3A_46 = arith.constant 0 : index
    %get3A_47 = vector.load %arg6[%get3A_45, %get3A_46] : memref<1x128xf32, #tpu.memory_space<vmem>>, vector<1x128xf32>
    %add3A_48 = vector.broadcast %get3A_47 : vector<1x128xf32> to vector<10000x128xf32>
    %add3A_49 = arith.addf %mul3A_44, %add3A_48 : vector<10000x128xf32>
    %get3A_50 = arith.constant 0 : index
    %get3A_51 = arith.constant 0 : index
    %get3A_52 = vector.load %arg2[%get3A_50, %get3A_51] : memref<10000x128xf32, #tpu.memory_space<vmem>>, vector<10000x128xf32>
    %add3A_53 = arith.addf %add3A_49, %get3A_52 : vector<10000x128xf32>
    %iota3A = tpu.iota {dimensions = array<i32: 0>} : vector<64x10000xi32>
    %get3A_54 = arith.constant 0 : index
    %get3A_55 = arith.constant 0 : index
    %get3A_56 = vector.load %arg7[%get3A_54, %get3A_55] : memref<1x10000xi32, #tpu.memory_space<vmem>>, vector<1x10000xi32>
    %eq3A = vector.broadcast %get3A_56 : vector<1x10000xi32> to vector<64x10000xi32>
    %eq3A_57 = arith.cmpi eq, %eq3A, %iota3A : vector<64x10000xi32>
    %convert_element_type3A = arith.extui %eq3A_57 : vector<64x10000xi1> to vector<64x10000xi32>
    %convert_element_type3A_58 = arith.sitofp %convert_element_type3A : vector<64x10000xi32> to vector<64x10000xf32>
    %dot_general3A = arith.constant dense<0.000000e+00> : vector<64x128xf32>
    %dot_general3A_59 = tpu.matmul %convert_element_type3A_58, %add3A_53, %dot_general3A {dimension_numbers = #tpu.dot_dimension_numbers<[1], [0], [0], [1], [0, 0, 1, 1], [], []>, transpose_lhs_hint = false} : vector<64x10000xf32>, vector<10000x128xf32>, vector<64x128xf32> -> vector<64x128xf32>
    %reduce_sum3A_60 = arith.constant dense<0.000000e+00> : vector<64xf32>
    %reduce_sum3A_61 = vector.multi_reduction <add>, %convert_element_type3A_58, %reduce_sum3A_60 [1] : vector<64x10000xf32> to vector<64xf32>
    %broadcast_in_dim3A_62 = vector.shape_cast %reduce_sum3A_61 : vector<64xf32> to vector<64x1xf32>
    %max3A_63 = arith.constant 1.000000e+00 : f32
    %max3A_64 = vector.broadcast %max3A_63 : f32 to vector<64x1xf32>
    %max3A_65 = arith.maximumf %broadcast_in_dim3A_62, %max3A_64 : vector<64x1xf32>
    %div3A_66 = vector.broadcast %max3A_65 : vector<64x1xf32> to vector<64x128xf32>
    %div3A_67 = arith.divf %dot_general3A_59, %div3A_66 : vector<64x128xf32>
    %get3A_68 = arith.constant 0 : index
    %get3A_69 = arith.constant 0 : index
    %get3A_70 = vector.load %arg8[%get3A_68, %get3A_69] : memref<128x128xf32, #tpu.memory_space<vmem>>, vector<128x128xf32>
    %dot_general3A_71 = arith.constant dense<0.000000e+00> : vector<64x128xf32>
    %dot_general3A_72 = tpu.matmul %div3A_67, %get3A_70, %dot_general3A_71 {dimension_numbers = #tpu.dot_dimension_numbers<[1], [0], [0], [1], [0, 0, 1, 1], [], []>, transpose_lhs_hint = false} : vector<64x128xf32>, vector<128x128xf32>, vector<64x128xf32> -> vector<64x128xf32>
    %get3A_73 = arith.constant 0 : index
    %get3A_74 = arith.constant 0 : index
    %get3A_75 = vector.load %arg9[%get3A_73, %get3A_74] : memref<1x128xf32, #tpu.memory_space<vmem>>, vector<1x128xf32>
    %add3A_76 = vector.broadcast %get3A_75 : vector<1x128xf32> to vector<64x128xf32>
    %add3A_77 = arith.addf %dot_general3A_72, %add3A_76 : vector<64x128xf32>
    %max3A_78 = arith.constant 0.000000e+00 : f32
    %max3A_79 = vector.broadcast %max3A_78 : f32 to vector<64x128xf32>
    %max3A_80 = arith.maximumf %add3A_77, %max3A_79 : vector<64x128xf32>
    %get3A_81 = arith.constant 0 : index
    %get3A_82 = arith.constant 0 : index
    %get3A_83 = vector.load %arg10[%get3A_81, %get3A_82] : memref<128x128xf32, #tpu.memory_space<vmem>>, vector<128x128xf32>
    %dot_general3A_84 = arith.constant dense<0.000000e+00> : vector<64x128xf32>
    %dot_general3A_85 = tpu.matmul %max3A_80, %get3A_83, %dot_general3A_84 {dimension_numbers = #tpu.dot_dimension_numbers<[1], [0], [0], [1], [0, 0, 1, 1], [], []>, transpose_lhs_hint = false} : vector<64x128xf32>, vector<128x128xf32>, vector<64x128xf32> -> vector<64x128xf32>
    %get3A_86 = arith.constant 0 : index
    %get3A_87 = arith.constant 0 : index
    %get3A_88 = vector.load %arg11[%get3A_86, %get3A_87] : memref<1x128xf32, #tpu.memory_space<vmem>>, vector<1x128xf32>
    %add3A_89 = vector.broadcast %get3A_88 : vector<1x128xf32> to vector<64x128xf32>
    %add3A_90 = arith.addf %dot_general3A_85, %add3A_89 : vector<64x128xf32>
    %swap3A = arith.constant 0 : index
    %swap3A_91 = arith.constant 0 : index
    %swap3A_92 = vector.load %arg12[%swap3A, %swap3A_91] : memref<64x128xf32, #tpu.memory_space<vmem>>, vector<64x128xf32>
    tpu.vector_store %arg12[%swap3A, %swap3A_91], %add3A_90 {strides = array<i32>} : memref<64x128xf32, #tpu.memory_space<vmem>>, vector<64x128xf32>,
    return
  }
}

</mosaic_0001>

<sc_bundles>
// kernel: kernel.18.cloned.1.call-start
scs
__scs_entry_jumppad:
0x0: {  	(pc) =	sbr.rel $0x88, $3  }
0x1: {  	(tag) =	ssettag $0x0;
	lr =	simm.s32 $0x1  }
0x2: {  	[smem:$0x3F96] =	sst lr;
	_ =	strace $0xD0000000  }
0x3: {  	_ = 	snop  }
0x4: {  	_ = 	snop  }
0x5: {  	_ = 	snop  }
0x6: {  	_ = 	snop  }
0x7: {  	_ = 	snop  }
__scs_overlays_trampoline_lowered:
0x8: {  	[smem:$0x3FA5] =	sst s0  }
0x9: {  	[smem:$0x3FA6] =	sst s1  }
0xa: {  	[smem:$0x3FA7] =	sst s2  }
0xb: {  	[smem:$0x3FA8] =	sst s3  }
0xc: {  	[smem:$0x3FA9] =	sst s4  }
0xd: {  	[smem:$0x3FAA] =	sst s5  }
0xe: {  	[smem:$0x3FAB] =	sst s6  }
0xf: {  	[smem:$0x3FAC] =	sst s7  }
0x10: {  	[smem:$0x3FAD] =	sst s8  }
0x11: {  	[smem:$0x3FAE] =	sst s9;
	s0 =	simm.s32 @!p0 $0x0  }
0x12: {  	s1 =	sld [smem:$0x3F94];
	s0 =	simm.s32 @p0 $0x1  }
0x13: {  	[smem:$0x3FAF] =	sst s0;
	s0 =	simm.s32 @!p1 $0x0  }
0x14: {  	s2 =	sld [smem:$0x3F93];
	s0 =	simm.s32 @p1 $0x1  }
0x15: {  	[smem:$0x3FB0] =	sst s0;
	s0 =	simm.s32 @!p2 $0x0  }
0x16: {  	s3 =	sld [smem:$0x3FDB];
	s0 =	simm.s32 @p2 $0x1  }
0x17: {  	s4 =	simm.s32 $0x1BF5;
	[smem:$0x3FB2] =	sst s0  }
0x18: {  	s0 =	sld [smem:$0x3F95];
	_ =	swait.ge [sflag:s4], $0x0  }
0x19: {  	s7 =	sld [smem:$0x3F96]  }
0x1a: {  	s8 =	sadd.s32 $0xFFFFE003, lr  }
0x1b: {  	s9 =	sadd.s32 $0xFFFFFEF7, lr;
	s5 =	simm.s32 $0xFFFFFFFF;
	p2 =	slt.u32 s8, $0xFFFFF086  }
0x1c: {  	p1 =	slt.u32 s9, $0xF7A;
	s5 =	simm.s32 @!p2 $0x0  }
0x1d: {  	s5 =	simm.s32 @p1 $0x1;
	p0 =	seq.s32 s7, s2  }
0x1e: {  	s7 =	smul.u32 @!p0 $0xF7A, s2;
	p2 =	seq.s32 @!p0 s5, $0x0  }
0x1f: {  	s9 =	smul.u32 $0xF7A, s1;
	s8 =	simm.s32 @!p0 $0x1BF5;
	p2 =	por !p2, p0  }
0x20: {  	[sflag:s8] =	ssyncset.s32 @!p0 $0xFFFFF086;
	s6 =	sadd.s32 @!p0 s3, s7;
	s7 =	simm.s32 @!p0 $0x108  }
0x21: {  	s3 =	sadd.s32 s3, s9;
	s6 =	sadd.s32 @!p0 $0x88, s6;
	s7 =	simm.s32 @p2 $0x1082  }
0x22: {  	[simem:s7], [sflag:s8] =	dma.local @!p0 [hbm:s6], $0xF7A  }
0x23: {  	s9 =	sor.u32 $0xD0000000, s2;
	s6 =	simm.s32 $0x108;
	_ =	swait.ge @!p0 [sflag:s8], $0x0  }
0x24: {  	s3 =	sadd.s32 $0x88, s3;
	s6 =	simm.s32 @!p1 $0x1082;
	[sflag:s4] =	ssyncset.s32 $0xFFFFF086  }
0x25: {  	[simem:s6], [sflag:s4] =	dma.local [hbm:s3], $0xF7A  }
0x26: {  	[smem:$0x3F96] =	sst s1;
	(tag) =	ssettag s2;
	_ =	strace s9  }
0x27: {  	s1 =	sld [smem:$0x3FA6]  }
0x28: {  	s2 =	sld [smem:$0x3FA7]  }
0x29: {  	s4 =	sld [smem:$0x3FA9]  }
0x2a: {  	p0 =	seq.s32 s5, $0x0;
	s5 =	sld [smem:$0x3FAA]  }
0x2b: {  	s6 =	sld [smem:$0x3FAB]  }
0x2c: {  	s7 =	sld [smem:$0x3FAC]  }
0x2d: {  	s3 =	simm.s32 $0x108;
	s8 =	sld [smem:$0x3FAD]  }
0x2e: {  	s3 =	simm.s32 @!p0 $0x1082;
	s9 =	sld [smem:$0x3FAE]  }
0x2f: {  	lr =	sadd.s32 s0, s3;
	s0 =	sld [smem:$0x3FA5]  }
0x30: {  	s3 =	sld [smem:$0x3FA8]  }
0x31: {  	[smem:$0x3FB1] =	sst s10  }
0x32: {  	s10 =	sld [smem:$0x3FAF];
	_ =	sdelay $0x3  }
0x33: {  	p0 =	seq.s32 s10, $0x1;
	s10 =	sld [smem:$0x3FB1];
	_ =	sdelay $0x3  }
0x34: {  	[smem:$0x3FB1] =	sst s10  }
0x35: {  	s10 =	sld [smem:$0x3FB0];
	_ =	sdelay $0x3  }
0x36: {  	p1 =	seq.s32 s10, $0x1;
	s10 =	sld [smem:$0x3FB1];
	_ =	sdelay $0x3  }
0x37: {  	[smem:$0x3FB1] =	sst s10  }
0x38: {  	s10 =	sld [smem:$0x3FB2]  }
0x39: {  	_ = 	snop;
	(pc) =	sbr.ind lr, $3  }
0x3a: {  	_ = 	snop  }
0x3b: {  	_ = 	snop  }
0x3c: {  	p2 =	seq.s32 s10, $0x1;
	s10 =	sld [smem:$0x3FB1]  }
0x3d: {  	_ =	shalt  }
0x3e: {  	_ =	shalt  }
0x3f: {  	_ =	shalt  }
0x40: {  	_ =	shalt  }
0x41: {  	_ =	shalt  }
0x42: {  	_ =	shalt  }
0x43: {  	_ =	shalt  }
0x44: {  	_ =	shalt  }
0x45: {  	_ =	shalt  }
0x46: {  	_ =	shalt  }
0x47: {  	_ =	shalt  }
0x48: {  	_ =	shalt  }
0x49: {  	_ =	shalt  }
0x4a: {  	_ =	shalt  }
0x4b: {  	_ =	shalt  }
0x4c: {  	_ =	shalt  }
0x4d: {  	_ =	shalt  }
0x4e: {  	_ =	shalt  }
0x4f: {  	_ =	shalt  }
0x50: {  	_ =	shalt  }
0x51: {  	_ =	shalt  }
0x52: {  	_ =	shalt  }
0x53: {  	_ =	shalt  }
0x54: {  	_ =	shalt  }
0x55: {  	_ =	shalt  }
0x56: {  	_ =	shalt  }
0x57: {  	_ =	shalt  }
0x58: {  	_ =	shalt  }
0x59: {  	_ =	shalt  }
0x5a: {  	_ =	shalt  }
0x5b: {  	_ =	shalt  }
0x5c: {  	_ =	shalt  }
0x5d: {  	_ =	shalt  }
0x5e: {  	_ =	shalt  }
0x5f: {  	_ =	shalt  }
0x60: {  	_ =	shalt  }
0x61: {  	_ =	shalt  }
0x62: {  	_ =	shalt  }
0x63: {  	_ =	shalt  }
0x64: {  	_ =	shalt  }
0x65: {  	_ =	shalt  }
0x66: {  	_ =	shalt  }
0x67: {  	_ =	shalt  }
0x68: {  	_ =	shalt  }
0x69: {  	_ =	shalt  }
0x6a: {  	_ =	shalt  }
0x6b: {  	_ =	shalt  }
0x6c: {  	_ =	shalt  }
0x6d: {  	_ =	shalt  }
0x6e: {  	_ =	shalt  }
0x6f: {  	_ =	shalt  }
0x70: {  	_ =	shalt  }
0x71: {  	_ =	shalt  }
0x72: {  	_ =	shalt  }
0x73: {  	_ =	shalt  }
0x74: {  	_ =	shalt  }
0x75: {  	_ =	shalt  }
0x76: {  	_ =	shalt  }
0x77: {  	_ =	shalt  }
0x78: {  	_ =	shalt  }
0x79: {  	_ =	shalt  }
0x7a: {  	_ =	shalt  }
0x7b: {  	_ =	shalt  }
0x7c: {  	_ =	shalt  }
0x7d: {  	_ =	shalt  }
0x7e: {  	_ =	shalt  }
0x7f: {  	_ =	shalt  }
0x80: {  	_ =	shalt  }
0x81: {  	_ =	shalt  }
0x82: {  	_ =	shalt  }
0x83: {  	_ =	shalt  }
0x84: {  	_ =	shalt  }
0x85: {  	_ =	shalt  }
0x86: {  	_ =	shalt  }
0x87: {  	_ =	shalt  }
.Lfunc_end0:
.L_simem_size_0:
called_computation_lowered:
.L_overlay_start_0:
0x88: {  	s2 =	sld [smem:$0x3FD9]  }
0x89: {  	s3 =	sld [smem:$0x3FFE];
	_ =	sdelay $0x1  }
0x8a: {  	s1 =	srdreg.scid  }
0x8b: {  	s0 =	sand.u32 $0x1, s1  }
0x8c: {  	s16 =	sshll.u32 s0, $0xA;
	s2 =	sadd.s32 s3, s2  }
0x8d: {  	s2 =	sadd.s32 s2, s16  }
0x8e: {  	[smem:$0x3FBD] =	sst s2  }
0x8f: {  	_ = 	snop  }
0x90: {  	(tm) =	ssettm $0x1  }
0x91: {  	s17 =	sld [smem:$0x3FFB];
	_ =	sdelay $0x3  }
0x92: {  	_ =	strace s17  }
0x93: {  	s2 =	sld [smem:$0x3FFC];
	_ =	sdelay $0x3  }
0x94: {  	_ =	strace s2  }
0x95: {  	s2 =	sld [smem:$0x3FFD];
	_ =	sdelay $0x3  }
0x96: {  	_ =	strace s2  }
0x97: {  	_ =	strace $0x8FFFFFFF  }
0x98: {  	s18 =	sld [smem:$0x3FDB];
	_ =	sdelay $0x1  }
0x99: {  	s19 =	simm.s32 $_scs_section_size  }
0x9a: {  	s4 =	simm.s32 $_size__tile_overlayer_lowered;
	s5 =	simm.s32 $_tile_overlayer_lowered  }
0x9b: {  	s22 =	simm.s32 $0x1BFF;
	s21 =	sshll.u32 s5, $0x1;
	s2 =	sadd.s32 s19, s18  }
0x9c: {  	s6 =	simm.s32 $0x0;
	s20 =	sshll.u32 s4, $0x1;
	s4 =	sadd.s32 s21, s2  }
0x9d: {  	[timem:s6], [sflag:s22] =	dma.local [hbm:s4], s20  }
0x9e: {  	_ =	swait.ge [sflag:s22], s20  }
0x9f: {  	s3 =	ssub.s32 $0x0, s20;
	[sflag:s22] =	ssyncset.done $0x0  }
0xa0: {  	[sflag:s22] =	ssyncadd.s32 s3;
	_ =	sdelay $0x1  }
0xa1: {  	s23 =	simm.s32 $0x1B8B  }
0xa2: {  	_ =	swait.ge [sflag:s23], $0x1  }
0xa3: {  	[sflag:s23] =	ssyncset.done $0x0  }
0xa4: {  	s25 =	simm.s32 $0x1B8E;
	s24 =	sld [smem:$0x3FFE];
	[sflag:s23] =	ssyncadd.s32 $0xFFFFFFFF  }
0xa5: {  	s26 =	simm.s32 $execute0_lowered;
	[smem:$0x3FD2] =	sst s25  }
0xa6: {  	s4 =	sshll.u32 s26, $0x1;
	_ =	strace $0x80000046;
	[dreg:$0x1] =	wrdreg $0xFFFFFFFF  }
0xa7: {  	s28 =	simm.s32 $_size_execute0_lowered;
	s2 =	sadd.s32 s2, s4;
	[dreg:$0x0] =	wrdreg $0x0  }
0xa8: {  	s4 =	sshll.u32 s28, $0x1;
	[dreg:$0x2] =	wrdreg s2  }
0xa9: {  	[dreg:$0x3] =	wrdreg s4  }
0xaa: {  	[dreg:$0x4] =	wrdreg $0xC0  }
0xab: {  	_ =	task [dreg:s6], $0x5FFFF  }
0xac: {  	[dreg:$0x1] =	wrdreg $0xFFFFFFFF  }
0xad: {  	[dreg:$0x0] =	wrdreg $0x60  }
0xae: {  	[dreg:$0x2] =	wrdreg s24  }
0xaf: {  	[dreg:$0x3] =	wrdreg $0x41000  }
0xb0: {  	[dreg:$0x4] =	wrdreg $0x9  }
0xb1: {  	_ =	task.clear_ibuf [dreg:s6], $0x5FFFF;
	_ =	strace $0x90000046  }
0xb2: {  	s29 =	simm.s32 $0x9;
	_ =	strace $0x80000048  }
0xb3: {  	_ =	swait.ge [sflag:s29], $0x1  }
0xb4: {  	[sflag:s29] =	ssyncadd.s32 $0xFFFFFFFF  }
0xb5: {  	_ =	strace $0x90000048  }
0xb6: {  	_ =	sfence  }
0xb7: {  	s30 =	sld [smem:$0x0];
	_ =	sdelay $0x2  }
0xb8: {  	s31 =	sshll.u32 s1, $0xD;
	s1 =	sshrl.u32 s1, $0x2  }
0xb9: {  	s3 =	sand.u32 $0x4000, s31;
	s1 =	sadd.s32 s1, s30  }
0xba: {  	s0 =	sor.u32 s3, s0;
	s1 =	sshll.u32 s1, $0x11  }
0xbb: {  	s0 =	sor.u32 s1, s0  }
0xbc: {  	s0 =	sadd.s32 $0x8F2B, s0  }
0xbd: {  	[sflag:s0] =	ssyncadd.remote.s32 $0x1  }
0xbe: {  	_ =	sfence.sel $0xFFFF  }
0xbf: {  	[dreg:$0x0] =	wrdreg $0xFFFFFFFF;
	(pc) =	sbr.abs _section_cstart, $3  }
0xc0: {  	[dreg:$0x1] =	wrdreg $0xFFFFFFFF  }
0xc1: {  	_ =	task.clear_ibuf [dreg:s6], $0x2FFFF;
	_ =	strace $0x9FFFFFFF  }
0xc2: {  	(tm) =	ssettm $0x7FFFFFFF  }
0xc3: {  	_ =	shalt  }
tec
execute0_lowered:
.L_overlay_start_1:
0x0: {  	(tag) =	ssettag $0x1  }
0x1: {  	s5 =	rddreg [dreg:$0x0]  }
0x2: {  	s2 =	rddreg [dreg:$0x1]  }
0x3: {  	s0 =	rddreg [dreg:$0x2];
	s3 =	simm.s32 $0x0;
	s1 =	stileid.u32  }
0x4: {  	s4 =	srdreg.scid;
	s17 =	simm.s32 $0x100;
	s18 =	simm.s32 $0x80  }
0x5: {  	s19 =	simm.s32 $0x1;
	s20 =	simm.s32 $0x2;
	s21 =	simm.s32 $0x0  }
0x6: {  	[smem:$0x7FF] =	sst s3;
	s6 =	smul.u32 $0x13C00, s1;
	s7 =	sand.u32 $0x1, s4  }
0x7: {  	s14 =	sadd.s32 $0x7000, s5;
	s4 =	sadd.s32 $0x38800, s5;
	s11 =	smul.u32 $0x4F000, s1  }
0x8: {  	s24 =	sshll.u32 s1, $0x1;
	s28 =	smul.u32 $0x5000, s1;
	s29 =	sshll.u32 s1, $0x6  }
0x9: {  	_ =	strace $0x80000047;
	s8 =	smul.u32 $0x13C000, s7;
	s10 =	ssub.s32 $0x2, s7  }
0xa: {  	s30 =	smul.u32 $0x2800, s7;
	s9 =	sshrl.u32 s6, $0x3;
	s12 =	sshrl.u32 s10, $0x1  }
0xb: {  	s25 =	sshrl.u32 s11, $0x2;
	s9 =	sadd.s32 s9, s5;
	s6 =	sadd.s32 s6, s8  }
0xc: {  	s8 =	sor.u32 s7, s24;
	s10 =	ssub.s32 s10, s12;
	s15 =	sadd.s32 s25, s2  }
0xd: {  	s7 =	sor.u32 $0x1C03, s29;
	s12 =	sadd.s32 s30, s28;
	s6 =	sshrl.u32 s6, $0x3  }
0xe: {  	s8 =	smul.u32 $0x2800, s8;
	s10 =	smax.u32 s10, $0x1;
	s31 =	sor.u32 $0x100, s12  }
0xf: {  	s16 =	sor.u32 $0x180, s12;
	s15 =	sshrl.u32 s15, $0x3;
	s13 =	sadd.s32 s6, s5  }
0x10: {  	s6 =	sadd.s32 $0x11000, s9;
	s16 =	sshrl.u32 s16, $0x3;
	s26 =	sshrl.u32 s8, $0x3  }
0x11: {  	s9 =	sadd.s32 $0x39000, s13;
	s13 =	sshrl.u32 s31, $0x3;
	s5 =	sadd.s32 s14, s26  }
0x12: {  	s13 =	sadd.s32 s13, s14;
	s14 =	sadd.s32 s16, s14;
	s16 =	simm.s32 $0x3  }
0x13: {  	s8 =	sadd.s32 $0x10, s5;
	s11 =	sadd.s32 $0x4F0, s5;
	s12 =	sadd.s32 $0x4E0, s5  }
.LBB2_1:
0x14: {  	[spmem:s15], [sflag:s7] =	dma.local [hbm:s6], $0x2780  }
0x15: {  	_ =	swait.ge [sflag:s16], $0x2780  }
0x16: {  	[sflag:s16] =	ssyncset.done $0x0  }
0x17: {  	[sflag:s16] =	ssyncadd.s32 $0xFFFFD880  }
0x18: {  	[tilespmem:s17], [sflag:$0x3] =	stream.linear.gather [hbm4b:s4+s3], $0x4000, $0x38;
	[tilespmem:$0x17D00] =	vst v63  }
0x19: {  	_ =	swait.ge [sflag:s16], $0x4000  }
0x1a: {  	[sflag:s16] =	ssyncset.done $0x0  }
0x1b: {  	[sflag:s16] =	ssyncadd.s32 $0xFFFFC000  }
0x1c: {  	[tilespmem:s3], [sflag:$0x1] =	stream.linear.gather [hbm4b:s5+s3], $0x80, $0x38;
	[tilespmem:$0x17D00] =	vst v63  }
0x1d: {  	_ = 	snop  }
0x1e: {  	[tilespmem:s18], [sflag:$0x2] =	stream.linear.gather [hbm4b:s8+s3], $0x80, $0x38;
	[tilespmem:$0x17D00] =	vst v63  }
0x1f: {  	[bflag:$0x0] =	sbarrier.arrive $0xFFFF  }
0x20: {  	_ =	swait.ge [sflag:s19], $0x80  }
0x21: {  	[sflag:s19] =	ssyncset.done $0x0  }
0x22: {  	[sflag:s19] =	ssyncadd.s32 $0xFFFFFF80  }
0x23: {  	[spmem:s2] =	stream.indirect.scatter.add.f32 [tilespmem:s17], [sflag:$0x3], $0x80, s3, s18, $0xb8;
	[tilespmem:$0x17D00] =	vst v63  }
0x24: {  	_ =	swait.ge [sflag:s16], $0x4000  }
0x25: {  	[sflag:s16] =	ssyncset.done $0x0  }
0x26: {  	s22 =	sadd.s32 $0x0, s13;
	[sflag:s16] =	ssyncadd.s32 $0xFFFFC000  }
0x27: {  	[tilespmem:s3], [sflag:$0x1] =	stream.linear.gather [hbm4b:s22+s3], $0x80, $0x38;
	[tilespmem:$0x17D00] =	vst v63  }
0x28: {  	_ =	swait.ge [sflag:s20], $0x80  }
0x29: {  	[sflag:s20] =	ssyncset.done $0x0  }
0x2a: {  	[sflag:s20] =	ssyncadd.s32 $0xFFFFFF80  }
0x2b: {  	[spmem:s2] =	stream.indirect.scatter.add.f32 [tilespmem:s17], [sflag:$0x3], $0x80, s18, s18, $0xb8;
	[tilespmem:$0x17D00] =	vst v63  }
0x2c: {  	_ =	swait.ge [sflag:s16], $0x4000  }
0x2d: {  	[sflag:s16] =	ssyncset.done $0x0  }
0x2e: {  	s23 =	sadd.s32 $0x0, s14;
	s22 =	simm.s32 $0x20;
	[sflag:s16] =	ssyncadd.s32 $0xFFFFC000  }
.LBB2_2:
0x2f: {  	[tilespmem:s18], [sflag:$0x2] =	stream.linear.gather [hbm4b:s23+s3], $0x80, $0x38;
	[tilespmem:$0x17D00] =	vst v63  }
0x30: {  	s23 =	smov.u32 s22  }
0x31: {  	p0 =	sne.s32 s22, $0x4A0;
	s22 =	sadd.s32 $0x20, s22;
	_ =	swait.ge [sflag:s19], $0x80  }
0x32: {  	[sflag:s19] =	ssyncset.done $0x0  }
0x33: {  	[sflag:s19] =	ssyncadd.s32 $0xFFFFFF80  }
0x34: {  	[spmem:s2] =	stream.indirect.scatter.add.f32 [tilespmem:s17], [sflag:$0x3], $0x80, s3, s18, $0xb8;
	[tilespmem:$0x17D00] =	vst v63  }
0x35: {  	_ =	swait.ge [sflag:s16], $0x4000  }
0x36: {  	[sflag:s16] =	ssyncset.done $0x0  }
0x37: {  	s24 =	sadd.s32 s23, s13;
	[sflag:s16] =	ssyncadd.s32 $0xFFFFC000  }
0x38: {  	[tilespmem:s3], [sflag:$0x1] =	stream.linear.gather [hbm4b:s24+s3], $0x80, $0x38;
	[tilespmem:$0x17D00] =	vst v63  }
0x39: {  	_ =	swait.ge [sflag:s20], $0x80  }
0x3a: {  	[sflag:s20] =	ssyncset.done $0x0  }
.Ltmp0:
0x3b: {  	[sflag:s20] =	ssyncadd.s32 $0xFFFFFF80;
	(pc) =	sbr.rel @p0 .LBB2_2-.Ltmp0, $4  }
0x3c: {  	[spmem:s2] =	stream.indirect.scatter.add.f32 [tilespmem:s17], [sflag:$0x3], $0x80, s18, s18, $0xb8;
	[tilespmem:$0x17D00] =	vst v63  }
0x3d: {  	_ =	swait.ge [sflag:s16], $0x4000  }
0x3e: {  	[sflag:s16] =	ssyncset.done $0x0  }
0x3f: {  	s23 =	sadd.s32 s23, s14;
	[sflag:s16] =	ssyncadd.s32 $0xFFFFC000  }
0x40: {  	[tilespmem:s18], [sflag:$0x2] =	stream.linear.gather [hbm4b:s23+s3], $0x80, $0x38;
	[tilespmem:$0x17D00] =	vst v63  }
0x41: {  	_ =	swait.ge [sflag:s19], $0x80  }
0x42: {  	[sflag:s19] =	ssyncset.done $0x0  }
0x43: {  	[sflag:s19] =	ssyncadd.s32 $0xFFFFFF80  }
0x44: {  	[spmem:s2] =	stream.indirect.scatter.add.f32 [tilespmem:s17], [sflag:$0x3], $0x80, s3, s18, $0xb8;
	[tilespmem:$0x17D00] =	vst v63  }
0x45: {  	_ =	swait.ge [sflag:s16], $0x4000  }
0x46: {  	[sflag:s16] =	ssyncset.done $0x0  }
0x47: {  	[sflag:s16] =	ssyncadd.s32 $0xFFFFC000  }
0x48: {  	[tilespmem:s3], [sflag:$0x1] =	stream.linear.gather [hbm4b:s12+s3], $0x80, $0x38;
	[tilespmem:$0x17D00] =	vst v63  }
0x49: {  	_ =	swait.ge [sflag:s20], $0x80  }
0x4a: {  	[sflag:s20] =	ssyncset.done $0x0  }
0x4b: {  	[sflag:s20] =	ssyncadd.s32 $0xFFFFFF80  }
0x4c: {  	[spmem:s2] =	stream.indirect.scatter.add.f32 [tilespmem:s17], [sflag:$0x3], $0x80, s18, s18, $0xb8;
	[tilespmem:$0x17D00] =	vst v63  }
0x4d: {  	_ =	swait.ge [sflag:s16], $0x4000  }
0x4e: {  	[sflag:s16] =	ssyncset.done $0x0  }
0x4f: {  	[sflag:s16] =	ssyncadd.s32 $0xFFFFC000  }
0x50: {  	[tilespmem:s18], [sflag:$0x2] =	stream.linear.gather [hbm4b:s11+s3], $0x80, $0x38;
	[tilespmem:$0x17D00] =	vst v63  }
0x51: {  	_ =	swait.ge [sflag:s19], $0x80  }
0x52: {  	[sflag:s19] =	ssyncset.done $0x0  }
0x53: {  	[sflag:s19] =	ssyncadd.s32 $0xFFFFFF80  }
0x54: {  	[spmem:s2] =	stream.indirect.scatter.add.f32 [tilespmem:s17], [sflag:$0x3], $0x80, s3, s18, $0xb8;
	[tilespmem:$0x17D00] =	vst v63  }
0x55: {  	_ =	swait.ge [sflag:s16], $0x4000  }
0x56: {  	[sflag:s16] =	ssyncset.done $0x0  }
0x57: {  	[sflag:s16] =	ssyncadd.s32 $0xFFFFC000  }
0x58: {  	[tilespmem:s3], [sflag:$0x1] =	stream.linear.gather [hbm4b:s11+s3], $0x80, $0x38;
	[tilespmem:$0x17D00] =	vst v63  }
0x59: {  	_ =	swait.ge [sflag:s20], $0x80  }
0x5a: {  	[sflag:s20] =	ssyncset.done $0x0  }
0x5b: {  	[sflag:s20] =	ssyncadd.s32 $0xFFFFFF80  }
0x5c: {  	[spmem:s2] =	stream.indirect.scatter.add.f32 [tilespmem:s17], [sflag:$0x3], $0x80, s18, s18, $0xb8;
	[tilespmem:$0x17D00] =	vst v63  }
0x5d: {  	_ =	swait.ge [sflag:s16], $0x4000  }
0x5e: {  	[sflag:s16] =	ssyncset.done $0x0  }
0x5f: {  	[sflag:s16] =	ssyncadd.s32 $0xFFFFC000  }
0x60: {  	[tilespmem:s18], [sflag:$0x2] =	stream.linear.gather [hbm4b:s11+s3], $0x80, $0x38;
	[tilespmem:$0x17D00] =	vst v63  }
0x61: {  	_ =	swait.ge [sflag:s19], $0x80  }
0x62: {  	[sflag:s19] =	ssyncset.done $0x0  }
0x63: {  	[sflag:s19] =	ssyncadd.s32 $0xFFFFFF80  }
0x64: {  	_ =	swait.ge [sflag:s20], $0x80  }
0x65: {  	s21 =	sadd.s32 $0x1, s21;
	[sflag:s20] =	ssyncset.done $0x0  }
0x66: {  	p0 =	sne.s32 s21, s10;
	[sflag:s20] =	ssyncadd.s32 $0xFFFFFF80  }
.Ltmp1:
0x67: {  	[bflag:$0x0] =	sbarrier.arrive $0xFFFF;
	(pc) =	sbr.rel @p0 .LBB2_1-.Ltmp1, $4  }
0x68: {  	[hbm:s9], [sflag:s7] =	dma.local [spmem:s15], $0x2780  }
0x69: {  	_ =	swait.ge [sflag:s16], $0x2780  }
0x6a: {  	[sflag:s16] =	ssyncset.done $0x0  }
0x6b: {  	[sflag:s16] =	ssyncadd.s32 $0xFFFFD880  }
0x6c: {  	_ =	sfence.sel $0x180000  }
0x6d: {  	[bflag:$0x0] =	sbarrier.arrive $0xFFFF  }
0x6e: {  	p0 =	sne.s32 s1, $0x0;
	_ =	strace $0x90000047  }
0x6f: {  	s0 =	sadd.s32 @!p0 $0x100000, s0;
	[bflag:$0x2] =	sbarrier.arrive $0xFFFF  }
0x70: {  	[sflag:s0] =	ssyncadd.tile.s32 @!p0 $0x1;
	_ =	shalt  }
.Lfunc_end2:
_tile_overlayer_lowered:
.L_overlay_start_2:
0x71: {  	(tag) =	ssettag $0x2  }
0x72: {  	s0 =	rddreg [dreg:$0x0];
	s2 =	stileid.u32  }
0x73: {  	s1 =	rddreg [dreg:$0x1];
	p0 =	sne.s32 s2, $0x0  }
0x74: {  	s3 =	rddreg [dreg:$0x2];
	[bflag:$0x3] =	sbarrier.arrive $0xFFFF;
	s2 =	simm.s32 @!p0 $0x1C03  }
0x75: {  	[timem:s3], [sflag:s2] =	dma.local @!p0 [hbm:s0], s1  }
0x76: {  	s0 =	simm.s32 @!p0 $0x3  }
0x77: {  	_ =	swait.ge @!p0 [sflag:s0], s1  }
0x78: {  	s1 =	ssub.s32 @!p0 $0x0, s1;
	[sflag:s0] =	ssyncset.done @!p0 $0x0  }
0x79: {  	[sflag:s0] =	ssyncadd.s32 @!p0 s1  }
0x7a: {  	[bflag:$0x3] =	sbarrier.arrive $0xFFFF  }
0x7b: {  	_ =	shalt  }

// kernel: kernel.21.cloned.1.call-start
scs
__scs_entry_jumppad:
0x0: {  	(pc) =	sbr.rel $0x88, $3  }
0x1: {  	(tag) =	ssettag $0x0;
	lr =	simm.s32 $0x1  }
0x2: {  	[smem:$0x3F96] =	sst lr;
	_ =	strace $0xD0000000  }
0x3: {  	_ = 	snop  }
0x4: {  	_ = 	snop  }
0x5: {  	_ = 	snop  }
0x6: {  	_ = 	snop  }
0x7: {  	_ = 	snop  }
__scs_overlays_trampoline_lowered:
0x8: {  	[smem:$0x3FA5] =	sst s0  }
0x9: {  	[smem:$0x3FA6] =	sst s1  }
0xa: {  	[smem:$0x3FA7] =	sst s2  }
0xb: {  	[smem:$0x3FA8] =	sst s3  }
0xc: {  	[smem:$0x3FA9] =	sst s4  }
0xd: {  	[smem:$0x3FAA] =	sst s5  }
0xe: {  	[smem:$0x3FAB] =	sst s6  }
0xf: {  	[smem:$0x3FAC] =	sst s7  }
0x10: {  	[smem:$0x3FAD] =	sst s8  }
0x11: {  	[smem:$0x3FAE] =	sst s9;
	s0 =	simm.s32 @!p0 $0x0  }
0x12: {  	s1 =	sld [smem:$0x3F94];
	s0 =	simm.s32 @p0 $0x1  }
0x13: {  	[smem:$0x3FAF] =	sst s0;
	s0 =	simm.s32 @!p1 $0x0  }
0x14: {  	s2 =	sld [smem:$0x3F93];
	s0 =	simm.s32 @p1 $0x1  }
0x15: {  	[smem:$0x3FB0] =	sst s0;
	s0 =	simm.s32 @!p2 $0x0  }
0x16: {  	s3 =	sld [smem:$0x3FDB];
	s0 =	simm.s32 @p2 $0x1  }
0x17: {  	s4 =	simm.s32 $0x1BF5;
	[smem:$0x3FB2] =	sst s0  }
0x18: {  	s0 =	sld [smem:$0x3F95];
	_ =	swait.ge [sflag:s4], $0x0  }
0x19: {  	s7 =	sld [smem:$0x3F96]  }
0x1a: {  	s8 =	sadd.s32 $0xFFFFE003, lr  }
0x1b: {  	s9 =	sadd.s32 $0xFFFFFEF7, lr;
	s5 =	simm.s32 $0xFFFFFFFF;
	p2 =	slt.u32 s8, $0xFFFFF086  }
0x1c: {  	p1 =	slt.u32 s9, $0xF7A;
	s5 =	simm.s32 @!p2 $0x0  }
0x1d: {  	s5 =	simm.s32 @p1 $0x1;
	p0 =	seq.s32 s7, s2  }
0x1e: {  	s7 =	smul.u32 @!p0 $0xF7A, s2;
	p2 =	seq.s32 @!p0 s5, $0x0  }
0x1f: {  	s9 =	smul.u32 $0xF7A, s1;
	s8 =	simm.s32 @!p0 $0x1BF5;
	p2 =	por !p2, p0  }
0x20: {  	[sflag:s8] =	ssyncset.s32 @!p0 $0xFFFFF086;
	s6 =	sadd.s32 @!p0 s3, s7;
	s7 =	simm.s32 @!p0 $0x108  }
0x21: {  	s3 =	sadd.s32 s3, s9;
	s6 =	sadd.s32 @!p0 $0x88, s6;
	s7 =	simm.s32 @p2 $0x1082  }
0x22: {  	[simem:s7], [sflag:s8] =	dma.local @!p0 [hbm:s6], $0xF7A  }
0x23: {  	s9 =	sor.u32 $0xD0000000, s2;
	s6 =	simm.s32 $0x108;
	_ =	swait.ge @!p0 [sflag:s8], $0x0  }
0x24: {  	s3 =	sadd.s32 $0x88, s3;
	s6 =	simm.s32 @!p1 $0x1082;
	[sflag:s4] =	ssyncset.s32 $0xFFFFF086  }
0x25: {  	[simem:s6], [sflag:s4] =	dma.local [hbm:s3], $0xF7A  }
0x26: {  	[smem:$0x3F96] =	sst s1;
	(tag) =	ssettag s2;
	_ =	strace s9  }
0x27: {  	s1 =	sld [smem:$0x3FA6]  }
0x28: {  	s2 =	sld [smem:$0x3FA7]  }
0x29: {  	s4 =	sld [smem:$0x3FA9]  }
0x2a: {  	p0 =	seq.s32 s5, $0x0;
	s5 =	sld [smem:$0x3FAA]  }
0x2b: {  	s6 =	sld [smem:$0x3FAB]  }
0x2c: {  	s7 =	sld [smem:$0x3FAC]  }
0x2d: {  	s3 =	simm.s32 $0x108;
	s8 =	sld [smem:$0x3FAD]  }
0x2e: {  	s3 =	simm.s32 @!p0 $0x1082;
	s9 =	sld [smem:$0x3FAE]  }
0x2f: {  	lr =	sadd.s32 s0, s3;
	s0 =	sld [smem:$0x3FA5]  }
0x30: {  	s3 =	sld [smem:$0x3FA8]  }
0x31: {  	[smem:$0x3FB1] =	sst s10  }
0x32: {  	s10 =	sld [smem:$0x3FAF];
	_ =	sdelay $0x3  }
0x33: {  	p0 =	seq.s32 s10, $0x1;
	s10 =	sld [smem:$0x3FB1];
	_ =	sdelay $0x3  }
0x34: {  	[smem:$0x3FB1] =	sst s10  }
0x35: {  	s10 =	sld [smem:$0x3FB0];
	_ =	sdelay $0x3  }
0x36: {  	p1 =	seq.s32 s10, $0x1;
	s10 =	sld [smem:$0x3FB1];
	_ =	sdelay $0x3  }
0x37: {  	[smem:$0x3FB1] =	sst s10  }
0x38: {  	s10 =	sld [smem:$0x3FB2]  }
0x39: {  	_ = 	snop;
	(pc) =	sbr.ind lr, $3  }
0x3a: {  	_ = 	snop  }
0x3b: {  	_ = 	snop  }
0x3c: {  	p2 =	seq.s32 s10, $0x1;
	s10 =	sld [smem:$0x3FB1]  }
0x3d: {  	_ =	shalt  }
0x3e: {  	_ =	shalt  }
0x3f: {  	_ =	shalt  }
0x40: {  	_ =	shalt  }
0x41: {  	_ =	shalt  }
0x42: {  	_ =	shalt  }
0x43: {  	_ =	shalt  }
0x44: {  	_ =	shalt  }
0x45: {  	_ =	shalt  }
0x46: {  	_ =	shalt  }
0x47: {  	_ =	shalt  }
0x48: {  	_ =	shalt  }
0x49: {  	_ =	shalt  }
0x4a: {  	_ =	shalt  }
0x4b: {  	_ =	shalt  }
0x4c: {  	_ =	shalt  }
0x4d: {  	_ =	shalt  }
0x4e: {  	_ =	shalt  }
0x4f: {  	_ =	shalt  }
0x50: {  	_ =	shalt  }
0x51: {  	_ =	shalt  }
0x52: {  	_ =	shalt  }
0x53: {  	_ =	shalt  }
0x54: {  	_ =	shalt  }
0x55: {  	_ =	shalt  }
0x56: {  	_ =	shalt  }
0x57: {  	_ =	shalt  }
0x58: {  	_ =	shalt  }
0x59: {  	_ =	shalt  }
0x5a: {  	_ =	shalt  }
0x5b: {  	_ =	shalt  }
0x5c: {  	_ =	shalt  }
0x5d: {  	_ =	shalt  }
0x5e: {  	_ =	shalt  }
0x5f: {  	_ =	shalt  }
0x60: {  	_ =	shalt  }
0x61: {  	_ =	shalt  }
0x62: {  	_ =	shalt  }
0x63: {  	_ =	shalt  }
0x64: {  	_ =	shalt  }
0x65: {  	_ =	shalt  }
0x66: {  	_ =	shalt  }
0x67: {  	_ =	shalt  }
0x68: {  	_ =	shalt  }
0x69: {  	_ =	shalt  }
0x6a: {  	_ =	shalt  }
0x6b: {  	_ =	shalt  }
0x6c: {  	_ =	shalt  }
0x6d: {  	_ =	shalt  }
0x6e: {  	_ =	shalt  }
0x6f: {  	_ =	shalt  }
0x70: {  	_ =	shalt  }
0x71: {  	_ =	shalt  }
0x72: {  	_ =	shalt  }
0x73: {  	_ =	shalt  }
0x74: {  	_ =	shalt  }
0x75: {  	_ =	shalt  }
0x76: {  	_ =	shalt  }
0x77: {  	_ =	shalt  }
0x78: {  	_ =	shalt  }
0x79: {  	_ =	shalt  }
0x7a: {  	_ =	shalt  }
0x7b: {  	_ =	shalt  }
0x7c: {  	_ =	shalt  }
0x7d: {  	_ =	shalt  }
0x7e: {  	_ =	shalt  }
0x7f: {  	_ =	shalt  }
0x80: {  	_ =	shalt  }
0x81: {  	_ =	shalt  }
0x82: {  	_ =	shalt  }
0x83: {  	_ =	shalt  }
0x84: {  	_ =	shalt  }
0x85: {  	_ =	shalt  }
0x86: {  	_ =	shalt  }
0x87: {  	_ =	shalt  }
.Lfunc_end0:
.L_simem_size_0:
called_computation.1_lowered:
.L_overlay_start_0:
0x88: {  	s2 =	sld [smem:$0x3FD9]  }
0x89: {  	s3 =	sld [smem:$0x3FFE];
	_ =	sdelay $0x1  }
0x8a: {  	s1 =	srdreg.scid  }
0x8b: {  	s0 =	sand.u32 $0x1, s1  }
0x8c: {  	s16 =	sshll.u32 s0, $0xA;
	s2 =	sadd.s32 s3, s2  }
0x8d: {  	s2 =	sadd.s32 s2, s16  }
0x8e: {  	[smem:$0x3FBD] =	sst s2  }
0x8f: {  	_ = 	snop  }
0x90: {  	(tm) =	ssettm $0x1  }
0x91: {  	s17 =	sld [smem:$0x3FFB];
	_ =	sdelay $0x3  }
0x92: {  	_ =	strace s17  }
0x93: {  	s2 =	sld [smem:$0x3FFC];
	_ =	sdelay $0x3  }
0x94: {  	_ =	strace s2  }
0x95: {  	s2 =	sld [smem:$0x3FFD];
	_ =	sdelay $0x3  }
0x96: {  	_ =	strace s2  }
0x97: {  	_ =	strace $0x8FFFFFFF  }
0x98: {  	s18 =	sld [smem:$0x3FDB];
	_ =	sdelay $0x1  }
0x99: {  	s19 =	simm.s32 $_scs_section_size  }
0x9a: {  	s4 =	simm.s32 $_size__tile_overlayer_lowered;
	s5 =	simm.s32 $_tile_overlayer_lowered  }
0x9b: {  	s22 =	simm.s32 $0x1BFF;
	s21 =	sshll.u32 s5, $0x1;
	s2 =	sadd.s32 s19, s18  }
0x9c: {  	s6 =	simm.s32 $0x0;
	s20 =	sshll.u32 s4, $0x1;
	s4 =	sadd.s32 s21, s2  }
0x9d: {  	[timem:s6], [sflag:s22] =	dma.local [hbm:s4], s20  }
0x9e: {  	_ =	swait.ge [sflag:s22], s20  }
0x9f: {  	s3 =	ssub.s32 $0x0, s20;
	[sflag:s22] =	ssyncset.done $0x0  }
0xa0: {  	[sflag:s22] =	ssyncadd.s32 s3;
	_ =	sdelay $0x1  }
0xa1: {  	s23 =	simm.s32 $0x1B8B  }
0xa2: {  	_ =	swait.ge [sflag:s23], $0x1  }
0xa3: {  	[sflag:s23] =	ssyncset.done $0x0  }
0xa4: {  	s25 =	simm.s32 $0x1B8E;
	s24 =	sld [smem:$0x3FFE];
	[sflag:s23] =	ssyncadd.s32 $0xFFFFFFFF  }
0xa5: {  	s26 =	simm.s32 $execute0_lowered;
	[smem:$0x3FD2] =	sst s25  }
0xa6: {  	s4 =	sshll.u32 s26, $0x1;
	_ =	strace $0x80000049;
	[dreg:$0x1] =	wrdreg $0xFFFFFFFF  }
0xa7: {  	s28 =	simm.s32 $_size_execute0_lowered;
	s2 =	sadd.s32 s2, s4;
	[dreg:$0x0] =	wrdreg $0x0  }
0xa8: {  	s4 =	sshll.u32 s28, $0x1;
	[dreg:$0x2] =	wrdreg s2  }
0xa9: {  	[dreg:$0x3] =	wrdreg s4  }
0xaa: {  	[dreg:$0x4] =	wrdreg $0xC0  }
0xab: {  	_ =	task [dreg:s6], $0x5FFFF  }
0xac: {  	[dreg:$0x1] =	wrdreg $0xFFFFFFFF  }
0xad: {  	[dreg:$0x0] =	wrdreg $0x60  }
0xae: {  	[dreg:$0x2] =	wrdreg s24  }
0xaf: {  	[dreg:$0x3] =	wrdreg $0xB1800  }
0xb0: {  	[dreg:$0x4] =	wrdreg $0x9  }
0xb1: {  	_ =	task.clear_ibuf [dreg:s6], $0x5FFFF;
	_ =	strace $0x90000049  }
0xb2: {  	s29 =	simm.s32 $0x9;
	_ =	strace $0x8000004B  }
0xb3: {  	_ =	swait.ge [sflag:s29], $0x1  }
0xb4: {  	[sflag:s29] =	ssyncadd.s32 $0xFFFFFFFF  }
0xb5: {  	_ =	strace $0x9000004B  }
0xb6: {  	_ =	sfence  }
0xb7: {  	s30 =	sld [smem:$0x0];
	_ =	sdelay $0x2  }
0xb8: {  	s31 =	sshll.u32 s1, $0xD;
	s1 =	sshrl.u32 s1, $0x2  }
0xb9: {  	s3 =	sand.u32 $0x4000, s31;
	s1 =	sadd.s32 s1, s30  }
0xba: {  	s0 =	sor.u32 s3, s0;
	s1 =	sshll.u32 s1, $0x11  }
0xbb: {  	s0 =	sor.u32 s1, s0  }
0xbc: {  	s0 =	sadd.s32 $0x8F2B, s0  }
0xbd: {  	[sflag:s0] =	ssyncadd.remote.s32 $0x1  }
0xbe: {  	_ =	sfence.sel $0xFFFF  }
0xbf: {  	[dreg:$0x0] =	wrdreg $0xFFFFFFFF;
	(pc) =	sbr.abs _section_cstart, $3  }
0xc0: {  	[dreg:$0x1] =	wrdreg $0xFFFFFFFF  }
0xc1: {  	_ =	task.clear_ibuf [dreg:s6], $0x2FFFF;
	_ =	strace $0x9FFFFFFF  }
0xc2: {  	(tm) =	ssettm $0x7FFFFFFF  }
0xc3: {  	_ =	shalt  }
tec
execute0_lowered:
.L_overlay_start_1:
0x0: {  	(tag) =	ssettag $0x1  }
0x1: {  	s0 =	srdreg.scid;
	s1 =	rddreg [dreg:$0x0]  }
0x2: {  	s13 =	stileid.u32;
	s2 =	rddreg [dreg:$0x1];
	s28 =	simm.s32 $0x5180  }
0x3: {  	s30 =	simm.s32 $0x7180;
	s29 =	simm.s32 $0x2;
	s7 =	smul.u32 $0x13C00, s13  }
0x4: {  	s31 =	simm.s32 $0x6;
	s0 =	sand.u32 $0x1, s0;
	s26 =	smul.u32 $0x4F000, s13  }
0x5: {  	s3 =	sshll.u32 s13, $0x1;
	s4 =	sadd.s32 $0x38800, s1;
	s15 =	smul.u32 $0x4F80, s13  }
0x6: {  	s16 =	sshll.u32 s13, $0x6;
	s6 =	sor.u32 s0, s3;
	s8 =	smul.u32 $0x13C000, s0  }
0x7: {  	s3 =	simm.s32 $0x0;
	s11 =	ssub.s32 $0x2, s0;
	s0 =	smul.u32 $0x27C0, s0  }
0x8: {  	s5 =	smul.u32 $0xA00, s6;
	[smem:$0x7FF] =	sst s3;
	s10 =	sshrl.u32 s7, $0x3  }
0x9: {  	s12 =	sshrl.u32 s11, $0x1;
	s6 =	smul.u32 $0x27C0, s6;
	_ =	strace $0x8000004A  }
0xa: {  	s7 =	sadd.s32 s7, s8;
	s10 =	sadd.s32 s10, s1;
	s8 =	sshrl.u32 s26, $0x2  }
0xb: {  	s12 =	ssub.s32 s11, s12;
	s0 =	sadd.s32 s0, s15;
	s9 =	sadd.s32 s5, s1  }
0xc: {  	s5 =	sadd.s32 $0x88000, s1;
	s7 =	sshrl.u32 s7, $0x3;
	s11 =	sadd.s32 s8, s2  }
0xd: {  	s14 =	sadd.s32 $0x11000, s10;
	s6 =	sshrl.u32 s6, $0x3;
	s8 =	sor.u32 $0x1C08, s16  }
0xe: {  	s21 =	smax.u32 s12, $0x1;
	s22 =	sadd.s32 $0x140, s0;
	s24 =	sadd.s32 $0x100, s0  }
0xf: {  	s0 =	sadd.s32 $0xC0, s0;
	s10 =	simm.s32 $0x4;
	[dreg:$0x3] =	wrdreg s14  }
0x10: {  	s12 =	simm.s32 $0x0;
	s1 =	sadd.s32 s7, s1;
	[dreg:$0x9] =	wrdreg s21  }
0x11: {  	s17 =	sadd.s32 s5, s6;
	s18 =	sadd.s32 $0x92000, s9;
	[dreg:$0xe] =	wrdreg s0  }
0x12: {  	s26 =	sshrl.u32 s24, $0x3;
	s21 =	simm.s32 $0x8;
	[dreg:$0x5] =	wrdreg s18  }
0x13: {  	s24 =	simm.s32 $0x5100;
	s19 =	sadd.s32 $0x8, s17;
	[dreg:$0x4] =	wrdreg s17  }
0x14: {  	s0 =	simm.s32 $0x5;
	s20 =	sadd.s32 $0x10, s17;
	[dreg:$0x6] =	wrdreg s19  }
0x15: {  	s6 =	simm.s32 $0x3;
	s1 =	sadd.s32 $0xA7000, s1;
	[dreg:$0x7] =	wrdreg s20  }
0x16: {  	s9 =	simm.s32 $0x7;
	s23 =	sadd.s32 $0x4E0, s17;
	[dreg:$0x8] =	wrdreg s1  }
0x17: {  	s14 =	sadd.s32 $0x4F0, s17;
	s25 =	sadd.s32 $0x4E8, s17;
	[dreg:$0xa] =	wrdreg s23  }
0x18: {  	s1 =	sshrl.u32 s22, $0x3;
	[dreg:$0xb] =	wrdreg s25;
	s20 =	sshrl.u32 s11, $0x3  }
0x19: {  	s22 =	simm.s32 $0x5000;
	s23 =	simm.s32 $0x5080;
	s1 =	sadd.s32 s1, s5  }
0x1a: {  	s11 =	simm.s32 $0x4F00;
	[dreg:$0xc] =	wrdreg s1;
	s1 =	sadd.s32 s26, s5  }
0x1b: {  	s26 =	simm.s32 $0x40;
	[dreg:$0xd] =	wrdreg s1;
	s1 =	simm.s32 $0x9180  }
.LBB2_1:
0x1c: {  	s7 =	rddreg [dreg:$0x3]  }
0x1d: {  	[spmem:s20], [sflag:s8] =	dma.local [hbm:s7], $0x2780  }
0x1e: {  	_ =	swait.ge [sflag:s21], $0x2780  }
0x1f: {  	[sflag:s21] =	ssyncset.done $0x0  }
0x20: {  	s25 =	smov.u32 s8;
	s8 =	rddreg [dreg:$0x5];
	[sflag:s21] =	ssyncadd.s32 $0xFFFFD880  }
0x21: {  	[tilespmem:s3], [sflag:$0x1] =	stream.linear.gather [hbm4b:s8+s3], $0x4F80, $0x38;
	[tilespmem:$0x1ED80] =	vst v63  }
0x22: {  	s13 =	rddreg [dreg:$0x4]  }
0x23: {  	[tilespmem:s22], [sflag:$0x2] =	stream.linear.gather [hbm4b:s13+s3], $0x40, $0x38;
	[tilespmem:$0x1ED80] =	vst v63  }
0x24: {  	s15 =	rddreg [dreg:$0x6]  }
0x25: {  	[tilespmem:s23], [sflag:$0x3] =	stream.linear.gather [hbm4b:s15+s3], $0x40, $0x38;
	[tilespmem:$0x1ED80] =	vst v63  }
0x26: {  	s17 =	simm.s32 $0x1;
	s16 =	rddreg [dreg:$0x7]  }
0x27: {  	[tilespmem:s24], [sflag:$0x4] =	stream.linear.gather [hbm4b:s16+s3], $0x40, $0x38;
	[tilespmem:$0x1ED80] =	vst v63  }
0x28: {  	_ =	swait.ge [sflag:s17], $0x4F80  }
0x29: {  	[sflag:s17] =	ssyncset.done $0x0  }
0x2a: {  	[sflag:s17] =	ssyncadd.s32 $0xFFFFB080  }
0x2b: {  	[tilespmem:s28], [sflag:$0x5] =	stream.indirect.gather [hbm4b:s4+s26], $0x80, s3, s26, $0xb8;
	[tilespmem:$0x1ED80] =	vst v63  }
0x2c: {  	s18 =	simm.s32 $0x80  }
0x2d: {  	[tilespmem:s30], [sflag:$0x6] =	stream.indirect.gather [hbm4b:s4+s26], $0x80, s18, s26, $0xb8;
	[tilespmem:$0x1ED80] =	vst v63  }
0x2e: {  	s19 =	simm.s32 $0x100  }
0x2f: {  	[tilespmem:s1], [sflag:$0x7] =	stream.indirect.gather [hbm4b:s4+s26], $0x80, s19, s26, $0xb8;
	[tilespmem:$0x1ED80] =	vst v63  }
0x30: {  	[bflag:$0x0] =	sbarrier.arrive $0xFFFF  }
0x31: {  	_ =	swait.ge [sflag:s0], $0x2000  }
0x32: {  	[sflag:s0] =	ssyncset.done $0x0  }
0x33: {  	[sflag:s0] =	ssyncadd.s32 $0xFFFFE000  }
0x34: {  	_ =	swait.ge [sflag:s29], $0x40  }
0x35: {  	[sflag:s29] =	ssyncset.done $0x0  }
0x36: {  	[sflag:s29] =	ssyncadd.s32 $0xFFFFFFC0  }
0x37: {  	[spmem:s2] =	stream.indirect.scatter.add.f32 [tilespmem:s28], [sflag:$0x8], $0x80, s22, s26, $0xb8;
	[tilespmem:$0x1ED80] =	vst v63  }
0x38: {  	_ =	swait.ge [sflag:s21], $0x2000  }
0x39: {  	[sflag:s21] =	ssyncset.done $0x0;
	s18 =	rddreg [dreg:$0xe]  }
0x3a: {  	s8 =	simm.s32 $0x180;
	[sflag:s21] =	ssyncadd.s32 $0xFFFFE000;
	s13 =	sshrl.u32 s18, $0x3  }
0x3b: {  	[tilespmem:s28], [sflag:$0x5] =	stream.indirect.gather [hbm4b:s4+s26], $0x80, s8, s26, $0xb8;
	[tilespmem:$0x1ED80] =	vst v63  }
0x3c: {  	s13 =	sadd.s32 s5, s13  }
0x3d: {  	[tilespmem:s22], [sflag:$0x2] =	stream.linear.gather [hbm4b:s13+s3], $0x40, $0x38;
	[tilespmem:$0x1ED80] =	vst v63  }
0x3e: {  	_ =	swait.ge [sflag:s31], $0x2000  }
0x3f: {  	[sflag:s31] =	ssyncset.done $0x0  }
0x40: {  	[sflag:s31] =	ssyncadd.s32 $0xFFFFE000  }
0x41: {  	_ =	swait.ge [sflag:s6], $0x40  }
0x42: {  	[sflag:s6] =	ssyncset.done $0x0  }
0x43: {  	[sflag:s6] =	ssyncadd.s32 $0xFFFFFFC0  }
0x44: {  	[spmem:s2] =	stream.indirect.scatter.add.f32 [tilespmem:s30], [sflag:$0x8], $0x80, s23, s26, $0xb8;
	[tilespmem:$0x1ED80] =	vst v63  }
0x45: {  	_ =	swait.ge [sflag:s21], $0x2000  }
0x46: {  	[sflag:s21] =	ssyncset.done $0x0  }
0x47: {  	s15 =	simm.s32 $0x200;
	[sflag:s21] =	ssyncadd.s32 $0xFFFFE000  }
0x48: {  	[tilespmem:s30], [sflag:$0x6] =	stream.indirect.gather [hbm4b:s4+s26], $0x80, s15, s26, $0xb8;
	[tilespmem:$0x1ED80] =	vst v63  }
0x49: {  	s16 =	rddreg [dreg:$0xd]  }
0x4a: {  	[tilespmem:s23], [sflag:$0x3] =	stream.linear.gather [hbm4b:s16+s3], $0x40, $0x38;
	[tilespmem:$0x1ED80] =	vst v63  }
0x4b: {  	_ =	swait.ge [sflag:s9], $0x2000  }
0x4c: {  	[sflag:s9] =	ssyncset.done $0x0  }
0x4d: {  	[sflag:s9] =	ssyncadd.s32 $0xFFFFE000  }
0x4e: {  	_ =	swait.ge [sflag:s10], $0x40  }
0x4f: {  	[sflag:s10] =	ssyncset.done $0x0  }
0x50: {  	[sflag:s10] =	ssyncadd.s32 $0xFFFFFFC0  }
0x51: {  	[spmem:s2] =	stream.indirect.scatter.add.f32 [tilespmem:s1], [sflag:$0x8], $0x80, s24, s26, $0xb8;
	[tilespmem:$0x1ED80] =	vst v63  }
0x52: {  	s19 =	simm.s32 $0x280;
	s7 =	sadd.s32 $0xC0, s18;
	_ =	swait.ge [sflag:s21], $0x2000  }
0x53: {  	s13 =	simm.s32 $0x600;
	[sflag:s21] =	ssyncset.done $0x0;
	s17 =	rddreg [dreg:$0xc]  }
0x54: {  	s16 =	sadd.s32 $0x18, s16;
	[sflag:s21] =	ssyncadd.s32 $0xFFFFE000;
	s15 =	sadd.s32 $0x18, s17  }
0x55: {  	[tilespmem:s1], [sflag:$0x7] =	stream.indirect.gather [hbm4b:s4+s26], $0x80, s19, s26, $0xb8;
	[tilespmem:$0x1ED80] =	vst v63  }
.LBB2_2:
0x56: {  	[tilespmem:s24], [sflag:$0x4] =	stream.linear.gather [hbm4b:s17+s3], $0x40, $0x38;
	[tilespmem:$0x1ED80] =	vst v63  }
0x57: {  	s8 =	smov.u32 s13;
	s17 =	smov.u32 s15  }
0x58: {  	p0 =	sne.s32 s13, $0x12C00;
	s13 =	sadd.s32 $0x600, s13;
	_ =	swait.ge [sflag:s0], $0x2000  }
0x59: {  	[sflag:s0] =	ssyncset.done $0x0  }
0x5a: {  	[sflag:s0] =	ssyncadd.s32 $0xFFFFE000  }
0x5b: {  	_ =	swait.ge [sflag:s29], $0x40  }
0x5c: {  	[sflag:s29] =	ssyncset.done $0x0  }
0x5d: {  	[sflag:s29] =	ssyncadd.s32 $0xFFFFFFC0  }
0x5e: {  	[spmem:s2] =	stream.indirect.scatter.add.f32 [tilespmem:s28], [sflag:$0x8], $0x80, s22, s26, $0xb8;
	[tilespmem:$0x1ED80] =	vst v63  }
0x5f: {  	_ =	swait.ge [sflag:s21], $0x2000  }
0x60: {  	s8 =	sshra.s32 s8, $0x2;
	[sflag:s21] =	ssyncset.done $0x0  }
0x61: {  	s19 =	sshrl.u32 s7, $0x3;
	s18 =	sadd.s32 $0x180, s8;
	[sflag:s21] =	ssyncadd.s32 $0xFFFFE000  }
0x62: {  	[tilespmem:s28], [sflag:$0x5] =	stream.indirect.gather [hbm4b:s4+s26], $0x80, s18, s26, $0xb8;
	[tilespmem:$0x1ED80] =	vst v63  }
0x63: {  	s18 =	sadd.s32 s5, s19  }
0x64: {  	[tilespmem:s22], [sflag:$0x2] =	stream.linear.gather [hbm4b:s18+s3], $0x40, $0x38;
	[tilespmem:$0x1ED80] =	vst v63  }
0x65: {  	_ =	swait.ge [sflag:s31], $0x2000  }
0x66: {  	[sflag:s31] =	ssyncset.done $0x0  }
0x67: {  	[sflag:s31] =	ssyncadd.s32 $0xFFFFE000  }
0x68: {  	_ =	swait.ge [sflag:s6], $0x40  }
0x69: {  	[sflag:s6] =	ssyncset.done $0x0  }
0x6a: {  	[sflag:s6] =	ssyncadd.s32 $0xFFFFFFC0  }
0x6b: {  	[spmem:s2] =	stream.indirect.scatter.add.f32 [tilespmem:s30], [sflag:$0x8], $0x80, s23, s26, $0xb8;
	[tilespmem:$0x1ED80] =	vst v63  }
0x6c: {  	_ =	swait.ge [sflag:s21], $0x2000  }
0x6d: {  	[sflag:s21] =	ssyncset.done $0x0  }
0x6e: {  	s18 =	sadd.s32 $0x200, s8;
	[sflag:s21] =	ssyncadd.s32 $0xFFFFE000  }
0x6f: {  	[tilespmem:s30], [sflag:$0x6] =	stream.indirect.gather [hbm4b:s4+s26], $0x80, s18, s26, $0xb8;
	[tilespmem:$0x1ED80] =	vst v63  }
0x70: {  	_ = 	snop  }
0x71: {  	[tilespmem:s23], [sflag:$0x3] =	stream.linear.gather [hbm4b:s16+s3], $0x40, $0x38;
	[tilespmem:$0x1ED80] =	vst v63  }
0x72: {  	_ =	swait.ge [sflag:s9], $0x2000  }
0x73: {  	[sflag:s9] =	ssyncset.done $0x0  }
0x74: {  	[sflag:s9] =	ssyncadd.s32 $0xFFFFE000  }
0x75: {  	_ =	swait.ge [sflag:s10], $0x40  }
0x76: {  	[sflag:s10] =	ssyncset.done $0x0  }
0x77: {  	[sflag:s10] =	ssyncadd.s32 $0xFFFFFFC0  }
0x78: {  	[spmem:s2] =	stream.indirect.scatter.add.f32 [tilespmem:s1], [sflag:$0x8], $0x80, s24, s26, $0xb8;
	[tilespmem:$0x1ED80] =	vst v63  }
.Ltmp0:
0x79: {  	_ =	swait.ge [sflag:s21], $0x2000;
	(pc) =	sbr.rel @p0 .LBB2_2-.Ltmp0, $4  }
0x7a: {  	[sflag:s21] =	ssyncset.done $0x0  }
0x7b: {  	s8 =	sadd.s32 $0x280, s8;
	[sflag:s21] =	ssyncadd.s32 $0xFFFFE000  }
0x7c: {  	[tilespmem:s1], [sflag:$0x7] =	stream.indirect.gather [hbm4b:s4+s26], $0x80, s8, s26, $0xb8;
	[tilespmem:$0x1ED80] =	vst v63  }
0x7d: {  	s15 =	sadd.s32 $0x18, s15;
	s7 =	sadd.s32 $0xC0, s7;
	s16 =	sadd.s32 $0x18, s16  }
0x7e: {  	[tilespmem:s24], [sflag:$0x4] =	stream.linear.gather [hbm4b:s17+s3], $0x40, $0x38;
	[tilespmem:$0x1ED80] =	vst v63  }
0x7f: {  	_ =	swait.ge [sflag:s0], $0x2000  }
0x80: {  	[sflag:s0] =	ssyncset.done $0x0  }
0x81: {  	[sflag:s0] =	ssyncadd.s32 $0xFFFFE000  }
0x82: {  	_ =	swait.ge [sflag:s29], $0x40  }
0x83: {  	[sflag:s29] =	ssyncset.done $0x0  }
0x84: {  	[sflag:s29] =	ssyncadd.s32 $0xFFFFFFC0  }
0x85: {  	[spmem:s2] =	stream.indirect.scatter.add.f32 [tilespmem:s28], [sflag:$0x8], $0x80, s22, s26, $0xb8;
	[tilespmem:$0x1ED80] =	vst v63  }
0x86: {  	_ =	swait.ge [sflag:s21], $0x2000  }
0x87: {  	[sflag:s21] =	ssyncset.done $0x0  }
0x88: {  	s7 =	simm.s32 $0x4E00;
	[sflag:s21] =	ssyncadd.s32 $0xFFFFE000  }
0x89: {  	[tilespmem:s28], [sflag:$0x5] =	stream.indirect.gather [hbm4b:s4+s26], $0x80, s7, s26, $0xb8;
	[tilespmem:$0x1ED80] =	vst v63  }
0x8a: {  	s16 =	rddreg [dreg:$0xa]  }
0x8b: {  	[tilespmem:s22], [sflag:$0x2] =	stream.linear.gather [hbm4b:s16+s3], $0x40, $0x38;
	[tilespmem:$0x1ED80] =	vst v63  }
0x8c: {  	_ =	swait.ge [sflag:s31], $0x2000  }
0x8d: {  	[sflag:s31] =	ssyncset.done $0x0  }
0x8e: {  	[sflag:s31] =	ssyncadd.s32 $0xFFFFE000  }
0x8f: {  	_ =	swait.ge [sflag:s6], $0x40  }
0x90: {  	[sflag:s6] =	ssyncset.done $0x0  }
0x91: {  	[sflag:s6] =	ssyncadd.s32 $0xFFFFFFC0  }
0x92: {  	[spmem:s2] =	stream.indirect.scatter.add.f32 [tilespmem:s30], [sflag:$0x8], $0x80, s23, s26, $0xb8;
	[tilespmem:$0x1ED80] =	vst v63  }
0x93: {  	_ =	swait.ge [sflag:s21], $0x2000  }
0x94: {  	[sflag:s21] =	ssyncset.done $0x0  }
0x95: {  	s17 =	simm.s32 $0x4E80;
	[sflag:s21] =	ssyncadd.s32 $0xFFFFE000  }
0x96: {  	[tilespmem:s30], [sflag:$0x6] =	stream.indirect.gather [hbm4b:s4+s26], $0x80, s17, s26, $0xb8;
	[tilespmem:$0x1ED80] =	vst v63  }
0x97: {  	s18 =	rddreg [dreg:$0xb]  }
0x98: {  	[tilespmem:s23], [sflag:$0x3] =	stream.linear.gather [hbm4b:s18+s3], $0x40, $0x38;
	[tilespmem:$0x1ED80] =	vst v63  }
0x99: {  	_ =	swait.ge [sflag:s9], $0x2000  }
0x9a: {  	[sflag:s9] =	ssyncset.done $0x0  }
0x9b: {  	[sflag:s9] =	ssyncadd.s32 $0xFFFFE000  }
0x9c: {  	_ =	swait.ge [sflag:s10], $0x40  }
0x9d: {  	[sflag:s10] =	ssyncset.done $0x0  }
0x9e: {  	[sflag:s10] =	ssyncadd.s32 $0xFFFFFFC0  }
0x9f: {  	[spmem:s2] =	stream.indirect.scatter.add.f32 [tilespmem:s1], [sflag:$0x8], $0x80, s24, s26, $0xb8;
	[tilespmem:$0x1ED80] =	vst v63  }
0xa0: {  	_ =	swait.ge [sflag:s21], $0x2000  }
0xa1: {  	[sflag:s21] =	ssyncset.done $0x0  }
0xa2: {  	[sflag:s21] =	ssyncadd.s32 $0xFFFFE000  }
0xa3: {  	[tilespmem:s1], [sflag:$0x7] =	stream.indirect.gather [hbm4b:s4+s26], $0x80, s11, s26, $0xb8;
	[tilespmem:$0x1ED80] =	vst v63  }
0xa4: {  	_ = 	snop  }
0xa5: {  	[tilespmem:s24], [sflag:$0x4] =	stream.linear.gather [hbm4b:s14+s3], $0x40, $0x38;
	[tilespmem:$0x1ED80] =	vst v63  }
0xa6: {  	_ =	swait.ge [sflag:s0], $0x2000  }
0xa7: {  	[sflag:s0] =	ssyncset.done $0x0  }
0xa8: {  	[sflag:s0] =	ssyncadd.s32 $0xFFFFE000  }
0xa9: {  	_ =	swait.ge [sflag:s29], $0x40  }
0xaa: {  	[sflag:s29] =	ssyncset.done $0x0  }
0xab: {  	[sflag:s29] =	ssyncadd.s32 $0xFFFFFFC0  }
0xac: {  	[spmem:s2] =	stream.indirect.scatter.add.f32 [tilespmem:s28], [sflag:$0x8], $0x80, s22, s26, $0xb8;
	[tilespmem:$0x1ED80] =	vst v63  }
0xad: {  	_ =	swait.ge [sflag:s21], $0x2000  }
0xae: {  	[sflag:s21] =	ssyncset.done $0x0  }
0xaf: {  	[sflag:s21] =	ssyncadd.s32 $0xFFFFE000  }
0xb0: {  	[tilespmem:s28], [sflag:$0x5] =	stream.indirect.gather [hbm4b:s4+s26], $0x80, s11, s26, $0xb8;
	[tilespmem:$0x1ED80] =	vst v63  }
0xb1: {  	_ = 	snop  }
0xb2: {  	[tilespmem:s22], [sflag:$0x2] =	stream.linear.gather [hbm4b:s14+s3], $0x40, $0x38;
	[tilespmem:$0x1ED80] =	vst v63  }
0xb3: {  	_ =	swait.ge [sflag:s31], $0x2000  }
0xb4: {  	[sflag:s31] =	ssyncset.done $0x0  }
0xb5: {  	[sflag:s31] =	ssyncadd.s32 $0xFFFFE000  }
0xb6: {  	_ =	swait.ge [sflag:s6], $0x40  }
0xb7: {  	[sflag:s6] =	ssyncset.done $0x0  }
0xb8: {  	[sflag:s6] =	ssyncadd.s32 $0xFFFFFFC0  }
0xb9: {  	[spmem:s2] =	stream.indirect.scatter.add.f32 [tilespmem:s30], [sflag:$0x8], $0x80, s23, s26, $0xb8;
	[tilespmem:$0x1ED80] =	vst v63  }
0xba: {  	_ =	swait.ge [sflag:s21], $0x2000  }
0xbb: {  	[sflag:s21] =	ssyncset.done $0x0  }
0xbc: {  	[sflag:s21] =	ssyncadd.s32 $0xFFFFE000  }
0xbd: {  	[tilespmem:s30], [sflag:$0x6] =	stream.indirect.gather [hbm4b:s4+s26], $0x80, s11, s26, $0xb8;
	[tilespmem:$0x1ED80] =	vst v63  }
0xbe: {  	_ = 	snop  }
0xbf: {  	[tilespmem:s23], [sflag:$0x3] =	stream.linear.gather [hbm4b:s14+s3], $0x40, $0x38;
	[tilespmem:$0x1ED80] =	vst v63  }
0xc0: {  	_ =	swait.ge [sflag:s9], $0x2000  }
0xc1: {  	[sflag:s9] =	ssyncset.done $0x0  }
0xc2: {  	[sflag:s9] =	ssyncadd.s32 $0xFFFFE000  }
0xc3: {  	_ =	swait.ge [sflag:s10], $0x40  }
0xc4: {  	[sflag:s10] =	ssyncset.done $0x0  }
0xc5: {  	[sflag:s10] =	ssyncadd.s32 $0xFFFFFFC0  }
0xc6: {  	[spmem:s2] =	stream.indirect.scatter.add.f32 [tilespmem:s1], [sflag:$0x8], $0x80, s24, s26, $0xb8;
	[tilespmem:$0x1ED80] =	vst v63  }
0xc7: {  	_ =	swait.ge [sflag:s21], $0x2000  }
0xc8: {  	[sflag:s21] =	ssyncset.done $0x0  }
0xc9: {  	[sflag:s21] =	ssyncadd.s32 $0xFFFFE000  }
0xca: {  	[tilespmem:s1], [sflag:$0x7] =	stream.indirect.gather [hbm4b:s4+s26], $0x80, s11, s26, $0xb8;
	[tilespmem:$0x1ED80] =	vst v63  }
0xcb: {  	_ = 	snop  }
0xcc: {  	[tilespmem:s24], [sflag:$0x4] =	stream.linear.gather [hbm4b:s14+s3], $0x40, $0x38;
	[tilespmem:$0x1ED80] =	vst v63  }
0xcd: {  	_ =	swait.ge [sflag:s0], $0x2000  }
0xce: {  	[sflag:s0] =	ssyncset.done $0x0  }
0xcf: {  	[sflag:s0] =	ssyncadd.s32 $0xFFFFE000  }
0xd0: {  	_ =	swait.ge [sflag:s31], $0x2000  }
0xd1: {  	[sflag:s31] =	ssyncset.done $0x0  }
0xd2: {  	[sflag:s31] =	ssyncadd.s32 $0xFFFFE000  }
0xd3: {  	_ =	swait.ge [sflag:s9], $0x2000  }
0xd4: {  	[sflag:s9] =	ssyncset.done $0x0  }
0xd5: {  	[sflag:s9] =	ssyncadd.s32 $0xFFFFE000  }
0xd6: {  	_ =	swait.ge [sflag:s29], $0x40  }
0xd7: {  	[sflag:s29] =	ssyncset.done $0x0  }
0xd8: {  	[sflag:s29] =	ssyncadd.s32 $0xFFFFFFC0  }
0xd9: {  	_ =	swait.ge [sflag:s6], $0x40  }
0xda: {  	[sflag:s6] =	ssyncset.done $0x0  }
0xdb: {  	[sflag:s6] =	ssyncadd.s32 $0xFFFFFFC0  }
0xdc: {  	_ =	swait.ge [sflag:s10], $0x40  }
0xdd: {  	[sflag:s10] =	ssyncset.done $0x0  }
0xde: {  	[sflag:s10] =	ssyncadd.s32 $0xFFFFFFC0  }
0xdf: {  	[bflag:$0x0] =	sbarrier.arrive $0xFFFF  }
0xe0: {  	s19 =	rddreg [dreg:$0x8]  }
0xe1: {  	[hbm:s19], [sflag:s25] =	dma.local [spmem:s20], $0x2780  }
0xe2: {  	_ =	swait.ge [sflag:s21], $0x2780  }
0xe3: {  	s8 =	smov.u32 s25;
	s12 =	sadd.s32 $0x1, s12;
	s25 =	rddreg [dreg:$0x9]  }
0xe4: {  	p0 =	sne.s32 s12, s25  }
.Ltmp1:
0xe5: {  	_ = 	snop;
	(pc) =	sbr.rel @p0 .LBB2_1-.Ltmp1, $3  }
0xe6: {  	_ =	sdelay $0x1  }
0xe7: {  	[sflag:s21] =	ssyncset.done $0x0  }
0xe8: {  	[sflag:s21] =	ssyncadd.s32 $0xFFFFD880  }
0xe9: {  	_ =	sfence.sel $0x180000  }
0xea: {  	[bflag:$0x0] =	sbarrier.arrive $0xFFFF  }
0xeb: {  	_ =	strace $0x9000004A  }
0xec: {  	s0 =	stileid.u32;
	[bflag:$0x2] =	sbarrier.arrive $0xFFFF  }
0xed: {  	p0 =	sne.s32 s0, $0x0;
	s0 =	rddreg [dreg:$0x2]  }
0xee: {  	s0 =	sadd.s32 @!p0 $0x100000, s0  }
0xef: {  	[sflag:s0] =	ssyncadd.tile.s32 @!p0 $0x1;
	_ =	shalt  }
.Lfunc_end2:
_tile_overlayer_lowered:
.L_overlay_start_2:
0xf0: {  	(tag) =	ssettag $0x2  }
0xf1: {  	s0 =	rddreg [dreg:$0x0];
	s2 =	stileid.u32  }
0xf2: {  	s1 =	rddreg [dreg:$0x1];
	p0 =	sne.s32 s2, $0x0  }
0xf3: {  	s3 =	rddreg [dreg:$0x2];
	[bflag:$0x3] =	sbarrier.arrive $0xFFFF;
	s2 =	simm.s32 @!p0 $0x1C08  }
0xf4: {  	[timem:s3], [sflag:s2] =	dma.local @!p0 [hbm:s0], s1  }
0xf5: {  	s0 =	simm.s32 @!p0 $0x8  }
0xf6: {  	_ =	swait.ge @!p0 [sflag:s0], s1  }
0xf7: {  	s1 =	ssub.s32 @!p0 $0x0, s1;
	[sflag:s0] =	ssyncset.done @!p0 $0x0  }
0xf8: {  	[sflag:s0] =	ssyncadd.s32 @!p0 s1  }
0xf9: {  	[bflag:$0x3] =	sbarrier.arrive $0xFFFF  }
0xfa: {  	_ =	shalt  }

// kernel: kernel.24.cloned.1.call-start
scs
__scs_entry_jumppad:
0x0: {  	(pc) =	sbr.rel $0x88, $3  }
0x1: {  	(tag) =	ssettag $0x0;
	lr =	simm.s32 $0x1  }
0x2: {  	[smem:$0x3F96] =	sst lr;
	_ =	strace $0xD0000000  }
0x3: {  	_ = 	snop  }
0x4: {  	_ = 	snop  }
0x5: {  	_ = 	snop  }
0x6: {  	_ = 	snop  }
0x7: {  	_ = 	snop  }
__scs_overlays_trampoline_lowered:
0x8: {  	[smem:$0x3FA5] =	sst s0  }
0x9: {  	[smem:$0x3FA6] =	sst s1  }
0xa: {  	[smem:$0x3FA7] =	sst s2  }
0xb: {  	[smem:$0x3FA8] =	sst s3  }
0xc: {  	[smem:$0x3FA9] =	sst s4  }
0xd: {  	[smem:$0x3FAA] =	sst s5  }
0xe: {  	[smem:$0x3FAB] =	sst s6  }
0xf: {  	[smem:$0x3FAC] =	sst s7  }
0x10: {  	[smem:$0x3FAD] =	sst s8  }
0x11: {  	[smem:$0x3FAE] =	sst s9;
	s0 =	simm.s32 @!p0 $0x0  }
0x12: {  	s1 =	sld [smem:$0x3F94];
	s0 =	simm.s32 @p0 $0x1  }
0x13: {  	[smem:$0x3FAF] =	sst s0;
	s0 =	simm.s32 @!p1 $0x0  }
0x14: {  	s2 =	sld [smem:$0x3F93];
	s0 =	simm.s32 @p1 $0x1  }
0x15: {  	[smem:$0x3FB0] =	sst s0;
	s0 =	simm.s32 @!p2 $0x0  }
0x16: {  	s3 =	sld [smem:$0x3FDB];
	s0 =	simm.s32 @p2 $0x1  }
0x17: {  	s4 =	simm.s32 $0x1BF5;
	[smem:$0x3FB2] =	sst s0  }
0x18: {  	s0 =	sld [smem:$0x3F95];
	_ =	swait.ge [sflag:s4], $0x0  }
0x19: {  	s7 =	sld [smem:$0x3F96]  }
0x1a: {  	s8 =	sadd.s32 $0xFFFFE003, lr  }
0x1b: {  	s9 =	sadd.s32 $0xFFFFFEF7, lr;
	s5 =	simm.s32 $0xFFFFFFFF;
	p2 =	slt.u32 s8, $0xFFFFF086  }
0x1c: {  	p1 =	slt.u32 s9, $0xF7A;
	s5 =	simm.s32 @!p2 $0x0  }
0x1d: {  	s5 =	simm.s32 @p1 $0x1;
	p0 =	seq.s32 s7, s2  }
0x1e: {  	s7 =	smul.u32 @!p0 $0xF7A, s2;
	p2 =	seq.s32 @!p0 s5, $0x0  }
0x1f: {  	s9 =	smul.u32 $0xF7A, s1;
	s8 =	simm.s32 @!p0 $0x1BF5;
	p2 =	por !p2, p0  }
0x20: {  	[sflag:s8] =	ssyncset.s32 @!p0 $0xFFFFF086;
	s6 =	sadd.s32 @!p0 s3, s7;
	s7 =	simm.s32 @!p0 $0x108  }
0x21: {  	s3 =	sadd.s32 s3, s9;
	s6 =	sadd.s32 @!p0 $0x88, s6;
	s7 =	simm.s32 @p2 $0x1082  }
0x22: {  	[simem:s7], [sflag:s8] =	dma.local @!p0 [hbm:s6], $0xF7A  }
0x23: {  	s9 =	sor.u32 $0xD0000000, s2;
	s6 =	simm.s32 $0x108;
	_ =	swait.ge @!p0 [sflag:s8], $0x0  }
0x24: {  	s3 =	sadd.s32 $0x88, s3;
	s6 =	simm.s32 @!p1 $0x1082;
	[sflag:s4] =	ssyncset.s32 $0xFFFFF086  }
0x25: {  	[simem:s6], [sflag:s4] =	dma.local [hbm:s3], $0xF7A  }
0x26: {  	[smem:$0x3F96] =	sst s1;
	(tag) =	ssettag s2;
	_ =	strace s9  }
0x27: {  	s1 =	sld [smem:$0x3FA6]  }
0x28: {  	s2 =	sld [smem:$0x3FA7]  }
0x29: {  	s4 =	sld [smem:$0x3FA9]  }
0x2a: {  	p0 =	seq.s32 s5, $0x0;
	s5 =	sld [smem:$0x3FAA]  }
0x2b: {  	s6 =	sld [smem:$0x3FAB]  }
0x2c: {  	s7 =	sld [smem:$0x3FAC]  }
0x2d: {  	s3 =	simm.s32 $0x108;
	s8 =	sld [smem:$0x3FAD]  }
0x2e: {  	s3 =	simm.s32 @!p0 $0x1082;
	s9 =	sld [smem:$0x3FAE]  }
0x2f: {  	lr =	sadd.s32 s0, s3;
	s0 =	sld [smem:$0x3FA5]  }
0x30: {  	s3 =	sld [smem:$0x3FA8]  }
0x31: {  	[smem:$0x3FB1] =	sst s10  }
0x32: {  	s10 =	sld [smem:$0x3FAF];
	_ =	sdelay $0x3  }
0x33: {  	p0 =	seq.s32 s10, $0x1;
	s10 =	sld [smem:$0x3FB1];
	_ =	sdelay $0x3  }
0x34: {  	[smem:$0x3FB1] =	sst s10  }
0x35: {  	s10 =	sld [smem:$0x3FB0];
	_ =	sdelay $0x3  }
0x36: {  	p1 =	seq.s32 s10, $0x1;
	s10 =	sld [smem:$0x3FB1];
	_ =	sdelay $0x3  }
0x37: {  	[smem:$0x3FB1] =	sst s10  }
0x38: {  	s10 =	sld [smem:$0x3FB2]  }
0x39: {  	_ = 	snop;
	(pc) =	sbr.ind lr, $3  }
0x3a: {  	_ = 	snop  }
0x3b: {  	_ = 	snop  }
0x3c: {  	p2 =	seq.s32 s10, $0x1;
	s10 =	sld [smem:$0x3FB1]  }
0x3d: {  	_ =	shalt  }
0x3e: {  	_ =	shalt  }
0x3f: {  	_ =	shalt  }
0x40: {  	_ =	shalt  }
0x41: {  	_ =	shalt  }
0x42: {  	_ =	shalt  }
0x43: {  	_ =	shalt  }
0x44: {  	_ =	shalt  }
0x45: {  	_ =	shalt  }
0x46: {  	_ =	shalt  }
0x47: {  	_ =	shalt  }
0x48: {  	_ =	shalt  }
0x49: {  	_ =	shalt  }
0x4a: {  	_ =	shalt  }
0x4b: {  	_ =	shalt  }
0x4c: {  	_ =	shalt  }
0x4d: {  	_ =	shalt  }
0x4e: {  	_ =	shalt  }
0x4f: {  	_ =	shalt  }
0x50: {  	_ =	shalt  }
0x51: {  	_ =	shalt  }
0x52: {  	_ =	shalt  }
0x53: {  	_ =	shalt  }
0x54: {  	_ =	shalt  }
0x55: {  	_ =	shalt  }
0x56: {  	_ =	shalt  }
0x57: {  	_ =	shalt  }
0x58: {  	_ =	shalt  }
0x59: {  	_ =	shalt  }
0x5a: {  	_ =	shalt  }
0x5b: {  	_ =	shalt  }
0x5c: {  	_ =	shalt  }
0x5d: {  	_ =	shalt  }
0x5e: {  	_ =	shalt  }
0x5f: {  	_ =	shalt  }
0x60: {  	_ =	shalt  }
0x61: {  	_ =	shalt  }
0x62: {  	_ =	shalt  }
0x63: {  	_ =	shalt  }
0x64: {  	_ =	shalt  }
0x65: {  	_ =	shalt  }
0x66: {  	_ =	shalt  }
0x67: {  	_ =	shalt  }
0x68: {  	_ =	shalt  }
0x69: {  	_ =	shalt  }
0x6a: {  	_ =	shalt  }
0x6b: {  	_ =	shalt  }
0x6c: {  	_ =	shalt  }
0x6d: {  	_ =	shalt  }
0x6e: {  	_ =	shalt  }
0x6f: {  	_ =	shalt  }
0x70: {  	_ =	shalt  }
0x71: {  	_ =	shalt  }
0x72: {  	_ =	shalt  }
0x73: {  	_ =	shalt  }
0x74: {  	_ =	shalt  }
0x75: {  	_ =	shalt  }
0x76: {  	_ =	shalt  }
0x77: {  	_ =	shalt  }
0x78: {  	_ =	shalt  }
0x79: {  	_ =	shalt  }
0x7a: {  	_ =	shalt  }
0x7b: {  	_ =	shalt  }
0x7c: {  	_ =	shalt  }
0x7d: {  	_ =	shalt  }
0x7e: {  	_ =	shalt  }
0x7f: {  	_ =	shalt  }
0x80: {  	_ =	shalt  }
0x81: {  	_ =	shalt  }
0x82: {  	_ =	shalt  }
0x83: {  	_ =	shalt  }
0x84: {  	_ =	shalt  }
0x85: {  	_ =	shalt  }
0x86: {  	_ =	shalt  }
0x87: {  	_ =	shalt  }
.Lfunc_end0:
.L_simem_size_0:
called_computation.2_lowered:
.L_overlay_start_0:
0x88: {  	s2 =	sld [smem:$0x3FD9]  }
0x89: {  	s3 =	sld [smem:$0x3FFE];
	_ =	sdelay $0x1  }
0x8a: {  	s1 =	srdreg.scid  }
0x8b: {  	s0 =	sand.u32 $0x1, s1  }
0x8c: {  	s16 =	sshll.u32 s0, $0xA;
	s2 =	sadd.s32 s3, s2  }
0x8d: {  	s2 =	sadd.s32 s2, s16  }
0x8e: {  	[smem:$0x3FBD] =	sst s2  }
0x8f: {  	_ = 	snop  }
0x90: {  	(tm) =	ssettm $0x1  }
0x91: {  	s17 =	sld [smem:$0x3FFB];
	_ =	sdelay $0x3  }
0x92: {  	_ =	strace s17  }
0x93: {  	s2 =	sld [smem:$0x3FFC];
	_ =	sdelay $0x3  }
0x94: {  	_ =	strace s2  }
0x95: {  	s2 =	sld [smem:$0x3FFD];
	_ =	sdelay $0x3  }
0x96: {  	_ =	strace s2  }
0x97: {  	_ =	strace $0x8FFFFFFF  }
0x98: {  	s18 =	sld [smem:$0x3FDB];
	_ =	sdelay $0x1  }
0x99: {  	s19 =	simm.s32 $_scs_section_size  }
0x9a: {  	s4 =	simm.s32 $_size__tile_overlayer_lowered;
	s5 =	simm.s32 $_tile_overlayer_lowered  }
0x9b: {  	s22 =	simm.s32 $0x1BFF;
	s21 =	sshll.u32 s5, $0x1;
	s2 =	sadd.s32 s19, s18  }
0x9c: {  	s6 =	simm.s32 $0x0;
	s20 =	sshll.u32 s4, $0x1;
	s4 =	sadd.s32 s21, s2  }
0x9d: {  	[timem:s6], [sflag:s22] =	dma.local [hbm:s4], s20  }
0x9e: {  	_ =	swait.ge [sflag:s22], s20  }
0x9f: {  	s3 =	ssub.s32 $0x0, s20;
	[sflag:s22] =	ssyncset.done $0x0  }
0xa0: {  	[sflag:s22] =	ssyncadd.s32 s3;
	_ =	sdelay $0x1  }
0xa1: {  	s23 =	simm.s32 $0x1B8B  }
0xa2: {  	_ =	swait.ge [sflag:s23], $0x1  }
0xa3: {  	[sflag:s23] =	ssyncset.done $0x0  }
0xa4: {  	s25 =	simm.s32 $0x1B8E;
	s24 =	sld [smem:$0x3FFE];
	[sflag:s23] =	ssyncadd.s32 $0xFFFFFFFF  }
0xa5: {  	s26 =	simm.s32 $execute0_lowered;
	[smem:$0x3FD2] =	sst s25  }
0xa6: {  	s4 =	sshll.u32 s26, $0x1;
	_ =	strace $0x8000004C;
	[dreg:$0x1] =	wrdreg $0xFFFFFFFF  }
0xa7: {  	s28 =	simm.s32 $_size_execute0_lowered;
	s2 =	sadd.s32 s2, s4;
	[dreg:$0x0] =	wrdreg $0x0  }
0xa8: {  	s4 =	sshll.u32 s28, $0x1;
	[dreg:$0x2] =	wrdreg s2  }
0xa9: {  	[dreg:$0x3] =	wrdreg s4  }
0xaa: {  	[dreg:$0x4] =	wrdreg $0xC0  }
0xab: {  	_ =	task [dreg:s6], $0x5FFFF  }
0xac: {  	[dreg:$0x1] =	wrdreg $0xFFFFFFFF  }
0xad: {  	[dreg:$0x0] =	wrdreg $0x60  }
0xae: {  	[dreg:$0x2] =	wrdreg s24  }
0xaf: {  	[dreg:$0x3] =	wrdreg $0xB1800  }
0xb0: {  	[dreg:$0x4] =	wrdreg $0x9  }
0xb1: {  	_ =	task.clear_ibuf [dreg:s6], $0x5FFFF;
	_ =	strace $0x9000004C  }
0xb2: {  	s29 =	simm.s32 $0x9;
	_ =	strace $0x8000004E  }
0xb3: {  	_ =	swait.ge [sflag:s29], $0x1  }
0xb4: {  	[sflag:s29] =	ssyncadd.s32 $0xFFFFFFFF  }
0xb5: {  	_ =	strace $0x9000004E  }
0xb6: {  	_ =	sfence  }
0xb7: {  	s30 =	sld [smem:$0x0];
	_ =	sdelay $0x2  }
0xb8: {  	s31 =	sshll.u32 s1, $0xD;
	s1 =	sshrl.u32 s1, $0x2  }
0xb9: {  	s3 =	sand.u32 $0x4000, s31;
	s1 =	sadd.s32 s1, s30  }
0xba: {  	s0 =	sor.u32 s3, s0;
	s1 =	sshll.u32 s1, $0x11  }
0xbb: {  	s0 =	sor.u32 s1, s0  }
0xbc: {  	s0 =	sadd.s32 $0x8F2B, s0  }
0xbd: {  	[sflag:s0] =	ssyncadd.remote.s32 $0x1  }
0xbe: {  	_ =	sfence.sel $0xFFFF  }
0xbf: {  	[dreg:$0x0] =	wrdreg $0xFFFFFFFF;
	(pc) =	sbr.abs _section_cstart, $3  }
0xc0: {  	[dreg:$0x1] =	wrdreg $0xFFFFFFFF  }
0xc1: {  	_ =	task.clear_ibuf [dreg:s6], $0x2FFFF;
	_ =	strace $0x9FFFFFFF  }
0xc2: {  	(tm) =	ssettm $0x7FFFFFFF  }
0xc3: {  	_ =	shalt  }
tec
execute0_lowered:
.L_overlay_start_1:
0x0: {  	(tag) =	ssettag $0x1  }
0x1: {  	s0 =	srdreg.scid;
	s1 =	rddreg [dreg:$0x0]  }
0x2: {  	s13 =	stileid.u32;
	s2 =	rddreg [dreg:$0x1];
	s28 =	simm.s32 $0x5180  }
0x3: {  	s30 =	simm.s32 $0x7180;
	s29 =	simm.s32 $0x2;
	s7 =	smul.u32 $0x13C00, s13  }
0x4: {  	s31 =	simm.s32 $0x6;
	s0 =	sand.u32 $0x1, s0;
	s26 =	smul.u32 $0x4F000, s13  }
0x5: {  	s3 =	sshll.u32 s13, $0x1;
	s4 =	sadd.s32 $0x38800, s1;
	s15 =	smul.u32 $0x4F80, s13  }
0x6: {  	s16 =	sshll.u32 s13, $0x6;
	s6 =	sor.u32 s0, s3;
	s8 =	smul.u32 $0x13C000, s0  }
0x7: {  	s3 =	simm.s32 $0x0;
	s11 =	ssub.s32 $0x2, s0;
	s0 =	smul.u32 $0x27C0, s0  }
0x8: {  	s5 =	smul.u32 $0xA00, s6;
	[smem:$0x7FF] =	sst s3;
	s10 =	sshrl.u32 s7, $0x3  }
0x9: {  	s12 =	sshrl.u32 s11, $0x1;
	s6 =	smul.u32 $0x27C0, s6;
	_ =	strace $0x8000004D  }
0xa: {  	s7 =	sadd.s32 s7, s8;
	s10 =	sadd.s32 s10, s1;
	s8 =	sshrl.u32 s26, $0x2  }
0xb: {  	s12 =	ssub.s32 s11, s12;
	s0 =	sadd.s32 s0, s15;
	s9 =	sadd.s32 s5, s1  }
0xc: {  	s5 =	sadd.s32 $0x88000, s1;
	s7 =	sshrl.u32 s7, $0x3;
	s11 =	sadd.s32 s8, s2  }
0xd: {  	s14 =	sadd.s32 $0x11000, s10;
	s6 =	sshrl.u32 s6, $0x3;
	s8 =	sor.u32 $0x1C08, s16  }
0xe: {  	s21 =	smax.u32 s12, $0x1;
	s22 =	sadd.s32 $0x140, s0;
	s24 =	sadd.s32 $0x100, s0  }
0xf: {  	s0 =	sadd.s32 $0xC0, s0;
	s10 =	simm.s32 $0x4;
	[dreg:$0x3] =	wrdreg s14  }
0x10: {  	s12 =	simm.s32 $0x0;
	s1 =	sadd.s32 s7, s1;
	[dreg:$0x9] =	wrdreg s21  }
0x11: {  	s17 =	sadd.s32 s5, s6;
	s18 =	sadd.s32 $0x92000, s9;
	[dreg:$0xe] =	wrdreg s0  }
0x12: {  	s26 =	sshrl.u32 s24, $0x3;
	s21 =	simm.s32 $0x8;
	[dreg:$0x5] =	wrdreg s18  }
0x13: {  	s24 =	simm.s32 $0x5100;
	s19 =	sadd.s32 $0x8, s17;
	[dreg:$0x4] =	wrdreg s17  }
0x14: {  	s0 =	simm.s32 $0x5;
	s20 =	sadd.s32 $0x10, s17;
	[dreg:$0x6] =	wrdreg s19  }
0x15: {  	s6 =	simm.s32 $0x3;
	s1 =	sadd.s32 $0xA7000, s1;
	[dreg:$0x7] =	wrdreg s20  }
0x16: {  	s9 =	simm.s32 $0x7;
	s23 =	sadd.s32 $0x4E0, s17;
	[dreg:$0x8] =	wrdreg s1  }
0x17: {  	s14 =	sadd.s32 $0x4F0, s17;
	s25 =	sadd.s32 $0x4E8, s17;
	[dreg:$0xa] =	wrdreg s23  }
0x18: {  	s1 =	sshrl.u32 s22, $0x3;
	[dreg:$0xb] =	wrdreg s25;
	s20 =	sshrl.u32 s11, $0x3  }
0x19: {  	s22 =	simm.s32 $0x5000;
	s23 =	simm.s32 $0x5080;
	s1 =	sadd.s32 s1, s5  }
0x1a: {  	s11 =	simm.s32 $0x4F00;
	[dreg:$0xc] =	wrdreg s1;
	s1 =	sadd.s32 s26, s5  }
0x1b: {  	s26 =	simm.s32 $0x40;
	[dreg:$0xd] =	wrdreg s1;
	s1 =	simm.s32 $0x9180  }
.LBB2_1:
0x1c: {  	s7 =	rddreg [dreg:$0x3]  }
0x1d: {  	[spmem:s20], [sflag:s8] =	dma.local [hbm:s7], $0x2780  }
0x1e: {  	_ =	swait.ge [sflag:s21], $0x2780  }
0x1f: {  	[sflag:s21] =	ssyncset.done $0x0  }
0x20: {  	s25 =	smov.u32 s8;
	s8 =	rddreg [dreg:$0x5];
	[sflag:s21] =	ssyncadd.s32 $0xFFFFD880  }
0x21: {  	[tilespmem:s3], [sflag:$0x1] =	stream.linear.gather [hbm4b:s8+s3], $0x4F80, $0x38;
	[tilespmem:$0x1ED80] =	vst v63  }
0x22: {  	s13 =	rddreg [dreg:$0x4]  }
0x23: {  	[tilespmem:s22], [sflag:$0x2] =	stream.linear.gather [hbm4b:s13+s3], $0x40, $0x38;
	[tilespmem:$0x1ED80] =	vst v63  }
0x24: {  	s15 =	rddreg [dreg:$0x6]  }
0x25: {  	[tilespmem:s23], [sflag:$0x3] =	stream.linear.gather [hbm4b:s15+s3], $0x40, $0x38;
	[tilespmem:$0x1ED80] =	vst v63  }
0x26: {  	s17 =	simm.s32 $0x1;
	s16 =	rddreg [dreg:$0x7]  }
0x27: {  	[tilespmem:s24], [sflag:$0x4] =	stream.linear.gather [hbm4b:s16+s3], $0x40, $0x38;
	[tilespmem:$0x1ED80] =	vst v63  }
0x28: {  	_ =	swait.ge [sflag:s17], $0x4F80  }
0x29: {  	[sflag:s17] =	ssyncset.done $0x0  }
0x2a: {  	[sflag:s17] =	ssyncadd.s32 $0xFFFFB080  }
0x2b: {  	[tilespmem:s28], [sflag:$0x5] =	stream.indirect.gather [hbm4b:s4+s26], $0x80, s3, s26, $0xb8;
	[tilespmem:$0x1ED80] =	vst v63  }
0x2c: {  	s18 =	simm.s32 $0x80  }
0x2d: {  	[tilespmem:s30], [sflag:$0x6] =	stream.indirect.gather [hbm4b:s4+s26], $0x80, s18, s26, $0xb8;
	[tilespmem:$0x1ED80] =	vst v63  }
0x2e: {  	s19 =	simm.s32 $0x100  }
0x2f: {  	[tilespmem:s1], [sflag:$0x7] =	stream.indirect.gather [hbm4b:s4+s26], $0x80, s19, s26, $0xb8;
	[tilespmem:$0x1ED80] =	vst v63  }
0x30: {  	[bflag:$0x0] =	sbarrier.arrive $0xFFFF  }
0x31: {  	_ =	swait.ge [sflag:s0], $0x2000  }
0x32: {  	[sflag:s0] =	ssyncset.done $0x0  }
0x33: {  	[sflag:s0] =	ssyncadd.s32 $0xFFFFE000  }
0x34: {  	_ =	swait.ge [sflag:s29], $0x40  }
0x35: {  	[sflag:s29] =	ssyncset.done $0x0  }
0x36: {  	[sflag:s29] =	ssyncadd.s32 $0xFFFFFFC0  }
0x37: {  	[spmem:s2] =	stream.indirect.scatter.add.f32 [tilespmem:s28], [sflag:$0x8], $0x80, s22, s26, $0xb8;
	[tilespmem:$0x1ED80] =	vst v63  }
0x38: {  	_ =	swait.ge [sflag:s21], $0x2000  }
0x39: {  	[sflag:s21] =	ssyncset.done $0x0;
	s18 =	rddreg [dreg:$0xe]  }
0x3a: {  	s8 =	simm.s32 $0x180;
	[sflag:s21] =	ssyncadd.s32 $0xFFFFE000;
	s13 =	sshrl.u32 s18, $0x3  }
0x3b: {  	[tilespmem:s28], [sflag:$0x5] =	stream.indirect.gather [hbm4b:s4+s26], $0x80, s8, s26, $0xb8;
	[tilespmem:$0x1ED80] =	vst v63  }
0x3c: {  	s13 =	sadd.s32 s5, s13  }
0x3d: {  	[tilespmem:s22], [sflag:$0x2] =	stream.linear.gather [hbm4b:s13+s3], $0x40, $0x38;
	[tilespmem:$0x1ED80] =	vst v63  }
0x3e: {  	_ =	swait.ge [sflag:s31], $0x2000  }
0x3f: {  	[sflag:s31] =	ssyncset.done $0x0  }
0x40: {  	[sflag:s31] =	ssyncadd.s32 $0xFFFFE000  }
0x41: {  	_ =	swait.ge [sflag:s6], $0x40  }
0x42: {  	[sflag:s6] =	ssyncset.done $0x0  }
0x43: {  	[sflag:s6] =	ssyncadd.s32 $0xFFFFFFC0  }
0x44: {  	[spmem:s2] =	stream.indirect.scatter.add.f32 [tilespmem:s30], [sflag:$0x8], $0x80, s23, s26, $0xb8;
	[tilespmem:$0x1ED80] =	vst v63  }
0x45: {  	_ =	swait.ge [sflag:s21], $0x2000  }
0x46: {  	[sflag:s21] =	ssyncset.done $0x0  }
0x47: {  	s15 =	simm.s32 $0x200;
	[sflag:s21] =	ssyncadd.s32 $0xFFFFE000  }
0x48: {  	[tilespmem:s30], [sflag:$0x6] =	stream.indirect.gather [hbm4b:s4+s26], $0x80, s15, s26, $0xb8;
	[tilespmem:$0x1ED80] =	vst v63  }
0x49: {  	s16 =	rddreg [dreg:$0xd]  }
0x4a: {  	[tilespmem:s23], [sflag:$0x3] =	stream.linear.gather [hbm4b:s16+s3], $0x40, $0x38;
	[tilespmem:$0x1ED80] =	vst v63  }
0x4b: {  	_ =	swait.ge [sflag:s9], $0x2000  }
0x4c: {  	[sflag:s9] =	ssyncset.done $0x0  }
0x4d: {  	[sflag:s9] =	ssyncadd.s32 $0xFFFFE000  }
0x4e: {  	_ =	swait.ge [sflag:s10], $0x40  }
0x4f: {  	[sflag:s10] =	ssyncset.done $0x0  }
0x50: {  	[sflag:s10] =	ssyncadd.s32 $0xFFFFFFC0  }
0x51: {  	[spmem:s2] =	stream.indirect.scatter.add.f32 [tilespmem:s1], [sflag:$0x8], $0x80, s24, s26, $0xb8;
	[tilespmem:$0x1ED80] =	vst v63  }
0x52: {  	s19 =	simm.s32 $0x280;
	s7 =	sadd.s32 $0xC0, s18;
	_ =	swait.ge [sflag:s21], $0x2000  }
0x53: {  	s13 =	simm.s32 $0x600;
	[sflag:s21] =	ssyncset.done $0x0;
	s17 =	rddreg [dreg:$0xc]  }
0x54: {  	s16 =	sadd.s32 $0x18, s16;
	[sflag:s21] =	ssyncadd.s32 $0xFFFFE000;
	s15 =	sadd.s32 $0x18, s17  }
0x55: {  	[tilespmem:s1], [sflag:$0x7] =	stream.indirect.gather [hbm4b:s4+s26], $0x80, s19, s26, $0xb8;
	[tilespmem:$0x1ED80] =	vst v63  }
.LBB2_2:
0x56: {  	[tilespmem:s24], [sflag:$0x4] =	stream.linear.gather [hbm4b:s17+s3], $0x40, $0x38;
	[tilespmem:$0x1ED80] =	vst v63  }
0x57: {  	s8 =	smov.u32 s13;
	s17 =	smov.u32 s15  }
0x58: {  	p0 =	sne.s32 s13, $0x12C00;
	s13 =	sadd.s32 $0x600, s13;
	_ =	swait.ge [sflag:s0], $0x2000  }
0x59: {  	[sflag:s0] =	ssyncset.done $0x0  }
0x5a: {  	[sflag:s0] =	ssyncadd.s32 $0xFFFFE000  }
0x5b: {  	_ =	swait.ge [sflag:s29], $0x40  }
0x5c: {  	[sflag:s29] =	ssyncset.done $0x0  }
0x5d: {  	[sflag:s29] =	ssyncadd.s32 $0xFFFFFFC0  }
0x5e: {  	[spmem:s2] =	stream.indirect.scatter.add.f32 [tilespmem:s28], [sflag:$0x8], $0x80, s22, s26, $0xb8;
	[tilespmem:$0x1ED80] =	vst v63  }
0x5f: {  	_ =	swait.ge [sflag:s21], $0x2000  }
0x60: {  	s8 =	sshra.s32 s8, $0x2;
	[sflag:s21] =	ssyncset.done $0x0  }
0x61: {  	s19 =	sshrl.u32 s7, $0x3;
	s18 =	sadd.s32 $0x180, s8;
	[sflag:s21] =	ssyncadd.s32 $0xFFFFE000  }
0x62: {  	[tilespmem:s28], [sflag:$0x5] =	stream.indirect.gather [hbm4b:s4+s26], $0x80, s18, s26, $0xb8;
	[tilespmem:$0x1ED80] =	vst v63  }
0x63: {  	s18 =	sadd.s32 s5, s19  }
0x64: {  	[tilespmem:s22], [sflag:$0x2] =	stream.linear.gather [hbm4b:s18+s3], $0x40, $0x38;
	[tilespmem:$0x1ED80] =	vst v63  }
0x65: {  	_ =	swait.ge [sflag:s31], $0x2000  }
0x66: {  	[sflag:s31] =	ssyncset.done $0x0  }
0x67: {  	[sflag:s31] =	ssyncadd.s32 $0xFFFFE000  }
0x68: {  	_ =	swait.ge [sflag:s6], $0x40  }
0x69: {  	[sflag:s6] =	ssyncset.done $0x0  }
0x6a: {  	[sflag:s6] =	ssyncadd.s32 $0xFFFFFFC0  }
0x6b: {  	[spmem:s2] =	stream.indirect.scatter.add.f32 [tilespmem:s30], [sflag:$0x8], $0x80, s23, s26, $0xb8;
	[tilespmem:$0x1ED80] =	vst v63  }
0x6c: {  	_ =	swait.ge [sflag:s21], $0x2000  }
0x6d: {  	[sflag:s21] =	ssyncset.done $0x0  }
0x6e: {  	s18 =	sadd.s32 $0x200, s8;
	[sflag:s21] =	ssyncadd.s32 $0xFFFFE000  }
0x6f: {  	[tilespmem:s30], [sflag:$0x6] =	stream.indirect.gather [hbm4b:s4+s26], $0x80, s18, s26, $0xb8;
	[tilespmem:$0x1ED80] =	vst v63  }
0x70: {  	_ = 	snop  }
0x71: {  	[tilespmem:s23], [sflag:$0x3] =	stream.linear.gather [hbm4b:s16+s3], $0x40, $0x38;
	[tilespmem:$0x1ED80] =	vst v63  }
0x72: {  	_ =	swait.ge [sflag:s9], $0x2000  }
0x73: {  	[sflag:s9] =	ssyncset.done $0x0  }
0x74: {  	[sflag:s9] =	ssyncadd.s32 $0xFFFFE000  }
0x75: {  	_ =	swait.ge [sflag:s10], $0x40  }
0x76: {  	[sflag:s10] =	ssyncset.done $0x0  }
0x77: {  	[sflag:s10] =	ssyncadd.s32 $0xFFFFFFC0  }
0x78: {  	[spmem:s2] =	stream.indirect.scatter.add.f32 [tilespmem:s1], [sflag:$0x8], $0x80, s24, s26, $0xb8;
	[tilespmem:$0x1ED80] =	vst v63  }
.Ltmp0:
0x79: {  	_ =	swait.ge [sflag:s21], $0x2000;
	(pc) =	sbr.rel @p0 .LBB2_2-.Ltmp0, $4  }
0x7a: {  	[sflag:s21] =	ssyncset.done $0x0  }
0x7b: {  	s8 =	sadd.s32 $0x280, s8;
	[sflag:s21] =	ssyncadd.s32 $0xFFFFE000  }
0x7c: {  	[tilespmem:s1], [sflag:$0x7] =	stream.indirect.gather [hbm4b:s4+s26], $0x80, s8, s26, $0xb8;
	[tilespmem:$0x1ED80] =	vst v63  }
0x7d: {  	s15 =	sadd.s32 $0x18, s15;
	s7 =	sadd.s32 $0xC0, s7;
	s16 =	sadd.s32 $0x18, s16  }
0x7e: {  	[tilespmem:s24], [sflag:$0x4] =	stream.linear.gather [hbm4b:s17+s3], $0x40, $0x38;
	[tilespmem:$0x1ED80] =	vst v63  }
0x7f: {  	_ =	swait.ge [sflag:s0], $0x2000  }
0x80: {  	[sflag:s0] =	ssyncset.done $0x0  }
0x81: {  	[sflag:s0] =	ssyncadd.s32 $0xFFFFE000  }
0x82: {  	_ =	swait.ge [sflag:s29], $0x40  }
0x83: {  	[sflag:s29] =	ssyncset.done $0x0  }
0x84: {  	[sflag:s29] =	ssyncadd.s32 $0xFFFFFFC0  }
0x85: {  	[spmem:s2] =	stream.indirect.scatter.add.f32 [tilespmem:s28], [sflag:$0x8], $0x80, s22, s26, $0xb8;
	[tilespmem:$0x1ED80] =	vst v63  }
0x86: {  	_ =	swait.ge [sflag:s21], $0x2000  }
0x87: {  	[sflag:s21] =	ssyncset.done $0x0  }
0x88: {  	s7 =	simm.s32 $0x4E00;
	[sflag:s21] =	ssyncadd.s32 $0xFFFFE000  }
0x89: {  	[tilespmem:s28], [sflag:$0x5] =	stream.indirect.gather [hbm4b:s4+s26], $0x80, s7, s26, $0xb8;
	[tilespmem:$0x1ED80] =	vst v63  }
0x8a: {  	s16 =	rddreg [dreg:$0xa]  }
0x8b: {  	[tilespmem:s22], [sflag:$0x2] =	stream.linear.gather [hbm4b:s16+s3], $0x40, $0x38;
	[tilespmem:$0x1ED80] =	vst v63  }
0x8c: {  	_ =	swait.ge [sflag:s31], $0x2000  }
0x8d: {  	[sflag:s31] =	ssyncset.done $0x0  }
0x8e: {  	[sflag:s31] =	ssyncadd.s32 $0xFFFFE000  }
0x8f: {  	_ =	swait.ge [sflag:s6], $0x40  }
0x90: {  	[sflag:s6] =	ssyncset.done $0x0  }
0x91: {  	[sflag:s6] =	ssyncadd.s32 $0xFFFFFFC0  }
0x92: {  	[spmem:s2] =	stream.indirect.scatter.add.f32 [tilespmem:s30], [sflag:$0x8], $0x80, s23, s26, $0xb8;
	[tilespmem:$0x1ED80] =	vst v63  }
0x93: {  	_ =	swait.ge [sflag:s21], $0x2000  }
0x94: {  	[sflag:s21] =	ssyncset.done $0x0  }
0x95: {  	s17 =	simm.s32 $0x4E80;
	[sflag:s21] =	ssyncadd.s32 $0xFFFFE000  }
0x96: {  	[tilespmem:s30], [sflag:$0x6] =	stream.indirect.gather [hbm4b:s4+s26], $0x80, s17, s26, $0xb8;
	[tilespmem:$0x1ED80] =	vst v63  }
0x97: {  	s18 =	rddreg [dreg:$0xb]  }
0x98: {  	[tilespmem:s23], [sflag:$0x3] =	stream.linear.gather [hbm4b:s18+s3], $0x40, $0x38;
	[tilespmem:$0x1ED80] =	vst v63  }
0x99: {  	_ =	swait.ge [sflag:s9], $0x2000  }
0x9a: {  	[sflag:s9] =	ssyncset.done $0x0  }
0x9b: {  	[sflag:s9] =	ssyncadd.s32 $0xFFFFE000  }
0x9c: {  	_ =	swait.ge [sflag:s10], $0x40  }
0x9d: {  	[sflag:s10] =	ssyncset.done $0x0  }
0x9e: {  	[sflag:s10] =	ssyncadd.s32 $0xFFFFFFC0  }
0x9f: {  	[spmem:s2] =	stream.indirect.scatter.add.f32 [tilespmem:s1], [sflag:$0x8], $0x80, s24, s26, $0xb8;
	[tilespmem:$0x1ED80] =	vst v63  }
0xa0: {  	_ =	swait.ge [sflag:s21], $0x2000  }
0xa1: {  	[sflag:s21] =	ssyncset.done $0x0  }
0xa2: {  	[sflag:s21] =	ssyncadd.s32 $0xFFFFE000  }
0xa3: {  	[tilespmem:s1], [sflag:$0x7] =	stream.indirect.gather [hbm4b:s4+s26], $0x80, s11, s26, $0xb8;
	[tilespmem:$0x1ED80] =	vst v63  }
0xa4: {  	_ = 	snop  }
0xa5: {  	[tilespmem:s24], [sflag:$0x4] =	stream.linear.gather [hbm4b:s14+s3], $0x40, $0x38;
	[tilespmem:$0x1ED80] =	vst v63  }
0xa6: {  	_ =	swait.ge [sflag:s0], $0x2000  }
0xa7: {  	[sflag:s0] =	ssyncset.done $0x0  }
0xa8: {  	[sflag:s0] =	ssyncadd.s32 $0xFFFFE000  }
0xa9: {  	_ =	swait.ge [sflag:s29], $0x40  }
0xaa: {  	[sflag:s29] =	ssyncset.done $0x0  }
0xab: {  	[sflag:s29] =	ssyncadd.s32 $0xFFFFFFC0  }
0xac: {  	[spmem:s2] =	stream.indirect.scatter.add.f32 [tilespmem:s28], [sflag:$0x8], $0x80, s22, s26, $0xb8;
	[tilespmem:$0x1ED80] =	vst v63  }
0xad: {  	_ =	swait.ge [sflag:s21], $0x2000  }
0xae: {  	[sflag:s21] =	ssyncset.done $0x0  }
0xaf: {  	[sflag:s21] =	ssyncadd.s32 $0xFFFFE000  }
0xb0: {  	[tilespmem:s28], [sflag:$0x5] =	stream.indirect.gather [hbm4b:s4+s26], $0x80, s11, s26, $0xb8;
	[tilespmem:$0x1ED80] =	vst v63  }
0xb1: {  	_ = 	snop  }
0xb2: {  	[tilespmem:s22], [sflag:$0x2] =	stream.linear.gather [hbm4b:s14+s3], $0x40, $0x38;
	[tilespmem:$0x1ED80] =	vst v63  }
0xb3: {  	_ =	swait.ge [sflag:s31], $0x2000  }
0xb4: {  	[sflag:s31] =	ssyncset.done $0x0  }
0xb5: {  	[sflag:s31] =	ssyncadd.s32 $0xFFFFE000  }
0xb6: {  	_ =	swait.ge [sflag:s6], $0x40  }
0xb7: {  	[sflag:s6] =	ssyncset.done $0x0  }
0xb8: {  	[sflag:s6] =	ssyncadd.s32 $0xFFFFFFC0  }
0xb9: {  	[spmem:s2] =	stream.indirect.scatter.add.f32 [tilespmem:s30], [sflag:$0x8], $0x80, s23, s26, $0xb8;
	[tilespmem:$0x1ED80] =	vst v63  }
0xba: {  	_ =	swait.ge [sflag:s21], $0x2000  }
0xbb: {  	[sflag:s21] =	ssyncset.done $0x0  }
0xbc: {  	[sflag:s21] =	ssyncadd.s32 $0xFFFFE000  }
0xbd: {  	[tilespmem:s30], [sflag:$0x6] =	stream.indirect.gather [hbm4b:s4+s26], $0x80, s11, s26, $0xb8;
	[tilespmem:$0x1ED80] =	vst v63  }
0xbe: {  	_ = 	snop  }
0xbf: {  	[tilespmem:s23], [sflag:$0x3] =	stream.linear.gather [hbm4b:s14+s3], $0x40, $0x38;
	[tilespmem:$0x1ED80] =	vst v63  }
0xc0: {  	_ =	swait.ge [sflag:s9], $0x2000  }
0xc1: {  	[sflag:s9] =	ssyncset.done $0x0  }
0xc2: {  	[sflag:s9] =	ssyncadd.s32 $0xFFFFE000  }
0xc3: {  	_ =	swait.ge [sflag:s10], $0x40  }
0xc4: {  	[sflag:s10] =	ssyncset.done $0x0  }
0xc5: {  	[sflag:s10] =	ssyncadd.s32 $0xFFFFFFC0  }
0xc6: {  	[spmem:s2] =	stream.indirect.scatter.add.f32 [tilespmem:s1], [sflag:$0x8], $0x80, s24, s26, $0xb8;
	[tilespmem:$0x1ED80] =	vst v63  }
0xc7: {  	_ =	swait.ge [sflag:s21], $0x2000  }
0xc8: {  	[sflag:s21] =	ssyncset.done $0x0  }
0xc9: {  	[sflag:s21] =	ssyncadd.s32 $0xFFFFE000  }
0xca: {  	[tilespmem:s1], [sflag:$0x7] =	stream.indirect.gather [hbm4b:s4+s26], $0x80, s11, s26, $0xb8;
	[tilespmem:$0x1ED80] =	vst v63  }
0xcb: {  	_ = 	snop  }
0xcc: {  	[tilespmem:s24], [sflag:$0x4] =	stream.linear.gather [hbm4b:s14+s3], $0x40, $0x38;
	[tilespmem:$0x1ED80] =	vst v63  }
0xcd: {  	_ =	swait.ge [sflag:s0], $0x2000  }
0xce: {  	[sflag:s0] =	ssyncset.done $0x0  }
0xcf: {  	[sflag:s0] =	ssyncadd.s32 $0xFFFFE000  }
0xd0: {  	_ =	swait.ge [sflag:s31], $0x2000  }
0xd1: {  	[sflag:s31] =	ssyncset.done $0x0  }
0xd2: {  	[sflag:s31] =	ssyncadd.s32 $0xFFFFE000  }
0xd3: {  	_ =	swait.ge [sflag:s9], $0x2000  }
0xd4: {  	[sflag:s9] =	ssyncset.done $0x0  }
0xd5: {  	[sflag:s9] =	ssyncadd.s32 $0xFFFFE000  }
0xd6: {  	_ =	swait.ge [sflag:s29], $0x40  }
0xd7: {  	[sflag:s29] =	ssyncset.done $0x0  }
0xd8: {  	[sflag:s29] =	ssyncadd.s32 $0xFFFFFFC0  }
0xd9: {  	_ =	swait.ge [sflag:s6], $0x40  }
0xda: {  	[sflag:s6] =	ssyncset.done $0x0  }
0xdb: {  	[sflag:s6] =	ssyncadd.s32 $0xFFFFFFC0  }
0xdc: {  	_ =	swait.ge [sflag:s10], $0x40  }
0xdd: {  	[sflag:s10] =	ssyncset.done $0x0  }
0xde: {  	[sflag:s10] =	ssyncadd.s32 $0xFFFFFFC0  }
0xdf: {  	[bflag:$0x0] =	sbarrier.arrive $0xFFFF  }
0xe0: {  	s19 =	rddreg [dreg:$0x8]  }
0xe1: {  	[hbm:s19], [sflag:s25] =	dma.local [spmem:s20], $0x2780  }
0xe2: {  	_ =	swait.ge [sflag:s21], $0x2780  }
0xe3: {  	s8 =	smov.u32 s25;
	s12 =	sadd.s32 $0x1, s12;
	s25 =	rddreg [dreg:$0x9]  }
0xe4: {  	p0 =	sne.s32 s12, s25  }
.Ltmp1:
0xe5: {  	_ = 	snop;
	(pc) =	sbr.rel @p0 .LBB2_1-.Ltmp1, $3  }
0xe6: {  	_ =	sdelay $0x1  }
0xe7: {  	[sflag:s21] =	ssyncset.done $0x0  }
0xe8: {  	[sflag:s21] =	ssyncadd.s32 $0xFFFFD880  }
0xe9: {  	_ =	sfence.sel $0x180000  }
0xea: {  	[bflag:$0x0] =	sbarrier.arrive $0xFFFF  }
0xeb: {  	_ =	strace $0x9000004D  }
0xec: {  	s0 =	stileid.u32;
	[bflag:$0x2] =	sbarrier.arrive $0xFFFF  }
0xed: {  	p0 =	sne.s32 s0, $0x0;
	s0 =	rddreg [dreg:$0x2]  }
0xee: {  	s0 =	sadd.s32 @!p0 $0x100000, s0  }
0xef: {  	[sflag:s0] =	ssyncadd.tile.s32 @!p0 $0x1;
	_ =	shalt  }
.Lfunc_end2:
_tile_overlayer_lowered:
.L_overlay_start_2:
0xf0: {  	(tag) =	ssettag $0x2  }
0xf1: {  	s0 =	rddreg [dreg:$0x0];
	s2 =	stileid.u32  }
0xf2: {  	s1 =	rddreg [dreg:$0x1];
	p0 =	sne.s32 s2, $0x0  }
0xf3: {  	s3 =	rddreg [dreg:$0x2];
	[bflag:$0x3] =	sbarrier.arrive $0xFFFF;
	s2 =	simm.s32 @!p0 $0x1C08  }
0xf4: {  	[timem:s3], [sflag:s2] =	dma.local @!p0 [hbm:s0], s1  }
0xf5: {  	s0 =	simm.s32 @!p0 $0x8  }
0xf6: {  	_ =	swait.ge @!p0 [sflag:s0], s1  }
0xf7: {  	s1 =	ssub.s32 @!p0 $0x0, s1;
	[sflag:s0] =	ssyncset.done @!p0 $0x0  }
0xf8: {  	[sflag:s0] =	ssyncadd.s32 @!p0 s1  }
0xf9: {  	[bflag:$0x3] =	sbarrier.arrive $0xFFFF  }
0xfa: {  	_ =	shalt  }

// kernel: kernel.27.cloned.1.call-start
scs
__scs_entry_jumppad:
0x0: {  	(pc) =	sbr.rel $0x88, $3  }
0x1: {  	(tag) =	ssettag $0x0;
	lr =	simm.s32 $0x1  }
0x2: {  	[smem:$0x3F96] =	sst lr;
	_ =	strace $0xD0000000  }
0x3: {  	_ = 	snop  }
0x4: {  	_ = 	snop  }
0x5: {  	_ = 	snop  }
0x6: {  	_ = 	snop  }
0x7: {  	_ = 	snop  }
__scs_overlays_trampoline_lowered:
0x8: {  	[smem:$0x3FA5] =	sst s0  }
0x9: {  	[smem:$0x3FA6] =	sst s1  }
0xa: {  	[smem:$0x3FA7] =	sst s2  }
0xb: {  	[smem:$0x3FA8] =	sst s3  }
0xc: {  	[smem:$0x3FA9] =	sst s4  }
0xd: {  	[smem:$0x3FAA] =	sst s5  }
0xe: {  	[smem:$0x3FAB] =	sst s6  }
0xf: {  	[smem:$0x3FAC] =	sst s7  }
0x10: {  	[smem:$0x3FAD] =	sst s8  }
0x11: {  	[smem:$0x3FAE] =	sst s9;
	s0 =	simm.s32 @!p0 $0x0  }
0x12: {  	s1 =	sld [smem:$0x3F94];
	s0 =	simm.s32 @p0 $0x1  }
0x13: {  	[smem:$0x3FAF] =	sst s0;
	s0 =	simm.s32 @!p1 $0x0  }
0x14: {  	s2 =	sld [smem:$0x3F93];
	s0 =	simm.s32 @p1 $0x1  }
0x15: {  	[smem:$0x3FB0] =	sst s0;
	s0 =	simm.s32 @!p2 $0x0  }
0x16: {  	s3 =	sld [smem:$0x3FDB];
	s0 =	simm.s32 @p2 $0x1  }
0x17: {  	s4 =	simm.s32 $0x1BF5;
	[smem:$0x3FB2] =	sst s0  }
0x18: {  	s0 =	sld [smem:$0x3F95];
	_ =	swait.ge [sflag:s4], $0x0  }
0x19: {  	s7 =	sld [smem:$0x3F96]  }
0x1a: {  	s8 =	sadd.s32 $0xFFFFE003, lr  }
0x1b: {  	s9 =	sadd.s32 $0xFFFFFEF7, lr;
	s5 =	simm.s32 $0xFFFFFFFF;
	p2 =	slt.u32 s8, $0xFFFFF086  }
0x1c: {  	p1 =	slt.u32 s9, $0xF7A;
	s5 =	simm.s32 @!p2 $0x0  }
0x1d: {  	s5 =	simm.s32 @p1 $0x1;
	p0 =	seq.s32 s7, s2  }
0x1e: {  	s7 =	smul.u32 @!p0 $0xF7A, s2;
	p2 =	seq.s32 @!p0 s5, $0x0  }
0x1f: {  	s9 =	smul.u32 $0xF7A, s1;
	s8 =	simm.s32 @!p0 $0x1BF5;
	p2 =	por !p2, p0  }
0x20: {  	[sflag:s8] =	ssyncset.s32 @!p0 $0xFFFFF086;
	s6 =	sadd.s32 @!p0 s3, s7;
	s7 =	simm.s32 @!p0 $0x108  }
0x21: {  	s3 =	sadd.s32 s3, s9;
	s6 =	sadd.s32 @!p0 $0x88, s6;
	s7 =	simm.s32 @p2 $0x1082  }
0x22: {  	[simem:s7], [sflag:s8] =	dma.local @!p0 [hbm:s6], $0xF7A  }
0x23: {  	s9 =	sor.u32 $0xD0000000, s2;
	s6 =	simm.s32 $0x108;
	_ =	swait.ge @!p0 [sflag:s8], $0x0  }
0x24: {  	s3 =	sadd.s32 $0x88, s3;
	s6 =	simm.s32 @!p1 $0x1082;
	[sflag:s4] =	ssyncset.s32 $0xFFFFF086  }
0x25: {  	[simem:s6], [sflag:s4] =	dma.local [hbm:s3], $0xF7A  }
0x26: {  	[smem:$0x3F96] =	sst s1;
	(tag) =	ssettag s2;
	_ =	strace s9  }
0x27: {  	s1 =	sld [smem:$0x3FA6]  }
0x28: {  	s2 =	sld [smem:$0x3FA7]  }
0x29: {  	s4 =	sld [smem:$0x3FA9]  }
0x2a: {  	p0 =	seq.s32 s5, $0x0;
	s5 =	sld [smem:$0x3FAA]  }
0x2b: {  	s6 =	sld [smem:$0x3FAB]  }
0x2c: {  	s7 =	sld [smem:$0x3FAC]  }
0x2d: {  	s3 =	simm.s32 $0x108;
	s8 =	sld [smem:$0x3FAD]  }
0x2e: {  	s3 =	simm.s32 @!p0 $0x1082;
	s9 =	sld [smem:$0x3FAE]  }
0x2f: {  	lr =	sadd.s32 s0, s3;
	s0 =	sld [smem:$0x3FA5]  }
0x30: {  	s3 =	sld [smem:$0x3FA8]  }
0x31: {  	[smem:$0x3FB1] =	sst s10  }
0x32: {  	s10 =	sld [smem:$0x3FAF];
	_ =	sdelay $0x3  }
0x33: {  	p0 =	seq.s32 s10, $0x1;
	s10 =	sld [smem:$0x3FB1];
	_ =	sdelay $0x3  }
0x34: {  	[smem:$0x3FB1] =	sst s10  }
0x35: {  	s10 =	sld [smem:$0x3FB0];
	_ =	sdelay $0x3  }
0x36: {  	p1 =	seq.s32 s10, $0x1;
	s10 =	sld [smem:$0x3FB1];
	_ =	sdelay $0x3  }
0x37: {  	[smem:$0x3FB1] =	sst s10  }
0x38: {  	s10 =	sld [smem:$0x3FB2]  }
0x39: {  	_ = 	snop;
	(pc) =	sbr.ind lr, $3  }
0x3a: {  	_ = 	snop  }
0x3b: {  	_ = 	snop  }
0x3c: {  	p2 =	seq.s32 s10, $0x1;
	s10 =	sld [smem:$0x3FB1]  }
0x3d: {  	_ =	shalt  }
0x3e: {  	_ =	shalt  }
0x3f: {  	_ =	shalt  }
0x40: {  	_ =	shalt  }
0x41: {  	_ =	shalt  }
0x42: {  	_ =	shalt  }
0x43: {  	_ =	shalt  }
0x44: {  	_ =	shalt  }
0x45: {  	_ =	shalt  }
0x46: {  	_ =	shalt  }
0x47: {  	_ =	shalt  }
0x48: {  	_ =	shalt  }
0x49: {  	_ =	shalt  }
0x4a: {  	_ =	shalt  }
0x4b: {  	_ =	shalt  }
0x4c: {  	_ =	shalt  }
0x4d: {  	_ =	shalt  }
0x4e: {  	_ =	shalt  }
0x4f: {  	_ =	shalt  }
0x50: {  	_ =	shalt  }
0x51: {  	_ =	shalt  }
0x52: {  	_ =	shalt  }
0x53: {  	_ =	shalt  }
0x54: {  	_ =	shalt  }
0x55: {  	_ =	shalt  }
0x56: {  	_ =	shalt  }
0x57: {  	_ =	shalt  }
0x58: {  	_ =	shalt  }
0x59: {  	_ =	shalt  }
0x5a: {  	_ =	shalt  }
0x5b: {  	_ =	shalt  }
0x5c: {  	_ =	shalt  }
0x5d: {  	_ =	shalt  }
0x5e: {  	_ =	shalt  }
0x5f: {  	_ =	shalt  }
0x60: {  	_ =	shalt  }
0x61: {  	_ =	shalt  }
0x62: {  	_ =	shalt  }
0x63: {  	_ =	shalt  }
0x64: {  	_ =	shalt  }
0x65: {  	_ =	shalt  }
0x66: {  	_ =	shalt  }
0x67: {  	_ =	shalt  }
0x68: {  	_ =	shalt  }
0x69: {  	_ =	shalt  }
0x6a: {  	_ =	shalt  }
0x6b: {  	_ =	shalt  }
0x6c: {  	_ =	shalt  }
0x6d: {  	_ =	shalt  }
0x6e: {  	_ =	shalt  }
0x6f: {  	_ =	shalt  }
0x70: {  	_ =	shalt  }
0x71: {  	_ =	shalt  }
0x72: {  	_ =	shalt  }
0x73: {  	_ =	shalt  }
0x74: {  	_ =	shalt  }
0x75: {  	_ =	shalt  }
0x76: {  	_ =	shalt  }
0x77: {  	_ =	shalt  }
0x78: {  	_ =	shalt  }
0x79: {  	_ =	shalt  }
0x7a: {  	_ =	shalt  }
0x7b: {  	_ =	shalt  }
0x7c: {  	_ =	shalt  }
0x7d: {  	_ =	shalt  }
0x7e: {  	_ =	shalt  }
0x7f: {  	_ =	shalt  }
0x80: {  	_ =	shalt  }
0x81: {  	_ =	shalt  }
0x82: {  	_ =	shalt  }
0x83: {  	_ =	shalt  }
0x84: {  	_ =	shalt  }
0x85: {  	_ =	shalt  }
0x86: {  	_ =	shalt  }
0x87: {  	_ =	shalt  }
.Lfunc_end0:
.L_simem_size_0:
called_computation.3_lowered:
.L_overlay_start_0:
0x88: {  	s2 =	sld [smem:$0x3FD9]  }
0x89: {  	s3 =	sld [smem:$0x3FFE];
	_ =	sdelay $0x1  }
0x8a: {  	s1 =	srdreg.scid  }
0x8b: {  	s0 =	sand.u32 $0x1, s1  }
0x8c: {  	s16 =	sshll.u32 s0, $0xA;
	s2 =	sadd.s32 s3, s2  }
0x8d: {  	s2 =	sadd.s32 s2, s16  }
0x8e: {  	[smem:$0x3FBD] =	sst s2  }
0x8f: {  	_ = 	snop  }
0x90: {  	(tm) =	ssettm $0x1  }
0x91: {  	s17 =	sld [smem:$0x3FFB];
	_ =	sdelay $0x3  }
0x92: {  	_ =	strace s17  }
0x93: {  	s2 =	sld [smem:$0x3FFC];
	_ =	sdelay $0x3  }
0x94: {  	_ =	strace s2  }
0x95: {  	s2 =	sld [smem:$0x3FFD];
	_ =	sdelay $0x3  }
0x96: {  	_ =	strace s2  }
0x97: {  	_ =	strace $0x8FFFFFFF  }
0x98: {  	s18 =	sld [smem:$0x3FDB];
	_ =	sdelay $0x1  }
0x99: {  	s19 =	simm.s32 $_scs_section_size  }
0x9a: {  	s4 =	simm.s32 $_size__tile_overlayer_lowered;
	s5 =	simm.s32 $_tile_overlayer_lowered  }
0x9b: {  	s22 =	simm.s32 $0x1BFF;
	s21 =	sshll.u32 s5, $0x1;
	s2 =	sadd.s32 s19, s18  }
0x9c: {  	s6 =	simm.s32 $0x0;
	s20 =	sshll.u32 s4, $0x1;
	s4 =	sadd.s32 s21, s2  }
0x9d: {  	[timem:s6], [sflag:s22] =	dma.local [hbm:s4], s20  }
0x9e: {  	_ =	swait.ge [sflag:s22], s20  }
0x9f: {  	s3 =	ssub.s32 $0x0, s20;
	[sflag:s22] =	ssyncset.done $0x0  }
0xa0: {  	[sflag:s22] =	ssyncadd.s32 s3;
	_ =	sdelay $0x1  }
0xa1: {  	s23 =	simm.s32 $0x1B8B  }
0xa2: {  	_ =	swait.ge [sflag:s23], $0x1  }
0xa3: {  	[sflag:s23] =	ssyncset.done $0x0  }
0xa4: {  	s25 =	simm.s32 $0x1B8E;
	s24 =	sld [smem:$0x3FFE];
	[sflag:s23] =	ssyncadd.s32 $0xFFFFFFFF  }
0xa5: {  	s26 =	simm.s32 $execute0_lowered;
	[smem:$0x3FD2] =	sst s25  }
0xa6: {  	s4 =	sshll.u32 s26, $0x1;
	_ =	strace $0x8000004F;
	[dreg:$0x1] =	wrdreg $0xFFFFFFFF  }
0xa7: {  	s28 =	simm.s32 $_size_execute0_lowered;
	s2 =	sadd.s32 s2, s4;
	[dreg:$0x0] =	wrdreg $0x0  }
0xa8: {  	s4 =	sshll.u32 s28, $0x1;
	[dreg:$0x2] =	wrdreg s2  }
0xa9: {  	[dreg:$0x3] =	wrdreg s4  }
0xaa: {  	[dreg:$0x4] =	wrdreg $0xC0  }
0xab: {  	_ =	task [dreg:s6], $0x5FFFF  }
0xac: {  	[dreg:$0x1] =	wrdreg $0xFFFFFFFF  }
0xad: {  	[dreg:$0x0] =	wrdreg $0x60  }
0xae: {  	[dreg:$0x2] =	wrdreg s24  }
0xaf: {  	[dreg:$0x3] =	wrdreg $0xB1800  }
0xb0: {  	[dreg:$0x4] =	wrdreg $0x9  }
0xb1: {  	_ =	task.clear_ibuf [dreg:s6], $0x5FFFF;
	_ =	strace $0x9000004F  }
0xb2: {  	s29 =	simm.s32 $0x9;
	_ =	strace $0x80000051  }
0xb3: {  	_ =	swait.ge [sflag:s29], $0x1  }
0xb4: {  	[sflag:s29] =	ssyncadd.s32 $0xFFFFFFFF  }
0xb5: {  	_ =	strace $0x90000051  }
0xb6: {  	_ =	sfence  }
0xb7: {  	s30 =	sld [smem:$0x0];
	_ =	sdelay $0x2  }
0xb8: {  	s31 =	sshll.u32 s1, $0xD;
	s1 =	sshrl.u32 s1, $0x2  }
0xb9: {  	s3 =	sand.u32 $0x4000, s31;
	s1 =	sadd.s32 s1, s30  }
0xba: {  	s0 =	sor.u32 s3, s0;
	s1 =	sshll.u32 s1, $0x11  }
0xbb: {  	s0 =	sor.u32 s1, s0  }
0xbc: {  	s0 =	sadd.s32 $0x8F2B, s0  }
0xbd: {  	[sflag:s0] =	ssyncadd.remote.s32 $0x1  }
0xbe: {  	_ =	sfence.sel $0xFFFF  }
0xbf: {  	[dreg:$0x0] =	wrdreg $0xFFFFFFFF;
	(pc) =	sbr.abs _section_cstart, $3  }
0xc0: {  	[dreg:$0x1] =	wrdreg $0xFFFFFFFF  }
0xc1: {  	_ =	task.clear_ibuf [dreg:s6], $0x2FFFF;
	_ =	strace $0x9FFFFFFF  }
0xc2: {  	(tm) =	ssettm $0x7FFFFFFF  }
0xc3: {  	_ =	shalt  }
tec
execute0_lowered:
.L_overlay_start_1:
0x0: {  	(tag) =	ssettag $0x1  }
0x1: {  	s0 =	srdreg.scid;
	s1 =	rddreg [dreg:$0x0]  }
0x2: {  	s13 =	stileid.u32;
	s2 =	rddreg [dreg:$0x1];
	s28 =	simm.s32 $0x5180  }
0x3: {  	s30 =	simm.s32 $0x7180;
	s29 =	simm.s32 $0x2;
	s7 =	smul.u32 $0x13C00, s13  }
0x4: {  	s31 =	simm.s32 $0x6;
	s0 =	sand.u32 $0x1, s0;
	s26 =	smul.u32 $0x4F000, s13  }
0x5: {  	s3 =	sshll.u32 s13, $0x1;
	s4 =	sadd.s32 $0x38800, s1;
	s15 =	smul.u32 $0x4F80, s13  }
0x6: {  	s16 =	sshll.u32 s13, $0x6;
	s6 =	sor.u32 s0, s3;
	s8 =	smul.u32 $0x13C000, s0  }
0x7: {  	s3 =	simm.s32 $0x0;
	s11 =	ssub.s32 $0x2, s0;
	s0 =	smul.u32 $0x27C0, s0  }
0x8: {  	s5 =	smul.u32 $0xA00, s6;
	[smem:$0x7FF] =	sst s3;
	s10 =	sshrl.u32 s7, $0x3  }
0x9: {  	s12 =	sshrl.u32 s11, $0x1;
	s6 =	smul.u32 $0x27C0, s6;
	_ =	strace $0x80000050  }
0xa: {  	s7 =	sadd.s32 s7, s8;
	s10 =	sadd.s32 s10, s1;
	s8 =	sshrl.u32 s26, $0x2  }
0xb: {  	s12 =	ssub.s32 s11, s12;
	s0 =	sadd.s32 s0, s15;
	s9 =	sadd.s32 s5, s1  }
0xc: {  	s5 =	sadd.s32 $0x88000, s1;
	s7 =	sshrl.u32 s7, $0x3;
	s11 =	sadd.s32 s8, s2  }
0xd: {  	s14 =	sadd.s32 $0x11000, s10;
	s6 =	sshrl.u32 s6, $0x3;
	s8 =	sor.u32 $0x1C08, s16  }
0xe: {  	s21 =	smax.u32 s12, $0x1;
	s22 =	sadd.s32 $0x140, s0;
	s24 =	sadd.s32 $0x100, s0  }
0xf: {  	s0 =	sadd.s32 $0xC0, s0;
	s10 =	simm.s32 $0x4;
	[dreg:$0x3] =	wrdreg s14  }
0x10: {  	s12 =	simm.s32 $0x0;
	s1 =	sadd.s32 s7, s1;
	[dreg:$0x9] =	wrdreg s21  }
0x11: {  	s17 =	sadd.s32 s5, s6;
	s18 =	sadd.s32 $0x92000, s9;
	[dreg:$0xe] =	wrdreg s0  }
0x12: {  	s26 =	sshrl.u32 s24, $0x3;
	s21 =	simm.s32 $0x8;
	[dreg:$0x5] =	wrdreg s18  }
0x13: {  	s24 =	simm.s32 $0x5100;
	s19 =	sadd.s32 $0x8, s17;
	[dreg:$0x4] =	wrdreg s17  }
0x14: {  	s0 =	simm.s32 $0x5;
	s20 =	sadd.s32 $0x10, s17;
	[dreg:$0x6] =	wrdreg s19  }
0x15: {  	s6 =	simm.s32 $0x3;
	s1 =	sadd.s32 $0xA7000, s1;
	[dreg:$0x7] =	wrdreg s20  }
0x16: {  	s9 =	simm.s32 $0x7;
	s23 =	sadd.s32 $0x4E0, s17;
	[dreg:$0x8] =	wrdreg s1  }
0x17: {  	s14 =	sadd.s32 $0x4F0, s17;
	s25 =	sadd.s32 $0x4E8, s17;
	[dreg:$0xa] =	wrdreg s23  }
0x18: {  	s1 =	sshrl.u32 s22, $0x3;
	[dreg:$0xb] =	wrdreg s25;
	s20 =	sshrl.u32 s11, $0x3  }
0x19: {  	s22 =	simm.s32 $0x5000;
	s23 =	simm.s32 $0x5080;
	s1 =	sadd.s32 s1, s5  }
0x1a: {  	s11 =	simm.s32 $0x4F00;
	[dreg:$0xc] =	wrdreg s1;
	s1 =	sadd.s32 s26, s5  }
0x1b: {  	s26 =	simm.s32 $0x40;
	[dreg:$0xd] =	wrdreg s1;
	s1 =	simm.s32 $0x9180  }
.LBB2_1:
0x1c: {  	s7 =	rddreg [dreg:$0x3]  }
0x1d: {  	[spmem:s20], [sflag:s8] =	dma.local [hbm:s7], $0x2780  }
0x1e: {  	_ =	swait.ge [sflag:s21], $0x2780  }
0x1f: {  	[sflag:s21] =	ssyncset.done $0x0  }
0x20: {  	s25 =	smov.u32 s8;
	s8 =	rddreg [dreg:$0x5];
	[sflag:s21] =	ssyncadd.s32 $0xFFFFD880  }
0x21: {  	[tilespmem:s3], [sflag:$0x1] =	stream.linear.gather [hbm4b:s8+s3], $0x4F80, $0x38;
	[tilespmem:$0x1ED80] =	vst v63  }
0x22: {  	s13 =	rddreg [dreg:$0x4]  }
0x23: {  	[tilespmem:s22], [sflag:$0x2] =	stream.linear.gather [hbm4b:s13+s3], $0x40, $0x38;
	[tilespmem:$0x1ED80] =	vst v63  }
0x24: {  	s15 =	rddreg [dreg:$0x6]  }
0x25: {  	[tilespmem:s23], [sflag:$0x3] =	stream.linear.gather [hbm4b:s15+s3], $0x40, $0x38;
	[tilespmem:$0x1ED80] =	vst v63  }
0x26: {  	s17 =	simm.s32 $0x1;
	s16 =	rddreg [dreg:$0x7]  }
0x27: {  	[tilespmem:s24], [sflag:$0x4] =	stream.linear.gather [hbm4b:s16+s3], $0x40, $0x38;
	[tilespmem:$0x1ED80] =	vst v63  }
0x28: {  	_ =	swait.ge [sflag:s17], $0x4F80  }
0x29: {  	[sflag:s17] =	ssyncset.done $0x0  }
0x2a: {  	[sflag:s17] =	ssyncadd.s32 $0xFFFFB080  }
0x2b: {  	[tilespmem:s28], [sflag:$0x5] =	stream.indirect.gather [hbm4b:s4+s26], $0x80, s3, s26, $0xb8;
	[tilespmem:$0x1ED80] =	vst v63  }
0x2c: {  	s18 =	simm.s32 $0x80  }
0x2d: {  	[tilespmem:s30], [sflag:$0x6] =	stream.indirect.gather [hbm4b:s4+s26], $0x80, s18, s26, $0xb8;
	[tilespmem:$0x1ED80] =	vst v63  }
0x2e: {  	s19 =	simm.s32 $0x100  }
0x2f: {  	[tilespmem:s1], [sflag:$0x7] =	stream.indirect.gather [hbm4b:s4+s26], $0x80, s19, s26, $0xb8;
	[tilespmem:$0x1ED80] =	vst v63  }
0x30: {  	[bflag:$0x0] =	sbarrier.arrive $0xFFFF  }
0x31: {  	_ =	swait.ge [sflag:s0], $0x2000  }
0x32: {  	[sflag:s0] =	ssyncset.done $0x0  }
0x33: {  	[sflag:s0] =	ssyncadd.s32 $0xFFFFE000  }
0x34: {  	_ =	swait.ge [sflag:s29], $0x40  }
0x35: {  	[sflag:s29] =	ssyncset.done $0x0  }
0x36: {  	[sflag:s29] =	ssyncadd.s32 $0xFFFFFFC0  }
0x37: {  	[spmem:s2] =	stream.indirect.scatter.add.f32 [tilespmem:s28], [sflag:$0x8], $0x80, s22, s26, $0xb8;
	[tilespmem:$0x1ED80] =	vst v63  }
0x38: {  	_ =	swait.ge [sflag:s21], $0x2000  }
0x39: {  	[sflag:s21] =	ssyncset.done $0x0;
	s18 =	rddreg [dreg:$0xe]  }
0x3a: {  	s8 =	simm.s32 $0x180;
	[sflag:s21] =	ssyncadd.s32 $0xFFFFE000;
	s13 =	sshrl.u32 s18, $0x3  }
0x3b: {  	[tilespmem:s28], [sflag:$0x5] =	stream.indirect.gather [hbm4b:s4+s26], $0x80, s8, s26, $0xb8;
	[tilespmem:$0x1ED80] =	vst v63  }
0x3c: {  	s13 =	sadd.s32 s5, s13  }
0x3d: {  	[tilespmem:s22], [sflag:$0x2] =	stream.linear.gather [hbm4b:s13+s3], $0x40, $0x38;
	[tilespmem:$0x1ED80] =	vst v63  }
0x3e: {  	_ =	swait.ge [sflag:s31], $0x2000  }
0x3f: {  	[sflag:s31] =	ssyncset.done $0x0  }
0x40: {  	[sflag:s31] =	ssyncadd.s32 $0xFFFFE000  }
0x41: {  	_ =	swait.ge [sflag:s6], $0x40  }
0x42: {  	[sflag:s6] =	ssyncset.done $0x0  }
0x43: {  	[sflag:s6] =	ssyncadd.s32 $0xFFFFFFC0  }
0x44: {  	[spmem:s2] =	stream.indirect.scatter.add.f32 [tilespmem:s30], [sflag:$0x8], $0x80, s23, s26, $0xb8;
	[tilespmem:$0x1ED80] =	vst v63  }
0x45: {  	_ =	swait.ge [sflag:s21], $0x2000  }
0x46: {  	[sflag:s21] =	ssyncset.done $0x0  }
0x47: {  	s15 =	simm.s32 $0x200;
	[sflag:s21] =	ssyncadd.s32 $0xFFFFE000  }
0x48: {  	[tilespmem:s30], [sflag:$0x6] =	stream.indirect.gather [hbm4b:s4+s26], $0x80, s15, s26, $0xb8;
	[tilespmem:$0x1ED80] =	vst v63  }
0x49: {  	s16 =	rddreg [dreg:$0xd]  }
0x4a: {  	[tilespmem:s23], [sflag:$0x3] =	stream.linear.gather [hbm4b:s16+s3], $0x40, $0x38;
	[tilespmem:$0x1ED80] =	vst v63  }
0x4b: {  	_ =	swait.ge [sflag:s9], $0x2000  }
0x4c: {  	[sflag:s9] =	ssyncset.done $0x0  }
0x4d: {  	[sflag:s9] =	ssyncadd.s32 $0xFFFFE000  }
0x4e: {  	_ =	swait.ge [sflag:s10], $0x40  }
0x4f: {  	[sflag:s10] =	ssyncset.done $0x0  }
0x50: {  	[sflag:s10] =	ssyncadd.s32 $0xFFFFFFC0  }
0x51: {  	[spmem:s2] =	stream.indirect.scatter.add.f32 [tilespmem:s1], [sflag:$0x8], $0x80, s24, s26, $0xb8;
	[tilespmem:$0x1ED80] =	vst v63  }
0x52: {  	s19 =	simm.s32 $0x280;
	s7 =	sadd.s32 $0xC0, s18;
	_ =	swait.ge [sflag:s21], $0x2000  }
0x53: {  	s13 =	simm.s32 $0x600;
	[sflag:s21] =	ssyncset.done $0x0;
	s17 =	rddreg [dreg:$0xc]  }
0x54: {  	s16 =	sadd.s32 $0x18, s16;
	[sflag:s21] =	ssyncadd.s32 $0xFFFFE000;
	s15 =	sadd.s32 $0x18, s17  }
0x55: {  	[tilespmem:s1], [sflag:$0x7] =	stream.indirect.gather [hbm4b:s4+s26], $0x80, s19, s26, $0xb8;
	[tilespmem:$0x1ED80] =	vst v63  }
.LBB2_2:
0x56: {  	[tilespmem:s24], [sflag:$0x4] =	stream.linear.gather [hbm4b:s17+s3], $0x40, $0x38;
	[tilespmem:$0x1ED80] =	vst v63  }
0x57: {  	s8 =	smov.u32 s13;
	s17 =	smov.u32 s15  }
0x58: {  	p0 =	sne.s32 s13, $0x12C00;
	s13 =	sadd.s32 $0x600, s13;
	_ =	swait.ge [sflag:s0], $0x2000  }
0x59: {  	[sflag:s0] =	ssyncset.done $0x0  }
0x5a: {  	[sflag:s0] =	ssyncadd.s32 $0xFFFFE000  }
0x5b: {  	_ =	swait.ge [sflag:s29], $0x40  }
0x5c: {  	[sflag:s29] =	ssyncset.done $0x0  }
0x5d: {  	[sflag:s29] =	ssyncadd.s32 $0xFFFFFFC0  }
0x5e: {  	[spmem:s2] =	stream.indirect.scatter.add.f32 [tilespmem:s28], [sflag:$0x8], $0x80, s22, s26, $0xb8;
	[tilespmem:$0x1ED80] =	vst v63  }
0x5f: {  	_ =	swait.ge [sflag:s21], $0x2000  }
0x60: {  	s8 =	sshra.s32 s8, $0x2;
	[sflag:s21] =	ssyncset.done $0x0  }
0x61: {  	s19 =	sshrl.u32 s7, $0x3;
	s18 =	sadd.s32 $0x180, s8;
	[sflag:s21] =	ssyncadd.s32 $0xFFFFE000  }
0x62: {  	[tilespmem:s28], [sflag:$0x5] =	stream.indirect.gather [hbm4b:s4+s26], $0x80, s18, s26, $0xb8;
	[tilespmem:$0x1ED80] =	vst v63  }
0x63: {  	s18 =	sadd.s32 s5, s19  }
0x64: {  	[tilespmem:s22], [sflag:$0x2] =	stream.linear.gather [hbm4b:s18+s3], $0x40, $0x38;
	[tilespmem:$0x1ED80] =	vst v63  }
0x65: {  	_ =	swait.ge [sflag:s31], $0x2000  }
0x66: {  	[sflag:s31] =	ssyncset.done $0x0  }
0x67: {  	[sflag:s31] =	ssyncadd.s32 $0xFFFFE000  }
0x68: {  	_ =	swait.ge [sflag:s6], $0x40  }
0x69: {  	[sflag:s6] =	ssyncset.done $0x0  }
0x6a: {  	[sflag:s6] =	ssyncadd.s32 $0xFFFFFFC0  }
0x6b: {  	[spmem:s2] =	stream.indirect.scatter.add.f32 [tilespmem:s30], [sflag:$0x8], $0x80, s23, s26, $0xb8;
	[tilespmem:$0x1ED80] =	vst v63  }
0x6c: {  	_ =	swait.ge [sflag:s21], $0x2000  }
0x6d: {  	[sflag:s21] =	ssyncset.done $0x0  }
0x6e: {  	s18 =	sadd.s32 $0x200, s8;
	[sflag:s21] =	ssyncadd.s32 $0xFFFFE000  }
0x6f: {  	[tilespmem:s30], [sflag:$0x6] =	stream.indirect.gather [hbm4b:s4+s26], $0x80, s18, s26, $0xb8;
	[tilespmem:$0x1ED80] =	vst v63  }
0x70: {  	_ = 	snop  }
0x71: {  	[tilespmem:s23], [sflag:$0x3] =	stream.linear.gather [hbm4b:s16+s3], $0x40, $0x38;
	[tilespmem:$0x1ED80] =	vst v63  }
0x72: {  	_ =	swait.ge [sflag:s9], $0x2000  }
0x73: {  	[sflag:s9] =	ssyncset.done $0x0  }
0x74: {  	[sflag:s9] =	ssyncadd.s32 $0xFFFFE000  }
0x75: {  	_ =	swait.ge [sflag:s10], $0x40  }
0x76: {  	[sflag:s10] =	ssyncset.done $0x0  }
0x77: {  	[sflag:s10] =	ssyncadd.s32 $0xFFFFFFC0  }
0x78: {  	[spmem:s2] =	stream.indirect.scatter.add.f32 [tilespmem:s1], [sflag:$0x8], $0x80, s24, s26, $0xb8;
	[tilespmem:$0x1ED80] =	vst v63  }
.Ltmp0:
0x79: {  	_ =	swait.ge [sflag:s21], $0x2000;
	(pc) =	sbr.rel @p0 .LBB2_2-.Ltmp0, $4  }
0x7a: {  	[sflag:s21] =	ssyncset.done $0x0  }
0x7b: {  	s8 =	sadd.s32 $0x280, s8;
	[sflag:s21] =	ssyncadd.s32 $0xFFFFE000  }
0x7c: {  	[tilespmem:s1], [sflag:$0x7] =	stream.indirect.gather [hbm4b:s4+s26], $0x80, s8, s26, $0xb8;
	[tilespmem:$0x1ED80] =	vst v63  }
0x7d: {  	s15 =	sadd.s32 $0x18, s15;
	s7 =	sadd.s32 $0xC0, s7;
	s16 =	sadd.s32 $0x18, s16  }
0x7e: {  	[tilespmem:s24], [sflag:$0x4] =	stream.linear.gather [hbm4b:s17+s3], $0x40, $0x38;
	[tilespmem:$0x1ED80] =	vst v63  }
0x7f: {  	_ =	swait.ge [sflag:s0], $0x2000  }
0x80: {  	[sflag:s0] =	ssyncset.done $0x0  }
0x81: {  	[sflag:s0] =	ssyncadd.s32 $0xFFFFE000  }
0x82: {  	_ =	swait.ge [sflag:s29], $0x40  }
0x83: {  	[sflag:s29] =	ssyncset.done $0x0  }
0x84: {  	[sflag:s29] =	ssyncadd.s32 $0xFFFFFFC0  }
0x85: {  	[spmem:s2] =	stream.indirect.scatter.add.f32 [tilespmem:s28], [sflag:$0x8], $0x80, s22, s26, $0xb8;
	[tilespmem:$0x1ED80] =	vst v63  }
0x86: {  	_ =	swait.ge [sflag:s21], $0x2000  }
0x87: {  	[sflag:s21] =	ssyncset.done $0x0  }
0x88: {  	s7 =	simm.s32 $0x4E00;
	[sflag:s21] =	ssyncadd.s32 $0xFFFFE000  }
0x89: {  	[tilespmem:s28], [sflag:$0x5] =	stream.indirect.gather [hbm4b:s4+s26], $0x80, s7, s26, $0xb8;
	[tilespmem:$0x1ED80] =	vst v63  }
0x8a: {  	s16 =	rddreg [dreg:$0xa]  }
0x8b: {  	[tilespmem:s22], [sflag:$0x2] =	stream.linear.gather [hbm4b:s16+s3], $0x40, $0x38;
	[tilespmem:$0x1ED80] =	vst v63  }
0x8c: {  	_ =	swait.ge [sflag:s31], $0x2000  }
0x8d: {  	[sflag:s31] =	ssyncset.done $0x0  }
0x8e: {  	[sflag:s31] =	ssyncadd.s32 $0xFFFFE000  }
0x8f: {  	_ =	swait.ge [sflag:s6], $0x40  }
0x90: {  	[sflag:s6] =	ssyncset.done $0x0  }
0x91: {  	[sflag:s6] =	ssyncadd.s32 $0xFFFFFFC0  }
0x92: {  	[spmem:s2] =	stream.indirect.scatter.add.f32 [tilespmem:s30], [sflag:$0x8], $0x80, s23, s26, $0xb8;
	[tilespmem:$0x1ED80] =	vst v63  }
0x93: {  	_ =	swait.ge [sflag:s21], $0x2000  }
0x94: {  	[sflag:s21] =	ssyncset.done $0x0  }
0x95: {  	s17 =	simm.s32 $0x4E80;
	[sflag:s21] =	ssyncadd.s32 $0xFFFFE000  }
0x96: {  	[tilespmem:s30], [sflag:$0x6] =	stream.indirect.gather [hbm4b:s4+s26], $0x80, s17, s26, $0xb8;
	[tilespmem:$0x1ED80] =	vst v63  }
0x97: {  	s18 =	rddreg [dreg:$0xb]  }
0x98: {  	[tilespmem:s23], [sflag:$0x3] =	stream.linear.gather [hbm4b:s18+s3], $0x40, $0x38;
	[tilespmem:$0x1ED80] =	vst v63  }
0x99: {  	_ =	swait.ge [sflag:s9], $0x2000  }
0x9a: {  	[sflag:s9] =	ssyncset.done $0x0  }
0x9b: {  	[sflag:s9] =	ssyncadd.s32 $0xFFFFE000  }
0x9c: {  	_ =	swait.ge [sflag:s10], $0x40  }
0x9d: {  	[sflag:s10] =	ssyncset.done $0x0  }
0x9e: {  	[sflag:s10] =	ssyncadd.s32 $0xFFFFFFC0  }
0x9f: {  	[spmem:s2] =	stream.indirect.scatter.add.f32 [tilespmem:s1], [sflag:$0x8], $0x80, s24, s26, $0xb8;
	[tilespmem:$0x1ED80] =	vst v63  }
0xa0: {  	_ =	swait.ge [sflag:s21], $0x2000  }
0xa1: {  	[sflag:s21] =	ssyncset.done $0x0  }
0xa2: {  	[sflag:s21] =	ssyncadd.s32 $0xFFFFE000  }
0xa3: {  	[tilespmem:s1], [sflag:$0x7] =	stream.indirect.gather [hbm4b:s4+s26], $0x80, s11, s26, $0xb8;
	[tilespmem:$0x1ED80] =	vst v63  }
0xa4: {  	_ = 	snop  }
0xa5: {  	[tilespmem:s24], [sflag:$0x4] =	stream.linear.gather [hbm4b:s14+s3], $0x40, $0x38;
	[tilespmem:$0x1ED80] =	vst v63  }
0xa6: {  	_ =	swait.ge [sflag:s0], $0x2000  }
0xa7: {  	[sflag:s0] =	ssyncset.done $0x0  }
0xa8: {  	[sflag:s0] =	ssyncadd.s32 $0xFFFFE000  }
0xa9: {  	_ =	swait.ge [sflag:s29], $0x40  }
0xaa: {  	[sflag:s29] =	ssyncset.done $0x0  }
0xab: {  	[sflag:s29] =	ssyncadd.s32 $0xFFFFFFC0  }
0xac: {  	[spmem:s2] =	stream.indirect.scatter.add.f32 [tilespmem:s28], [sflag:$0x8], $0x80, s22, s26, $0xb8;
	[tilespmem:$0x1ED80] =	vst v63  }
0xad: {  	_ =	swait.ge [sflag:s21], $0x2000  }
0xae: {  	[sflag:s21] =	ssyncset.done $0x0  }
0xaf: {  	[sflag:s21] =	ssyncadd.s32 $0xFFFFE000  }
0xb0: {  	[tilespmem:s28], [sflag:$0x5] =	stream.indirect.gather [hbm4b:s4+s26], $0x80, s11, s26, $0xb8;
	[tilespmem:$0x1ED80] =	vst v63  }
0xb1: {  	_ = 	snop  }
0xb2: {  	[tilespmem:s22], [sflag:$0x2] =	stream.linear.gather [hbm4b:s14+s3], $0x40, $0x38;
	[tilespmem:$0x1ED80] =	vst v63  }
0xb3: {  	_ =	swait.ge [sflag:s31], $0x2000  }
0xb4: {  	[sflag:s31] =	ssyncset.done $0x0  }
0xb5: {  	[sflag:s31] =	ssyncadd.s32 $0xFFFFE000  }
0xb6: {  	_ =	swait.ge [sflag:s6], $0x40  }
0xb7: {  	[sflag:s6] =	ssyncset.done $0x0  }
0xb8: {  	[sflag:s6] =	ssyncadd.s32 $0xFFFFFFC0  }
0xb9: {  	[spmem:s2] =	stream.indirect.scatter.add.f32 [tilespmem:s30], [sflag:$0x8], $0x80, s23, s26, $0xb8;
	[tilespmem:$0x1ED80] =	vst v63  }
0xba: {  	_ =	swait.ge [sflag:s21], $0x2000  }
0xbb: {  	[sflag:s21] =	ssyncset.done $0x0  }
0xbc: {  	[sflag:s21] =	ssyncadd.s32 $0xFFFFE000  }
0xbd: {  	[tilespmem:s30], [sflag:$0x6] =	stream.indirect.gather [hbm4b:s4+s26], $0x80, s11, s26, $0xb8;
	[tilespmem:$0x1ED80] =	vst v63  }
0xbe: {  	_ = 	snop  }
0xbf: {  	[tilespmem:s23], [sflag:$0x3] =	stream.linear.gather [hbm4b:s14+s3], $0x40, $0x38;
	[tilespmem:$0x1ED80] =	vst v63  }
0xc0: {  	_ =	swait.ge [sflag:s9], $0x2000  }
0xc1: {  	[sflag:s9] =	ssyncset.done $0x0  }
0xc2: {  	[sflag:s9] =	ssyncadd.s32 $0xFFFFE000  }
0xc3: {  	_ =	swait.ge [sflag:s10], $0x40  }
0xc4: {  	[sflag:s10] =	ssyncset.done $0x0  }
0xc5: {  	[sflag:s10] =	ssyncadd.s32 $0xFFFFFFC0  }
0xc6: {  	[spmem:s2] =	stream.indirect.scatter.add.f32 [tilespmem:s1], [sflag:$0x8], $0x80, s24, s26, $0xb8;
	[tilespmem:$0x1ED80] =	vst v63  }
0xc7: {  	_ =	swait.ge [sflag:s21], $0x2000  }
0xc8: {  	[sflag:s21] =	ssyncset.done $0x0  }
0xc9: {  	[sflag:s21] =	ssyncadd.s32 $0xFFFFE000  }
0xca: {  	[tilespmem:s1], [sflag:$0x7] =	stream.indirect.gather [hbm4b:s4+s26], $0x80, s11, s26, $0xb8;
	[tilespmem:$0x1ED80] =	vst v63  }
0xcb: {  	_ = 	snop  }
0xcc: {  	[tilespmem:s24], [sflag:$0x4] =	stream.linear.gather [hbm4b:s14+s3], $0x40, $0x38;
	[tilespmem:$0x1ED80] =	vst v63  }
0xcd: {  	_ =	swait.ge [sflag:s0], $0x2000  }
0xce: {  	[sflag:s0] =	ssyncset.done $0x0  }
0xcf: {  	[sflag:s0] =	ssyncadd.s32 $0xFFFFE000  }
0xd0: {  	_ =	swait.ge [sflag:s31], $0x2000  }
0xd1: {  	[sflag:s31] =	ssyncset.done $0x0  }
0xd2: {  	[sflag:s31] =	ssyncadd.s32 $0xFFFFE000  }
0xd3: {  	_ =	swait.ge [sflag:s9], $0x2000  }
0xd4: {  	[sflag:s9] =	ssyncset.done $0x0  }
0xd5: {  	[sflag:s9] =	ssyncadd.s32 $0xFFFFE000  }
0xd6: {  	_ =	swait.ge [sflag:s29], $0x40  }
0xd7: {  	[sflag:s29] =	ssyncset.done $0x0  }
0xd8: {  	[sflag:s29] =	ssyncadd.s32 $0xFFFFFFC0  }
0xd9: {  	_ =	swait.ge [sflag:s6], $0x40  }
0xda: {  	[sflag:s6] =	ssyncset.done $0x0  }
0xdb: {  	[sflag:s6] =	ssyncadd.s32 $0xFFFFFFC0  }
0xdc: {  	_ =	swait.ge [sflag:s10], $0x40  }
0xdd: {  	[sflag:s10] =	ssyncset.done $0x0  }
0xde: {  	[sflag:s10] =	ssyncadd.s32 $0xFFFFFFC0  }
0xdf: {  	[bflag:$0x0] =	sbarrier.arrive $0xFFFF  }
0xe0: {  	s19 =	rddreg [dreg:$0x8]  }
0xe1: {  	[hbm:s19], [sflag:s25] =	dma.local [spmem:s20], $0x2780  }
0xe2: {  	_ =	swait.ge [sflag:s21], $0x2780  }
0xe3: {  	s8 =	smov.u32 s25;
	s12 =	sadd.s32 $0x1, s12;
	s25 =	rddreg [dreg:$0x9]  }
0xe4: {  	p0 =	sne.s32 s12, s25  }
.Ltmp1:
0xe5: {  	_ = 	snop;
	(pc) =	sbr.rel @p0 .LBB2_1-.Ltmp1, $3  }
0xe6: {  	_ =	sdelay $0x1  }
0xe7: {  	[sflag:s21] =	ssyncset.done $0x0  }
0xe8: {  	[sflag:s21] =	ssyncadd.s32 $0xFFFFD880  }
0xe9: {  	_ =	sfence.sel $0x180000  }
0xea: {  	[bflag:$0x0] =	sbarrier.arrive $0xFFFF  }
0xeb: {  	_ =	strace $0x90000050  }
0xec: {  	s0 =	stileid.u32;
	[bflag:$0x2] =	sbarrier.arrive $0xFFFF  }
0xed: {  	p0 =	sne.s32 s0, $0x0;
	s0 =	rddreg [dreg:$0x2]  }
0xee: {  	s0 =	sadd.s32 @!p0 $0x100000, s0  }
0xef: {  	[sflag:s0] =	ssyncadd.tile.s32 @!p0 $0x1;
	_ =	shalt  }
.Lfunc_end2:
_tile_overlayer_lowered:
.L_overlay_start_2:
0xf0: {  	(tag) =	ssettag $0x2  }
0xf1: {  	s0 =	rddreg [dreg:$0x0];
	s2 =	stileid.u32  }
0xf2: {  	s1 =	rddreg [dreg:$0x1];
	p0 =	sne.s32 s2, $0x0  }
0xf3: {  	s3 =	rddreg [dreg:$0x2];
	[bflag:$0x3] =	sbarrier.arrive $0xFFFF;
	s2 =	simm.s32 @!p0 $0x1C08  }
0xf4: {  	[timem:s3], [sflag:s2] =	dma.local @!p0 [hbm:s0], s1  }
0xf5: {  	s0 =	simm.s32 @!p0 $0x8  }
0xf6: {  	_ =	swait.ge @!p0 [sflag:s0], s1  }
0xf7: {  	s1 =	ssub.s32 @!p0 $0x0, s1;
	[sflag:s0] =	ssyncset.done @!p0 $0x0  }
0xf8: {  	[sflag:s0] =	ssyncadd.s32 @!p0 s1  }
0xf9: {  	[bflag:$0x3] =	sbarrier.arrive $0xFFFF  }
0xfa: {  	_ =	shalt  }

// kernel: kernel.30.cloned.1.call-start
scs
__scs_entry_jumppad:
0x0: {  	(pc) =	sbr.rel $0x88, $3  }
0x1: {  	(tag) =	ssettag $0x0;
	lr =	simm.s32 $0x1  }
0x2: {  	[smem:$0x3F96] =	sst lr;
	_ =	strace $0xD0000000  }
0x3: {  	_ = 	snop  }
0x4: {  	_ = 	snop  }
0x5: {  	_ = 	snop  }
0x6: {  	_ = 	snop  }
0x7: {  	_ = 	snop  }
__scs_overlays_trampoline_lowered:
0x8: {  	[smem:$0x3FA5] =	sst s0  }
0x9: {  	[smem:$0x3FA6] =	sst s1  }
0xa: {  	[smem:$0x3FA7] =	sst s2  }
0xb: {  	[smem:$0x3FA8] =	sst s3  }
0xc: {  	[smem:$0x3FA9] =	sst s4  }
0xd: {  	[smem:$0x3FAA] =	sst s5  }
0xe: {  	[smem:$0x3FAB] =	sst s6  }
0xf: {  	[smem:$0x3FAC] =	sst s7  }
0x10: {  	[smem:$0x3FAD] =	sst s8  }
0x11: {  	[smem:$0x3FAE] =	sst s9;
	s0 =	simm.s32 @!p0 $0x0  }
0x12: {  	s1 =	sld [smem:$0x3F94];
	s0 =	simm.s32 @p0 $0x1  }
0x13: {  	[smem:$0x3FAF] =	sst s0;
	s0 =	simm.s32 @!p1 $0x0  }
0x14: {  	s2 =	sld [smem:$0x3F93];
	s0 =	simm.s32 @p1 $0x1  }
0x15: {  	[smem:$0x3FB0] =	sst s0;
	s0 =	simm.s32 @!p2 $0x0  }
0x16: {  	s3 =	sld [smem:$0x3FDB];
	s0 =	simm.s32 @p2 $0x1  }
0x17: {  	s4 =	simm.s32 $0x1BF5;
	[smem:$0x3FB2] =	sst s0  }
0x18: {  	s0 =	sld [smem:$0x3F95];
	_ =	swait.ge [sflag:s4], $0x0  }
0x19: {  	s7 =	sld [smem:$0x3F96]  }
0x1a: {  	s8 =	sadd.s32 $0xFFFFE003, lr  }
0x1b: {  	s9 =	sadd.s32 $0xFFFFFEF7, lr;
	s5 =	simm.s32 $0xFFFFFFFF;
	p2 =	slt.u32 s8, $0xFFFFF086  }
0x1c: {  	p1 =	slt.u32 s9, $0xF7A;
	s5 =	simm.s32 @!p2 $0x0  }
0x1d: {  	s5 =	simm.s32 @p1 $0x1;
	p0 =	seq.s32 s7, s2  }
0x1e: {  	s7 =	smul.u32 @!p0 $0xF7A, s2;
	p2 =	seq.s32 @!p0 s5, $0x0  }
0x1f: {  	s9 =	smul.u32 $0xF7A, s1;
	s8 =	simm.s32 @!p0 $0x1BF5;
	p2 =	por !p2, p0  }
0x20: {  	[sflag:s8] =	ssyncset.s32 @!p0 $0xFFFFF086;
	s6 =	sadd.s32 @!p0 s3, s7;
	s7 =	simm.s32 @!p0 $0x108  }
0x21: {  	s3 =	sadd.s32 s3, s9;
	s6 =	sadd.s32 @!p0 $0x88, s6;
	s7 =	simm.s32 @p2 $0x1082  }
0x22: {  	[simem:s7], [sflag:s8] =	dma.local @!p0 [hbm:s6], $0xF7A  }
0x23: {  	s9 =	sor.u32 $0xD0000000, s2;
	s6 =	simm.s32 $0x108;
	_ =	swait.ge @!p0 [sflag:s8], $0x0  }
0x24: {  	s3 =	sadd.s32 $0x88, s3;
	s6 =	simm.s32 @!p1 $0x1082;
	[sflag:s4] =	ssyncset.s32 $0xFFFFF086  }
0x25: {  	[simem:s6], [sflag:s4] =	dma.local [hbm:s3], $0xF7A  }
0x26: {  	[smem:$0x3F96] =	sst s1;
	(tag) =	ssettag s2;
	_ =	strace s9  }
0x27: {  	s1 =	sld [smem:$0x3FA6]  }
0x28: {  	s2 =	sld [smem:$0x3FA7]  }
0x29: {  	s4 =	sld [smem:$0x3FA9]  }
0x2a: {  	p0 =	seq.s32 s5, $0x0;
	s5 =	sld [smem:$0x3FAA]  }
0x2b: {  	s6 =	sld [smem:$0x3FAB]  }
0x2c: {  	s7 =	sld [smem:$0x3FAC]  }
0x2d: {  	s3 =	simm.s32 $0x108;
	s8 =	sld [smem:$0x3FAD]  }
0x2e: {  	s3 =	simm.s32 @!p0 $0x1082;
	s9 =	sld [smem:$0x3FAE]  }
0x2f: {  	lr =	sadd.s32 s0, s3;
	s0 =	sld [smem:$0x3FA5]  }
0x30: {  	s3 =	sld [smem:$0x3FA8]  }
0x31: {  	[smem:$0x3FB1] =	sst s10  }
0x32: {  	s10 =	sld [smem:$0x3FAF];
	_ =	sdelay $0x3  }
0x33: {  	p0 =	seq.s32 s10, $0x1;
	s10 =	sld [smem:$0x3FB1];
	_ =	sdelay $0x3  }
0x34: {  	[smem:$0x3FB1] =	sst s10  }
0x35: {  	s10 =	sld [smem:$0x3FB0];
	_ =	sdelay $0x3  }
0x36: {  	p1 =	seq.s32 s10, $0x1;
	s10 =	sld [smem:$0x3FB1];
	_ =	sdelay $0x3  }
0x37: {  	[smem:$0x3FB1] =	sst s10  }
0x38: {  	s10 =	sld [smem:$0x3FB2]  }
0x39: {  	_ = 	snop;
	(pc) =	sbr.ind lr, $3  }
0x3a: {  	_ = 	snop  }
0x3b: {  	_ = 	snop  }
0x3c: {  	p2 =	seq.s32 s10, $0x1;
	s10 =	sld [smem:$0x3FB1]  }
0x3d: {  	_ =	shalt  }
0x3e: {  	_ =	shalt  }
0x3f: {  	_ =	shalt  }
0x40: {  	_ =	shalt  }
0x41: {  	_ =	shalt  }
0x42: {  	_ =	shalt  }
0x43: {  	_ =	shalt  }
0x44: {  	_ =	shalt  }
0x45: {  	_ =	shalt  }
0x46: {  	_ =	shalt  }
0x47: {  	_ =	shalt  }
0x48: {  	_ =	shalt  }
0x49: {  	_ =	shalt  }
0x4a: {  	_ =	shalt  }
0x4b: {  	_ =	shalt  }
0x4c: {  	_ =	shalt  }
0x4d: {  	_ =	shalt  }
0x4e: {  	_ =	shalt  }
0x4f: {  	_ =	shalt  }
0x50: {  	_ =	shalt  }
0x51: {  	_ =	shalt  }
0x52: {  	_ =	shalt  }
0x53: {  	_ =	shalt  }
0x54: {  	_ =	shalt  }
0x55: {  	_ =	shalt  }
0x56: {  	_ =	shalt  }
0x57: {  	_ =	shalt  }
0x58: {  	_ =	shalt  }
0x59: {  	_ =	shalt  }
0x5a: {  	_ =	shalt  }
0x5b: {  	_ =	shalt  }
0x5c: {  	_ =	shalt  }
0x5d: {  	_ =	shalt  }
0x5e: {  	_ =	shalt  }
0x5f: {  	_ =	shalt  }
0x60: {  	_ =	shalt  }
0x61: {  	_ =	shalt  }
0x62: {  	_ =	shalt  }
0x63: {  	_ =	shalt  }
0x64: {  	_ =	shalt  }
0x65: {  	_ =	shalt  }
0x66: {  	_ =	shalt  }
0x67: {  	_ =	shalt  }
0x68: {  	_ =	shalt  }
0x69: {  	_ =	shalt  }
0x6a: {  	_ =	shalt  }
0x6b: {  	_ =	shalt  }
0x6c: {  	_ =	shalt  }
0x6d: {  	_ =	shalt  }
0x6e: {  	_ =	shalt  }
0x6f: {  	_ =	shalt  }
0x70: {  	_ =	shalt  }
0x71: {  	_ =	shalt  }
0x72: {  	_ =	shalt  }
0x73: {  	_ =	shalt  }
0x74: {  	_ =	shalt  }
0x75: {  	_ =	shalt  }
0x76: {  	_ =	shalt  }
0x77: {  	_ =	shalt  }
0x78: {  	_ =	shalt  }
0x79: {  	_ =	shalt  }
0x7a: {  	_ =	shalt  }
0x7b: {  	_ =	shalt  }
0x7c: {  	_ =	shalt  }
0x7d: {  	_ =	shalt  }
0x7e: {  	_ =	shalt  }
0x7f: {  	_ =	shalt  }
0x80: {  	_ =	shalt  }
0x81: {  	_ =	shalt  }
0x82: {  	_ =	shalt  }
0x83: {  	_ =	shalt  }
0x84: {  	_ =	shalt  }
0x85: {  	_ =	shalt  }
0x86: {  	_ =	shalt  }
0x87: {  	_ =	shalt  }
.Lfunc_end0:
.L_simem_size_0:
called_computation.4_lowered:
.L_overlay_start_0:
0x88: {  	s2 =	sld [smem:$0x3FD9]  }
0x89: {  	s3 =	sld [smem:$0x3FFE];
	_ =	sdelay $0x1  }
0x8a: {  	s1 =	srdreg.scid  }
0x8b: {  	s0 =	sand.u32 $0x1, s1  }
0x8c: {  	s16 =	sshll.u32 s0, $0xA;
	s2 =	sadd.s32 s3, s2  }
0x8d: {  	s2 =	sadd.s32 s2, s16  }
0x8e: {  	[smem:$0x3FBD] =	sst s2  }
0x8f: {  	_ = 	snop  }
0x90: {  	(tm) =	ssettm $0x1  }
0x91: {  	s17 =	sld [smem:$0x3FFB];
	_ =	sdelay $0x3  }
0x92: {  	_ =	strace s17  }
0x93: {  	s2 =	sld [smem:$0x3FFC];
	_ =	sdelay $0x3  }
0x94: {  	_ =	strace s2  }
0x95: {  	s2 =	sld [smem:$0x3FFD];
	_ =	sdelay $0x3  }
0x96: {  	_ =	strace s2  }
0x97: {  	_ =	strace $0x8FFFFFFF  }
0x98: {  	s18 =	sld [smem:$0x3FDB];
	_ =	sdelay $0x1  }
0x99: {  	s19 =	simm.s32 $_scs_section_size  }
0x9a: {  	s4 =	simm.s32 $_size__tile_overlayer_lowered;
	s5 =	simm.s32 $_tile_overlayer_lowered  }
0x9b: {  	s22 =	simm.s32 $0x1BFF;
	s21 =	sshll.u32 s5, $0x1;
	s2 =	sadd.s32 s19, s18  }
0x9c: {  	s6 =	simm.s32 $0x0;
	s20 =	sshll.u32 s4, $0x1;
	s4 =	sadd.s32 s21, s2  }
0x9d: {  	[timem:s6], [sflag:s22] =	dma.local [hbm:s4], s20  }
0x9e: {  	_ =	swait.ge [sflag:s22], s20  }
0x9f: {  	s3 =	ssub.s32 $0x0, s20;
	[sflag:s22] =	ssyncset.done $0x0  }
0xa0: {  	[sflag:s22] =	ssyncadd.s32 s3;
	_ =	sdelay $0x1  }
0xa1: {  	s23 =	simm.s32 $0x1B8B  }
0xa2: {  	_ =	swait.ge [sflag:s23], $0x1  }
0xa3: {  	[sflag:s23] =	ssyncset.done $0x0  }
0xa4: {  	s25 =	simm.s32 $0x1B8E;
	s24 =	sld [smem:$0x3FFE];
	[sflag:s23] =	ssyncadd.s32 $0xFFFFFFFF  }
0xa5: {  	s26 =	simm.s32 $execute0_lowered;
	[smem:$0x3FD2] =	sst s25  }
0xa6: {  	s4 =	sshll.u32 s26, $0x1;
	_ =	strace $0x80000052;
	[dreg:$0x1] =	wrdreg $0xFFFFFFFF  }
0xa7: {  	s28 =	simm.s32 $_size_execute0_lowered;
	s2 =	sadd.s32 s2, s4;
	[dreg:$0x0] =	wrdreg $0x0  }
0xa8: {  	s4 =	sshll.u32 s28, $0x1;
	[dreg:$0x2] =	wrdreg s2  }
0xa9: {  	[dreg:$0x3] =	wrdreg s4  }
0xaa: {  	[dreg:$0x4] =	wrdreg $0xC0  }
0xab: {  	_ =	task [dreg:s6], $0x5FFFF  }
0xac: {  	[dreg:$0x1] =	wrdreg $0xFFFFFFFF  }
0xad: {  	[dreg:$0x0] =	wrdreg $0x60  }
0xae: {  	[dreg:$0x2] =	wrdreg s24  }
0xaf: {  	[dreg:$0x3] =	wrdreg $0xB1800  }
0xb0: {  	[dreg:$0x4] =	wrdreg $0x9  }
0xb1: {  	_ =	task.clear_ibuf [dreg:s6], $0x5FFFF;
	_ =	strace $0x90000052  }
0xb2: {  	s29 =	simm.s32 $0x9;
	_ =	strace $0x80000054  }
0xb3: {  	_ =	swait.ge [sflag:s29], $0x1  }
0xb4: {  	[sflag:s29] =	ssyncadd.s32 $0xFFFFFFFF  }
0xb5: {  	_ =	strace $0x90000054  }
0xb6: {  	_ =	sfence  }
0xb7: {  	s30 =	sld [smem:$0x0];
	_ =	sdelay $0x2  }
0xb8: {  	s31 =	sshll.u32 s1, $0xD;
	s1 =	sshrl.u32 s1, $0x2  }
0xb9: {  	s3 =	sand.u32 $0x4000, s31;
	s1 =	sadd.s32 s1, s30  }
0xba: {  	s0 =	sor.u32 s3, s0;
	s1 =	sshll.u32 s1, $0x11  }
0xbb: {  	s0 =	sor.u32 s1, s0  }
0xbc: {  	s0 =	sadd.s32 $0x8F2B, s0  }
0xbd: {  	[sflag:s0] =	ssyncadd.remote.s32 $0x1  }
0xbe: {  	_ =	sfence.sel $0xFFFF  }
0xbf: {  	[dreg:$0x0] =	wrdreg $0xFFFFFFFF;
	(pc) =	sbr.abs _section_cstart, $3  }
0xc0: {  	[dreg:$0x1] =	wrdreg $0xFFFFFFFF  }
0xc1: {  	_ =	task.clear_ibuf [dreg:s6], $0x2FFFF;
	_ =	strace $0x9FFFFFFF  }
0xc2: {  	(tm) =	ssettm $0x7FFFFFFF  }
0xc3: {  	_ =	shalt  }
tec
execute0_lowered:
.L_overlay_start_1:
0x0: {  	(tag) =	ssettag $0x1  }
0x1: {  	s0 =	srdreg.scid;
	s1 =	rddreg [dreg:$0x0]  }
0x2: {  	s13 =	stileid.u32;
	s2 =	rddreg [dreg:$0x1];
	s28 =	simm.s32 $0x5180  }
0x3: {  	s30 =	simm.s32 $0x7180;
	s29 =	simm.s32 $0x2;
	s7 =	smul.u32 $0x13C00, s13  }
0x4: {  	s31 =	simm.s32 $0x6;
	s0 =	sand.u32 $0x1, s0;
	s26 =	smul.u32 $0x4F000, s13  }
0x5: {  	s3 =	sshll.u32 s13, $0x1;
	s4 =	sadd.s32 $0x38800, s1;
	s15 =	smul.u32 $0x4F80, s13  }
0x6: {  	s16 =	sshll.u32 s13, $0x6;
	s6 =	sor.u32 s0, s3;
	s8 =	smul.u32 $0x13C000, s0  }
0x7: {  	s3 =	simm.s32 $0x0;
	s11 =	ssub.s32 $0x2, s0;
	s0 =	smul.u32 $0x27C0, s0  }
0x8: {  	s5 =	smul.u32 $0xA00, s6;
	[smem:$0x7FF] =	sst s3;
	s10 =	sshrl.u32 s7, $0x3  }
0x9: {  	s12 =	sshrl.u32 s11, $0x1;
	s6 =	smul.u32 $0x27C0, s6;
	_ =	strace $0x80000053  }
0xa: {  	s7 =	sadd.s32 s7, s8;
	s10 =	sadd.s32 s10, s1;
	s8 =	sshrl.u32 s26, $0x2  }
0xb: {  	s12 =	ssub.s32 s11, s12;
	s0 =	sadd.s32 s0, s15;
	s9 =	sadd.s32 s5, s1  }
0xc: {  	s5 =	sadd.s32 $0x88000, s1;
	s7 =	sshrl.u32 s7, $0x3;
	s11 =	sadd.s32 s8, s2  }
0xd: {  	s14 =	sadd.s32 $0x11000, s10;
	s6 =	sshrl.u32 s6, $0x3;
	s8 =	sor.u32 $0x1C08, s16  }
0xe: {  	s21 =	smax.u32 s12, $0x1;
	s22 =	sadd.s32 $0x140, s0;
	s24 =	sadd.s32 $0x100, s0  }
0xf: {  	s0 =	sadd.s32 $0xC0, s0;
	s10 =	simm.s32 $0x4;
	[dreg:$0x3] =	wrdreg s14  }
0x10: {  	s12 =	simm.s32 $0x0;
	s1 =	sadd.s32 s7, s1;
	[dreg:$0x9] =	wrdreg s21  }
0x11: {  	s17 =	sadd.s32 s5, s6;
	s18 =	sadd.s32 $0x92000, s9;
	[dreg:$0xe] =	wrdreg s0  }
0x12: {  	s26 =	sshrl.u32 s24, $0x3;
	s21 =	simm.s32 $0x8;
	[dreg:$0x5] =	wrdreg s18  }
0x13: {  	s24 =	simm.s32 $0x5100;
	s19 =	sadd.s32 $0x8, s17;
	[dreg:$0x4] =	wrdreg s17  }
0x14: {  	s0 =	simm.s32 $0x5;
	s20 =	sadd.s32 $0x10, s17;
	[dreg:$0x6] =	wrdreg s19  }
0x15: {  	s6 =	simm.s32 $0x3;
	s1 =	sadd.s32 $0xA7000, s1;
	[dreg:$0x7] =	wrdreg s20  }
0x16: {  	s9 =	simm.s32 $0x7;
	s23 =	sadd.s32 $0x4E0, s17;
	[dreg:$0x8] =	wrdreg s1  }
0x17: {  	s14 =	sadd.s32 $0x4F0, s17;
	s25 =	sadd.s32 $0x4E8, s17;
	[dreg:$0xa] =	wrdreg s23  }
0x18: {  	s1 =	sshrl.u32 s22, $0x3;
	[dreg:$0xb] =	wrdreg s25;
	s20 =	sshrl.u32 s11, $0x3  }
0x19: {  	s22 =	simm.s32 $0x5000;
	s23 =	simm.s32 $0x5080;
	s1 =	sadd.s32 s1, s5  }
0x1a: {  	s11 =	simm.s32 $0x4F00;
	[dreg:$0xc] =	wrdreg s1;
	s1 =	sadd.s32 s26, s5  }
0x1b: {  	s26 =	simm.s32 $0x40;
	[dreg:$0xd] =	wrdreg s1;
	s1 =	simm.s32 $0x9180  }
.LBB2_1:
0x1c: {  	s7 =	rddreg [dreg:$0x3]  }
0x1d: {  	[spmem:s20], [sflag:s8] =	dma.local [hbm:s7], $0x2780  }
0x1e: {  	_ =	swait.ge [sflag:s21], $0x2780  }
0x1f: {  	[sflag:s21] =	ssyncset.done $0x0  }
0x20: {  	s25 =	smov.u32 s8;
	s8 =	rddreg [dreg:$0x5];
	[sflag:s21] =	ssyncadd.s32 $0xFFFFD880  }
0x21: {  	[tilespmem:s3], [sflag:$0x1] =	stream.linear.gather [hbm4b:s8+s3], $0x4F80, $0x38;
	[tilespmem:$0x1ED80] =	vst v63  }
0x22: {  	s13 =	rddreg [dreg:$0x4]  }
0x23: {  	[tilespmem:s22], [sflag:$0x2] =	stream.linear.gather [hbm4b:s13+s3], $0x40, $0x38;
	[tilespmem:$0x1ED80] =	vst v63  }
0x24: {  	s15 =	rddreg [dreg:$0x6]  }
0x25: {  	[tilespmem:s23], [sflag:$0x3] =	stream.linear.gather [hbm4b:s15+s3], $0x40, $0x38;
	[tilespmem:$0x1ED80] =	vst v63  }
0x26: {  	s17 =	simm.s32 $0x1;
	s16 =	rddreg [dreg:$0x7]  }
0x27: {  	[tilespmem:s24], [sflag:$0x4] =	stream.linear.gather [hbm4b:s16+s3], $0x40, $0x38;
	[tilespmem:$0x1ED80] =	vst v63  }
0x28: {  	_ =	swait.ge [sflag:s17], $0x4F80  }
0x29: {  	[sflag:s17] =	ssyncset.done $0x0  }
0x2a: {  	[sflag:s17] =	ssyncadd.s32 $0xFFFFB080  }
0x2b: {  	[tilespmem:s28], [sflag:$0x5] =	stream.indirect.gather [hbm4b:s4+s26], $0x80, s3, s26, $0xb8;
	[tilespmem:$0x1ED80] =	vst v63  }
0x2c: {  	s18 =	simm.s32 $0x80  }
0x2d: {  	[tilespmem:s30], [sflag:$0x6] =	stream.indirect.gather [hbm4b:s4+s26], $0x80, s18, s26, $0xb8;
	[tilespmem:$0x1ED80] =	vst v63  }
0x2e: {  	s19 =	simm.s32 $0x100  }
0x2f: {  	[tilespmem:s1], [sflag:$0x7] =	stream.indirect.gather [hbm4b:s4+s26], $0x80, s19, s26, $0xb8;
	[tilespmem:$0x1ED80] =	vst v63  }
0x30: {  	[bflag:$0x0] =	sbarrier.arrive $0xFFFF  }
0x31: {  	_ =	swait.ge [sflag:s0], $0x2000  }
0x32: {  	[sflag:s0] =	ssyncset.done $0x0  }
0x33: {  	[sflag:s0] =	ssyncadd.s32 $0xFFFFE000  }
0x34: {  	_ =	swait.ge [sflag:s29], $0x40  }
0x35: {  	[sflag:s29] =	ssyncset.done $0x0  }
0x36: {  	[sflag:s29] =	ssyncadd.s32 $0xFFFFFFC0  }
0x37: {  	[spmem:s2] =	stream.indirect.scatter.add.f32 [tilespmem:s28], [sflag:$0x8], $0x80, s22, s26, $0xb8;
	[tilespmem:$0x1ED80] =	vst v63  }
0x38: {  	_ =	swait.ge [sflag:s21], $0x2000  }
0x39: {  	[sflag:s21] =	ssyncset.done $0x0;
	s18 =	rddreg [dreg:$0xe]  }
0x3a: {  	s8 =	simm.s32 $0x180;
	[sflag:s21] =	ssyncadd.s32 $0xFFFFE000;
	s13 =	sshrl.u32 s18, $0x3  }
0x3b: {  	[tilespmem:s28], [sflag:$0x5] =	stream.indirect.gather [hbm4b:s4+s26], $0x80, s8, s26, $0xb8;
	[tilespmem:$0x1ED80] =	vst v63  }
0x3c: {  	s13 =	sadd.s32 s5, s13  }
0x3d: {  	[tilespmem:s22], [sflag:$0x2] =	stream.linear.gather [hbm4b:s13+s3], $0x40, $0x38;
	[tilespmem:$0x1ED80] =	vst v63  }
0x3e: {  	_ =	swait.ge [sflag:s31], $0x2000  }
0x3f: {  	[sflag:s31] =	ssyncset.done $0x0  }
0x40: {  	[sflag:s31] =	ssyncadd.s32 $0xFFFFE000  }
0x41: {  	_ =	swait.ge [sflag:s6], $0x40  }
0x42: {  	[sflag:s6] =	ssyncset.done $0x0  }
0x43: {  	[sflag:s6] =	ssyncadd.s32 $0xFFFFFFC0  }
0x44: {  	[spmem:s2] =	stream.indirect.scatter.add.f32 [tilespmem:s30], [sflag:$0x8], $0x80, s23, s26, $0xb8;
	[tilespmem:$0x1ED80] =	vst v63  }
0x45: {  	_ =	swait.ge [sflag:s21], $0x2000  }
0x46: {  	[sflag:s21] =	ssyncset.done $0x0  }
0x47: {  	s15 =	simm.s32 $0x200;
	[sflag:s21] =	ssyncadd.s32 $0xFFFFE000  }
0x48: {  	[tilespmem:s30], [sflag:$0x6] =	stream.indirect.gather [hbm4b:s4+s26], $0x80, s15, s26, $0xb8;
	[tilespmem:$0x1ED80] =	vst v63  }
0x49: {  	s16 =	rddreg [dreg:$0xd]  }
0x4a: {  	[tilespmem:s23], [sflag:$0x3] =	stream.linear.gather [hbm4b:s16+s3], $0x40, $0x38;
	[tilespmem:$0x1ED80] =	vst v63  }
0x4b: {  	_ =	swait.ge [sflag:s9], $0x2000  }
0x4c: {  	[sflag:s9] =	ssyncset.done $0x0  }
0x4d: {  	[sflag:s9] =	ssyncadd.s32 $0xFFFFE000  }
0x4e: {  	_ =	swait.ge [sflag:s10], $0x40  }
0x4f: {  	[sflag:s10] =	ssyncset.done $0x0  }
0x50: {  	[sflag:s10] =	ssyncadd.s32 $0xFFFFFFC0  }
0x51: {  	[spmem:s2] =	stream.indirect.scatter.add.f32 [tilespmem:s1], [sflag:$0x8], $0x80, s24, s26, $0xb8;
	[tilespmem:$0x1ED80] =	vst v63  }
0x52: {  	s19 =	simm.s32 $0x280;
	s7 =	sadd.s32 $0xC0, s18;
	_ =	swait.ge [sflag:s21], $0x2000  }
0x53: {  	s13 =	simm.s32 $0x600;
	[sflag:s21] =	ssyncset.done $0x0;
	s17 =	rddreg [dreg:$0xc]  }
0x54: {  	s16 =	sadd.s32 $0x18, s16;
	[sflag:s21] =	ssyncadd.s32 $0xFFFFE000;
	s15 =	sadd.s32 $0x18, s17  }
0x55: {  	[tilespmem:s1], [sflag:$0x7] =	stream.indirect.gather [hbm4b:s4+s26], $0x80, s19, s26, $0xb8;
	[tilespmem:$0x1ED80] =	vst v63  }
.LBB2_2:
0x56: {  	[tilespmem:s24], [sflag:$0x4] =	stream.linear.gather [hbm4b:s17+s3], $0x40, $0x38;
	[tilespmem:$0x1ED80] =	vst v63  }
0x57: {  	s8 =	smov.u32 s13;
	s17 =	smov.u32 s15  }
0x58: {  	p0 =	sne.s32 s13, $0x12C00;
	s13 =	sadd.s32 $0x600, s13;
	_ =	swait.ge [sflag:s0], $0x2000  }
0x59: {  	[sflag:s0] =	ssyncset.done $0x0  }
0x5a: {  	[sflag:s0] =	ssyncadd.s32 $0xFFFFE000  }
0x5b: {  	_ =	swait.ge [sflag:s29], $0x40  }
0x5c: {  	[sflag:s29] =	ssyncset.done $0x0  }
0x5d: {  	[sflag:s29] =	ssyncadd.s32 $0xFFFFFFC0  }
0x5e: {  	[spmem:s2] =	stream.indirect.scatter.add.f32 [tilespmem:s28], [sflag:$0x8], $0x80, s22, s26, $0xb8;
	[tilespmem:$0x1ED80] =	vst v63  }
0x5f: {  	_ =	swait.ge [sflag:s21], $0x2000  }
0x60: {  	s8 =	sshra.s32 s8, $0x2;
	[sflag:s21] =	ssyncset.done $0x0  }
0x61: {  	s19 =	sshrl.u32 s7, $0x3;
	s18 =	sadd.s32 $0x180, s8;
	[sflag:s21] =	ssyncadd.s32 $0xFFFFE000  }
0x62: {  	[tilespmem:s28], [sflag:$0x5] =	stream.indirect.gather [hbm4b:s4+s26], $0x80, s18, s26, $0xb8;
	[tilespmem:$0x1ED80] =	vst v63  }
0x63: {  	s18 =	sadd.s32 s5, s19  }
0x64: {  	[tilespmem:s22], [sflag:$0x2] =	stream.linear.gather [hbm4b:s18+s3], $0x40, $0x38;
	[tilespmem:$0x1ED80] =	vst v63  }
0x65: {  	_ =	swait.ge [sflag:s31], $0x2000  }
0x66: {  	[sflag:s31] =	ssyncset.done $0x0  }
0x67: {  	[sflag:s31] =	ssyncadd.s32 $0xFFFFE000  }
0x68: {  	_ =	swait.ge [sflag:s6], $0x40  }
0x69: {  	[sflag:s6] =	ssyncset.done $0x0  }
0x6a: {  	[sflag:s6] =	ssyncadd.s32 $0xFFFFFFC0  }
0x6b: {  	[spmem:s2] =	stream.indirect.scatter.add.f32 [tilespmem:s30], [sflag:$0x8], $0x80, s23, s26, $0xb8;
	[tilespmem:$0x1ED80] =	vst v63  }
0x6c: {  	_ =	swait.ge [sflag:s21], $0x2000  }
0x6d: {  	[sflag:s21] =	ssyncset.done $0x0  }
0x6e: {  	s18 =	sadd.s32 $0x200, s8;
	[sflag:s21] =	ssyncadd.s32 $0xFFFFE000  }
0x6f: {  	[tilespmem:s30], [sflag:$0x6] =	stream.indirect.gather [hbm4b:s4+s26], $0x80, s18, s26, $0xb8;
	[tilespmem:$0x1ED80] =	vst v63  }
0x70: {  	_ = 	snop  }
0x71: {  	[tilespmem:s23], [sflag:$0x3] =	stream.linear.gather [hbm4b:s16+s3], $0x40, $0x38;
	[tilespmem:$0x1ED80] =	vst v63  }
0x72: {  	_ =	swait.ge [sflag:s9], $0x2000  }
0x73: {  	[sflag:s9] =	ssyncset.done $0x0  }
0x74: {  	[sflag:s9] =	ssyncadd.s32 $0xFFFFE000  }
0x75: {  	_ =	swait.ge [sflag:s10], $0x40  }
0x76: {  	[sflag:s10] =	ssyncset.done $0x0  }
0x77: {  	[sflag:s10] =	ssyncadd.s32 $0xFFFFFFC0  }
0x78: {  	[spmem:s2] =	stream.indirect.scatter.add.f32 [tilespmem:s1], [sflag:$0x8], $0x80, s24, s26, $0xb8;
	[tilespmem:$0x1ED80] =	vst v63  }
.Ltmp0:
0x79: {  	_ =	swait.ge [sflag:s21], $0x2000;
	(pc) =	sbr.rel @p0 .LBB2_2-.Ltmp0, $4  }
0x7a: {  	[sflag:s21] =	ssyncset.done $0x0  }
0x7b: {  	s8 =	sadd.s32 $0x280, s8;
	[sflag:s21] =	ssyncadd.s32 $0xFFFFE000  }
0x7c: {  	[tilespmem:s1], [sflag:$0x7] =	stream.indirect.gather [hbm4b:s4+s26], $0x80, s8, s26, $0xb8;
	[tilespmem:$0x1ED80] =	vst v63  }
0x7d: {  	s15 =	sadd.s32 $0x18, s15;
	s7 =	sadd.s32 $0xC0, s7;
	s16 =	sadd.s32 $0x18, s16  }
0x7e: {  	[tilespmem:s24], [sflag:$0x4] =	stream.linear.gather [hbm4b:s17+s3], $0x40, $0x38;
	[tilespmem:$0x1ED80] =	vst v63  }
0x7f: {  	_ =	swait.ge [sflag:s0], $0x2000  }
0x80: {  	[sflag:s0] =	ssyncset.done $0x0  }
0x81: {  	[sflag:s0] =	ssyncadd.s32 $0xFFFFE000  }
0x82: {  	_ =	swait.ge [sflag:s29], $0x40  }
0x83: {  	[sflag:s29] =	ssyncset.done $0x0  }
0x84: {  	[sflag:s29] =	ssyncadd.s32 $0xFFFFFFC0  }
0x85: {  	[spmem:s2] =	stream.indirect.scatter.add.f32 [tilespmem:s28], [sflag:$0x8], $0x80, s22, s26, $0xb8;
	[tilespmem:$0x1ED80] =	vst v63  }
0x86: {  	_ =	swait.ge [sflag:s21], $0x2000  }
0x87: {  	[sflag:s21] =	ssyncset.done $0x0  }
0x88: {  	s7 =	simm.s32 $0x4E00;
	[sflag:s21] =	ssyncadd.s32 $0xFFFFE000  }
0x89: {  	[tilespmem:s28], [sflag:$0x5] =	stream.indirect.gather [hbm4b:s4+s26], $0x80, s7, s26, $0xb8;
	[tilespmem:$0x1ED80] =	vst v63  }
0x8a: {  	s16 =	rddreg [dreg:$0xa]  }
0x8b: {  	[tilespmem:s22], [sflag:$0x2] =	stream.linear.gather [hbm4b:s16+s3], $0x40, $0x38;
	[tilespmem:$0x1ED80] =	vst v63  }
0x8c: {  	_ =	swait.ge [sflag:s31], $0x2000  }
0x8d: {  	[sflag:s31] =	ssyncset.done $0x0  }
0x8e: {  	[sflag:s31] =	ssyncadd.s32 $0xFFFFE000  }
0x8f: {  	_ =	swait.ge [sflag:s6], $0x40  }
0x90: {  	[sflag:s6] =	ssyncset.done $0x0  }
0x91: {  	[sflag:s6] =	ssyncadd.s32 $0xFFFFFFC0  }
0x92: {  	[spmem:s2] =	stream.indirect.scatter.add.f32 [tilespmem:s30], [sflag:$0x8], $0x80, s23, s26, $0xb8;
	[tilespmem:$0x1ED80] =	vst v63  }
0x93: {  	_ =	swait.ge [sflag:s21], $0x2000  }
0x94: {  	[sflag:s21] =	ssyncset.done $0x0  }
0x95: {  	s17 =	simm.s32 $0x4E80;
	[sflag:s21] =	ssyncadd.s32 $0xFFFFE000  }
0x96: {  	[tilespmem:s30], [sflag:$0x6] =	stream.indirect.gather [hbm4b:s4+s26], $0x80, s17, s26, $0xb8;
	[tilespmem:$0x1ED80] =	vst v63  }
0x97: {  	s18 =	rddreg [dreg:$0xb]  }
0x98: {  	[tilespmem:s23], [sflag:$0x3] =	stream.linear.gather [hbm4b:s18+s3], $0x40, $0x38;
	[tilespmem:$0x1ED80] =	vst v63  }
0x99: {  	_ =	swait.ge [sflag:s9], $0x2000  }
0x9a: {  	[sflag:s9] =	ssyncset.done $0x0  }
0x9b: {  	[sflag:s9] =	ssyncadd.s32 $0xFFFFE000  }
0x9c: {  	_ =	swait.ge [sflag:s10], $0x40  }
0x9d: {  	[sflag:s10] =	ssyncset.done $0x0  }
0x9e: {  	[sflag:s10] =	ssyncadd.s32 $0xFFFFFFC0  }
0x9f: {  	[spmem:s2] =	stream.indirect.scatter.add.f32 [tilespmem:s1], [sflag:$0x8], $0x80, s24, s26, $0xb8;
	[tilespmem:$0x1ED80] =	vst v63  }
0xa0: {  	_ =	swait.ge [sflag:s21], $0x2000  }
0xa1: {  	[sflag:s21] =	ssyncset.done $0x0  }
0xa2: {  	[sflag:s21] =	ssyncadd.s32 $0xFFFFE000  }
0xa3: {  	[tilespmem:s1], [sflag:$0x7] =	stream.indirect.gather [hbm4b:s4+s26], $0x80, s11, s26, $0xb8;
	[tilespmem:$0x1ED80] =	vst v63  }
0xa4: {  	_ = 	snop  }
0xa5: {  	[tilespmem:s24], [sflag:$0x4] =	stream.linear.gather [hbm4b:s14+s3], $0x40, $0x38;
	[tilespmem:$0x1ED80] =	vst v63  }
0xa6: {  	_ =	swait.ge [sflag:s0], $0x2000  }
0xa7: {  	[sflag:s0] =	ssyncset.done $0x0  }
0xa8: {  	[sflag:s0] =	ssyncadd.s32 $0xFFFFE000  }
0xa9: {  	_ =	swait.ge [sflag:s29], $0x40  }
0xaa: {  	[sflag:s29] =	ssyncset.done $0x0  }
0xab: {  	[sflag:s29] =	ssyncadd.s32 $0xFFFFFFC0  }
0xac: {  	[spmem:s2] =	stream.indirect.scatter.add.f32 [tilespmem:s28], [sflag:$0x8], $0x80, s22, s26, $0xb8;
	[tilespmem:$0x1ED80] =	vst v63  }
0xad: {  	_ =	swait.ge [sflag:s21], $0x2000  }
0xae: {  	[sflag:s21] =	ssyncset.done $0x0  }
0xaf: {  	[sflag:s21] =	ssyncadd.s32 $0xFFFFE000  }
0xb0: {  	[tilespmem:s28], [sflag:$0x5] =	stream.indirect.gather [hbm4b:s4+s26], $0x80, s11, s26, $0xb8;
	[tilespmem:$0x1ED80] =	vst v63  }
0xb1: {  	_ = 	snop  }
0xb2: {  	[tilespmem:s22], [sflag:$0x2] =	stream.linear.gather [hbm4b:s14+s3], $0x40, $0x38;
	[tilespmem:$0x1ED80] =	vst v63  }
0xb3: {  	_ =	swait.ge [sflag:s31], $0x2000  }
0xb4: {  	[sflag:s31] =	ssyncset.done $0x0  }
0xb5: {  	[sflag:s31] =	ssyncadd.s32 $0xFFFFE000  }
0xb6: {  	_ =	swait.ge [sflag:s6], $0x40  }
0xb7: {  	[sflag:s6] =	ssyncset.done $0x0  }
0xb8: {  	[sflag:s6] =	ssyncadd.s32 $0xFFFFFFC0  }
0xb9: {  	[spmem:s2] =	stream.indirect.scatter.add.f32 [tilespmem:s30], [sflag:$0x8], $0x80, s23, s26, $0xb8;
	[tilespmem:$0x1ED80] =	vst v63  }
0xba: {  	_ =	swait.ge [sflag:s21], $0x2000  }
0xbb: {  	[sflag:s21] =	ssyncset.done $0x0  }
0xbc: {  	[sflag:s21] =	ssyncadd.s32 $0xFFFFE000  }
0xbd: {  	[tilespmem:s30], [sflag:$0x6] =	stream.indirect.gather [hbm4b:s4+s26], $0x80, s11, s26, $0xb8;
	[tilespmem:$0x1ED80] =	vst v63  }
0xbe: {  	_ = 	snop  }
0xbf: {  	[tilespmem:s23], [sflag:$0x3] =	stream.linear.gather [hbm4b:s14+s3], $0x40, $0x38;
	[tilespmem:$0x1ED80] =	vst v63  }
0xc0: {  	_ =	swait.ge [sflag:s9], $0x2000  }
0xc1: {  	[sflag:s9] =	ssyncset.done $0x0  }
0xc2: {  	[sflag:s9] =	ssyncadd.s32 $0xFFFFE000  }
0xc3: {  	_ =	swait.ge [sflag:s10], $0x40  }
0xc4: {  	[sflag:s10] =	ssyncset.done $0x0  }
0xc5: {  	[sflag:s10] =	ssyncadd.s32 $0xFFFFFFC0  }
0xc6: {  	[spmem:s2] =	stream.indirect.scatter.add.f32 [tilespmem:s1], [sflag:$0x8], $0x80, s24, s26, $0xb8;
	[tilespmem:$0x1ED80] =	vst v63  }
0xc7: {  	_ =	swait.ge [sflag:s21], $0x2000  }
0xc8: {  	[sflag:s21] =	ssyncset.done $0x0  }
0xc9: {  	[sflag:s21] =	ssyncadd.s32 $0xFFFFE000  }
0xca: {  	[tilespmem:s1], [sflag:$0x7] =	stream.indirect.gather [hbm4b:s4+s26], $0x80, s11, s26, $0xb8;
	[tilespmem:$0x1ED80] =	vst v63  }
0xcb: {  	_ = 	snop  }
0xcc: {  	[tilespmem:s24], [sflag:$0x4] =	stream.linear.gather [hbm4b:s14+s3], $0x40, $0x38;
	[tilespmem:$0x1ED80] =	vst v63  }
0xcd: {  	_ =	swait.ge [sflag:s0], $0x2000  }
0xce: {  	[sflag:s0] =	ssyncset.done $0x0  }
0xcf: {  	[sflag:s0] =	ssyncadd.s32 $0xFFFFE000  }
0xd0: {  	_ =	swait.ge [sflag:s31], $0x2000  }
0xd1: {  	[sflag:s31] =	ssyncset.done $0x0  }
0xd2: {  	[sflag:s31] =	ssyncadd.s32 $0xFFFFE000  }
0xd3: {  	_ =	swait.ge [sflag:s9], $0x2000  }
0xd4: {  	[sflag:s9] =	ssyncset.done $0x0  }
0xd5: {  	[sflag:s9] =	ssyncadd.s32 $0xFFFFE000  }
0xd6: {  	_ =	swait.ge [sflag:s29], $0x40  }
0xd7: {  	[sflag:s29] =	ssyncset.done $0x0  }
0xd8: {  	[sflag:s29] =	ssyncadd.s32 $0xFFFFFFC0  }
0xd9: {  	_ =	swait.ge [sflag:s6], $0x40  }
0xda: {  	[sflag:s6] =	ssyncset.done $0x0  }
0xdb: {  	[sflag:s6] =	ssyncadd.s32 $0xFFFFFFC0  }
0xdc: {  	_ =	swait.ge [sflag:s10], $0x40  }
0xdd: {  	[sflag:s10] =	ssyncset.done $0x0  }
0xde: {  	[sflag:s10] =	ssyncadd.s32 $0xFFFFFFC0  }
0xdf: {  	[bflag:$0x0] =	sbarrier.arrive $0xFFFF  }
0xe0: {  	s19 =	rddreg [dreg:$0x8]  }
0xe1: {  	[hbm:s19], [sflag:s25] =	dma.local [spmem:s20], $0x2780  }
0xe2: {  	_ =	swait.ge [sflag:s21], $0x2780  }
0xe3: {  	s8 =	smov.u32 s25;
	s12 =	sadd.s32 $0x1, s12;
	s25 =	rddreg [dreg:$0x9]  }
0xe4: {  	p0 =	sne.s32 s12, s25  }
.Ltmp1:
0xe5: {  	_ = 	snop;
	(pc) =	sbr.rel @p0 .LBB2_1-.Ltmp1, $3  }
0xe6: {  	_ =	sdelay $0x1  }
0xe7: {  	[sflag:s21] =	ssyncset.done $0x0  }
0xe8: {  	[sflag:s21] =	ssyncadd.s32 $0xFFFFD880  }
0xe9: {  	_ =	sfence.sel $0x180000  }
0xea: {  	[bflag:$0x0] =	sbarrier.arrive $0xFFFF  }
0xeb: {  	_ =	strace $0x90000053  }
0xec: {  	s0 =	stileid.u32;
	[bflag:$0x2] =	sbarrier.arrive $0xFFFF  }
0xed: {  	p0 =	sne.s32 s0, $0x0;
	s0 =	rddreg [dreg:$0x2]  }
0xee: {  	s0 =	sadd.s32 @!p0 $0x100000, s0  }
0xef: {  	[sflag:s0] =	ssyncadd.tile.s32 @!p0 $0x1;
	_ =	shalt  }
.Lfunc_end2:
_tile_overlayer_lowered:
.L_overlay_start_2:
0xf0: {  	(tag) =	ssettag $0x2  }
0xf1: {  	s0 =	rddreg [dreg:$0x0];
	s2 =	stileid.u32  }
0xf2: {  	s1 =	rddreg [dreg:$0x1];
	p0 =	sne.s32 s2, $0x0  }
0xf3: {  	s3 =	rddreg [dreg:$0x2];
	[bflag:$0x3] =	sbarrier.arrive $0xFFFF;
	s2 =	simm.s32 @!p0 $0x1C08  }
0xf4: {  	[timem:s3], [sflag:s2] =	dma.local @!p0 [hbm:s0], s1  }
0xf5: {  	s0 =	simm.s32 @!p0 $0x8  }
0xf6: {  	_ =	swait.ge @!p0 [sflag:s0], s1  }
0xf7: {  	s1 =	ssub.s32 @!p0 $0x0, s1;
	[sflag:s0] =	ssyncset.done @!p0 $0x0  }
0xf8: {  	[sflag:s0] =	ssyncadd.s32 @!p0 s1  }
0xf9: {  	[bflag:$0x3] =	sbarrier.arrive $0xFFFF  }
0xfa: {  	_ =	shalt  }

// kernel: kernel.33.cloned.1.call-start
scs
__scs_entry_jumppad:
0x0: {  	(pc) =	sbr.rel $0x88, $3  }
0x1: {  	(tag) =	ssettag $0x0;
	lr =	simm.s32 $0x1  }
0x2: {  	[smem:$0x3F96] =	sst lr;
	_ =	strace $0xD0000000  }
0x3: {  	_ = 	snop  }
0x4: {  	_ = 	snop  }
0x5: {  	_ = 	snop  }
0x6: {  	_ = 	snop  }
0x7: {  	_ = 	snop  }
__scs_overlays_trampoline_lowered:
0x8: {  	[smem:$0x3FA5] =	sst s0  }
0x9: {  	[smem:$0x3FA6] =	sst s1  }
0xa: {  	[smem:$0x3FA7] =	sst s2  }
0xb: {  	[smem:$0x3FA8] =	sst s3  }
0xc: {  	[smem:$0x3FA9] =	sst s4  }
0xd: {  	[smem:$0x3FAA] =	sst s5  }
0xe: {  	[smem:$0x3FAB] =	sst s6  }
0xf: {  	[smem:$0x3FAC] =	sst s7  }
0x10: {  	[smem:$0x3FAD] =	sst s8  }
0x11: {  	[smem:$0x3FAE] =	sst s9;
	s0 =	simm.s32 @!p0 $0x0  }
0x12: {  	s1 =	sld [smem:$0x3F94];
	s0 =	simm.s32 @p0 $0x1  }
0x13: {  	[smem:$0x3FAF] =	sst s0;
	s0 =	simm.s32 @!p1 $0x0  }
0x14: {  	s2 =	sld [smem:$0x3F93];
	s0 =	simm.s32 @p1 $0x1  }
0x15: {  	[smem:$0x3FB0] =	sst s0;
	s0 =	simm.s32 @!p2 $0x0  }
0x16: {  	s3 =	sld [smem:$0x3FDB];
	s0 =	simm.s32 @p2 $0x1  }
0x17: {  	s4 =	simm.s32 $0x1BF5;
	[smem:$0x3FB2] =	sst s0  }
0x18: {  	s0 =	sld [smem:$0x3F95];
	_ =	swait.ge [sflag:s4], $0x0  }
0x19: {  	s7 =	sld [smem:$0x3F96]  }
0x1a: {  	s8 =	sadd.s32 $0xFFFFE003, lr  }
0x1b: {  	s9 =	sadd.s32 $0xFFFFFEF7, lr;
	s5 =	simm.s32 $0xFFFFFFFF;
	p2 =	slt.u32 s8, $0xFFFFF086  }
0x1c: {  	p1 =	slt.u32 s9, $0xF7A;
	s5 =	simm.s32 @!p2 $0x0  }
0x1d: {  	s5 =	simm.s32 @p1 $0x1;
	p0 =	seq.s32 s7, s2  }
0x1e: {  	s7 =	smul.u32 @!p0 $0xF7A, s2;
	p2 =	seq.s32 @!p0 s5, $0x0  }
0x1f: {  	s9 =	smul.u32 $0xF7A, s1;
	s8 =	simm.s32 @!p0 $0x1BF5;
	p2 =	por !p2, p0  }
0x20: {  	[sflag:s8] =	ssyncset.s32 @!p0 $0xFFFFF086;
	s6 =	sadd.s32 @!p0 s3, s7;
	s7 =	simm.s32 @!p0 $0x108  }
0x21: {  	s3 =	sadd.s32 s3, s9;
	s6 =	sadd.s32 @!p0 $0x88, s6;
	s7 =	simm.s32 @p2 $0x1082  }
0x22: {  	[simem:s7], [sflag:s8] =	dma.local @!p0 [hbm:s6], $0xF7A  }
0x23: {  	s9 =	sor.u32 $0xD0000000, s2;
	s6 =	simm.s32 $0x108;
	_ =	swait.ge @!p0 [sflag:s8], $0x0  }
0x24: {  	s3 =	sadd.s32 $0x88, s3;
	s6 =	simm.s32 @!p1 $0x1082;
	[sflag:s4] =	ssyncset.s32 $0xFFFFF086  }
0x25: {  	[simem:s6], [sflag:s4] =	dma.local [hbm:s3], $0xF7A  }
0x26: {  	[smem:$0x3F96] =	sst s1;
	(tag) =	ssettag s2;
	_ =	strace s9  }
0x27: {  	s1 =	sld [smem:$0x3FA6]  }
0x28: {  	s2 =	sld [smem:$0x3FA7]  }
0x29: {  	s4 =	sld [smem:$0x3FA9]  }
0x2a: {  	p0 =	seq.s32 s5, $0x0;
	s5 =	sld [smem:$0x3FAA]  }
0x2b: {  	s6 =	sld [smem:$0x3FAB]  }
0x2c: {  	s7 =	sld [smem:$0x3FAC]  }
0x2d: {  	s3 =	simm.s32 $0x108;
	s8 =	sld [smem:$0x3FAD]  }
0x2e: {  	s3 =	simm.s32 @!p0 $0x1082;
	s9 =	sld [smem:$0x3FAE]  }
0x2f: {  	lr =	sadd.s32 s0, s3;
	s0 =	sld [smem:$0x3FA5]  }
0x30: {  	s3 =	sld [smem:$0x3FA8]  }
0x31: {  	[smem:$0x3FB1] =	sst s10  }
0x32: {  	s10 =	sld [smem:$0x3FAF];
	_ =	sdelay $0x3  }
0x33: {  	p0 =	seq.s32 s10, $0x1;
	s10 =	sld [smem:$0x3FB1];
	_ =	sdelay $0x3  }
0x34: {  	[smem:$0x3FB1] =	sst s10  }
0x35: {  	s10 =	sld [smem:$0x3FB0];
	_ =	sdelay $0x3  }
0x36: {  	p1 =	seq.s32 s10, $0x1;
	s10 =	sld [smem:$0x3FB1];
	_ =	sdelay $0x3  }
0x37: {  	[smem:$0x3FB1] =	sst s10  }
0x38: {  	s10 =	sld [smem:$0x3FB2]  }
0x39: {  	_ = 	snop;
	(pc) =	sbr.ind lr, $3  }
0x3a: {  	_ = 	snop  }
0x3b: {  	_ = 	snop  }
0x3c: {  	p2 =	seq.s32 s10, $0x1;
	s10 =	sld [smem:$0x3FB1]  }
0x3d: {  	_ =	shalt  }
0x3e: {  	_ =	shalt  }
0x3f: {  	_ =	shalt  }
0x40: {  	_ =	shalt  }
0x41: {  	_ =	shalt  }
0x42: {  	_ =	shalt  }
0x43: {  	_ =	shalt  }
0x44: {  	_ =	shalt  }
0x45: {  	_ =	shalt  }
0x46: {  	_ =	shalt  }
0x47: {  	_ =	shalt  }
0x48: {  	_ =	shalt  }
0x49: {  	_ =	shalt  }
0x4a: {  	_ =	shalt  }
0x4b: {  	_ =	shalt  }
0x4c: {  	_ =	shalt  }
0x4d: {  	_ =	shalt  }
0x4e: {  	_ =	shalt  }
0x4f: {  	_ =	shalt  }
0x50: {  	_ =	shalt  }
0x51: {  	_ =	shalt  }
0x52: {  	_ =	shalt  }
0x53: {  	_ =	shalt  }
0x54: {  	_ =	shalt  }
0x55: {  	_ =	shalt  }
0x56: {  	_ =	shalt  }
0x57: {  	_ =	shalt  }
0x58: {  	_ =	shalt  }
0x59: {  	_ =	shalt  }
0x5a: {  	_ =	shalt  }
0x5b: {  	_ =	shalt  }
0x5c: {  	_ =	shalt  }
0x5d: {  	_ =	shalt  }
0x5e: {  	_ =	shalt  }
0x5f: {  	_ =	shalt  }
0x60: {  	_ =	shalt  }
0x61: {  	_ =	shalt  }
0x62: {  	_ =	shalt  }
0x63: {  	_ =	shalt  }
0x64: {  	_ =	shalt  }
0x65: {  	_ =	shalt  }
0x66: {  	_ =	shalt  }
0x67: {  	_ =	shalt  }
0x68: {  	_ =	shalt  }
0x69: {  	_ =	shalt  }
0x6a: {  	_ =	shalt  }
0x6b: {  	_ =	shalt  }
0x6c: {  	_ =	shalt  }
0x6d: {  	_ =	shalt  }
0x6e: {  	_ =	shalt  }
0x6f: {  	_ =	shalt  }
0x70: {  	_ =	shalt  }
0x71: {  	_ =	shalt  }
0x72: {  	_ =	shalt  }
0x73: {  	_ =	shalt  }
0x74: {  	_ =	shalt  }
0x75: {  	_ =	shalt  }
0x76: {  	_ =	shalt  }
0x77: {  	_ =	shalt  }
0x78: {  	_ =	shalt  }
0x79: {  	_ =	shalt  }
0x7a: {  	_ =	shalt  }
0x7b: {  	_ =	shalt  }
0x7c: {  	_ =	shalt  }
0x7d: {  	_ =	shalt  }
0x7e: {  	_ =	shalt  }
0x7f: {  	_ =	shalt  }
0x80: {  	_ =	shalt  }
0x81: {  	_ =	shalt  }
0x82: {  	_ =	shalt  }
0x83: {  	_ =	shalt  }
0x84: {  	_ =	shalt  }
0x85: {  	_ =	shalt  }
0x86: {  	_ =	shalt  }
0x87: {  	_ =	shalt  }
.Lfunc_end0:
.L_simem_size_0:
called_computation.5_lowered:
.L_overlay_start_0:
0x88: {  	s2 =	sld [smem:$0x3FD9]  }
0x89: {  	s3 =	sld [smem:$0x3FFE];
	_ =	sdelay $0x1  }
0x8a: {  	s1 =	srdreg.scid  }
0x8b: {  	s0 =	sand.u32 $0x1, s1  }
0x8c: {  	s16 =	sshll.u32 s0, $0xA;
	s2 =	sadd.s32 s3, s2  }
0x8d: {  	s2 =	sadd.s32 s2, s16  }
0x8e: {  	[smem:$0x3FBD] =	sst s2  }
0x8f: {  	_ = 	snop  }
0x90: {  	(tm) =	ssettm $0x1  }
0x91: {  	s17 =	sld [smem:$0x3FFB];
	_ =	sdelay $0x3  }
0x92: {  	_ =	strace s17  }
0x93: {  	s2 =	sld [smem:$0x3FFC];
	_ =	sdelay $0x3  }
0x94: {  	_ =	strace s2  }
0x95: {  	s2 =	sld [smem:$0x3FFD];
	_ =	sdelay $0x3  }
0x96: {  	_ =	strace s2  }
0x97: {  	_ =	strace $0x8FFFFFFF  }
0x98: {  	s18 =	sld [smem:$0x3FDB];
	_ =	sdelay $0x1  }
0x99: {  	s19 =	simm.s32 $_scs_section_size  }
0x9a: {  	s4 =	simm.s32 $_size__tile_overlayer_lowered;
	s5 =	simm.s32 $_tile_overlayer_lowered  }
0x9b: {  	s22 =	simm.s32 $0x1BFF;
	s21 =	sshll.u32 s5, $0x1;
	s2 =	sadd.s32 s19, s18  }
0x9c: {  	s6 =	simm.s32 $0x0;
	s20 =	sshll.u32 s4, $0x1;
	s4 =	sadd.s32 s21, s2  }
0x9d: {  	[timem:s6], [sflag:s22] =	dma.local [hbm:s4], s20  }
0x9e: {  	_ =	swait.ge [sflag:s22], s20  }
0x9f: {  	s3 =	ssub.s32 $0x0, s20;
	[sflag:s22] =	ssyncset.done $0x0  }
0xa0: {  	[sflag:s22] =	ssyncadd.s32 s3;
	_ =	sdelay $0x1  }
0xa1: {  	s23 =	simm.s32 $0x1B8B  }
0xa2: {  	_ =	swait.ge [sflag:s23], $0x1  }
0xa3: {  	[sflag:s23] =	ssyncset.done $0x0  }
0xa4: {  	s25 =	simm.s32 $0x1B8E;
	s24 =	sld [smem:$0x3FFE];
	[sflag:s23] =	ssyncadd.s32 $0xFFFFFFFF  }
0xa5: {  	s26 =	simm.s32 $execute0_lowered;
	[smem:$0x3FD2] =	sst s25  }
0xa6: {  	s4 =	sshll.u32 s26, $0x1;
	_ =	strace $0x80000055;
	[dreg:$0x1] =	wrdreg $0xFFFFFFFF  }
0xa7: {  	s28 =	simm.s32 $_size_execute0_lowered;
	s2 =	sadd.s32 s2, s4;
	[dreg:$0x0] =	wrdreg $0x0  }
0xa8: {  	s4 =	sshll.u32 s28, $0x1;
	[dreg:$0x2] =	wrdreg s2  }
0xa9: {  	[dreg:$0x3] =	wrdreg s4  }
0xaa: {  	[dreg:$0x4] =	wrdreg $0xC0  }
0xab: {  	_ =	task [dreg:s6], $0x5FFFF  }
0xac: {  	[dreg:$0x1] =	wrdreg $0xFFFFFFFF  }
0xad: {  	[dreg:$0x0] =	wrdreg $0x60  }
0xae: {  	[dreg:$0x2] =	wrdreg s24  }
0xaf: {  	[dreg:$0x3] =	wrdreg $0xB1800  }
0xb0: {  	[dreg:$0x4] =	wrdreg $0x9  }
0xb1: {  	_ =	task.clear_ibuf [dreg:s6], $0x5FFFF;
	_ =	strace $0x90000055  }
0xb2: {  	s29 =	simm.s32 $0x9;
	_ =	strace $0x80000057  }
0xb3: {  	_ =	swait.ge [sflag:s29], $0x1  }
0xb4: {  	[sflag:s29] =	ssyncadd.s32 $0xFFFFFFFF  }
0xb5: {  	_ =	strace $0x90000057  }
0xb6: {  	_ =	sfence  }
0xb7: {  	s30 =	sld [smem:$0x0];
	_ =	sdelay $0x2  }
0xb8: {  	s31 =	sshll.u32 s1, $0xD;
	s1 =	sshrl.u32 s1, $0x2  }
0xb9: {  	s3 =	sand.u32 $0x4000, s31;
	s1 =	sadd.s32 s1, s30  }
0xba: {  	s0 =	sor.u32 s3, s0;
	s1 =	sshll.u32 s1, $0x11  }
0xbb: {  	s0 =	sor.u32 s1, s0  }
0xbc: {  	s0 =	sadd.s32 $0x8F2B, s0  }
0xbd: {  	[sflag:s0] =	ssyncadd.remote.s32 $0x1  }
0xbe: {  	_ =	sfence.sel $0xFFFF  }
0xbf: {  	[dreg:$0x0] =	wrdreg $0xFFFFFFFF;
	(pc) =	sbr.abs _section_cstart, $3  }
0xc0: {  	[dreg:$0x1] =	wrdreg $0xFFFFFFFF  }
0xc1: {  	_ =	task.clear_ibuf [dreg:s6], $0x2FFFF;
	_ =	strace $0x9FFFFFFF  }
0xc2: {  	(tm) =	ssettm $0x7FFFFFFF  }
0xc3: {  	_ =	shalt  }
tec
execute0_lowered:
.L_overlay_start_1:
0x0: {  	(tag) =	ssettag $0x1  }
0x1: {  	s0 =	srdreg.scid;
	s1 =	rddreg [dreg:$0x0]  }
0x2: {  	s13 =	stileid.u32;
	s2 =	rddreg [dreg:$0x1];
	s28 =	simm.s32 $0x5180  }
0x3: {  	s30 =	simm.s32 $0x7180;
	s29 =	simm.s32 $0x2;
	s7 =	smul.u32 $0x13C00, s13  }
0x4: {  	s31 =	simm.s32 $0x6;
	s0 =	sand.u32 $0x1, s0;
	s26 =	smul.u32 $0x4F000, s13  }
0x5: {  	s3 =	sshll.u32 s13, $0x1;
	s4 =	sadd.s32 $0x38800, s1;
	s15 =	smul.u32 $0x4F80, s13  }
0x6: {  	s16 =	sshll.u32 s13, $0x6;
	s6 =	sor.u32 s0, s3;
	s8 =	smul.u32 $0x13C000, s0  }
0x7: {  	s3 =	simm.s32 $0x0;
	s11 =	ssub.s32 $0x2, s0;
	s0 =	smul.u32 $0x27C0, s0  }
0x8: {  	s5 =	smul.u32 $0xA00, s6;
	[smem:$0x7FF] =	sst s3;
	s10 =	sshrl.u32 s7, $0x3  }
0x9: {  	s12 =	sshrl.u32 s11, $0x1;
	s6 =	smul.u32 $0x27C0, s6;
	_ =	strace $0x80000056  }
0xa: {  	s7 =	sadd.s32 s7, s8;
	s10 =	sadd.s32 s10, s1;
	s8 =	sshrl.u32 s26, $0x2  }
0xb: {  	s12 =	ssub.s32 s11, s12;
	s0 =	sadd.s32 s0, s15;
	s9 =	sadd.s32 s5, s1  }
0xc: {  	s5 =	sadd.s32 $0x88000, s1;
	s7 =	sshrl.u32 s7, $0x3;
	s11 =	sadd.s32 s8, s2  }
0xd: {  	s14 =	sadd.s32 $0x11000, s10;
	s6 =	sshrl.u32 s6, $0x3;
	s8 =	sor.u32 $0x1C08, s16  }
0xe: {  	s21 =	smax.u32 s12, $0x1;
	s22 =	sadd.s32 $0x140, s0;
	s24 =	sadd.s32 $0x100, s0  }
0xf: {  	s0 =	sadd.s32 $0xC0, s0;
	s10 =	simm.s32 $0x4;
	[dreg:$0x3] =	wrdreg s14  }
0x10: {  	s12 =	simm.s32 $0x0;
	s1 =	sadd.s32 s7, s1;
	[dreg:$0x9] =	wrdreg s21  }
0x11: {  	s17 =	sadd.s32 s5, s6;
	s18 =	sadd.s32 $0x92000, s9;
	[dreg:$0xe] =	wrdreg s0  }
0x12: {  	s26 =	sshrl.u32 s24, $0x3;
	s21 =	simm.s32 $0x8;
	[dreg:$0x5] =	wrdreg s18  }
0x13: {  	s24 =	simm.s32 $0x5100;
	s19 =	sadd.s32 $0x8, s17;
	[dreg:$0x4] =	wrdreg s17  }
0x14: {  	s0 =	simm.s32 $0x5;
	s20 =	sadd.s32 $0x10, s17;
	[dreg:$0x6] =	wrdreg s19  }
0x15: {  	s6 =	simm.s32 $0x3;
	s1 =	sadd.s32 $0xA7000, s1;
	[dreg:$0x7] =	wrdreg s20  }
0x16: {  	s9 =	simm.s32 $0x7;
	s23 =	sadd.s32 $0x4E0, s17;
	[dreg:$0x8] =	wrdreg s1  }
0x17: {  	s14 =	sadd.s32 $0x4F0, s17;
	s25 =	sadd.s32 $0x4E8, s17;
	[dreg:$0xa] =	wrdreg s23  }
0x18: {  	s1 =	sshrl.u32 s22, $0x3;
	[dreg:$0xb] =	wrdreg s25;
	s20 =	sshrl.u32 s11, $0x3  }
0x19: {  	s22 =	simm.s32 $0x5000;
	s23 =	simm.s32 $0x5080;
	s1 =	sadd.s32 s1, s5  }
0x1a: {  	s11 =	simm.s32 $0x4F00;
	[dreg:$0xc] =	wrdreg s1;
	s1 =	sadd.s32 s26, s5  }
0x1b: {  	s26 =	simm.s32 $0x40;
	[dreg:$0xd] =	wrdreg s1;
	s1 =	simm.s32 $0x9180  }
.LBB2_1:
0x1c: {  	s7 =	rddreg [dreg:$0x3]  }
0x1d: {  	[spmem:s20], [sflag:s8] =	dma.local [hbm:s7], $0x2780  }
0x1e: {  	_ =	swait.ge [sflag:s21], $0x2780  }
0x1f: {  	[sflag:s21] =	ssyncset.done $0x0  }
0x20: {  	s25 =	smov.u32 s8;
	s8 =	rddreg [dreg:$0x5];
	[sflag:s21] =	ssyncadd.s32 $0xFFFFD880  }
0x21: {  	[tilespmem:s3], [sflag:$0x1] =	stream.linear.gather [hbm4b:s8+s3], $0x4F80, $0x38;
	[tilespmem:$0x1ED80] =	vst v63  }
0x22: {  	s13 =	rddreg [dreg:$0x4]  }
0x23: {  	[tilespmem:s22], [sflag:$0x2] =	stream.linear.gather [hbm4b:s13+s3], $0x40, $0x38;
	[tilespmem:$0x1ED80] =	vst v63  }
0x24: {  	s15 =	rddreg [dreg:$0x6]  }
0x25: {  	[tilespmem:s23], [sflag:$0x3] =	stream.linear.gather [hbm4b:s15+s3], $0x40, $0x38;
	[tilespmem:$0x1ED80] =	vst v63  }
0x26: {  	s17 =	simm.s32 $0x1;
	s16 =	rddreg [dreg:$0x7]  }
0x27: {  	[tilespmem:s24], [sflag:$0x4] =	stream.linear.gather [hbm4b:s16+s3], $0x40, $0x38;
	[tilespmem:$0x1ED80] =	vst v63  }
0x28: {  	_ =	swait.ge [sflag:s17], $0x4F80  }
0x29: {  	[sflag:s17] =	ssyncset.done $0x0  }
0x2a: {  	[sflag:s17] =	ssyncadd.s32 $0xFFFFB080  }
0x2b: {  	[tilespmem:s28], [sflag:$0x5] =	stream.indirect.gather [hbm4b:s4+s26], $0x80, s3, s26, $0xb8;
	[tilespmem:$0x1ED80] =	vst v63  }
0x2c: {  	s18 =	simm.s32 $0x80  }
0x2d: {  	[tilespmem:s30], [sflag:$0x6] =	stream.indirect.gather [hbm4b:s4+s26], $0x80, s18, s26, $0xb8;
	[tilespmem:$0x1ED80] =	vst v63  }
0x2e: {  	s19 =	simm.s32 $0x100  }
0x2f: {  	[tilespmem:s1], [sflag:$0x7] =	stream.indirect.gather [hbm4b:s4+s26], $0x80, s19, s26, $0xb8;
	[tilespmem:$0x1ED80] =	vst v63  }
0x30: {  	[bflag:$0x0] =	sbarrier.arrive $0xFFFF  }
0x31: {  	_ =	swait.ge [sflag:s0], $0x2000  }
0x32: {  	[sflag:s0] =	ssyncset.done $0x0  }
0x33: {  	[sflag:s0] =	ssyncadd.s32 $0xFFFFE000  }
0x34: {  	_ =	swait.ge [sflag:s29], $0x40  }
0x35: {  	[sflag:s29] =	ssyncset.done $0x0  }
0x36: {  	[sflag:s29] =	ssyncadd.s32 $0xFFFFFFC0  }
0x37: {  	[spmem:s2] =	stream.indirect.scatter.add.f32 [tilespmem:s28], [sflag:$0x8], $0x80, s22, s26, $0xb8;
	[tilespmem:$0x1ED80] =	vst v63  }
0x38: {  	_ =	swait.ge [sflag:s21], $0x2000  }
0x39: {  	[sflag:s21] =	ssyncset.done $0x0;
	s18 =	rddreg [dreg:$0xe]  }
0x3a: {  	s8 =	simm.s32 $0x180;
	[sflag:s21] =	ssyncadd.s32 $0xFFFFE000;
	s13 =	sshrl.u32 s18, $0x3  }
0x3b: {  	[tilespmem:s28], [sflag:$0x5] =	stream.indirect.gather [hbm4b:s4+s26], $0x80, s8, s26, $0xb8;
	[tilespmem:$0x1ED80] =	vst v63  }
0x3c: {  	s13 =	sadd.s32 s5, s13  }
0x3d: {  	[tilespmem:s22], [sflag:$0x2] =	stream.linear.gather [hbm4b:s13+s3], $0x40, $0x38;
	[tilespmem:$0x1ED80] =	vst v63  }
0x3e: {  	_ =	swait.ge [sflag:s31], $0x2000  }
0x3f: {  	[sflag:s31] =	ssyncset.done $0x0  }
0x40: {  	[sflag:s31] =	ssyncadd.s32 $0xFFFFE000  }
0x41: {  	_ =	swait.ge [sflag:s6], $0x40  }
0x42: {  	[sflag:s6] =	ssyncset.done $0x0  }
0x43: {  	[sflag:s6] =	ssyncadd.s32 $0xFFFFFFC0  }
0x44: {  	[spmem:s2] =	stream.indirect.scatter.add.f32 [tilespmem:s30], [sflag:$0x8], $0x80, s23, s26, $0xb8;
	[tilespmem:$0x1ED80] =	vst v63  }
0x45: {  	_ =	swait.ge [sflag:s21], $0x2000  }
0x46: {  	[sflag:s21] =	ssyncset.done $0x0  }
0x47: {  	s15 =	simm.s32 $0x200;
	[sflag:s21] =	ssyncadd.s32 $0xFFFFE000  }
0x48: {  	[tilespmem:s30], [sflag:$0x6] =	stream.indirect.gather [hbm4b:s4+s26], $0x80, s15, s26, $0xb8;
	[tilespmem:$0x1ED80] =	vst v63  }
0x49: {  	s16 =	rddreg [dreg:$0xd]  }
0x4a: {  	[tilespmem:s23], [sflag:$0x3] =	stream.linear.gather [hbm4b:s16+s3], $0x40, $0x38;
	[tilespmem:$0x1ED80] =	vst v63  }
0x4b: {  	_ =	swait.ge [sflag:s9], $0x2000  }
0x4c: {  	[sflag:s9] =	ssyncset.done $0x0  }
0x4d: {  	[sflag:s9] =	ssyncadd.s32 $0xFFFFE000  }
0x4e: {  	_ =	swait.ge [sflag:s10], $0x40  }
0x4f: {  	[sflag:s10] =	ssyncset.done $0x0  }
0x50: {  	[sflag:s10] =	ssyncadd.s32 $0xFFFFFFC0  }
0x51: {  	[spmem:s2] =	stream.indirect.scatter.add.f32 [tilespmem:s1], [sflag:$0x8], $0x80, s24, s26, $0xb8;
	[tilespmem:$0x1ED80] =	vst v63  }
0x52: {  	s19 =	simm.s32 $0x280;
	s7 =	sadd.s32 $0xC0, s18;
	_ =	swait.ge [sflag:s21], $0x2000  }
0x53: {  	s13 =	simm.s32 $0x600;
	[sflag:s21] =	ssyncset.done $0x0;
	s17 =	rddreg [dreg:$0xc]  }
0x54: {  	s16 =	sadd.s32 $0x18, s16;
	[sflag:s21] =	ssyncadd.s32 $0xFFFFE000;
	s15 =	sadd.s32 $0x18, s17  }
0x55: {  	[tilespmem:s1], [sflag:$0x7] =	stream.indirect.gather [hbm4b:s4+s26], $0x80, s19, s26, $0xb8;
	[tilespmem:$0x1ED80] =	vst v63  }
.LBB2_2:
0x56: {  	[tilespmem:s24], [sflag:$0x4] =	stream.linear.gather [hbm4b:s17+s3], $0x40, $0x38;
	[tilespmem:$0x1ED80] =	vst v63  }
0x57: {  	s8 =	smov.u32 s13;
	s17 =	smov.u32 s15  }
0x58: {  	p0 =	sne.s32 s13, $0x12C00;
	s13 =	sadd.s32 $0x600, s13;
	_ =	swait.ge [sflag:s0], $0x2000  }
0x59: {  	[sflag:s0] =	ssyncset.done $0x0  }
0x5a: {  	[sflag:s0] =	ssyncadd.s32 $0xFFFFE000  }
0x5b: {  	_ =	swait.ge [sflag:s29], $0x40  }
0x5c: {  	[sflag:s29] =	ssyncset.done $0x0  }
0x5d: {  	[sflag:s29] =	ssyncadd.s32 $0xFFFFFFC0  }
0x5e: {  	[spmem:s2] =	stream.indirect.scatter.add.f32 [tilespmem:s28], [sflag:$0x8], $0x80, s22, s26, $0xb8;
	[tilespmem:$0x1ED80] =	vst v63  }
0x5f: {  	_ =	swait.ge [sflag:s21], $0x2000  }
0x60: {  	s8 =	sshra.s32 s8, $0x2;
	[sflag:s21] =	ssyncset.done $0x0  }
0x61: {  	s19 =	sshrl.u32 s7, $0x3;
	s18 =	sadd.s32 $0x180, s8;
	[sflag:s21] =	ssyncadd.s32 $0xFFFFE000  }
0x62: {  	[tilespmem:s28], [sflag:$0x5] =	stream.indirect.gather [hbm4b:s4+s26], $0x80, s18, s26, $0xb8;
	[tilespmem:$0x1ED80] =	vst v63  }
0x63: {  	s18 =	sadd.s32 s5, s19  }
0x64: {  	[tilespmem:s22], [sflag:$0x2] =	stream.linear.gather [hbm4b:s18+s3], $0x40, $0x38;
	[tilespmem:$0x1ED80] =	vst v63  }
0x65: {  	_ =	swait.ge [sflag:s31], $0x2000  }
0x66: {  	[sflag:s31] =	ssyncset.done $0x0  }
0x67: {  	[sflag:s31] =	ssyncadd.s32 $0xFFFFE000  }
0x68: {  	_ =	swait.ge [sflag:s6], $0x40  }
0x69: {  	[sflag:s6] =	ssyncset.done $0x0  }
0x6a: {  	[sflag:s6] =	ssyncadd.s32 $0xFFFFFFC0  }
0x6b: {  	[spmem:s2] =	stream.indirect.scatter.add.f32 [tilespmem:s30], [sflag:$0x8], $0x80, s23, s26, $0xb8;
	[tilespmem:$0x1ED80] =	vst v63  }
0x6c: {  	_ =	swait.ge [sflag:s21], $0x2000  }
0x6d: {  	[sflag:s21] =	ssyncset.done $0x0  }
0x6e: {  	s18 =	sadd.s32 $0x200, s8;
	[sflag:s21] =	ssyncadd.s32 $0xFFFFE000  }
0x6f: {  	[tilespmem:s30], [sflag:$0x6] =	stream.indirect.gather [hbm4b:s4+s26], $0x80, s18, s26, $0xb8;
	[tilespmem:$0x1ED80] =	vst v63  }
0x70: {  	_ = 	snop  }
0x71: {  	[tilespmem:s23], [sflag:$0x3] =	stream.linear.gather [hbm4b:s16+s3], $0x40, $0x38;
	[tilespmem:$0x1ED80] =	vst v63  }
0x72: {  	_ =	swait.ge [sflag:s9], $0x2000  }
0x73: {  	[sflag:s9] =	ssyncset.done $0x0  }
0x74: {  	[sflag:s9] =	ssyncadd.s32 $0xFFFFE000  }
0x75: {  	_ =	swait.ge [sflag:s10], $0x40  }
0x76: {  	[sflag:s10] =	ssyncset.done $0x0  }
0x77: {  	[sflag:s10] =	ssyncadd.s32 $0xFFFFFFC0  }
0x78: {  	[spmem:s2] =	stream.indirect.scatter.add.f32 [tilespmem:s1], [sflag:$0x8], $0x80, s24, s26, $0xb8;
	[tilespmem:$0x1ED80] =	vst v63  }
.Ltmp0:
0x79: {  	_ =	swait.ge [sflag:s21], $0x2000;
	(pc) =	sbr.rel @p0 .LBB2_2-.Ltmp0, $4  }
0x7a: {  	[sflag:s21] =	ssyncset.done $0x0  }
0x7b: {  	s8 =	sadd.s32 $0x280, s8;
	[sflag:s21] =	ssyncadd.s32 $0xFFFFE000  }
0x7c: {  	[tilespmem:s1], [sflag:$0x7] =	stream.indirect.gather [hbm4b:s4+s26], $0x80, s8, s26, $0xb8;
	[tilespmem:$0x1ED80] =	vst v63  }
0x7d: {  	s15 =	sadd.s32 $0x18, s15;
	s7 =	sadd.s32 $0xC0, s7;
	s16 =	sadd.s32 $0x18, s16  }
0x7e: {  	[tilespmem:s24], [sflag:$0x4] =	stream.linear.gather [hbm4b:s17+s3], $0x40, $0x38;
	[tilespmem:$0x1ED80] =	vst v63  }
0x7f: {  	_ =	swait.ge [sflag:s0], $0x2000  }
0x80: {  	[sflag:s0] =	ssyncset.done $0x0  }
0x81: {  	[sflag:s0] =	ssyncadd.s32 $0xFFFFE000  }
0x82: {  	_ =	swait.ge [sflag:s29], $0x40  }
0x83: {  	[sflag:s29] =	ssyncset.done $0x0  }
0x84: {  	[sflag:s29] =	ssyncadd.s32 $0xFFFFFFC0  }
0x85: {  	[spmem:s2] =	stream.indirect.scatter.add.f32 [tilespmem:s28], [sflag:$0x8], $0x80, s22, s26, $0xb8;
	[tilespmem:$0x1ED80] =	vst v63  }
0x86: {  	_ =	swait.ge [sflag:s21], $0x2000  }
0x87: {  	[sflag:s21] =	ssyncset.done $0x0  }
0x88: {  	s7 =	simm.s32 $0x4E00;
	[sflag:s21] =	ssyncadd.s32 $0xFFFFE000  }
0x89: {  	[tilespmem:s28], [sflag:$0x5] =	stream.indirect.gather [hbm4b:s4+s26], $0x80, s7, s26, $0xb8;
	[tilespmem:$0x1ED80] =	vst v63  }
0x8a: {  	s16 =	rddreg [dreg:$0xa]  }
0x8b: {  	[tilespmem:s22], [sflag:$0x2] =	stream.linear.gather [hbm4b:s16+s3], $0x40, $0x38;
	[tilespmem:$0x1ED80] =	vst v63  }
0x8c: {  	_ =	swait.ge [sflag:s31], $0x2000  }
0x8d: {  	[sflag:s31] =	ssyncset.done $0x0  }
0x8e: {  	[sflag:s31] =	ssyncadd.s32 $0xFFFFE000  }
0x8f: {  	_ =	swait.ge [sflag:s6], $0x40  }
0x90: {  	[sflag:s6] =	ssyncset.done $0x0  }
0x91: {  	[sflag:s6] =	ssyncadd.s32 $0xFFFFFFC0  }
0x92: {  	[spmem:s2] =	stream.indirect.scatter.add.f32 [tilespmem:s30], [sflag:$0x8], $0x80, s23, s26, $0xb8;
	[tilespmem:$0x1ED80] =	vst v63  }
0x93: {  	_ =	swait.ge [sflag:s21], $0x2000  }
0x94: {  	[sflag:s21] =	ssyncset.done $0x0  }
0x95: {  	s17 =	simm.s32 $0x4E80;
	[sflag:s21] =	ssyncadd.s32 $0xFFFFE000  }
0x96: {  	[tilespmem:s30], [sflag:$0x6] =	stream.indirect.gather [hbm4b:s4+s26], $0x80, s17, s26, $0xb8;
	[tilespmem:$0x1ED80] =	vst v63  }
0x97: {  	s18 =	rddreg [dreg:$0xb]  }
0x98: {  	[tilespmem:s23], [sflag:$0x3] =	stream.linear.gather [hbm4b:s18+s3], $0x40, $0x38;
	[tilespmem:$0x1ED80] =	vst v63  }
0x99: {  	_ =	swait.ge [sflag:s9], $0x2000  }
0x9a: {  	[sflag:s9] =	ssyncset.done $0x0  }
0x9b: {  	[sflag:s9] =	ssyncadd.s32 $0xFFFFE000  }
0x9c: {  	_ =	swait.ge [sflag:s10], $0x40  }
0x9d: {  	[sflag:s10] =	ssyncset.done $0x0  }
0x9e: {  	[sflag:s10] =	ssyncadd.s32 $0xFFFFFFC0  }
0x9f: {  	[spmem:s2] =	stream.indirect.scatter.add.f32 [tilespmem:s1], [sflag:$0x8], $0x80, s24, s26, $0xb8;
	[tilespmem:$0x1ED80] =	vst v63  }
0xa0: {  	_ =	swait.ge [sflag:s21], $0x2000  }
0xa1: {  	[sflag:s21] =	ssyncset.done $0x0  }
0xa2: {  	[sflag:s21] =	ssyncadd.s32 $0xFFFFE000  }
0xa3: {  	[tilespmem:s1], [sflag:$0x7] =	stream.indirect.gather [hbm4b:s4+s26], $0x80, s11, s26, $0xb8;
	[tilespmem:$0x1ED80] =	vst v63  }
0xa4: {  	_ = 	snop  }
0xa5: {  	[tilespmem:s24], [sflag:$0x4] =	stream.linear.gather [hbm4b:s14+s3], $0x40, $0x38;
	[tilespmem:$0x1ED80] =	vst v63  }
0xa6: {  	_ =	swait.ge [sflag:s0], $0x2000  }
0xa7: {  	[sflag:s0] =	ssyncset.done $0x0  }
0xa8: {  	[sflag:s0] =	ssyncadd.s32 $0xFFFFE000  }
0xa9: {  	_ =	swait.ge [sflag:s29], $0x40  }
0xaa: {  	[sflag:s29] =	ssyncset.done $0x0  }
0xab: {  	[sflag:s29] =	ssyncadd.s32 $0xFFFFFFC0  }
0xac: {  	[spmem:s2] =	stream.indirect.scatter.add.f32 [tilespmem:s28], [sflag:$0x8], $0x80, s22, s26, $0xb8;
	[tilespmem:$0x1ED80] =	vst v63  }
0xad: {  	_ =	swait.ge [sflag:s21], $0x2000  }
0xae: {  	[sflag:s21] =	ssyncset.done $0x0  }
0xaf: {  	[sflag:s21] =	ssyncadd.s32 $0xFFFFE000  }
0xb0: {  	[tilespmem:s28], [sflag:$0x5] =	stream.indirect.gather [hbm4b:s4+s26], $0x80, s11, s26, $0xb8;
	[tilespmem:$0x1ED80] =	vst v63  }
0xb1: {  	_ = 	snop  }
0xb2: {  	[tilespmem:s22], [sflag:$0x2] =	stream.linear.gather [hbm4b:s14+s3], $0x40, $0x38;
	[tilespmem:$0x1ED80] =	vst v63  }
0xb3: {  	_ =	swait.ge [sflag:s31], $0x2000  }
0xb4: {  	[sflag:s31] =	ssyncset.done $0x0  }
0xb5: {  	[sflag:s31] =	ssyncadd.s32 $0xFFFFE000  }
0xb6: {  	_ =	swait.ge [sflag:s6], $0x40  }
0xb7: {  	[sflag:s6] =	ssyncset.done $0x0  }
0xb8: {  	[sflag:s6] =	ssyncadd.s32 $0xFFFFFFC0  }
0xb9: {  	[spmem:s2] =	stream.indirect.scatter.add.f32 [tilespmem:s30], [sflag:$0x8], $0x80, s23, s26, $0xb8;
	[tilespmem:$0x1ED80] =	vst v63  }
0xba: {  	_ =	swait.ge [sflag:s21], $0x2000  }
0xbb: {  	[sflag:s21] =	ssyncset.done $0x0  }
0xbc: {  	[sflag:s21] =	ssyncadd.s32 $0xFFFFE000  }
0xbd: {  	[tilespmem:s30], [sflag:$0x6] =	stream.indirect.gather [hbm4b:s4+s26], $0x80, s11, s26, $0xb8;
	[tilespmem:$0x1ED80] =	vst v63  }
0xbe: {  	_ = 	snop  }
0xbf: {  	[tilespmem:s23], [sflag:$0x3] =	stream.linear.gather [hbm4b:s14+s3], $0x40, $0x38;
	[tilespmem:$0x1ED80] =	vst v63  }
0xc0: {  	_ =	swait.ge [sflag:s9], $0x2000  }
0xc1: {  	[sflag:s9] =	ssyncset.done $0x0  }
0xc2: {  	[sflag:s9] =	ssyncadd.s32 $0xFFFFE000  }
0xc3: {  	_ =	swait.ge [sflag:s10], $0x40  }
0xc4: {  	[sflag:s10] =	ssyncset.done $0x0  }
0xc5: {  	[sflag:s10] =	ssyncadd.s32 $0xFFFFFFC0  }
0xc6: {  	[spmem:s2] =	stream.indirect.scatter.add.f32 [tilespmem:s1], [sflag:$0x8], $0x80, s24, s26, $0xb8;
	[tilespmem:$0x1ED80] =	vst v63  }
0xc7: {  	_ =	swait.ge [sflag:s21], $0x2000  }
0xc8: {  	[sflag:s21] =	ssyncset.done $0x0  }
0xc9: {  	[sflag:s21] =	ssyncadd.s32 $0xFFFFE000  }
0xca: {  	[tilespmem:s1], [sflag:$0x7] =	stream.indirect.gather [hbm4b:s4+s26], $0x80, s11, s26, $0xb8;
	[tilespmem:$0x1ED80] =	vst v63  }
0xcb: {  	_ = 	snop  }
0xcc: {  	[tilespmem:s24], [sflag:$0x4] =	stream.linear.gather [hbm4b:s14+s3], $0x40, $0x38;
	[tilespmem:$0x1ED80] =	vst v63  }
0xcd: {  	_ =	swait.ge [sflag:s0], $0x2000  }
0xce: {  	[sflag:s0] =	ssyncset.done $0x0  }
0xcf: {  	[sflag:s0] =	ssyncadd.s32 $0xFFFFE000  }
0xd0: {  	_ =	swait.ge [sflag:s31], $0x2000  }
0xd1: {  	[sflag:s31] =	ssyncset.done $0x0  }
0xd2: {  	[sflag:s31] =	ssyncadd.s32 $0xFFFFE000  }
0xd3: {  	_ =	swait.ge [sflag:s9], $0x2000  }
0xd4: {  	[sflag:s9] =	ssyncset.done $0x0  }
0xd5: {  	[sflag:s9] =	ssyncadd.s32 $0xFFFFE000  }
0xd6: {  	_ =	swait.ge [sflag:s29], $0x40  }
0xd7: {  	[sflag:s29] =	ssyncset.done $0x0  }
0xd8: {  	[sflag:s29] =	ssyncadd.s32 $0xFFFFFFC0  }
0xd9: {  	_ =	swait.ge [sflag:s6], $0x40  }
0xda: {  	[sflag:s6] =	ssyncset.done $0x0  }
0xdb: {  	[sflag:s6] =	ssyncadd.s32 $0xFFFFFFC0  }
0xdc: {  	_ =	swait.ge [sflag:s10], $0x40  }
0xdd: {  	[sflag:s10] =	ssyncset.done $0x0  }
0xde: {  	[sflag:s10] =	ssyncadd.s32 $0xFFFFFFC0  }
0xdf: {  	[bflag:$0x0] =	sbarrier.arrive $0xFFFF  }
0xe0: {  	s19 =	rddreg [dreg:$0x8]  }
0xe1: {  	[hbm:s19], [sflag:s25] =	dma.local [spmem:s20], $0x2780  }
0xe2: {  	_ =	swait.ge [sflag:s21], $0x2780  }
0xe3: {  	s8 =	smov.u32 s25;
	s12 =	sadd.s32 $0x1, s12;
	s25 =	rddreg [dreg:$0x9]  }
0xe4: {  	p0 =	sne.s32 s12, s25  }
.Ltmp1:
0xe5: {  	_ = 	snop;
	(pc) =	sbr.rel @p0 .LBB2_1-.Ltmp1, $3  }
0xe6: {  	_ =	sdelay $0x1  }
0xe7: {  	[sflag:s21] =	ssyncset.done $0x0  }
0xe8: {  	[sflag:s21] =	ssyncadd.s32 $0xFFFFD880  }
0xe9: {  	_ =	sfence.sel $0x180000  }
0xea: {  	[bflag:$0x0] =	sbarrier.arrive $0xFFFF  }
0xeb: {  	_ =	strace $0x90000056  }
0xec: {  	s0 =	stileid.u32;
	[bflag:$0x2] =	sbarrier.arrive $0xFFFF  }
0xed: {  	p0 =	sne.s32 s0, $0x0;
	s0 =	rddreg [dreg:$0x2]  }
0xee: {  	s0 =	sadd.s32 @!p0 $0x100000, s0  }
0xef: {  	[sflag:s0] =	ssyncadd.tile.s32 @!p0 $0x1;
	_ =	shalt  }
.Lfunc_end2:
_tile_overlayer_lowered:
.L_overlay_start_2:
0xf0: {  	(tag) =	ssettag $0x2  }
0xf1: {  	s0 =	rddreg [dreg:$0x0];
	s2 =	stileid.u32  }
0xf2: {  	s1 =	rddreg [dreg:$0x1];
	p0 =	sne.s32 s2, $0x0  }
0xf3: {  	s3 =	rddreg [dreg:$0x2];
	[bflag:$0x3] =	sbarrier.arrive $0xFFFF;
	s2 =	simm.s32 @!p0 $0x1C08  }
0xf4: {  	[timem:s3], [sflag:s2] =	dma.local @!p0 [hbm:s0], s1  }
0xf5: {  	s0 =	simm.s32 @!p0 $0x8  }
0xf6: {  	_ =	swait.ge @!p0 [sflag:s0], s1  }
0xf7: {  	s1 =	ssub.s32 @!p0 $0x0, s1;
	[sflag:s0] =	ssyncset.done @!p0 $0x0  }
0xf8: {  	[sflag:s0] =	ssyncadd.s32 @!p0 s1  }
0xf9: {  	[bflag:$0x3] =	sbarrier.arrive $0xFFFF  }
0xfa: {  	_ =	shalt  }

// kernel: kernel.36.cloned.1.call-start
scs
__scs_entry_jumppad:
0x0: {  	(pc) =	sbr.rel $0x88, $3  }
0x1: {  	(tag) =	ssettag $0x0;
	lr =	simm.s32 $0x1  }
0x2: {  	[smem:$0x3F96] =	sst lr;
	_ =	strace $0xD0000000  }
0x3: {  	_ = 	snop  }
0x4: {  	_ = 	snop  }
0x5: {  	_ = 	snop  }
0x6: {  	_ = 	snop  }
0x7: {  	_ = 	snop  }
__scs_overlays_trampoline_lowered:
0x8: {  	[smem:$0x3FA5] =	sst s0  }
0x9: {  	[smem:$0x3FA6] =	sst s1  }
0xa: {  	[smem:$0x3FA7] =	sst s2  }
0xb: {  	[smem:$0x3FA8] =	sst s3  }
0xc: {  	[smem:$0x3FA9] =	sst s4  }
0xd: {  	[smem:$0x3FAA] =	sst s5  }
0xe: {  	[smem:$0x3FAB] =	sst s6  }
0xf: {  	[smem:$0x3FAC] =	sst s7  }
0x10: {  	[smem:$0x3FAD] =	sst s8  }
0x11: {  	[smem:$0x3FAE] =	sst s9;
	s0 =	simm.s32 @!p0 $0x0  }
0x12: {  	s1 =	sld [smem:$0x3F94];
	s0 =	simm.s32 @p0 $0x1  }
0x13: {  	[smem:$0x3FAF] =	sst s0;
	s0 =	simm.s32 @!p1 $0x0  }
0x14: {  	s2 =	sld [smem:$0x3F93];
	s0 =	simm.s32 @p1 $0x1  }
0x15: {  	[smem:$0x3FB0] =	sst s0;
	s0 =	simm.s32 @!p2 $0x0  }
0x16: {  	s3 =	sld [smem:$0x3FDB];
	s0 =	simm.s32 @p2 $0x1  }
0x17: {  	s4 =	simm.s32 $0x1BF5;
	[smem:$0x3FB2] =	sst s0  }
0x18: {  	s0 =	sld [smem:$0x3F95];
	_ =	swait.ge [sflag:s4], $0x0  }
0x19: {  	s7 =	sld [smem:$0x3F96]  }
0x1a: {  	s8 =	sadd.s32 $0xFFFFE003, lr  }
0x1b: {  	s9 =	sadd.s32 $0xFFFFFEF7, lr;
	s5 =	simm.s32 $0xFFFFFFFF;
	p2 =	slt.u32 s8, $0xFFFFF086  }
0x1c: {  	p1 =	slt.u32 s9, $0xF7A;
	s5 =	simm.s32 @!p2 $0x0  }
0x1d: {  	s5 =	simm.s32 @p1 $0x1;
	p0 =	seq.s32 s7, s2  }
0x1e: {  	s7 =	smul.u32 @!p0 $0xF7A, s2;
	p2 =	seq.s32 @!p0 s5, $0x0  }
0x1f: {  	s9 =	smul.u32 $0xF7A, s1;
	s8 =	simm.s32 @!p0 $0x1BF5;
	p2 =	por !p2, p0  }
0x20: {  	[sflag:s8] =	ssyncset.s32 @!p0 $0xFFFFF086;
	s6 =	sadd.s32 @!p0 s3, s7;
	s7 =	simm.s32 @!p0 $0x108  }
0x21: {  	s3 =	sadd.s32 s3, s9;
	s6 =	sadd.s32 @!p0 $0x88, s6;
	s7 =	simm.s32 @p2 $0x1082  }
0x22: {  	[simem:s7], [sflag:s8] =	dma.local @!p0 [hbm:s6], $0xF7A  }
0x23: {  	s9 =	sor.u32 $0xD0000000, s2;
	s6 =	simm.s32 $0x108;
	_ =	swait.ge @!p0 [sflag:s8], $0x0  }
0x24: {  	s3 =	sadd.s32 $0x88, s3;
	s6 =	simm.s32 @!p1 $0x1082;
	[sflag:s4] =	ssyncset.s32 $0xFFFFF086  }
0x25: {  	[simem:s6], [sflag:s4] =	dma.local [hbm:s3], $0xF7A  }
0x26: {  	[smem:$0x3F96] =	sst s1;
	(tag) =	ssettag s2;
	_ =	strace s9  }
0x27: {  	s1 =	sld [smem:$0x3FA6]  }
0x28: {  	s2 =	sld [smem:$0x3FA7]  }
0x29: {  	s4 =	sld [smem:$0x3FA9]  }
0x2a: {  	p0 =	seq.s32 s5, $0x0;
	s5 =	sld [smem:$0x3FAA]  }
0x2b: {  	s6 =	sld [smem:$0x3FAB]  }
0x2c: {  	s7 =	sld [smem:$0x3FAC]  }
0x2d: {  	s3 =	simm.s32 $0x108;
	s8 =	sld [smem:$0x3FAD]  }
0x2e: {  	s3 =	simm.s32 @!p0 $0x1082;
	s9 =	sld [smem:$0x3FAE]  }
0x2f: {  	lr =	sadd.s32 s0, s3;
	s0 =	sld [smem:$0x3FA5]  }
0x30: {  	s3 =	sld [smem:$0x3FA8]  }
0x31: {  	[smem:$0x3FB1] =	sst s10  }
0x32: {  	s10 =	sld [smem:$0x3FAF];
	_ =	sdelay $0x3  }
0x33: {  	p0 =	seq.s32 s10, $0x1;
	s10 =	sld [smem:$0x3FB1];
	_ =	sdelay $0x3  }
0x34: {  	[smem:$0x3FB1] =	sst s10  }
0x35: {  	s10 =	sld [smem:$0x3FB0];
	_ =	sdelay $0x3  }
0x36: {  	p1 =	seq.s32 s10, $0x1;
	s10 =	sld [smem:$0x3FB1];
	_ =	sdelay $0x3  }
0x37: {  	[smem:$0x3FB1] =	sst s10  }
0x38: {  	s10 =	sld [smem:$0x3FB2]  }
0x39: {  	_ = 	snop;
	(pc) =	sbr.ind lr, $3  }
0x3a: {  	_ = 	snop  }
0x3b: {  	_ = 	snop  }
0x3c: {  	p2 =	seq.s32 s10, $0x1;
	s10 =	sld [smem:$0x3FB1]  }
0x3d: {  	_ =	shalt  }
0x3e: {  	_ =	shalt  }
0x3f: {  	_ =	shalt  }
0x40: {  	_ =	shalt  }
0x41: {  	_ =	shalt  }
0x42: {  	_ =	shalt  }
0x43: {  	_ =	shalt  }
0x44: {  	_ =	shalt  }
0x45: {  	_ =	shalt  }
0x46: {  	_ =	shalt  }
0x47: {  	_ =	shalt  }
0x48: {  	_ =	shalt  }
0x49: {  	_ =	shalt  }
0x4a: {  	_ =	shalt  }
0x4b: {  	_ =	shalt  }
0x4c: {  	_ =	shalt  }
0x4d: {  	_ =	shalt  }
0x4e: {  	_ =	shalt  }
0x4f: {  	_ =	shalt  }
0x50: {  	_ =	shalt  }
0x51: {  	_ =	shalt  }
0x52: {  	_ =	shalt  }
0x53: {  	_ =	shalt  }
0x54: {  	_ =	shalt  }
0x55: {  	_ =	shalt  }
0x56: {  	_ =	shalt  }
0x57: {  	_ =	shalt  }
0x58: {  	_ =	shalt  }
0x59: {  	_ =	shalt  }
0x5a: {  	_ =	shalt  }
0x5b: {  	_ =	shalt  }
0x5c: {  	_ =	shalt  }
0x5d: {  	_ =	shalt  }
0x5e: {  	_ =	shalt  }
0x5f: {  	_ =	shalt  }
0x60: {  	_ =	shalt  }
0x61: {  	_ =	shalt  }
0x62: {  	_ =	shalt  }
0x63: {  	_ =	shalt  }
0x64: {  	_ =	shalt  }
0x65: {  	_ =	shalt  }
0x66: {  	_ =	shalt  }
0x67: {  	_ =	shalt  }
0x68: {  	_ =	shalt  }
0x69: {  	_ =	shalt  }
0x6a: {  	_ =	shalt  }
0x6b: {  	_ =	shalt  }
0x6c: {  	_ =	shalt  }
0x6d: {  	_ =	shalt  }
0x6e: {  	_ =	shalt  }
0x6f: {  	_ =	shalt  }
0x70: {  	_ =	shalt  }
0x71: {  	_ =	shalt  }
0x72: {  	_ =	shalt  }
0x73: {  	_ =	shalt  }
0x74: {  	_ =	shalt  }
0x75: {  	_ =	shalt  }
0x76: {  	_ =	shalt  }
0x77: {  	_ =	shalt  }
0x78: {  	_ =	shalt  }
0x79: {  	_ =	shalt  }
0x7a: {  	_ =	shalt  }
0x7b: {  	_ =	shalt  }
0x7c: {  	_ =	shalt  }
0x7d: {  	_ =	shalt  }
0x7e: {  	_ =	shalt  }
0x7f: {  	_ =	shalt  }
0x80: {  	_ =	shalt  }
0x81: {  	_ =	shalt  }
0x82: {  	_ =	shalt  }
0x83: {  	_ =	shalt  }
0x84: {  	_ =	shalt  }
0x85: {  	_ =	shalt  }
0x86: {  	_ =	shalt  }
0x87: {  	_ =	shalt  }
.Lfunc_end0:
.L_simem_size_0:
called_computation.6_lowered:
.L_overlay_start_0:
0x88: {  	s2 =	sld [smem:$0x3FD9]  }
0x89: {  	s3 =	sld [smem:$0x3FFE];
	_ =	sdelay $0x1  }
0x8a: {  	s1 =	srdreg.scid  }
0x8b: {  	s0 =	sand.u32 $0x1, s1  }
0x8c: {  	s16 =	sshll.u32 s0, $0xA;
	s2 =	sadd.s32 s3, s2  }
0x8d: {  	s2 =	sadd.s32 s2, s16  }
0x8e: {  	[smem:$0x3FBD] =	sst s2  }
0x8f: {  	_ = 	snop  }
0x90: {  	(tm) =	ssettm $0x1  }
0x91: {  	s17 =	sld [smem:$0x3FFB];
	_ =	sdelay $0x3  }
0x92: {  	_ =	strace s17  }
0x93: {  	s2 =	sld [smem:$0x3FFC];
	_ =	sdelay $0x3  }
0x94: {  	_ =	strace s2  }
0x95: {  	s2 =	sld [smem:$0x3FFD];
	_ =	sdelay $0x3  }
0x96: {  	_ =	strace s2  }
0x97: {  	_ =	strace $0x8FFFFFFF  }
0x98: {  	s18 =	sld [smem:$0x3FDB];
	_ =	sdelay $0x1  }
0x99: {  	s19 =	simm.s32 $_scs_section_size  }
0x9a: {  	s4 =	simm.s32 $_size__tile_overlayer_lowered;
	s5 =	simm.s32 $_tile_overlayer_lowered  }
0x9b: {  	s22 =	simm.s32 $0x1BFF;
	s21 =	sshll.u32 s5, $0x1;
	s2 =	sadd.s32 s19, s18  }
0x9c: {  	s6 =	simm.s32 $0x0;
	s20 =	sshll.u32 s4, $0x1;
	s4 =	sadd.s32 s21, s2  }
0x9d: {  	[timem:s6], [sflag:s22] =	dma.local [hbm:s4], s20  }
0x9e: {  	_ =	swait.ge [sflag:s22], s20  }
0x9f: {  	s3 =	ssub.s32 $0x0, s20;
	[sflag:s22] =	ssyncset.done $0x0  }
0xa0: {  	[sflag:s22] =	ssyncadd.s32 s3;
	_ =	sdelay $0x1  }
0xa1: {  	s23 =	simm.s32 $0x1B8B  }
0xa2: {  	_ =	swait.ge [sflag:s23], $0x1  }
0xa3: {  	[sflag:s23] =	ssyncset.done $0x0  }
0xa4: {  	s25 =	simm.s32 $0x1B8E;
	s24 =	sld [smem:$0x3FFE];
	[sflag:s23] =	ssyncadd.s32 $0xFFFFFFFF  }
0xa5: {  	s26 =	simm.s32 $execute0_lowered;
	[smem:$0x3FD2] =	sst s25  }
0xa6: {  	s4 =	sshll.u32 s26, $0x1;
	_ =	strace $0x80000058;
	[dreg:$0x1] =	wrdreg $0xFFFFFFFF  }
0xa7: {  	s28 =	simm.s32 $_size_execute0_lowered;
	s2 =	sadd.s32 s2, s4;
	[dreg:$0x0] =	wrdreg $0x0  }
0xa8: {  	s4 =	sshll.u32 s28, $0x1;
	[dreg:$0x2] =	wrdreg s2  }
0xa9: {  	[dreg:$0x3] =	wrdreg s4  }
0xaa: {  	[dreg:$0x4] =	wrdreg $0xC0  }
0xab: {  	_ =	task [dreg:s6], $0x5FFFF  }
0xac: {  	[dreg:$0x1] =	wrdreg $0xFFFFFFFF  }
0xad: {  	[dreg:$0x0] =	wrdreg $0x60  }
0xae: {  	[dreg:$0x2] =	wrdreg s24  }
0xaf: {  	[dreg:$0x3] =	wrdreg $0xB1800  }
0xb0: {  	[dreg:$0x4] =	wrdreg $0x9  }
0xb1: {  	_ =	task.clear_ibuf [dreg:s6], $0x5FFFF;
	_ =	strace $0x90000058  }
0xb2: {  	s29 =	simm.s32 $0x9;
	_ =	strace $0x8000005A  }
0xb3: {  	_ =	swait.ge [sflag:s29], $0x1  }
0xb4: {  	[sflag:s29] =	ssyncadd.s32 $0xFFFFFFFF  }
0xb5: {  	_ =	strace $0x9000005A  }
0xb6: {  	_ =	sfence  }
0xb7: {  	s30 =	sld [smem:$0x0];
	_ =	sdelay $0x2  }
0xb8: {  	s31 =	sshll.u32 s1, $0xD;
	s1 =	sshrl.u32 s1, $0x2  }
0xb9: {  	s3 =	sand.u32 $0x4000, s31;
	s1 =	sadd.s32 s1, s30  }
0xba: {  	s0 =	sor.u32 s3, s0;
	s1 =	sshll.u32 s1, $0x11  }
0xbb: {  	s0 =	sor.u32 s1, s0  }
0xbc: {  	s0 =	sadd.s32 $0x8F2B, s0  }
0xbd: {  	[sflag:s0] =	ssyncadd.remote.s32 $0x1  }
0xbe: {  	_ =	sfence.sel $0xFFFF  }
0xbf: {  	[dreg:$0x0] =	wrdreg $0xFFFFFFFF;
	(pc) =	sbr.abs _section_cstart, $3  }
0xc0: {  	[dreg:$0x1] =	wrdreg $0xFFFFFFFF  }
0xc1: {  	_ =	task.clear_ibuf [dreg:s6], $0x2FFFF;
	_ =	strace $0x9FFFFFFF  }
0xc2: {  	(tm) =	ssettm $0x7FFFFFFF  }
0xc3: {  	_ =	shalt  }
tec
execute0_lowered:
.L_overlay_start_1:
0x0: {  	(tag) =	ssettag $0x1  }
0x1: {  	s0 =	srdreg.scid;
	s1 =	rddreg [dreg:$0x0]  }
0x2: {  	s13 =	stileid.u32;
	s2 =	rddreg [dreg:$0x1];
	s28 =	simm.s32 $0x5180  }
0x3: {  	s30 =	simm.s32 $0x7180;
	s29 =	simm.s32 $0x2;
	s7 =	smul.u32 $0x13C00, s13  }
0x4: {  	s31 =	simm.s32 $0x6;
	s0 =	sand.u32 $0x1, s0;
	s26 =	smul.u32 $0x4F000, s13  }
0x5: {  	s3 =	sshll.u32 s13, $0x1;
	s4 =	sadd.s32 $0x38800, s1;
	s15 =	smul.u32 $0x4F80, s13  }
0x6: {  	s16 =	sshll.u32 s13, $0x6;
	s6 =	sor.u32 s0, s3;
	s8 =	smul.u32 $0x13C000, s0  }
0x7: {  	s3 =	simm.s32 $0x0;
	s11 =	ssub.s32 $0x2, s0;
	s0 =	smul.u32 $0x27C0, s0  }
0x8: {  	s5 =	smul.u32 $0xA00, s6;
	[smem:$0x7FF] =	sst s3;
	s10 =	sshrl.u32 s7, $0x3  }
0x9: {  	s12 =	sshrl.u32 s11, $0x1;
	s6 =	smul.u32 $0x27C0, s6;
	_ =	strace $0x80000059  }
0xa: {  	s7 =	sadd.s32 s7, s8;
	s10 =	sadd.s32 s10, s1;
	s8 =	sshrl.u32 s26, $0x2  }
0xb: {  	s12 =	ssub.s32 s11, s12;
	s0 =	sadd.s32 s0, s15;
	s9 =	sadd.s32 s5, s1  }
0xc: {  	s5 =	sadd.s32 $0x88000, s1;
	s7 =	sshrl.u32 s7, $0x3;
	s11 =	sadd.s32 s8, s2  }
0xd: {  	s14 =	sadd.s32 $0x11000, s10;
	s6 =	sshrl.u32 s6, $0x3;
	s8 =	sor.u32 $0x1C08, s16  }
0xe: {  	s21 =	smax.u32 s12, $0x1;
	s22 =	sadd.s32 $0x140, s0;
	s24 =	sadd.s32 $0x100, s0  }
0xf: {  	s0 =	sadd.s32 $0xC0, s0;
	s10 =	simm.s32 $0x4;
	[dreg:$0x3] =	wrdreg s14  }
0x10: {  	s12 =	simm.s32 $0x0;
	s1 =	sadd.s32 s7, s1;
	[dreg:$0x9] =	wrdreg s21  }
0x11: {  	s17 =	sadd.s32 s5, s6;
	s18 =	sadd.s32 $0x92000, s9;
	[dreg:$0xe] =	wrdreg s0  }
0x12: {  	s26 =	sshrl.u32 s24, $0x3;
	s21 =	simm.s32 $0x8;
	[dreg:$0x5] =	wrdreg s18  }
0x13: {  	s24 =	simm.s32 $0x5100;
	s19 =	sadd.s32 $0x8, s17;
	[dreg:$0x4] =	wrdreg s17  }
0x14: {  	s0 =	simm.s32 $0x5;
	s20 =	sadd.s32 $0x10, s17;
	[dreg:$0x6] =	wrdreg s19  }
0x15: {  	s6 =	simm.s32 $0x3;
	s1 =	sadd.s32 $0xA7000, s1;
	[dreg:$0x7] =	wrdreg s20  }
0x16: {  	s9 =	simm.s32 $0x7;
	s23 =	sadd.s32 $0x4E0, s17;
	[dreg:$0x8] =	wrdreg s1  }
0x17: {  	s14 =	sadd.s32 $0x4F0, s17;
	s25 =	sadd.s32 $0x4E8, s17;
	[dreg:$0xa] =	wrdreg s23  }
0x18: {  	s1 =	sshrl.u32 s22, $0x3;
	[dreg:$0xb] =	wrdreg s25;
	s20 =	sshrl.u32 s11, $0x3  }
0x19: {  	s22 =	simm.s32 $0x5000;
	s23 =	simm.s32 $0x5080;
	s1 =	sadd.s32 s1, s5  }
0x1a: {  	s11 =	simm.s32 $0x4F00;
	[dreg:$0xc] =	wrdreg s1;
	s1 =	sadd.s32 s26, s5  }
0x1b: {  	s26 =	simm.s32 $0x40;
	[dreg:$0xd] =	wrdreg s1;
	s1 =	simm.s32 $0x9180  }
.LBB2_1:
0x1c: {  	s7 =	rddreg [dreg:$0x3]  }
0x1d: {  	[spmem:s20], [sflag:s8] =	dma.local [hbm:s7], $0x2780  }
0x1e: {  	_ =	swait.ge [sflag:s21], $0x2780  }
0x1f: {  	[sflag:s21] =	ssyncset.done $0x0  }
0x20: {  	s25 =	smov.u32 s8;
	s8 =	rddreg [dreg:$0x5];
	[sflag:s21] =	ssyncadd.s32 $0xFFFFD880  }
0x21: {  	[tilespmem:s3], [sflag:$0x1] =	stream.linear.gather [hbm4b:s8+s3], $0x4F80, $0x38;
	[tilespmem:$0x1ED80] =	vst v63  }
0x22: {  	s13 =	rddreg [dreg:$0x4]  }
0x23: {  	[tilespmem:s22], [sflag:$0x2] =	stream.linear.gather [hbm4b:s13+s3], $0x40, $0x38;
	[tilespmem:$0x1ED80] =	vst v63  }
0x24: {  	s15 =	rddreg [dreg:$0x6]  }
0x25: {  	[tilespmem:s23], [sflag:$0x3] =	stream.linear.gather [hbm4b:s15+s3], $0x40, $0x38;
	[tilespmem:$0x1ED80] =	vst v63  }
0x26: {  	s17 =	simm.s32 $0x1;
	s16 =	rddreg [dreg:$0x7]  }
0x27: {  	[tilespmem:s24], [sflag:$0x4] =	stream.linear.gather [hbm4b:s16+s3], $0x40, $0x38;
	[tilespmem:$0x1ED80] =	vst v63  }
0x28: {  	_ =	swait.ge [sflag:s17], $0x4F80  }
0x29: {  	[sflag:s17] =	ssyncset.done $0x0  }
0x2a: {  	[sflag:s17] =	ssyncadd.s32 $0xFFFFB080  }
0x2b: {  	[tilespmem:s28], [sflag:$0x5] =	stream.indirect.gather [hbm4b:s4+s26], $0x80, s3, s26, $0xb8;
	[tilespmem:$0x1ED80] =	vst v63  }
0x2c: {  	s18 =	simm.s32 $0x80  }
0x2d: {  	[tilespmem:s30], [sflag:$0x6] =	stream.indirect.gather [hbm4b:s4+s26], $0x80, s18, s26, $0xb8;
	[tilespmem:$0x1ED80] =	vst v63  }
0x2e: {  	s19 =	simm.s32 $0x100  }
0x2f: {  	[tilespmem:s1], [sflag:$0x7] =	stream.indirect.gather [hbm4b:s4+s26], $0x80, s19, s26, $0xb8;
	[tilespmem:$0x1ED80] =	vst v63  }
0x30: {  	[bflag:$0x0] =	sbarrier.arrive $0xFFFF  }
0x31: {  	_ =	swait.ge [sflag:s0], $0x2000  }
0x32: {  	[sflag:s0] =	ssyncset.done $0x0  }
0x33: {  	[sflag:s0] =	ssyncadd.s32 $0xFFFFE000  }
0x34: {  	_ =	swait.ge [sflag:s29], $0x40  }
0x35: {  	[sflag:s29] =	ssyncset.done $0x0  }
0x36: {  	[sflag:s29] =	ssyncadd.s32 $0xFFFFFFC0  }
0x37: {  	[spmem:s2] =	stream.indirect.scatter.add.f32 [tilespmem:s28], [sflag:$0x8], $0x80, s22, s26, $0xb8;
	[tilespmem:$0x1ED80] =	vst v63  }
0x38: {  	_ =	swait.ge [sflag:s21], $0x2000  }
0x39: {  	[sflag:s21] =	ssyncset.done $0x0;
	s18 =	rddreg [dreg:$0xe]  }
0x3a: {  	s8 =	simm.s32 $0x180;
	[sflag:s21] =	ssyncadd.s32 $0xFFFFE000;
	s13 =	sshrl.u32 s18, $0x3  }
0x3b: {  	[tilespmem:s28], [sflag:$0x5] =	stream.indirect.gather [hbm4b:s4+s26], $0x80, s8, s26, $0xb8;
	[tilespmem:$0x1ED80] =	vst v63  }
0x3c: {  	s13 =	sadd.s32 s5, s13  }
0x3d: {  	[tilespmem:s22], [sflag:$0x2] =	stream.linear.gather [hbm4b:s13+s3], $0x40, $0x38;
	[tilespmem:$0x1ED80] =	vst v63  }
0x3e: {  	_ =	swait.ge [sflag:s31], $0x2000  }
0x3f: {  	[sflag:s31] =	ssyncset.done $0x0  }
0x40: {  	[sflag:s31] =	ssyncadd.s32 $0xFFFFE000  }
0x41: {  	_ =	swait.ge [sflag:s6], $0x40  }
0x42: {  	[sflag:s6] =	ssyncset.done $0x0  }
0x43: {  	[sflag:s6] =	ssyncadd.s32 $0xFFFFFFC0  }
0x44: {  	[spmem:s2] =	stream.indirect.scatter.add.f32 [tilespmem:s30], [sflag:$0x8], $0x80, s23, s26, $0xb8;
	[tilespmem:$0x1ED80] =	vst v63  }
0x45: {  	_ =	swait.ge [sflag:s21], $0x2000  }
0x46: {  	[sflag:s21] =	ssyncset.done $0x0  }
0x47: {  	s15 =	simm.s32 $0x200;
	[sflag:s21] =	ssyncadd.s32 $0xFFFFE000  }
0x48: {  	[tilespmem:s30], [sflag:$0x6] =	stream.indirect.gather [hbm4b:s4+s26], $0x80, s15, s26, $0xb8;
	[tilespmem:$0x1ED80] =	vst v63  }
0x49: {  	s16 =	rddreg [dreg:$0xd]  }
0x4a: {  	[tilespmem:s23], [sflag:$0x3] =	stream.linear.gather [hbm4b:s16+s3], $0x40, $0x38;
	[tilespmem:$0x1ED80] =	vst v63  }
0x4b: {  	_ =	swait.ge [sflag:s9], $0x2000  }
0x4c: {  	[sflag:s9] =	ssyncset.done $0x0  }
0x4d: {  	[sflag:s9] =	ssyncadd.s32 $0xFFFFE000  }
0x4e: {  	_ =	swait.ge [sflag:s10], $0x40  }
0x4f: {  	[sflag:s10] =	ssyncset.done $0x0  }
0x50: {  	[sflag:s10] =	ssyncadd.s32 $0xFFFFFFC0  }
0x51: {  	[spmem:s2] =	stream.indirect.scatter.add.f32 [tilespmem:s1], [sflag:$0x8], $0x80, s24, s26, $0xb8;
	[tilespmem:$0x1ED80] =	vst v63  }
0x52: {  	s19 =	simm.s32 $0x280;
	s7 =	sadd.s32 $0xC0, s18;
	_ =	swait.ge [sflag:s21], $0x2000  }
0x53: {  	s13 =	simm.s32 $0x600;
	[sflag:s21] =	ssyncset.done $0x0;
	s17 =	rddreg [dreg:$0xc]  }
0x54: {  	s16 =	sadd.s32 $0x18, s16;
	[sflag:s21] =	ssyncadd.s32 $0xFFFFE000;
	s15 =	sadd.s32 $0x18, s17  }
0x55: {  	[tilespmem:s1], [sflag:$0x7] =	stream.indirect.gather [hbm4b:s4+s26], $0x80, s19, s26, $0xb8;
	[tilespmem:$0x1ED80] =	vst v63  }
.LBB2_2:
0x56: {  	[tilespmem:s24], [sflag:$0x4] =	stream.linear.gather [hbm4b:s17+s3], $0x40, $0x38;
	[tilespmem:$0x1ED80] =	vst v63  }
0x57: {  	s8 =	smov.u32 s13;
	s17 =	smov.u32 s15  }
0x58: {  	p0 =	sne.s32 s13, $0x12C00;
	s13 =	sadd.s32 $0x600, s13;
	_ =	swait.ge [sflag:s0], $0x2000  }
0x59: {  	[sflag:s0] =	ssyncset.done $0x0  }
0x5a: {  	[sflag:s0] =	ssyncadd.s32 $0xFFFFE000  }
0x5b: {  	_ =	swait.ge [sflag:s29], $0x40  }
0x5c: {  	[sflag:s29] =	ssyncset.done $0x0  }
0x5d: {  	[sflag:s29] =	ssyncadd.s32 $0xFFFFFFC0  }
0x5e: {  	[spmem:s2] =	stream.indirect.scatter.add.f32 [tilespmem:s28], [sflag:$0x8], $0x80, s22, s26, $0xb8;
	[tilespmem:$0x1ED80] =	vst v63  }
0x5f: {  	_ =	swait.ge [sflag:s21], $0x2000  }
0x60: {  	s8 =	sshra.s32 s8, $0x2;
	[sflag:s21] =	ssyncset.done $0x0  }
0x61: {  	s19 =	sshrl.u32 s7, $0x3;
	s18 =	sadd.s32 $0x180, s8;
	[sflag:s21] =	ssyncadd.s32 $0xFFFFE000  }
0x62: {  	[tilespmem:s28], [sflag:$0x5] =	stream.indirect.gather [hbm4b:s4+s26], $0x80, s18, s26, $0xb8;
	[tilespmem:$0x1ED80] =	vst v63  }
0x63: {  	s18 =	sadd.s32 s5, s19  }
0x64: {  	[tilespmem:s22], [sflag:$0x2] =	stream.linear.gather [hbm4b:s18+s3], $0x40, $0x38;
	[tilespmem:$0x1ED80] =	vst v63  }
0x65: {  	_ =	swait.ge [sflag:s31], $0x2000  }
0x66: {  	[sflag:s31] =	ssyncset.done $0x0  }
0x67: {  	[sflag:s31] =	ssyncadd.s32 $0xFFFFE000  }
0x68: {  	_ =	swait.ge [sflag:s6], $0x40  }
0x69: {  	[sflag:s6] =	ssyncset.done $0x0  }
0x6a: {  	[sflag:s6] =	ssyncadd.s32 $0xFFFFFFC0  }
0x6b: {  	[spmem:s2] =	stream.indirect.scatter.add.f32 [tilespmem:s30], [sflag:$0x8], $0x80, s23, s26, $0xb8;
	[tilespmem:$0x1ED80] =	vst v63  }
0x6c: {  	_ =	swait.ge [sflag:s21], $0x2000  }
0x6d: {  	[sflag:s21] =	ssyncset.done $0x0  }
0x6e: {  	s18 =	sadd.s32 $0x200, s8;
	[sflag:s21] =	ssyncadd.s32 $0xFFFFE000  }
0x6f: {  	[tilespmem:s30], [sflag:$0x6] =	stream.indirect.gather [hbm4b:s4+s26], $0x80, s18, s26, $0xb8;
	[tilespmem:$0x1ED80] =	vst v63  }
0x70: {  	_ = 	snop  }
0x71: {  	[tilespmem:s23], [sflag:$0x3] =	stream.linear.gather [hbm4b:s16+s3], $0x40, $0x38;
	[tilespmem:$0x1ED80] =	vst v63  }
0x72: {  	_ =	swait.ge [sflag:s9], $0x2000  }
0x73: {  	[sflag:s9] =	ssyncset.done $0x0  }
0x74: {  	[sflag:s9] =	ssyncadd.s32 $0xFFFFE000  }
0x75: {  	_ =	swait.ge [sflag:s10], $0x40  }
0x76: {  	[sflag:s10] =	ssyncset.done $0x0  }
0x77: {  	[sflag:s10] =	ssyncadd.s32 $0xFFFFFFC0  }
0x78: {  	[spmem:s2] =	stream.indirect.scatter.add.f32 [tilespmem:s1], [sflag:$0x8], $0x80, s24, s26, $0xb8;
	[tilespmem:$0x1ED80] =	vst v63  }
.Ltmp0:
0x79: {  	_ =	swait.ge [sflag:s21], $0x2000;
	(pc) =	sbr.rel @p0 .LBB2_2-.Ltmp0, $4  }
0x7a: {  	[sflag:s21] =	ssyncset.done $0x0  }
0x7b: {  	s8 =	sadd.s32 $0x280, s8;
	[sflag:s21] =	ssyncadd.s32 $0xFFFFE000  }
0x7c: {  	[tilespmem:s1], [sflag:$0x7] =	stream.indirect.gather [hbm4b:s4+s26], $0x80, s8, s26, $0xb8;
	[tilespmem:$0x1ED80] =	vst v63  }
0x7d: {  	s15 =	sadd.s32 $0x18, s15;
	s7 =	sadd.s32 $0xC0, s7;
	s16 =	sadd.s32 $0x18, s16  }
0x7e: {  	[tilespmem:s24], [sflag:$0x4] =	stream.linear.gather [hbm4b:s17+s3], $0x40, $0x38;
	[tilespmem:$0x1ED80] =	vst v63  }
0x7f: {  	_ =	swait.ge [sflag:s0], $0x2000  }
0x80: {  	[sflag:s0] =	ssyncset.done $0x0  }
0x81: {  	[sflag:s0] =	ssyncadd.s32 $0xFFFFE000  }
0x82: {  	_ =	swait.ge [sflag:s29], $0x40  }
0x83: {  	[sflag:s29] =	ssyncset.done $0x0  }
0x84: {  	[sflag:s29] =	ssyncadd.s32 $0xFFFFFFC0  }
0x85: {  	[spmem:s2] =	stream.indirect.scatter.add.f32 [tilespmem:s28], [sflag:$0x8], $0x80, s22, s26, $0xb8;
	[tilespmem:$0x1ED80] =	vst v63  }
0x86: {  	_ =	swait.ge [sflag:s21], $0x2000  }
0x87: {  	[sflag:s21] =	ssyncset.done $0x0  }
0x88: {  	s7 =	simm.s32 $0x4E00;
	[sflag:s21] =	ssyncadd.s32 $0xFFFFE000  }
0x89: {  	[tilespmem:s28], [sflag:$0x5] =	stream.indirect.gather [hbm4b:s4+s26], $0x80, s7, s26, $0xb8;
	[tilespmem:$0x1ED80] =	vst v63  }
0x8a: {  	s16 =	rddreg [dreg:$0xa]  }
0x8b: {  	[tilespmem:s22], [sflag:$0x2] =	stream.linear.gather [hbm4b:s16+s3], $0x40, $0x38;
	[tilespmem:$0x1ED80] =	vst v63  }
0x8c: {  	_ =	swait.ge [sflag:s31], $0x2000  }
0x8d: {  	[sflag:s31] =	ssyncset.done $0x0  }
0x8e: {  	[sflag:s31] =	ssyncadd.s32 $0xFFFFE000  }
0x8f: {  	_ =	swait.ge [sflag:s6], $0x40  }
0x90: {  	[sflag:s6] =	ssyncset.done $0x0  }
0x91: {  	[sflag:s6] =	ssyncadd.s32 $0xFFFFFFC0  }
0x92: {  	[spmem:s2] =	stream.indirect.scatter.add.f32 [tilespmem:s30], [sflag:$0x8], $0x80, s23, s26, $0xb8;
	[tilespmem:$0x1ED80] =	vst v63  }
0x93: {  	_ =	swait.ge [sflag:s21], $0x2000  }
0x94: {  	[sflag:s21] =	ssyncset.done $0x0  }
0x95: {  	s17 =	simm.s32 $0x4E80;
	[sflag:s21] =	ssyncadd.s32 $0xFFFFE000  }
0x96: {  	[tilespmem:s30], [sflag:$0x6] =	stream.indirect.gather [hbm4b:s4+s26], $0x80, s17, s26, $0xb8;
	[tilespmem:$0x1ED80] =	vst v63  }
0x97: {  	s18 =	rddreg [dreg:$0xb]  }
0x98: {  	[tilespmem:s23], [sflag:$0x3] =	stream.linear.gather [hbm4b:s18+s3], $0x40, $0x38;
	[tilespmem:$0x1ED80] =	vst v63  }
0x99: {  	_ =	swait.ge [sflag:s9], $0x2000  }
0x9a: {  	[sflag:s9] =	ssyncset.done $0x0  }
0x9b: {  	[sflag:s9] =	ssyncadd.s32 $0xFFFFE000  }
0x9c: {  	_ =	swait.ge [sflag:s10], $0x40  }
0x9d: {  	[sflag:s10] =	ssyncset.done $0x0  }
0x9e: {  	[sflag:s10] =	ssyncadd.s32 $0xFFFFFFC0  }
0x9f: {  	[spmem:s2] =	stream.indirect.scatter.add.f32 [tilespmem:s1], [sflag:$0x8], $0x80, s24, s26, $0xb8;
	[tilespmem:$0x1ED80] =	vst v63  }
0xa0: {  	_ =	swait.ge [sflag:s21], $0x2000  }
0xa1: {  	[sflag:s21] =	ssyncset.done $0x0  }
0xa2: {  	[sflag:s21] =	ssyncadd.s32 $0xFFFFE000  }
0xa3: {  	[tilespmem:s1], [sflag:$0x7] =	stream.indirect.gather [hbm4b:s4+s26], $0x80, s11, s26, $0xb8;
	[tilespmem:$0x1ED80] =	vst v63  }
0xa4: {  	_ = 	snop  }
0xa5: {  	[tilespmem:s24], [sflag:$0x4] =	stream.linear.gather [hbm4b:s14+s3], $0x40, $0x38;
	[tilespmem:$0x1ED80] =	vst v63  }
0xa6: {  	_ =	swait.ge [sflag:s0], $0x2000  }
0xa7: {  	[sflag:s0] =	ssyncset.done $0x0  }
0xa8: {  	[sflag:s0] =	ssyncadd.s32 $0xFFFFE000  }
0xa9: {  	_ =	swait.ge [sflag:s29], $0x40  }
0xaa: {  	[sflag:s29] =	ssyncset.done $0x0  }
0xab: {  	[sflag:s29] =	ssyncadd.s32 $0xFFFFFFC0  }
0xac: {  	[spmem:s2] =	stream.indirect.scatter.add.f32 [tilespmem:s28], [sflag:$0x8], $0x80, s22, s26, $0xb8;
	[tilespmem:$0x1ED80] =	vst v63  }
0xad: {  	_ =	swait.ge [sflag:s21], $0x2000  }
0xae: {  	[sflag:s21] =	ssyncset.done $0x0  }
0xaf: {  	[sflag:s21] =	ssyncadd.s32 $0xFFFFE000  }
0xb0: {  	[tilespmem:s28], [sflag:$0x5] =	stream.indirect.gather [hbm4b:s4+s26], $0x80, s11, s26, $0xb8;
	[tilespmem:$0x1ED80] =	vst v63  }
0xb1: {  	_ = 	snop  }
0xb2: {  	[tilespmem:s22], [sflag:$0x2] =	stream.linear.gather [hbm4b:s14+s3], $0x40, $0x38;
	[tilespmem:$0x1ED80] =	vst v63  }
0xb3: {  	_ =	swait.ge [sflag:s31], $0x2000  }
0xb4: {  	[sflag:s31] =	ssyncset.done $0x0  }
0xb5: {  	[sflag:s31] =	ssyncadd.s32 $0xFFFFE000  }
0xb6: {  	_ =	swait.ge [sflag:s6], $0x40  }
0xb7: {  	[sflag:s6] =	ssyncset.done $0x0  }
0xb8: {  	[sflag:s6] =	ssyncadd.s32 $0xFFFFFFC0  }
0xb9: {  	[spmem:s2] =	stream.indirect.scatter.add.f32 [tilespmem:s30], [sflag:$0x8], $0x80, s23, s26, $0xb8;
	[tilespmem:$0x1ED80] =	vst v63  }
0xba: {  	_ =	swait.ge [sflag:s21], $0x2000  }
0xbb: {  	[sflag:s21] =	ssyncset.done $0x0  }
0xbc: {  	[sflag:s21] =	ssyncadd.s32 $0xFFFFE000  }
0xbd: {  	[tilespmem:s30], [sflag:$0x6] =	stream.indirect.gather [hbm4b:s4+s26], $0x80, s11, s26, $0xb8;
	[tilespmem:$0x1ED80] =	vst v63  }
0xbe: {  	_ = 	snop  }
0xbf: {  	[tilespmem:s23], [sflag:$0x3] =	stream.linear.gather [hbm4b:s14+s3], $0x40, $0x38;
	[tilespmem:$0x1ED80] =	vst v63  }
0xc0: {  	_ =	swait.ge [sflag:s9], $0x2000  }
0xc1: {  	[sflag:s9] =	ssyncset.done $0x0  }
0xc2: {  	[sflag:s9] =	ssyncadd.s32 $0xFFFFE000  }
0xc3: {  	_ =	swait.ge [sflag:s10], $0x40  }
0xc4: {  	[sflag:s10] =	ssyncset.done $0x0  }
0xc5: {  	[sflag:s10] =	ssyncadd.s32 $0xFFFFFFC0  }
0xc6: {  	[spmem:s2] =	stream.indirect.scatter.add.f32 [tilespmem:s1], [sflag:$0x8], $0x80, s24, s26, $0xb8;
	[tilespmem:$0x1ED80] =	vst v63  }
0xc7: {  	_ =	swait.ge [sflag:s21], $0x2000  }
0xc8: {  	[sflag:s21] =	ssyncset.done $0x0  }
0xc9: {  	[sflag:s21] =	ssyncadd.s32 $0xFFFFE000  }
0xca: {  	[tilespmem:s1], [sflag:$0x7] =	stream.indirect.gather [hbm4b:s4+s26], $0x80, s11, s26, $0xb8;
	[tilespmem:$0x1ED80] =	vst v63  }
0xcb: {  	_ = 	snop  }
0xcc: {  	[tilespmem:s24], [sflag:$0x4] =	stream.linear.gather [hbm4b:s14+s3], $0x40, $0x38;
	[tilespmem:$0x1ED80] =	vst v63  }
0xcd: {  	_ =	swait.ge [sflag:s0], $0x2000  }
0xce: {  	[sflag:s0] =	ssyncset.done $0x0  }
0xcf: {  	[sflag:s0] =	ssyncadd.s32 $0xFFFFE000  }
0xd0: {  	_ =	swait.ge [sflag:s31], $0x2000  }
0xd1: {  	[sflag:s31] =	ssyncset.done $0x0  }
0xd2: {  	[sflag:s31] =	ssyncadd.s32 $0xFFFFE000  }
0xd3: {  	_ =	swait.ge [sflag:s9], $0x2000  }
0xd4: {  	[sflag:s9] =	ssyncset.done $0x0  }
0xd5: {  	[sflag:s9] =	ssyncadd.s32 $0xFFFFE000  }
0xd6: {  	_ =	swait.ge [sflag:s29], $0x40  }
0xd7: {  	[sflag:s29] =	ssyncset.done $0x0  }
0xd8: {  	[sflag:s29] =	ssyncadd.s32 $0xFFFFFFC0  }
0xd9: {  	_ =	swait.ge [sflag:s6], $0x40  }
0xda: {  	[sflag:s6] =	ssyncset.done $0x0  }
0xdb: {  	[sflag:s6] =	ssyncadd.s32 $0xFFFFFFC0  }
0xdc: {  	_ =	swait.ge [sflag:s10], $0x40  }
0xdd: {  	[sflag:s10] =	ssyncset.done $0x0  }
0xde: {  	[sflag:s10] =	ssyncadd.s32 $0xFFFFFFC0  }
0xdf: {  	[bflag:$0x0] =	sbarrier.arrive $0xFFFF  }
0xe0: {  	s19 =	rddreg [dreg:$0x8]  }
0xe1: {  	[hbm:s19], [sflag:s25] =	dma.local [spmem:s20], $0x2780  }
0xe2: {  	_ =	swait.ge [sflag:s21], $0x2780  }
0xe3: {  	s8 =	smov.u32 s25;
	s12 =	sadd.s32 $0x1, s12;
	s25 =	rddreg [dreg:$0x9]  }
0xe4: {  	p0 =	sne.s32 s12, s25  }
.Ltmp1:
0xe5: {  	_ = 	snop;
	(pc) =	sbr.rel @p0 .LBB2_1-.Ltmp1, $3  }
0xe6: {  	_ =	sdelay $0x1  }
0xe7: {  	[sflag:s21] =	ssyncset.done $0x0  }
0xe8: {  	[sflag:s21] =	ssyncadd.s32 $0xFFFFD880  }
0xe9: {  	_ =	sfence.sel $0x180000  }
0xea: {  	[bflag:$0x0] =	sbarrier.arrive $0xFFFF  }
0xeb: {  	_ =	strace $0x90000059  }
0xec: {  	s0 =	stileid.u32;
	[bflag:$0x2] =	sbarrier.arrive $0xFFFF  }
0xed: {  	p0 =	sne.s32 s0, $0x0;
	s0 =	rddreg [dreg:$0x2]  }
0xee: {  	s0 =	sadd.s32 @!p0 $0x100000, s0  }
0xef: {  	[sflag:s0] =	ssyncadd.tile.s32 @!p0 $0x1;
	_ =	shalt  }
.Lfunc_end2:
_tile_overlayer_lowered:
.L_overlay_start_2:
0xf0: {  	(tag) =	ssettag $0x2  }
0xf1: {  	s0 =	rddreg [dreg:$0x0];
	s2 =	stileid.u32  }
0xf2: {  	s1 =	rddreg [dreg:$0x1];
	p0 =	sne.s32 s2, $0x0  }
0xf3: {  	s3 =	rddreg [dreg:$0x2];
	[bflag:$0x3] =	sbarrier.arrive $0xFFFF;
	s2 =	simm.s32 @!p0 $0x1C08  }
0xf4: {  	[timem:s3], [sflag:s2] =	dma.local @!p0 [hbm:s0], s1  }
0xf5: {  	s0 =	simm.s32 @!p0 $0x8  }
0xf6: {  	_ =	swait.ge @!p0 [sflag:s0], s1  }
0xf7: {  	s1 =	ssub.s32 @!p0 $0x0, s1;
	[sflag:s0] =	ssyncset.done @!p0 $0x0  }
0xf8: {  	[sflag:s0] =	ssyncadd.s32 @!p0 s1  }
0xf9: {  	[bflag:$0x3] =	sbarrier.arrive $0xFFFF  }
0xfa: {  	_ =	shalt  }

// kernel: kernel.39.cloned.1.call-start
scs
__scs_entry_jumppad:
0x0: {  	(pc) =	sbr.rel $0x88, $3  }
0x1: {  	(tag) =	ssettag $0x0;
	lr =	simm.s32 $0x1  }
0x2: {  	[smem:$0x3F96] =	sst lr;
	_ =	strace $0xD0000000  }
0x3: {  	_ = 	snop  }
0x4: {  	_ = 	snop  }
0x5: {  	_ = 	snop  }
0x6: {  	_ = 	snop  }
0x7: {  	_ = 	snop  }
__scs_overlays_trampoline_lowered:
0x8: {  	[smem:$0x3FA5] =	sst s0  }
0x9: {  	[smem:$0x3FA6] =	sst s1  }
0xa: {  	[smem:$0x3FA7] =	sst s2  }
0xb: {  	[smem:$0x3FA8] =	sst s3  }
0xc: {  	[smem:$0x3FA9] =	sst s4  }
0xd: {  	[smem:$0x3FAA] =	sst s5  }
0xe: {  	[smem:$0x3FAB] =	sst s6  }
0xf: {  	[smem:$0x3FAC] =	sst s7  }
0x10: {  	[smem:$0x3FAD] =	sst s8  }
0x11: {  	[smem:$0x3FAE] =	sst s9;
	s0 =	simm.s32 @!p0 $0x0  }
0x12: {  	s1 =	sld [smem:$0x3F94];
	s0 =	simm.s32 @p0 $0x1  }
0x13: {  	[smem:$0x3FAF] =	sst s0;
	s0 =	simm.s32 @!p1 $0x0  }
0x14: {  	s2 =	sld [smem:$0x3F93];
	s0 =	simm.s32 @p1 $0x1  }
0x15: {  	[smem:$0x3FB0] =	sst s0;
	s0 =	simm.s32 @!p2 $0x0  }
0x16: {  	s3 =	sld [smem:$0x3FDB];
	s0 =	simm.s32 @p2 $0x1  }
0x17: {  	s4 =	simm.s32 $0x1BF5;
	[smem:$0x3FB2] =	sst s0  }
0x18: {  	s0 =	sld [smem:$0x3F95];
	_ =	swait.ge [sflag:s4], $0x0  }
0x19: {  	s7 =	sld [smem:$0x3F96]  }
0x1a: {  	s8 =	sadd.s32 $0xFFFFE003, lr  }
0x1b: {  	s9 =	sadd.s32 $0xFFFFFEF7, lr;
	s5 =	simm.s32 $0xFFFFFFFF;
	p2 =	slt.u32 s8, $0xFFFFF086  }
0x1c: {  	p1 =	slt.u32 s9, $0xF7A;
	s5 =	simm.s32 @!p2 $0x0  }
0x1d: {  	s5 =	simm.s32 @p1 $0x1;
	p0 =	seq.s32 s7, s2  }
0x1e: {  	s7 =	smul.u32 @!p0 $0xF7A, s2;
	p2 =	seq.s32 @!p0 s5, $0x0  }
0x1f: {  	s9 =	smul.u32 $0xF7A, s1;
	s8 =	simm.s32 @!p0 $0x1BF5;
	p2 =	por !p2, p0  }
0x20: {  	[sflag:s8] =	ssyncset.s32 @!p0 $0xFFFFF086;
	s6 =	sadd.s32 @!p0 s3, s7;
	s7 =	simm.s32 @!p0 $0x108  }
0x21: {  	s3 =	sadd.s32 s3, s9;
	s6 =	sadd.s32 @!p0 $0x88, s6;
	s7 =	simm.s32 @p2 $0x1082  }
0x22: {  	[simem:s7], [sflag:s8] =	dma.local @!p0 [hbm:s6], $0xF7A  }
0x23: {  	s9 =	sor.u32 $0xD0000000, s2;
	s6 =	simm.s32 $0x108;
	_ =	swait.ge @!p0 [sflag:s8], $0x0  }
0x24: {  	s3 =	sadd.s32 $0x88, s3;
	s6 =	simm.s32 @!p1 $0x1082;
	[sflag:s4] =	ssyncset.s32 $0xFFFFF086  }
0x25: {  	[simem:s6], [sflag:s4] =	dma.local [hbm:s3], $0xF7A  }
0x26: {  	[smem:$0x3F96] =	sst s1;
	(tag) =	ssettag s2;
	_ =	strace s9  }
0x27: {  	s1 =	sld [smem:$0x3FA6]  }
0x28: {  	s2 =	sld [smem:$0x3FA7]  }
0x29: {  	s4 =	sld [smem:$0x3FA9]  }
0x2a: {  	p0 =	seq.s32 s5, $0x0;
	s5 =	sld [smem:$0x3FAA]  }
0x2b: {  	s6 =	sld [smem:$0x3FAB]  }
0x2c: {  	s7 =	sld [smem:$0x3FAC]  }
0x2d: {  	s3 =	simm.s32 $0x108;
	s8 =	sld [smem:$0x3FAD]  }
0x2e: {  	s3 =	simm.s32 @!p0 $0x1082;
	s9 =	sld [smem:$0x3FAE]  }
0x2f: {  	lr =	sadd.s32 s0, s3;
	s0 =	sld [smem:$0x3FA5]  }
0x30: {  	s3 =	sld [smem:$0x3FA8]  }
0x31: {  	[smem:$0x3FB1] =	sst s10  }
0x32: {  	s10 =	sld [smem:$0x3FAF];
	_ =	sdelay $0x3  }
0x33: {  	p0 =	seq.s32 s10, $0x1;
	s10 =	sld [smem:$0x3FB1];
	_ =	sdelay $0x3  }
0x34: {  	[smem:$0x3FB1] =	sst s10  }
0x35: {  	s10 =	sld [smem:$0x3FB0];
	_ =	sdelay $0x3  }
0x36: {  	p1 =	seq.s32 s10, $0x1;
	s10 =	sld [smem:$0x3FB1];
	_ =	sdelay $0x3  }
0x37: {  	[smem:$0x3FB1] =	sst s10  }
0x38: {  	s10 =	sld [smem:$0x3FB2]  }
0x39: {  	_ = 	snop;
	(pc) =	sbr.ind lr, $3  }
0x3a: {  	_ = 	snop  }
0x3b: {  	_ = 	snop  }
0x3c: {  	p2 =	seq.s32 s10, $0x1;
	s10 =	sld [smem:$0x3FB1]  }
0x3d: {  	_ =	shalt  }
0x3e: {  	_ =	shalt  }
0x3f: {  	_ =	shalt  }
0x40: {  	_ =	shalt  }
0x41: {  	_ =	shalt  }
0x42: {  	_ =	shalt  }
0x43: {  	_ =	shalt  }
0x44: {  	_ =	shalt  }
0x45: {  	_ =	shalt  }
0x46: {  	_ =	shalt  }
0x47: {  	_ =	shalt  }
0x48: {  	_ =	shalt  }
0x49: {  	_ =	shalt  }
0x4a: {  	_ =	shalt  }
0x4b: {  	_ =	shalt  }
0x4c: {  	_ =	shalt  }
0x4d: {  	_ =	shalt  }
0x4e: {  	_ =	shalt  }
0x4f: {  	_ =	shalt  }
0x50: {  	_ =	shalt  }
0x51: {  	_ =	shalt  }
0x52: {  	_ =	shalt  }
0x53: {  	_ =	shalt  }
0x54: {  	_ =	shalt  }
0x55: {  	_ =	shalt  }
0x56: {  	_ =	shalt  }
0x57: {  	_ =	shalt  }
0x58: {  	_ =	shalt  }
0x59: {  	_ =	shalt  }
0x5a: {  	_ =	shalt  }
0x5b: {  	_ =	shalt  }
0x5c: {  	_ =	shalt  }
0x5d: {  	_ =	shalt  }
0x5e: {  	_ =	shalt  }
0x5f: {  	_ =	shalt  }
0x60: {  	_ =	shalt  }
0x61: {  	_ =	shalt  }
0x62: {  	_ =	shalt  }
0x63: {  	_ =	shalt  }
0x64: {  	_ =	shalt  }
0x65: {  	_ =	shalt  }
0x66: {  	_ =	shalt  }
0x67: {  	_ =	shalt  }
0x68: {  	_ =	shalt  }
0x69: {  	_ =	shalt  }
0x6a: {  	_ =	shalt  }
0x6b: {  	_ =	shalt  }
0x6c: {  	_ =	shalt  }
0x6d: {  	_ =	shalt  }
0x6e: {  	_ =	shalt  }
0x6f: {  	_ =	shalt  }
0x70: {  	_ =	shalt  }
0x71: {  	_ =	shalt  }
0x72: {  	_ =	shalt  }
0x73: {  	_ =	shalt  }
0x74: {  	_ =	shalt  }
0x75: {  	_ =	shalt  }
0x76: {  	_ =	shalt  }
0x77: {  	_ =	shalt  }
0x78: {  	_ =	shalt  }
0x79: {  	_ =	shalt  }
0x7a: {  	_ =	shalt  }
0x7b: {  	_ =	shalt  }
0x7c: {  	_ =	shalt  }
0x7d: {  	_ =	shalt  }
0x7e: {  	_ =	shalt  }
0x7f: {  	_ =	shalt  }
0x80: {  	_ =	shalt  }
0x81: {  	_ =	shalt  }
0x82: {  	_ =	shalt  }
0x83: {  	_ =	shalt  }
0x84: {  	_ =	shalt  }
0x85: {  	_ =	shalt  }
0x86: {  	_ =	shalt  }
0x87: {  	_ =	shalt  }
.Lfunc_end0:
.L_simem_size_0:
called_computation.7_lowered:
.L_overlay_start_0:
0x88: {  	s2 =	sld [smem:$0x3FD9]  }
0x89: {  	s3 =	sld [smem:$0x3FFE];
	_ =	sdelay $0x1  }
0x8a: {  	s1 =	srdreg.scid  }
0x8b: {  	s0 =	sand.u32 $0x1, s1  }
0x8c: {  	s16 =	sshll.u32 s0, $0xA;
	s2 =	sadd.s32 s3, s2  }
0x8d: {  	s2 =	sadd.s32 s2, s16  }
0x8e: {  	[smem:$0x3FBD] =	sst s2  }
0x8f: {  	_ = 	snop  }
0x90: {  	(tm) =	ssettm $0x1  }
0x91: {  	s17 =	sld [smem:$0x3FFB];
	_ =	sdelay $0x3  }
0x92: {  	_ =	strace s17  }
0x93: {  	s2 =	sld [smem:$0x3FFC];
	_ =	sdelay $0x3  }
0x94: {  	_ =	strace s2  }
0x95: {  	s2 =	sld [smem:$0x3FFD];
	_ =	sdelay $0x3  }
0x96: {  	_ =	strace s2  }
0x97: {  	_ =	strace $0x8FFFFFFF  }
0x98: {  	s18 =	sld [smem:$0x3FDB];
	_ =	sdelay $0x1  }
0x99: {  	s19 =	simm.s32 $_scs_section_size  }
0x9a: {  	s4 =	simm.s32 $_size__tile_overlayer_lowered;
	s5 =	simm.s32 $_tile_overlayer_lowered  }
0x9b: {  	s22 =	simm.s32 $0x1BFF;
	s21 =	sshll.u32 s5, $0x1;
	s2 =	sadd.s32 s19, s18  }
0x9c: {  	s6 =	simm.s32 $0x0;
	s20 =	sshll.u32 s4, $0x1;
	s4 =	sadd.s32 s21, s2  }
0x9d: {  	[timem:s6], [sflag:s22] =	dma.local [hbm:s4], s20  }
0x9e: {  	_ =	swait.ge [sflag:s22], s20  }
0x9f: {  	s3 =	ssub.s32 $0x0, s20;
	[sflag:s22] =	ssyncset.done $0x0  }
0xa0: {  	[sflag:s22] =	ssyncadd.s32 s3;
	_ =	sdelay $0x1  }
0xa1: {  	s23 =	simm.s32 $0x1B8B  }
0xa2: {  	_ =	swait.ge [sflag:s23], $0x1  }
0xa3: {  	[sflag:s23] =	ssyncset.done $0x0  }
0xa4: {  	s25 =	simm.s32 $0x1B8E;
	s24 =	sld [smem:$0x3FFE];
	[sflag:s23] =	ssyncadd.s32 $0xFFFFFFFF  }
0xa5: {  	s26 =	simm.s32 $execute0_lowered;
	[smem:$0x3FD2] =	sst s25  }
0xa6: {  	s4 =	sshll.u32 s26, $0x1;
	_ =	strace $0x8000005B;
	[dreg:$0x1] =	wrdreg $0xFFFFFFFF  }
0xa7: {  	s28 =	simm.s32 $_size_execute0_lowered;
	s2 =	sadd.s32 s2, s4;
	[dreg:$0x0] =	wrdreg $0x0  }
0xa8: {  	s4 =	sshll.u32 s28, $0x1;
	[dreg:$0x2] =	wrdreg s2  }
0xa9: {  	[dreg:$0x3] =	wrdreg s4  }
0xaa: {  	[dreg:$0x4] =	wrdreg $0xC0  }
0xab: {  	_ =	task [dreg:s6], $0x5FFFF  }
0xac: {  	[dreg:$0x1] =	wrdreg $0xFFFFFFFF  }
0xad: {  	[dreg:$0x0] =	wrdreg $0x60  }
0xae: {  	[dreg:$0x2] =	wrdreg s24  }
0xaf: {  	[dreg:$0x3] =	wrdreg $0xB1800  }
0xb0: {  	[dreg:$0x4] =	wrdreg $0x9  }
0xb1: {  	_ =	task.clear_ibuf [dreg:s6], $0x5FFFF;
	_ =	strace $0x9000005B  }
0xb2: {  	s29 =	simm.s32 $0x9;
	_ =	strace $0x8000005D  }
0xb3: {  	_ =	swait.ge [sflag:s29], $0x1  }
0xb4: {  	[sflag:s29] =	ssyncadd.s32 $0xFFFFFFFF  }
0xb5: {  	_ =	strace $0x9000005D  }
0xb6: {  	_ =	sfence  }
0xb7: {  	s30 =	sld [smem:$0x0];
	_ =	sdelay $0x2  }
0xb8: {  	s31 =	sshll.u32 s1, $0xD;
	s1 =	sshrl.u32 s1, $0x2  }
0xb9: {  	s3 =	sand.u32 $0x4000, s31;
	s1 =	sadd.s32 s1, s30  }
0xba: {  	s0 =	sor.u32 s3, s0;
	s1 =	sshll.u32 s1, $0x11  }
0xbb: {  	s0 =	sor.u32 s1, s0  }
0xbc: {  	s0 =	sadd.s32 $0x8F2B, s0  }
0xbd: {  	[sflag:s0] =	ssyncadd.remote.s32 $0x1  }
0xbe: {  	_ =	sfence.sel $0xFFFF  }
0xbf: {  	[dreg:$0x0] =	wrdreg $0xFFFFFFFF;
	(pc) =	sbr.abs _section_cstart, $3  }
0xc0: {  	[dreg:$0x1] =	wrdreg $0xFFFFFFFF  }
0xc1: {  	_ =	task.clear_ibuf [dreg:s6], $0x2FFFF;
	_ =	strace $0x9FFFFFFF  }
0xc2: {  	(tm) =	ssettm $0x7FFFFFFF  }
0xc3: {  	_ =	shalt  }
tec
execute0_lowered:
.L_overlay_start_1:
0x0: {  	(tag) =	ssettag $0x1  }
0x1: {  	s0 =	srdreg.scid;
	s1 =	rddreg [dreg:$0x0]  }
0x2: {  	s13 =	stileid.u32;
	s2 =	rddreg [dreg:$0x1];
	s28 =	simm.s32 $0x5180  }
0x3: {  	s30 =	simm.s32 $0x7180;
	s29 =	simm.s32 $0x2;
	s7 =	smul.u32 $0x13C00, s13  }
0x4: {  	s31 =	simm.s32 $0x6;
	s0 =	sand.u32 $0x1, s0;
	s26 =	smul.u32 $0x4F000, s13  }
0x5: {  	s3 =	sshll.u32 s13, $0x1;
	s4 =	sadd.s32 $0x38800, s1;
	s15 =	smul.u32 $0x4F80, s13  }
0x6: {  	s16 =	sshll.u32 s13, $0x6;
	s6 =	sor.u32 s0, s3;
	s8 =	smul.u32 $0x13C000, s0  }
0x7: {  	s3 =	simm.s32 $0x0;
	s11 =	ssub.s32 $0x2, s0;
	s0 =	smul.u32 $0x27C0, s0  }
0x8: {  	s5 =	smul.u32 $0xA00, s6;
	[smem:$0x7FF] =	sst s3;
	s10 =	sshrl.u32 s7, $0x3  }
0x9: {  	s12 =	sshrl.u32 s11, $0x1;
	s6 =	smul.u32 $0x27C0, s6;
	_ =	strace $0x8000005C  }
0xa: {  	s7 =	sadd.s32 s7, s8;
	s10 =	sadd.s32 s10, s1;
	s8 =	sshrl.u32 s26, $0x2  }
0xb: {  	s12 =	ssub.s32 s11, s12;
	s0 =	sadd.s32 s0, s15;
	s9 =	sadd.s32 s5, s1  }
0xc: {  	s5 =	sadd.s32 $0x88000, s1;
	s7 =	sshrl.u32 s7, $0x3;
	s11 =	sadd.s32 s8, s2  }
0xd: {  	s14 =	sadd.s32 $0x11000, s10;
	s6 =	sshrl.u32 s6, $0x3;
	s8 =	sor.u32 $0x1C08, s16  }
0xe: {  	s21 =	smax.u32 s12, $0x1;
	s22 =	sadd.s32 $0x140, s0;
	s24 =	sadd.s32 $0x100, s0  }
0xf: {  	s0 =	sadd.s32 $0xC0, s0;
	s10 =	simm.s32 $0x4;
	[dreg:$0x3] =	wrdreg s14  }
0x10: {  	s12 =	simm.s32 $0x0;
	s1 =	sadd.s32 s7, s1;
	[dreg:$0x9] =	wrdreg s21  }
0x11: {  	s17 =	sadd.s32 s5, s6;
	s18 =	sadd.s32 $0x92000, s9;
	[dreg:$0xe] =	wrdreg s0  }
0x12: {  	s26 =	sshrl.u32 s24, $0x3;
	s21 =	simm.s32 $0x8;
	[dreg:$0x5] =	wrdreg s18  }
0x13: {  	s24 =	simm.s32 $0x5100;
	s19 =	sadd.s32 $0x8, s17;
	[dreg:$0x4] =	wrdreg s17  }
0x14: {  	s0 =	simm.s32 $0x5;
	s20 =	sadd.s32 $0x10, s17;
	[dreg:$0x6] =	wrdreg s19  }
0x15: {  	s6 =	simm.s32 $0x3;
	s1 =	sadd.s32 $0xA6000, s1;
	[dreg:$0x7] =	wrdreg s20  }
0x16: {  	s9 =	simm.s32 $0x7;
	s23 =	sadd.s32 $0x4E0, s17;
	[dreg:$0x8] =	wrdreg s1  }
0x17: {  	s14 =	sadd.s32 $0x4F0, s17;
	s25 =	sadd.s32 $0x4E8, s17;
	[dreg:$0xa] =	wrdreg s23  }
0x18: {  	s1 =	sshrl.u32 s22, $0x3;
	[dreg:$0xb] =	wrdreg s25;
	s20 =	sshrl.u32 s11, $0x3  }
0x19: {  	s22 =	simm.s32 $0x5000;
	s23 =	simm.s32 $0x5080;
	s1 =	sadd.s32 s1, s5  }
0x1a: {  	s11 =	simm.s32 $0x4F00;
	[dreg:$0xc] =	wrdreg s1;
	s1 =	sadd.s32 s26, s5  }
0x1b: {  	s26 =	simm.s32 $0x40;
	[dreg:$0xd] =	wrdreg s1;
	s1 =	simm.s32 $0x9180  }
.LBB2_1:
0x1c: {  	s7 =	rddreg [dreg:$0x3]  }
0x1d: {  	[spmem:s20], [sflag:s8] =	dma.local [hbm:s7], $0x2780  }
0x1e: {  	_ =	swait.ge [sflag:s21], $0x2780  }
0x1f: {  	[sflag:s21] =	ssyncset.done $0x0  }
0x20: {  	s25 =	smov.u32 s8;
	s8 =	rddreg [dreg:$0x5];
	[sflag:s21] =	ssyncadd.s32 $0xFFFFD880  }
0x21: {  	[tilespmem:s3], [sflag:$0x1] =	stream.linear.gather [hbm4b:s8+s3], $0x4F80, $0x38;
	[tilespmem:$0x1ED80] =	vst v63  }
0x22: {  	s13 =	rddreg [dreg:$0x4]  }
0x23: {  	[tilespmem:s22], [sflag:$0x2] =	stream.linear.gather [hbm4b:s13+s3], $0x40, $0x38;
	[tilespmem:$0x1ED80] =	vst v63  }
0x24: {  	s15 =	rddreg [dreg:$0x6]  }
0x25: {  	[tilespmem:s23], [sflag:$0x3] =	stream.linear.gather [hbm4b:s15+s3], $0x40, $0x38;
	[tilespmem:$0x1ED80] =	vst v63  }
0x26: {  	s17 =	simm.s32 $0x1;
	s16 =	rddreg [dreg:$0x7]  }
0x27: {  	[tilespmem:s24], [sflag:$0x4] =	stream.linear.gather [hbm4b:s16+s3], $0x40, $0x38;
	[tilespmem:$0x1ED80] =	vst v63  }
0x28: {  	_ =	swait.ge [sflag:s17], $0x4F80  }
0x29: {  	[sflag:s17] =	ssyncset.done $0x0  }
0x2a: {  	[sflag:s17] =	ssyncadd.s32 $0xFFFFB080  }
0x2b: {  	[tilespmem:s28], [sflag:$0x5] =	stream.indirect.gather [hbm4b:s4+s26], $0x80, s3, s26, $0xb8;
	[tilespmem:$0x1ED80] =	vst v63  }
0x2c: {  	s18 =	simm.s32 $0x80  }
0x2d: {  	[tilespmem:s30], [sflag:$0x6] =	stream.indirect.gather [hbm4b:s4+s26], $0x80, s18, s26, $0xb8;
	[tilespmem:$0x1ED80] =	vst v63  }
0x2e: {  	s19 =	simm.s32 $0x100  }
0x2f: {  	[tilespmem:s1], [sflag:$0x7] =	stream.indirect.gather [hbm4b:s4+s26], $0x80, s19, s26, $0xb8;
	[tilespmem:$0x1ED80] =	vst v63  }
0x30: {  	[bflag:$0x0] =	sbarrier.arrive $0xFFFF  }
0x31: {  	_ =	swait.ge [sflag:s0], $0x2000  }
0x32: {  	[sflag:s0] =	ssyncset.done $0x0  }
0x33: {  	[sflag:s0] =	ssyncadd.s32 $0xFFFFE000  }
0x34: {  	_ =	swait.ge [sflag:s29], $0x40  }
0x35: {  	[sflag:s29] =	ssyncset.done $0x0  }
0x36: {  	[sflag:s29] =	ssyncadd.s32 $0xFFFFFFC0  }
0x37: {  	[spmem:s2] =	stream.indirect.scatter.add.f32 [tilespmem:s28], [sflag:$0x8], $0x80, s22, s26, $0xb8;
	[tilespmem:$0x1ED80] =	vst v63  }
0x38: {  	_ =	swait.ge [sflag:s21], $0x2000  }
0x39: {  	[sflag:s21] =	ssyncset.done $0x0;
	s18 =	rddreg [dreg:$0xe]  }
0x3a: {  	s8 =	simm.s32 $0x180;
	[sflag:s21] =	ssyncadd.s32 $0xFFFFE000;
	s13 =	sshrl.u32 s18, $0x3  }
0x3b: {  	[tilespmem:s28], [sflag:$0x5] =	stream.indirect.gather [hbm4b:s4+s26], $0x80, s8, s26, $0xb8;
	[tilespmem:$0x1ED80] =	vst v63  }
0x3c: {  	s13 =	sadd.s32 s5, s13  }
0x3d: {  	[tilespmem:s22], [sflag:$0x2] =	stream.linear.gather [hbm4b:s13+s3], $0x40, $0x38;
	[tilespmem:$0x1ED80] =	vst v63  }
0x3e: {  	_ =	swait.ge [sflag:s31], $0x2000  }
0x3f: {  	[sflag:s31] =	ssyncset.done $0x0  }
0x40: {  	[sflag:s31] =	ssyncadd.s32 $0xFFFFE000  }
0x41: {  	_ =	swait.ge [sflag:s6], $0x40  }
0x42: {  	[sflag:s6] =	ssyncset.done $0x0  }
0x43: {  	[sflag:s6] =	ssyncadd.s32 $0xFFFFFFC0  }
0x44: {  	[spmem:s2] =	stream.indirect.scatter.add.f32 [tilespmem:s30], [sflag:$0x8], $0x80, s23, s26, $0xb8;
	[tilespmem:$0x1ED80] =	vst v63  }
0x45: {  	_ =	swait.ge [sflag:s21], $0x2000  }
0x46: {  	[sflag:s21] =	ssyncset.done $0x0  }
0x47: {  	s15 =	simm.s32 $0x200;
	[sflag:s21] =	ssyncadd.s32 $0xFFFFE000  }
0x48: {  	[tilespmem:s30], [sflag:$0x6] =	stream.indirect.gather [hbm4b:s4+s26], $0x80, s15, s26, $0xb8;
	[tilespmem:$0x1ED80] =	vst v63  }
0x49: {  	s16 =	rddreg [dreg:$0xd]  }
0x4a: {  	[tilespmem:s23], [sflag:$0x3] =	stream.linear.gather [hbm4b:s16+s3], $0x40, $0x38;
	[tilespmem:$0x1ED80] =	vst v63  }
0x4b: {  	_ =	swait.ge [sflag:s9], $0x2000  }
0x4c: {  	[sflag:s9] =	ssyncset.done $0x0  }
0x4d: {  	[sflag:s9] =	ssyncadd.s32 $0xFFFFE000  }
0x4e: {  	_ =	swait.ge [sflag:s10], $0x40  }
0x4f: {  	[sflag:s10] =	ssyncset.done $0x0  }
0x50: {  	[sflag:s10] =	ssyncadd.s32 $0xFFFFFFC0  }
0x51: {  	[spmem:s2] =	stream.indirect.scatter.add.f32 [tilespmem:s1], [sflag:$0x8], $0x80, s24, s26, $0xb8;
	[tilespmem:$0x1ED80] =	vst v63  }
0x52: {  	s19 =	simm.s32 $0x280;
	s7 =	sadd.s32 $0xC0, s18;
	_ =	swait.ge [sflag:s21], $0x2000  }
0x53: {  	s13 =	simm.s32 $0x600;
	[sflag:s21] =	ssyncset.done $0x0;
	s17 =	rddreg [dreg:$0xc]  }
0x54: {  	s16 =	sadd.s32 $0x18, s16;
	[sflag:s21] =	ssyncadd.s32 $0xFFFFE000;
	s15 =	sadd.s32 $0x18, s17  }
0x55: {  	[tilespmem:s1], [sflag:$0x7] =	stream.indirect.gather [hbm4b:s4+s26], $0x80, s19, s26, $0xb8;
	[tilespmem:$0x1ED80] =	vst v63  }
.LBB2_2:
0x56: {  	[tilespmem:s24], [sflag:$0x4] =	stream.linear.gather [hbm4b:s17+s3], $0x40, $0x38;
	[tilespmem:$0x1ED80] =	vst v63  }
0x57: {  	s8 =	smov.u32 s13;
	s17 =	smov.u32 s15  }
0x58: {  	p0 =	sne.s32 s13, $0x12C00;
	s13 =	sadd.s32 $0x600, s13;
	_ =	swait.ge [sflag:s0], $0x2000  }
0x59: {  	[sflag:s0] =	ssyncset.done $0x0  }
0x5a: {  	[sflag:s0] =	ssyncadd.s32 $0xFFFFE000  }
0x5b: {  	_ =	swait.ge [sflag:s29], $0x40  }
0x5c: {  	[sflag:s29] =	ssyncset.done $0x0  }
0x5d: {  	[sflag:s29] =	ssyncadd.s32 $0xFFFFFFC0  }
0x5e: {  	[spmem:s2] =	stream.indirect.scatter.add.f32 [tilespmem:s28], [sflag:$0x8], $0x80, s22, s26, $0xb8;
	[tilespmem:$0x1ED80] =	vst v63  }
0x5f: {  	_ =	swait.ge [sflag:s21], $0x2000  }
0x60: {  	s8 =	sshra.s32 s8, $0x2;
	[sflag:s21] =	ssyncset.done $0x0  }
0x61: {  	s19 =	sshrl.u32 s7, $0x3;
	s18 =	sadd.s32 $0x180, s8;
	[sflag:s21] =	ssyncadd.s32 $0xFFFFE000  }
0x62: {  	[tilespmem:s28], [sflag:$0x5] =	stream.indirect.gather [hbm4b:s4+s26], $0x80, s18, s26, $0xb8;
	[tilespmem:$0x1ED80] =	vst v63  }
0x63: {  	s18 =	sadd.s32 s5, s19  }
0x64: {  	[tilespmem:s22], [sflag:$0x2] =	stream.linear.gather [hbm4b:s18+s3], $0x40, $0x38;
	[tilespmem:$0x1ED80] =	vst v63  }
0x65: {  	_ =	swait.ge [sflag:s31], $0x2000  }
0x66: {  	[sflag:s31] =	ssyncset.done $0x0  }
0x67: {  	[sflag:s31] =	ssyncadd.s32 $0xFFFFE000  }
0x68: {  	_ =	swait.ge [sflag:s6], $0x40  }
0x69: {  	[sflag:s6] =	ssyncset.done $0x0  }
0x6a: {  	[sflag:s6] =	ssyncadd.s32 $0xFFFFFFC0  }
0x6b: {  	[spmem:s2] =	stream.indirect.scatter.add.f32 [tilespmem:s30], [sflag:$0x8], $0x80, s23, s26, $0xb8;
	[tilespmem:$0x1ED80] =	vst v63  }
0x6c: {  	_ =	swait.ge [sflag:s21], $0x2000  }
0x6d: {  	[sflag:s21] =	ssyncset.done $0x0  }
0x6e: {  	s18 =	sadd.s32 $0x200, s8;
	[sflag:s21] =	ssyncadd.s32 $0xFFFFE000  }
0x6f: {  	[tilespmem:s30], [sflag:$0x6] =	stream.indirect.gather [hbm4b:s4+s26], $0x80, s18, s26, $0xb8;
	[tilespmem:$0x1ED80] =	vst v63  }
0x70: {  	_ = 	snop  }
0x71: {  	[tilespmem:s23], [sflag:$0x3] =	stream.linear.gather [hbm4b:s16+s3], $0x40, $0x38;
	[tilespmem:$0x1ED80] =	vst v63  }
0x72: {  	_ =	swait.ge [sflag:s9], $0x2000  }
0x73: {  	[sflag:s9] =	ssyncset.done $0x0  }
0x74: {  	[sflag:s9] =	ssyncadd.s32 $0xFFFFE000  }
0x75: {  	_ =	swait.ge [sflag:s10], $0x40  }
0x76: {  	[sflag:s10] =	ssyncset.done $0x0  }
0x77: {  	[sflag:s10] =	ssyncadd.s32 $0xFFFFFFC0  }
0x78: {  	[spmem:s2] =	stream.indirect.scatter.add.f32 [tilespmem:s1], [sflag:$0x8], $0x80, s24, s26, $0xb8;
	[tilespmem:$0x1ED80] =	vst v63  }
.Ltmp0:
0x79: {  	_ =	swait.ge [sflag:s21], $0x2000;
	(pc) =	sbr.rel @p0 .LBB2_2-.Ltmp0, $4  }
0x7a: {  	[sflag:s21] =	ssyncset.done $0x0  }
0x7b: {  	s8 =	sadd.s32 $0x280, s8;
	[sflag:s21] =	ssyncadd.s32 $0xFFFFE000  }
0x7c: {  	[tilespmem:s1], [sflag:$0x7] =	stream.indirect.gather [hbm4b:s4+s26], $0x80, s8, s26, $0xb8;
	[tilespmem:$0x1ED80] =	vst v63  }
0x7d: {  	s15 =	sadd.s32 $0x18, s15;
	s7 =	sadd.s32 $0xC0, s7;
	s16 =	sadd.s32 $0x18, s16  }
0x7e: {  	[tilespmem:s24], [sflag:$0x4] =	stream.linear.gather [hbm4b:s17+s3], $0x40, $0x38;
	[tilespmem:$0x1ED80] =	vst v63  }
0x7f: {  	_ =	swait.ge [sflag:s0], $0x2000  }
0x80: {  	[sflag:s0] =	ssyncset.done $0x0  }
0x81: {  	[sflag:s0] =	ssyncadd.s32 $0xFFFFE000  }
0x82: {  	_ =	swait.ge [sflag:s29], $0x40  }
0x83: {  	[sflag:s29] =	ssyncset.done $0x0  }
0x84: {  	[sflag:s29] =	ssyncadd.s32 $0xFFFFFFC0  }
0x85: {  	[spmem:s2] =	stream.indirect.scatter.add.f32 [tilespmem:s28], [sflag:$0x8], $0x80, s22, s26, $0xb8;
	[tilespmem:$0x1ED80] =	vst v63  }
0x86: {  	_ =	swait.ge [sflag:s21], $0x2000  }
0x87: {  	[sflag:s21] =	ssyncset.done $0x0  }
0x88: {  	s7 =	simm.s32 $0x4E00;
	[sflag:s21] =	ssyncadd.s32 $0xFFFFE000  }
0x89: {  	[tilespmem:s28], [sflag:$0x5] =	stream.indirect.gather [hbm4b:s4+s26], $0x80, s7, s26, $0xb8;
	[tilespmem:$0x1ED80] =	vst v63  }
0x8a: {  	s16 =	rddreg [dreg:$0xa]  }
0x8b: {  	[tilespmem:s22], [sflag:$0x2] =	stream.linear.gather [hbm4b:s16+s3], $0x40, $0x38;
	[tilespmem:$0x1ED80] =	vst v63  }
0x8c: {  	_ =	swait.ge [sflag:s31], $0x2000  }
0x8d: {  	[sflag:s31] =	ssyncset.done $0x0  }
0x8e: {  	[sflag:s31] =	ssyncadd.s32 $0xFFFFE000  }
0x8f: {  	_ =	swait.ge [sflag:s6], $0x40  }
0x90: {  	[sflag:s6] =	ssyncset.done $0x0  }
0x91: {  	[sflag:s6] =	ssyncadd.s32 $0xFFFFFFC0  }
0x92: {  	[spmem:s2] =	stream.indirect.scatter.add.f32 [tilespmem:s30], [sflag:$0x8], $0x80, s23, s26, $0xb8;
	[tilespmem:$0x1ED80] =	vst v63  }
0x93: {  	_ =	swait.ge [sflag:s21], $0x2000  }
0x94: {  	[sflag:s21] =	ssyncset.done $0x0  }
0x95: {  	s17 =	simm.s32 $0x4E80;
	[sflag:s21] =	ssyncadd.s32 $0xFFFFE000  }
0x96: {  	[tilespmem:s30], [sflag:$0x6] =	stream.indirect.gather [hbm4b:s4+s26], $0x80, s17, s26, $0xb8;
	[tilespmem:$0x1ED80] =	vst v63  }
0x97: {  	s18 =	rddreg [dreg:$0xb]  }
0x98: {  	[tilespmem:s23], [sflag:$0x3] =	stream.linear.gather [hbm4b:s18+s3], $0x40, $0x38;
	[tilespmem:$0x1ED80] =	vst v63  }
0x99: {  	_ =	swait.ge [sflag:s9], $0x2000  }
0x9a: {  	[sflag:s9] =	ssyncset.done $0x0  }
0x9b: {  	[sflag:s9] =	ssyncadd.s32 $0xFFFFE000  }
0x9c: {  	_ =	swait.ge [sflag:s10], $0x40  }
0x9d: {  	[sflag:s10] =	ssyncset.done $0x0  }
0x9e: {  	[sflag:s10] =	ssyncadd.s32 $0xFFFFFFC0  }
0x9f: {  	[spmem:s2] =	stream.indirect.scatter.add.f32 [tilespmem:s1], [sflag:$0x8], $0x80, s24, s26, $0xb8;
	[tilespmem:$0x1ED80] =	vst v63  }
0xa0: {  	_ =	swait.ge [sflag:s21], $0x2000  }
0xa1: {  	[sflag:s21] =	ssyncset.done $0x0  }
0xa2: {  	[sflag:s21] =	ssyncadd.s32 $0xFFFFE000  }
0xa3: {  	[tilespmem:s1], [sflag:$0x7] =	stream.indirect.gather [hbm4b:s4+s26], $0x80, s11, s26, $0xb8;
	[tilespmem:$0x1ED80] =	vst v63  }
0xa4: {  	_ = 	snop  }
0xa5: {  	[tilespmem:s24], [sflag:$0x4] =	stream.linear.gather [hbm4b:s14+s3], $0x40, $0x38;
	[tilespmem:$0x1ED80] =	vst v63  }
0xa6: {  	_ =	swait.ge [sflag:s0], $0x2000  }
0xa7: {  	[sflag:s0] =	ssyncset.done $0x0  }
0xa8: {  	[sflag:s0] =	ssyncadd.s32 $0xFFFFE000  }
0xa9: {  	_ =	swait.ge [sflag:s29], $0x40  }
0xaa: {  	[sflag:s29] =	ssyncset.done $0x0  }
0xab: {  	[sflag:s29] =	ssyncadd.s32 $0xFFFFFFC0  }
0xac: {  	[spmem:s2] =	stream.indirect.scatter.add.f32 [tilespmem:s28], [sflag:$0x8], $0x80, s22, s26, $0xb8;
	[tilespmem:$0x1ED80] =	vst v63  }
0xad: {  	_ =	swait.ge [sflag:s21], $0x2000  }
0xae: {  	[sflag:s21] =	ssyncset.done $0x0  }
0xaf: {  	[sflag:s21] =	ssyncadd.s32 $0xFFFFE000  }
0xb0: {  	[tilespmem:s28], [sflag:$0x5] =	stream.indirect.gather [hbm4b:s4+s26], $0x80, s11, s26, $0xb8;
	[tilespmem:$0x1ED80] =	vst v63  }
0xb1: {  	_ = 	snop  }
0xb2: {  	[tilespmem:s22], [sflag:$0x2] =	stream.linear.gather [hbm4b:s14+s3], $0x40, $0x38;
	[tilespmem:$0x1ED80] =	vst v63  }
0xb3: {  	_ =	swait.ge [sflag:s31], $0x2000  }
0xb4: {  	[sflag:s31] =	ssyncset.done $0x0  }
0xb5: {  	[sflag:s31] =	ssyncadd.s32 $0xFFFFE000  }
0xb6: {  	_ =	swait.ge [sflag:s6], $0x40  }
0xb7: {  	[sflag:s6] =	ssyncset.done $0x0  }
0xb8: {  	[sflag:s6] =	ssyncadd.s32 $0xFFFFFFC0  }
0xb9: {  	[spmem:s2] =	stream.indirect.scatter.add.f32 [tilespmem:s30], [sflag:$0x8], $0x80, s23, s26, $0xb8;
	[tilespmem:$0x1ED80] =	vst v63  }
0xba: {  	_ =	swait.ge [sflag:s21], $0x2000  }
0xbb: {  	[sflag:s21] =	ssyncset.done $0x0  }
0xbc: {  	[sflag:s21] =	ssyncadd.s32 $0xFFFFE000  }
0xbd: {  	[tilespmem:s30], [sflag:$0x6] =	stream.indirect.gather [hbm4b:s4+s26], $0x80, s11, s26, $0xb8;
	[tilespmem:$0x1ED80] =	vst v63  }
0xbe: {  	_ = 	snop  }
0xbf: {  	[tilespmem:s23], [sflag:$0x3] =	stream.linear.gather [hbm4b:s14+s3], $0x40, $0x38;
	[tilespmem:$0x1ED80] =	vst v63  }
0xc0: {  	_ =	swait.ge [sflag:s9], $0x2000  }
0xc1: {  	[sflag:s9] =	ssyncset.done $0x0  }
0xc2: {  	[sflag:s9] =	ssyncadd.s32 $0xFFFFE000  }
0xc3: {  	_ =	swait.ge [sflag:s10], $0x40  }
0xc4: {  	[sflag:s10] =	ssyncset.done $0x0  }
0xc5: {  	[sflag:s10] =	ssyncadd.s32 $0xFFFFFFC0  }
0xc6: {  	[spmem:s2] =	stream.indirect.scatter.add.f32 [tilespmem:s1], [sflag:$0x8], $0x80, s24, s26, $0xb8;
	[tilespmem:$0x1ED80] =	vst v63  }
0xc7: {  	_ =	swait.ge [sflag:s21], $0x2000  }
0xc8: {  	[sflag:s21] =	ssyncset.done $0x0  }
0xc9: {  	[sflag:s21] =	ssyncadd.s32 $0xFFFFE000  }
0xca: {  	[tilespmem:s1], [sflag:$0x7] =	stream.indirect.gather [hbm4b:s4+s26], $0x80, s11, s26, $0xb8;
	[tilespmem:$0x1ED80] =	vst v63  }
0xcb: {  	_ = 	snop  }
0xcc: {  	[tilespmem:s24], [sflag:$0x4] =	stream.linear.gather [hbm4b:s14+s3], $0x40, $0x38;
	[tilespmem:$0x1ED80] =	vst v63  }
0xcd: {  	_ =	swait.ge [sflag:s0], $0x2000  }
0xce: {  	[sflag:s0] =	ssyncset.done $0x0  }
0xcf: {  	[sflag:s0] =	ssyncadd.s32 $0xFFFFE000  }
0xd0: {  	_ =	swait.ge [sflag:s31], $0x2000  }
0xd1: {  	[sflag:s31] =	ssyncset.done $0x0  }
0xd2: {  	[sflag:s31] =	ssyncadd.s32 $0xFFFFE000  }
0xd3: {  	_ =	swait.ge [sflag:s9], $0x2000  }
0xd4: {  	[sflag:s9] =	ssyncset.done $0x0  }
0xd5: {  	[sflag:s9] =	ssyncadd.s32 $0xFFFFE000  }
0xd6: {  	_ =	swait.ge [sflag:s29], $0x40  }
0xd7: {  	[sflag:s29] =	ssyncset.done $0x0  }
0xd8: {  	[sflag:s29] =	ssyncadd.s32 $0xFFFFFFC0  }
0xd9: {  	_ =	swait.ge [sflag:s6], $0x40  }
0xda: {  	[sflag:s6] =	ssyncset.done $0x0  }
0xdb: {  	[sflag:s6] =	ssyncadd.s32 $0xFFFFFFC0  }
0xdc: {  	_ =	swait.ge [sflag:s10], $0x40  }
0xdd: {  	[sflag:s10] =	ssyncset.done $0x0  }
0xde: {  	[sflag:s10] =	ssyncadd.s32 $0xFFFFFFC0  }
0xdf: {  	[bflag:$0x0] =	sbarrier.arrive $0xFFFF  }
0xe0: {  	s19 =	rddreg [dreg:$0x8]  }
0xe1: {  	[hbm:s19], [sflag:s25] =	dma.local [spmem:s20], $0x2780  }
0xe2: {  	_ =	swait.ge [sflag:s21], $0x2780  }
0xe3: {  	s8 =	smov.u32 s25;
	s12 =	sadd.s32 $0x1, s12;
	s25 =	rddreg [dreg:$0x9]  }
0xe4: {  	p0 =	sne.s32 s12, s25  }
.Ltmp1:
0xe5: {  	_ = 	snop;
	(pc) =	sbr.rel @p0 .LBB2_1-.Ltmp1, $3  }
0xe6: {  	_ =	sdelay $0x1  }
0xe7: {  	[sflag:s21] =	ssyncset.done $0x0  }
0xe8: {  	[sflag:s21] =	ssyncadd.s32 $0xFFFFD880  }
0xe9: {  	_ =	sfence.sel $0x180000  }
0xea: {  	[bflag:$0x0] =	sbarrier.arrive $0xFFFF  }
0xeb: {  	_ =	strace $0x9000005C  }
0xec: {  	s0 =	stileid.u32;
	[bflag:$0x2] =	sbarrier.arrive $0xFFFF  }
0xed: {  	p0 =	sne.s32 s0, $0x0;
	s0 =	rddreg [dreg:$0x2]  }
0xee: {  	s0 =	sadd.s32 @!p0 $0x100000, s0  }
0xef: {  	[sflag:s0] =	ssyncadd.tile.s32 @!p0 $0x1;
	_ =	shalt  }
.Lfunc_end2:
_tile_overlayer_lowered:
.L_overlay_start_2:
0xf0: {  	(tag) =	ssettag $0x2  }
0xf1: {  	s0 =	rddreg [dreg:$0x0];
	s2 =	stileid.u32  }
0xf2: {  	s1 =	rddreg [dreg:$0x1];
	p0 =	sne.s32 s2, $0x0  }
0xf3: {  	s3 =	rddreg [dreg:$0x2];
	[bflag:$0x3] =	sbarrier.arrive $0xFFFF;
	s2 =	simm.s32 @!p0 $0x1C08  }
0xf4: {  	[timem:s3], [sflag:s2] =	dma.local @!p0 [hbm:s0], s1  }
0xf5: {  	s0 =	simm.s32 @!p0 $0x8  }
0xf6: {  	_ =	swait.ge @!p0 [sflag:s0], s1  }
0xf7: {  	s1 =	ssub.s32 @!p0 $0x0, s1;
	[sflag:s0] =	ssyncset.done @!p0 $0x0  }
0xf8: {  	[sflag:s0] =	ssyncadd.s32 @!p0 s1  }
0xf9: {  	[bflag:$0x3] =	sbarrier.arrive $0xFFFF  }
0xfa: {  	_ =	shalt  }

</sc_bundles>
